<compile_context>
chip_gen: v7x
topology: tpu7x:2x2x1
jax: 0.10.2.dev20260603
libtpu: 0.0.44.dev20260713+nightly
codegen_flags: <defaults>
</compile_context>

<pallas_src>
import functools

import jax
import jax.numpy as jnp
from jax import lax
from jax.experimental import pallas as pl
from jax.experimental.pallas import tpu as pltpu
from jax.experimental.pallas import tpu_sc as plsc

F32 = jnp.float32
_N = 10000
_E = 320000
_H = 8
_D = 128
_LB = 64
_NW = 32
_NBLK = _E // _LB
_BN = 2000
_NP = 10112
_RPT = _NP // 16


def _tc_embed(x_ref, w_ref, as_ref, ad_ref, h_ref, ats_ref, atd_ref,
              ms_ref, md_ref):
    h = jnp.dot(x_ref[...], w_ref[...], preferred_element_type=F32)
    h_ref[...] = h
    a_s = jnp.dot(h, as_ref[...], preferred_element_type=F32)
    a_d = jnp.dot(h, ad_ref[...], preferred_element_type=F32)
    ats_ref[...] = a_s
    atd_ref[...] = a_d
    bs = jnp.max(a_s, axis=0, keepdims=True)
    bd = jnp.max(a_d, axis=0, keepdims=True)
    i = pl.program_id(0)

    @pl.when(i == 0)
    def _():
        ms_ref[...] = bs
        md_ref[...] = bd

    @pl.when(i > 0)
    def _():
        ms_ref[...] = jnp.maximum(ms_ref[...], bs)
        md_ref[...] = jnp.maximum(md_ref[...], bd)


def _embed_call(x, W, As, Ad):
    return pl.pallas_call(
        _tc_embed,
        grid=(_N // _BN,),
        in_specs=[
            pl.BlockSpec((_BN, _D), lambda i: (i, 0)),
            pl.BlockSpec((_D, _D), lambda i: (0, 0)),
            pl.BlockSpec((_D, 16), lambda i: (0, 0)),
            pl.BlockSpec((_D, 16), lambda i: (0, 0)),
        ],
        out_specs=[
            pl.BlockSpec((_BN, _D), lambda i: (i, 0)),
            pl.BlockSpec((_BN, 16), lambda i: (i, 0)),
            pl.BlockSpec((_BN, 16), lambda i: (i, 0)),
            pl.BlockSpec((1, 16), lambda i: (0, 0)),
            pl.BlockSpec((1, 16), lambda i: (0, 0)),
        ],
        out_shape=[
            jax.ShapeDtypeStruct((_N, _D), F32),
            jax.ShapeDtypeStruct((_N, 16), F32),
            jax.ShapeDtypeStruct((_N, 16), F32),
            jax.ShapeDtypeStruct((1, 16), F32),
            jax.ShapeDtypeStruct((1, 16), F32),
        ],
    )(x, W, As, Ad)


def _sc_edge_body(src_hbm, dst_hbm, ats_hbm, atd_hbm, h_hbm, ms_hbm, md_hbm,
                  zo_hbm, zd_hbm, dpart, opart,
                  sidx, didx, asr, adr, hr, exr, mv, dsp, osp,
                  sem_a, sem_b, sem_c):
    cid = lax.axis_index("c")
    sid = lax.axis_index("s")
    wid = sid * 2 + cid

    pltpu.sync_copy(ms_hbm, mv)
    m_s = mv[...]
    pltpu.sync_copy(md_hbm, mv)
    msum = m_s + mv[...]
    mshift = jnp.where(msum > 0, msum, 0.2 * msum)

    rbase = pl.multiple_of(sid * _RPT, 8)
    za = pltpu.async_copy(zo_hbm, osp.at[pl.ds(rbase, _RPT)], sem_a)
    zc = pltpu.async_copy(zd_hbm, dsp.at[pl.ds(rbase, _RPT)], sem_b)
    za.wait()
    zc.wait()
    plsc.subcore_barrier()

    def issue(jb, s):
        base = (wid + jb * _NW) * _LB
        pltpu.sync_copy(src_hbm.at[pl.ds(base, _LB)], sidx.at[s])
        pltpu.sync_copy(dst_hbm.at[pl.ds(base, _LB)], didx.at[s])
        ca = pltpu.async_copy(ats_hbm.at[sidx.at[s]], asr.at[s], sem_a)
        cb = pltpu.async_copy(atd_hbm.at[didx.at[s]], adr.at[s], sem_b)
        cc = pltpu.async_copy(h_hbm.at[sidx.at[s]], hr.at[s], sem_c)
        return ca, cb, cc

    def run(cds, s):
        ca, cb, cc = cds
        ca.wait()
        cb.wait()
        cc.wait()

        def edge(i, c2):
            al = asr[s, i, :] + adr[s, i, :]
            al = jnp.where(al > 0, al, 0.2 * al)
            e = jnp.exp(al - mshift)
            exr[s, i, :] = e
            for hh in range(_H):
                w_hh = e[hh]
                hr[s, i, pl.ds(16 * hh, 16)] = (
                    hr[s, i, pl.ds(16 * hh, 16)] * w_hh)
            return c2

        lax.fori_loop(0, _LB, edge, 0)
        pltpu.sync_copy(exr.at[s], dsp.at[didx.at[s]], add=True)
        pltpu.sync_copy(hr.at[s], osp.at[didx.at[s]], add=True)

    def blk2(jj, carry):
        c0 = issue(2 * jj, 0)
        c1 = issue(2 * jj + 1, 1)
        run(c0, 0)
        run(c1, 1)
        return carry

    nb = _NBLK // _NW
    lax.fori_loop(0, nb // 2, blk2, 0)

    @pl.when(wid < _NBLK - nb * _NW)
    def _():
        run(issue(nb, 0), 0)

    plsc.subcore_barrier()

    pltpu.sync_copy(dsp.at[pl.ds(rbase, _RPT)],
                    dpart.at[cid, pl.ds(rbase, _RPT)])
    pltpu.sync_copy(osp.at[pl.ds(rbase, _RPT)],
                    opart.at[cid, pl.ds(rbase, _RPT)])


_sc_edge = functools.partial(
    pl.kernel,
    out_type=[
        jax.ShapeDtypeStruct((2, _NP, 16), F32),
        jax.ShapeDtypeStruct((2, _NP, _D), F32),
    ],
    mesh=plsc.VectorSubcoreMesh(core_axis_name="c", subcore_axis_name="s"),
    compiler_params=pltpu.CompilerParams(use_tc_tiling_on_sc=False),
    scratch_types=[
        pltpu.VMEM((2, _LB), jnp.int32),
        pltpu.VMEM((2, _LB), jnp.int32),
        pltpu.VMEM((2, _LB, 16), F32),
        pltpu.VMEM((2, _LB, 16), F32),
        pltpu.VMEM((2, _LB, _D), F32),
        pltpu.VMEM((2, _LB, 16), F32),
        pltpu.VMEM((16,), F32),
        pltpu.VMEM_SHARED((_NP, 16), F32),
        pltpu.VMEM_SHARED((_NP, _D), F32),
        pltpu.SemaphoreType.DMA,
        pltpu.SemaphoreType.DMA,
        pltpu.SemaphoreType.DMA,
    ],
)(_sc_edge_body)


def _tc_mid(o0_ref, o1_ref, d0_ref, d1_ref, b1_ref, w2_ref, as2_ref, ad2_ref,
            h2_ref, ats2_ref, atd2_ref, ms2_ref, md2_ref):
    d = d0_ref[...] + d1_ref[...] + 1e-16
    o = o0_ref[...] + o1_ref[...]
    parts = [o[:, 16 * hh:16 * (hh + 1)] / d[:, hh:hh + 1] for hh in range(_H)]
    hcat = jnp.concatenate(parts, axis=1) + b1_ref[...]
    hrelu = jnp.maximum(hcat, 0.0)
    h2 = jnp.dot(hrelu, w2_ref[...], preferred_element_type=F32)
    h2_ref[...] = h2
    a_s = jnp.dot(h2, as2_ref[...], preferred_element_type=F32)
    a_d = jnp.dot(h2, ad2_ref[...], preferred_element_type=F32)
    ats2_ref[...] = a_s
    atd2_ref[...] = a_d
    bs = jnp.max(a_s, axis=0, keepdims=True)
    bd = jnp.max(a_d, axis=0, keepdims=True)
    i = pl.program_id(0)

    @pl.when(i == 0)
    def _():
        ms2_ref[...] = bs
        md2_ref[...] = bd

    @pl.when(i > 0)
    def _():
        ms2_ref[...] = jnp.maximum(ms2_ref[...], bs)
        md2_ref[...] = jnp.maximum(md2_ref[...], bd)


def _mid_call(o0, o1, d0, d1, b1r, W2, As2, Ad2):
    return pl.pallas_call(
        _tc_mid,
        grid=(_N // _BN,),
        in_specs=[
            pl.BlockSpec((_BN, _D), lambda i: (i, 0)),
            pl.BlockSpec((_BN, _D), lambda i: (i, 0)),
            pl.BlockSpec((_BN, 16), lambda i: (i, 0)),
            pl.BlockSpec((_BN, 16), lambda i: (i, 0)),
            pl.BlockSpec((1, _D), lambda i: (0, 0)),
            pl.BlockSpec((_D, _D), lambda i: (0, 0)),
            pl.BlockSpec((_D, 16), lambda i: (0, 0)),
            pl.BlockSpec((_D, 16), lambda i: (0, 0)),
        ],
        out_specs=[
            pl.BlockSpec((_BN, _D), lambda i: (i, 0)),
            pl.BlockSpec((_BN, 16), lambda i: (i, 0)),
            pl.BlockSpec((_BN, 16), lambda i: (i, 0)),
            pl.BlockSpec((1, 16), lambda i: (0, 0)),
            pl.BlockSpec((1, 16), lambda i: (0, 0)),
        ],
        out_shape=[
            jax.ShapeDtypeStruct((_N, _D), F32),
            jax.ShapeDtypeStruct((_N, 16), F32),
            jax.ShapeDtypeStruct((_N, 16), F32),
            jax.ShapeDtypeStruct((1, 16), F32),
            jax.ShapeDtypeStruct((1, 16), F32),
        ],
    )(o0, o1, d0, d1, b1r, W2, As2, Ad2)


def _tc_head(o0_ref, o1_ref, d0_ref, d1_ref, b2_ref, wc1_ref, bc1_ref,
             wc2_ref, bc2_ref, emb_ref, lg_ref):
    d = d0_ref[:, 0:1] + d1_ref[:, 0:1] + 1e-16
    emb = (o0_ref[...] + o1_ref[...]) / d + b2_ref[...]
    emb_ref[...] = emb
    hc = jnp.maximum(
        jnp.dot(emb, wc1_ref[...], preferred_element_type=F32) + bc1_ref[...],
        0.0)
    lg_ref[...] = jnp.dot(hc, wc2_ref[...],
                          preferred_element_type=F32) + bc2_ref[...]


def _head_call(o0, o1, d0, d1, b2r, Wc1, bc1r, Wc2p, bc2p):
    return pl.pallas_call(
        _tc_head,
        grid=(_N // _BN,),
        in_specs=[
            pl.BlockSpec((_BN, _D), lambda i: (i, 0)),
            pl.BlockSpec((_BN, _D), lambda i: (i, 0)),
            pl.BlockSpec((_BN, 16), lambda i: (i, 0)),
            pl.BlockSpec((_BN, 16), lambda i: (i, 0)),
            pl.BlockSpec((1, _D), lambda i: (0, 0)),
            pl.BlockSpec((_D, _D), lambda i: (0, 0)),
            pl.BlockSpec((1, _D), lambda i: (0, 0)),
            pl.BlockSpec((_D, _D), lambda i: (0, 0)),
            pl.BlockSpec((1, _D), lambda i: (0, 0)),
        ],
        out_specs=[
            pl.BlockSpec((_BN, _D), lambda i: (i, 0)),
            pl.BlockSpec((_BN, _D), lambda i: (i, 0)),
        ],
        out_shape=[
            jax.ShapeDtypeStruct((_N, _D), F32),
            jax.ShapeDtypeStruct((_N, _D), F32),
        ],
    )(o0, o1, d0, d1, b2r, Wc1, bc1r, Wc2p, bc2p)


def kernel(x, edge_index, W1, att_src1, att_dst1, b1, W2, att_src2, att_dst2,
           b2, Wc1, bc1, Wc2, bc2):
    src = edge_index[0].astype(jnp.int32)
    dst = edge_index[1].astype(jnp.int32)

    eye = jnp.eye(_H, dtype=F32)
    a1s = att_src1.reshape(_H, 16)
    a1d = att_dst1.reshape(_H, 16)
    pad8 = jnp.zeros((_D, 8), F32)
    As1 = jnp.concatenate(
        [(a1s[:, :, None] * eye[:, None, :]).reshape(_D, _H), pad8], axis=1)
    Ad1 = jnp.concatenate(
        [(a1d[:, :, None] * eye[:, None, :]).reshape(_D, _H), pad8], axis=1)
    As2 = jnp.tile(att_src2.reshape(_D, 1), (1, 16))
    Ad2 = jnp.tile(att_dst2.reshape(_D, 1), (1, 16))

    b1r = b1.reshape(1, _D)
    b2r = b2.reshape(1, _D)
    bc1r = bc1.reshape(1, _D)
    Wc2p = jnp.concatenate([Wc2, jnp.zeros((_D, _D - 2), F32)], axis=1)
    bc2p = jnp.concatenate([bc2, jnp.zeros((_D - 2,), F32)]).reshape(1, _D)

    zo = jnp.zeros((_RPT, _D), F32)
    zd = jnp.zeros((_RPT, 16), F32)
    h1, ats1, atd1, ms1, md1 = _embed_call(x, W1, As1, Ad1)
    dpart1, opart1 = _sc_edge(src, dst, ats1, atd1, h1,
                              ms1.reshape(16), md1.reshape(16), zo, zd)
    h2, ats2, atd2, ms2, md2 = _mid_call(
        opart1[0, :_N], opart1[1, :_N], dpart1[0, :_N], dpart1[1, :_N],
        b1r, W2, As2, Ad2)
    dpart2, opart2 = _sc_edge(src, dst, ats2, atd2, h2,
                              ms2.reshape(16), md2.reshape(16), zo, zd)
    emb, lgp = _head_call(
        opart2[0, :_N], opart2[1, :_N], dpart2[0, :_N], dpart2[1, :_N],
        b2r, Wc1, bc1r, Wc2p, bc2p)
    return emb, lgp[:, :2]

# --- scband reference (transcript-rebuilt; emitter-appended) ---
"""Pipeline reference for scband-temporal-graph-network-9663676416704 (READ-ONLY COPY).

The authoritative reference and input builder live on the scoring server;
editing this copy changes nothing except your own understanding.
"""

import jax, jax.numpy as jnp
import numpy as np

N = 10000
E = 320000
IN = 128
HID = 128
OUT = 128
HEADS = 8
C1 = HID // HEADS  # 16


def gat_conv(x, src, dst, W, att_src, att_dst, bias, heads, out_ch, concat):
    # PyG-style GATConv (v1), flow src->dst, softmax over incoming edges per dst
    n = x.shape[0]
    h = (x @ W).reshape(n, heads, out_ch)
    a_src = (h * att_src).sum(-1)  # [N, H]
    a_dst = (h * att_dst).sum(-1)  # [N, H]
    alpha = a_src[src] + a_dst[dst]  # [E, H]
    alpha = jax.nn.leaky_relu(alpha, 0.2)
    amax = jax.ops.segment_max(alpha, dst, num_segments=n)
    amax = jnp.where(jnp.isfinite(amax), amax, 0.0)
    ex = jnp.exp(alpha - amax[dst])
    denom = jax.ops.segment_sum(ex, dst, num_segments=n)
    w = ex / (denom[dst] + 1e-16)  # [E, H]
    msg = h[src] * w[..., None]  # [E, H, C]
    out = jax.ops.segment_sum(msg, dst, num_segments=n)  # [N, H, C]
    if concat:
        out = out.reshape(n, heads * out_ch)
    else:
        out = out.mean(axis=1)
    return out + bias


def setup_inputs(seed: int = 0) -> dict:
    key = jax.random.key(seed)
    ks = jax.random.split(key, 16)
    inp = {}
    inp["x"] = jax.random.normal(ks[0], (N, IN), dtype=jnp.float32)
    inp["edge_index"] = jax.random.randint(ks[1], (2, E), 0, N)
    # GAT layer 1: in=128 -> heads=8 x 16 (concat -> 128)
    inp["W1"] = jax.random.normal(ks[2], (IN, HEADS * C1), dtype=jnp.float32) / np.sqrt(IN)
    inp["att_src1"] = jax.random.normal(ks[3], (1, HEADS, C1), dtype=jnp.float32) / np.sqrt(C1)
    inp["att_dst1"] = jax.random.normal(ks[4], (1, HEADS, C1), dtype=jnp.float32) / np.sqrt(C1)
    inp["b1"] = jnp.zeros((HEADS * C1,), dtype=jnp.float32)
    # GAT layer 2: hid=128 -> heads=1 x 128 (no concat)
    inp["W2"] = jax.random.normal(ks[5], (HID, OUT), dtype=jnp.float32) / np.sqrt(HID)
    inp["att_src2"] = jax.random.normal(ks[6], (1, 1, OUT), dtype=jnp.float32) / np.sqrt(OUT)
    inp["att_dst2"] = jax.random.normal(ks[7], (1, 1, OUT), dtype=jnp.float32) / np.sqrt(OUT)
    inp["b2"] = jnp.zeros((OUT,), dtype=jnp.float32)
    # classifier: Linear(OUT, HID) -> ReLU -> Linear(HID, 2)
    inp["Wc1"] = jax.random.normal(ks[8], (OUT, HID), dtype=jnp.float32) / np.sqrt(OUT)
    inp["bc1"] = jnp.zeros((HID,), dtype=jnp.float32)
    inp["Wc2"] = jax.random.normal(ks[9], (HID, 2), dtype=jnp.float32) / np.sqrt(HID)
    inp["bc2"] = jnp.zeros((2,), dtype=jnp.float32)
    return inp


def reference(x, edge_index, W1, att_src1, att_dst1, b1, W2, att_src2, att_dst2, b2, Wc1, bc1, Wc2, bc2):
    src = edge_index[0]
    dst = edge_index[1]
    # timestamps=None path; dropout inactive (eval); edge features disabled
    h = gat_conv(x, src, dst, W1, att_src1, att_dst1, b1, HEADS, C1, True)
    h = jax.nn.relu(h)
    emb = gat_conv(h, src, dst, W2, att_src2, att_dst2, b2, 1, OUT, False)
    hc = jax.nn.relu(emb @ Wc1 + bc1)
    logits = hc @ Wc2 + bc2
    return emb, logits

if __name__ == "__main__":
    import jax
    _d = setup_inputs()
    print(jax.jit(kernel)(*tuple(_d.values())))

</pallas_src>

<mosaic_0001>
#map = affine_map<(d0, d1) -> (0)>
#map1 = affine_map<(d0, d1) -> (0, 0)>
#map2 = affine_map<(d0, d1) -> (0, 0, 0)>
module attributes {stable_mosaic.version = 14 : i64} {
  func.func @_sc_edge_body(%arg0: i32, %arg1: i32, %arg2: memref<320000xi32, #tpu.memory_space<hbm>>, %arg3: memref<320000xi32, #tpu.memory_space<hbm>>, %arg4: memref<10000x16xf32, #tpu.memory_space<hbm>>, %arg5: memref<10000x16xf32, #tpu.memory_space<hbm>>, %arg6: memref<10000x128xf32, #tpu.memory_space<hbm>>, %arg7: memref<16xf32, #tpu.memory_space<hbm>>, %arg8: memref<16xf32, #tpu.memory_space<hbm>>, %arg9: memref<632x128xf32, #tpu.memory_space<hbm>>, %arg10: memref<632x16xf32, #tpu.memory_space<hbm>>, %arg11: memref<2x10112x16xf32, #tpu.memory_space<hbm>>, %arg12: memref<2x10112x128xf32, #tpu.memory_space<hbm>>, %arg13: memref<2x64xi32, #tpu.memory_space<vmem>>, %arg14: memref<2x64xi32, #tpu.memory_space<vmem>>, %arg15: memref<2x64x16xf32, #tpu.memory_space<vmem>>, %arg16: memref<2x64x16xf32, #tpu.memory_space<vmem>>, %arg17: memref<2x64x128xf32, #tpu.memory_space<vmem>>, %arg18: memref<2x64x16xf32, #tpu.memory_space<vmem>>, %arg19: memref<16xf32, #tpu.memory_space<vmem>>, %arg20: memref<10112x16xf32, #tpu.memory_space<vmem_shared>>, %arg21: memref<10112x128xf32, #tpu.memory_space<vmem_shared>>, %arg22: memref<!tpu.dma_semaphore, #tpu.memory_space<semaphore_mem>>, %arg23: memref<!tpu.dma_semaphore, #tpu.memory_space<semaphore_mem>>, %arg24: memref<!tpu.dma_semaphore, #tpu.memory_space<semaphore_mem>>) attributes {dimension_semantics = [#tpu.dimension_semantics<core_parallel>, #tpu.dimension_semantics<subcore_parallel>], iteration_bounds = array<i64: 2, 16>, scalar_prefetch = 0 : i64, scratch_operands = 12 : i64, tpu.core_type = #tpu.core_type<sc_vector_subcore>, window_params = [{transform_indices = #map}, {transform_indices = #map}, {transform_indices = #map1}, {transform_indices = #map1}, {transform_indices = #map1}, {transform_indices = #map}, {transform_indices = #map}, {transform_indices = #map1}, {transform_indices = #map1}, {transform_indices = #map2}, {transform_indices = #map2}]} {
    %mul3A = arith.constant 2 : i32
    %mul3A_0 = arith.muli %arg1, %mul3A : i32
    %add3A = arith.addi %mul3A_0, %arg0 : i32
    "tpu.region"() ({
      %run_scoped3A = tpu.sem_alloc : memref<!tpu.dma_semaphore, #tpu.memory_space<semaphore_mem>>
      tpu.enqueue_dma source(%arg7 : memref<16xf32, #tpu.memory_space<hbm>>) target(%arg19 : memref<16xf32, #tpu.memory_space<vmem>>) target_semaphore(%run_scoped3A : memref<!tpu.dma_semaphore, #tpu.memory_space<semaphore_mem>>)
      tpu.wait_dma2 semaphore(%run_scoped3A : memref<!tpu.dma_semaphore, #tpu.memory_space<semaphore_mem>>) src(%arg7 : memref<16xf32, #tpu.memory_space<hbm>>) dst(%arg19 : memref<16xf32, #tpu.memory_space<vmem>>)
      tpu.yield
    }) : () -> ()
    %get3A = arith.constant 0 : index
    %get3A_1 = tpu.vector_load %arg19[%get3A] {strides = array<i32>} : memref<16xf32, #tpu.memory_space<vmem>>, vector<16xf32>,
    %get3A_2 = vector.shape_cast %get3A_1 : vector<16xf32> to vector<16xf32>
    "tpu.region"() ({
      %run_scoped3A = tpu.sem_alloc : memref<!tpu.dma_semaphore, #tpu.memory_space<semaphore_mem>>
      tpu.enqueue_dma source(%arg8 : memref<16xf32, #tpu.memory_space<hbm>>) target(%arg19 : memref<16xf32, #tpu.memory_space<vmem>>) target_semaphore(%run_scoped3A : memref<!tpu.dma_semaphore, #tpu.memory_space<semaphore_mem>>)
      tpu.wait_dma2 semaphore(%run_scoped3A : memref<!tpu.dma_semaphore, #tpu.memory_space<semaphore_mem>>) src(%arg8 : memref<16xf32, #tpu.memory_space<hbm>>) dst(%arg19 : memref<16xf32, #tpu.memory_space<vmem>>)
      tpu.yield
    }) : () -> ()
    %get3A_3 = arith.constant 0 : index
    %get3A_4 = tpu.vector_load %arg19[%get3A_3] {strides = array<i32>} : memref<16xf32, #tpu.memory_space<vmem>>, vector<16xf32>,
    %get3A_5 = vector.shape_cast %get3A_4 : vector<16xf32> to vector<16xf32>
    %add3A_6 = arith.addf %get3A_2, %get3A_5 : vector<16xf32>
    %gt3A = arith.constant 0.000000e+00 : f32
    %gt3A_7 = vector.broadcast %gt3A : f32 to vector<16xf32>
    %gt3A_8 = arith.cmpf ogt, %add3A_6, %gt3A_7 : vector<16xf32>
    %mul3A_9 = arith.constant 2.000000e-01 : f32
    %mul3A_10 = vector.broadcast %mul3A_9 : f32 to vector<16xf32>
    %mul3A_11 = arith.mulf %mul3A_10, %add3A_6 : vector<16xf32>
    %select_n3A = arith.select %gt3A_8, %add3A_6, %mul3A_11 : vector<16xi1>, vector<16xf32>
    %mul3A_12 = arith.constant 632 : i32
    %mul3A_13 = arith.muli %arg1, %mul3A_12 : i32
    %multiple_of3A = tpu.assume_multiple %mul3A_13, 8 : i32
    %dma_start3A = arith.constant 0 : i32
    %dma_start3A_14 = tpu.memref_slice %arg21[%multiple_of3A, %dma_start3A] : memref<10112x128xf32, #tpu.memory_space<vmem_shared>> -> memref<632x128xf32, #tpu.memory_space<vmem_shared>>
    tpu.enqueue_dma source(%arg9 : memref<632x128xf32, #tpu.memory_space<hbm>>) target(%dma_start3A_14 : memref<632x128xf32, #tpu.memory_space<vmem_shared>>) target_semaphore(%arg22 : memref<!tpu.dma_semaphore, #tpu.memory_space<semaphore_mem>>)
    %dma_start3A_15 = arith.constant 0 : i32
    %dma_start3A_16 = tpu.memref_slice %arg20[%multiple_of3A, %dma_start3A_15] : memref<10112x16xf32, #tpu.memory_space<vmem_shared>> -> memref<632x16xf32, #tpu.memory_space<vmem_shared>>
    tpu.enqueue_dma source(%arg10 : memref<632x16xf32, #tpu.memory_space<hbm>>) target(%dma_start3A_16 : memref<632x16xf32, #tpu.memory_space<vmem_shared>>) target_semaphore(%arg23 : memref<!tpu.dma_semaphore, #tpu.memory_space<semaphore_mem>>)
    %dma_wait3A = arith.constant 0 : i32
    %dma_wait3A_17 = tpu.memref_slice %arg21[%multiple_of3A, %dma_wait3A] : memref<10112x128xf32, #tpu.memory_space<vmem_shared>> -> memref<632x128xf32, #tpu.memory_space<vmem_shared>>
    tpu.wait_dma2 semaphore(%arg22 : memref<!tpu.dma_semaphore, #tpu.memory_space<semaphore_mem>>) src(%arg9 : memref<632x128xf32, #tpu.memory_space<hbm>>) dst(%dma_wait3A_17 : memref<632x128xf32, #tpu.memory_space<vmem_shared>>)
    %dma_wait3A_18 = arith.constant 0 : i32
    %dma_wait3A_19 = tpu.memref_slice %arg20[%multiple_of3A, %dma_wait3A_18] : memref<10112x16xf32, #tpu.memory_space<vmem_shared>> -> memref<632x16xf32, #tpu.memory_space<vmem_shared>>
    tpu.wait_dma2 semaphore(%arg23 : memref<!tpu.dma_semaphore, #tpu.memory_space<semaphore_mem>>) src(%arg10 : memref<632x16xf32, #tpu.memory_space<hbm>>) dst(%dma_wait3A_19 : memref<632x16xf32, #tpu.memory_space<vmem_shared>>)
    %barrier3A = arith.constant 0 : index
    tpu.barrier barrier_id(%barrier3A)
    %scan3A = arith.constant 0 : i32
    %scan3A_20 = arith.constant 0 : i32
    %scan3A_21 = arith.constant 78 : i32
    %scan3A_22 = arith.addi %scan3A_20, %scan3A_21 : i32
    %scan3A_23 = arith.constant 1 : i32
    scf.for %scan3A_28 = %scan3A_20 to %scan3A_22 step %scan3A_23  : i32 {
      %mul3A_29 = arith.constant 2 : i32
      %mul3A_30 = arith.muli %mul3A_29, %scan3A_28 : i32
      %mul3A_31 = arith.constant 32 : i32
      %mul3A_32 = arith.muli %mul3A_30, %mul3A_31 : i32
      %add3A_33 = arith.addi %add3A, %mul3A_32 : i32
      %mul3A_34 = arith.constant 64 : i32
      %mul3A_35 = arith.muli %add3A_33, %mul3A_34 : i32
      %run_scoped3A = arith.constant 0 : i32
      "tpu.region"() ({
        %run_scoped3A_212 = tpu.sem_alloc : memref<!tpu.dma_semaphore, #tpu.memory_space<semaphore_mem>>
        %dma_start3A_213 = arith.constant 0 : i32
        %dma_start3A_214 = tpu.memref_slice %arg13[%run_scoped3A, %dma_start3A_213] : memref<2x64xi32, #tpu.memory_space<vmem>> -> memref<1x64xi32, #tpu.memory_space<vmem>>
        %dma_start3A_215 = tpu.memref_squeeze %dma_start3A_214 : memref<1x64xi32, #tpu.memory_space<vmem>> -> memref<64xi32, #tpu.memory_space<vmem>>
        %dma_start3A_216 = tpu.memref_slice %arg2[%mul3A_35] : memref<320000xi32, #tpu.memory_space<hbm>> -> memref<64xi32, #tpu.memory_space<hbm>>
        %dma_start3A_217 = arith.constant 0 : i32
        %dma_start3A_218 = tpu.memref_slice %arg13[%run_scoped3A, %dma_start3A_217] : memref<2x64xi32, #tpu.memory_space<vmem>> -> memref<1x64xi32, #tpu.memory_space<vmem>>
        %dma_start3A_219 = tpu.memref_squeeze %dma_start3A_218 : memref<1x64xi32, #tpu.memory_space<vmem>> -> memref<64xi32, #tpu.memory_space<vmem>>
        %dma_start3A_220 = tpu.memref_slice %arg2[%mul3A_35] : memref<320000xi32, #tpu.memory_space<hbm>> -> memref<64xi32, #tpu.memory_space<hbm>>
        tpu.enqueue_dma source(%dma_start3A_220 : memref<64xi32, #tpu.memory_space<hbm>>) target(%dma_start3A_219 : memref<64xi32, #tpu.memory_space<vmem>>) target_semaphore(%run_scoped3A_212 : memref<!tpu.dma_semaphore, #tpu.memory_space<semaphore_mem>>)
        %dma_wait3A_221 = arith.constant 0 : i32
        %dma_wait3A_222 = tpu.memref_slice %arg13[%run_scoped3A, %dma_wait3A_221] : memref<2x64xi32, #tpu.memory_space<vmem>> -> memref<1x64xi32, #tpu.memory_space<vmem>>
        %dma_wait3A_223 = tpu.memref_squeeze %dma_wait3A_222 : memref<1x64xi32, #tpu.memory_space<vmem>> -> memref<64xi32, #tpu.memory_space<vmem>>
        %dma_wait3A_224 = tpu.memref_slice %arg2[%mul3A_35] : memref<320000xi32, #tpu.memory_space<hbm>> -> memref<64xi32, #tpu.memory_space<hbm>>
        %dma_wait3A_225 = arith.constant 0 : i32
        %dma_wait3A_226 = tpu.memref_slice %arg13[%run_scoped3A, %dma_wait3A_225] : memref<2x64xi32, #tpu.memory_space<vmem>> -> memref<1x64xi32, #tpu.memory_space<vmem>>
        %dma_wait3A_227 = tpu.memref_squeeze %dma_wait3A_226 : memref<1x64xi32, #tpu.memory_space<vmem>> -> memref<64xi32, #tpu.memory_space<vmem>>
        %dma_wait3A_228 = tpu.memref_slice %arg2[%mul3A_35] : memref<320000xi32, #tpu.memory_space<hbm>> -> memref<64xi32, #tpu.memory_space<hbm>>
        tpu.wait_dma2 semaphore(%run_scoped3A_212 : memref<!tpu.dma_semaphore, #tpu.memory_space<semaphore_mem>>) src(%dma_wait3A_228 : memref<64xi32, #tpu.memory_space<hbm>>) dst(%dma_wait3A_227 : memref<64xi32, #tpu.memory_space<vmem>>)
        tpu.yield
      }) : () -> ()
      %run_scoped3A_36 = arith.constant 0 : i32
      "tpu.region"() ({
        %run_scoped3A_212 = tpu.sem_alloc : memref<!tpu.dma_semaphore, #tpu.memory_space<semaphore_mem>>
        %dma_start3A_213 = arith.constant 0 : i32
        %dma_start3A_214 = tpu.memref_slice %arg14[%run_scoped3A_36, %dma_start3A_213] : memref<2x64xi32, #tpu.memory_space<vmem>> -> memref<1x64xi32, #tpu.memory_space<vmem>>
        %dma_start3A_215 = tpu.memref_squeeze %dma_start3A_214 : memref<1x64xi32, #tpu.memory_space<vmem>> -> memref<64xi32, #tpu.memory_space<vmem>>
        %dma_start3A_216 = tpu.memref_slice %arg3[%mul3A_35] : memref<320000xi32, #tpu.memory_space<hbm>> -> memref<64xi32, #tpu.memory_space<hbm>>
        %dma_start3A_217 = arith.constant 0 : i32
        %dma_start3A_218 = tpu.memref_slice %arg14[%run_scoped3A_36, %dma_start3A_217] : memref<2x64xi32, #tpu.memory_space<vmem>> -> memref<1x64xi32, #tpu.memory_space<vmem>>
        %dma_start3A_219 = tpu.memref_squeeze %dma_start3A_218 : memref<1x64xi32, #tpu.memory_space<vmem>> -> memref<64xi32, #tpu.memory_space<vmem>>
        %dma_start3A_220 = tpu.memref_slice %arg3[%mul3A_35] : memref<320000xi32, #tpu.memory_space<hbm>> -> memref<64xi32, #tpu.memory_space<hbm>>
        tpu.enqueue_dma source(%dma_start3A_220 : memref<64xi32, #tpu.memory_space<hbm>>) target(%dma_start3A_219 : memref<64xi32, #tpu.memory_space<vmem>>) target_semaphore(%run_scoped3A_212 : memref<!tpu.dma_semaphore, #tpu.memory_space<semaphore_mem>>)
        %dma_wait3A_221 = arith.constant 0 : i32
        %dma_wait3A_222 = tpu.memref_slice %arg14[%run_scoped3A_36, %dma_wait3A_221] : memref<2x64xi32, #tpu.memory_space<vmem>> -> memref<1x64xi32, #tpu.memory_space<vmem>>
        %dma_wait3A_223 = tpu.memref_squeeze %dma_wait3A_222 : memref<1x64xi32, #tpu.memory_space<vmem>> -> memref<64xi32, #tpu.memory_space<vmem>>
        %dma_wait3A_224 = tpu.memref_slice %arg3[%mul3A_35] : memref<320000xi32, #tpu.memory_space<hbm>> -> memref<64xi32, #tpu.memory_space<hbm>>
        %dma_wait3A_225 = arith.constant 0 : i32
        %dma_wait3A_226 = tpu.memref_slice %arg14[%run_scoped3A_36, %dma_wait3A_225] : memref<2x64xi32, #tpu.memory_space<vmem>> -> memref<1x64xi32, #tpu.memory_space<vmem>>
        %dma_wait3A_227 = tpu.memref_squeeze %dma_wait3A_226 : memref<1x64xi32, #tpu.memory_space<vmem>> -> memref<64xi32, #tpu.memory_space<vmem>>
        %dma_wait3A_228 = tpu.memref_slice %arg3[%mul3A_35] : memref<320000xi32, #tpu.memory_space<hbm>> -> memref<64xi32, #tpu.memory_space<hbm>>
        tpu.wait_dma2 semaphore(%run_scoped3A_212 : memref<!tpu.dma_semaphore, #tpu.memory_space<semaphore_mem>>) src(%dma_wait3A_228 : memref<64xi32, #tpu.memory_space<hbm>>) dst(%dma_wait3A_227 : memref<64xi32, #tpu.memory_space<vmem>>)
        tpu.yield
      }) : () -> ()
      %dma_start3A_37 = arith.constant 0 : i32
      %dma_start3A_38 = arith.constant 0 : i32
      %dma_start3A_39 = arith.constant 0 : i32
      %dma_start3A_40 = arith.constant 0 : i32
      %dma_start3A_41 = tpu.memref_slice %arg15[%dma_start3A_38, %dma_start3A_39, %dma_start3A_40] : memref<2x64x16xf32, #tpu.memory_space<vmem>> -> memref<1x64x16xf32, #tpu.memory_space<vmem>>
      %dma_start3A_42 = tpu.memref_squeeze %dma_start3A_41 : memref<1x64x16xf32, #tpu.memory_space<vmem>> -> memref<64x16xf32, #tpu.memory_space<vmem>>
      %dma_start3A_43 = arith.constant 0 : i32
      %dma_start3A_44 = tpu.memref_slice %arg13[%dma_start3A_37, %dma_start3A_43] : memref<2x64xi32, #tpu.memory_space<vmem>> -> memref<1x64xi32, #tpu.memory_space<vmem>>
      %dma_start3A_45 = tpu.memref_squeeze %dma_start3A_44 : memref<1x64xi32, #tpu.memory_space<vmem>> -> memref<64xi32, #tpu.memory_space<vmem>>
      %dma_start3A_46 = arith.constant 0 : i32
      %dma_start3A_47 = arith.constant 0 : i32
      %dma_start3A_48 = tpu.memref_slice %arg4[%dma_start3A_46, %dma_start3A_47] : memref<10000x16xf32, #tpu.memory_space<hbm>> -> memref<10000x16xf32, #tpu.memory_space<hbm>>
      tpu.enqueue_indirect_dma source(%dma_start3A_48 : memref<10000x16xf32, #tpu.memory_space<hbm>>) target(%dma_start3A_42 : memref<64x16xf32, #tpu.memory_space<vmem>>) offsets(%dma_start3A_45 : memref<64xi32, #tpu.memory_space<vmem>>) semaphore(%arg22 : memref<!tpu.dma_semaphore, #tpu.memory_space<semaphore_mem>>)
      %dma_start3A_49 = arith.constant 0 : i32
      %dma_start3A_50 = arith.constant 0 : i32
      %dma_start3A_51 = arith.constant 0 : i32
      %dma_start3A_52 = arith.constant 0 : i32
      %dma_start3A_53 = tpu.memref_slice %arg16[%dma_start3A_50, %dma_start3A_51, %dma_start3A_52] : memref<2x64x16xf32, #tpu.memory_space<vmem>> -> memref<1x64x16xf32, #tpu.memory_space<vmem>>
      %dma_start3A_54 = tpu.memref_squeeze %dma_start3A_53 : memref<1x64x16xf32, #tpu.memory_space<vmem>> -> memref<64x16xf32, #tpu.memory_space<vmem>>
      %dma_start3A_55 = arith.constant 0 : i32
      %dma_start3A_56 = tpu.memref_slice %arg14[%dma_start3A_49, %dma_start3A_55] : memref<2x64xi32, #tpu.memory_space<vmem>> -> memref<1x64xi32, #tpu.memory_space<vmem>>
      %dma_start3A_57 = tpu.memref_squeeze %dma_start3A_56 : memref<1x64xi32, #tpu.memory_space<vmem>> -> memref<64xi32, #tpu.memory_space<vmem>>
      %dma_start3A_58 = arith.constant 0 : i32
      %dma_start3A_59 = arith.constant 0 : i32
      %dma_start3A_60 = tpu.memref_slice %arg5[%dma_start3A_58, %dma_start3A_59] : memref<10000x16xf32, #tpu.memory_space<hbm>> -> memref<10000x16xf32, #tpu.memory_space<hbm>>
      tpu.enqueue_indirect_dma source(%dma_start3A_60 : memref<10000x16xf32, #tpu.memory_space<hbm>>) target(%dma_start3A_54 : memref<64x16xf32, #tpu.memory_space<vmem>>) offsets(%dma_start3A_57 : memref<64xi32, #tpu.memory_space<vmem>>) semaphore(%arg23 : memref<!tpu.dma_semaphore, #tpu.memory_space<semaphore_mem>>)
      %dma_start3A_61 = arith.constant 0 : i32
      %dma_start3A_62 = arith.constant 0 : i32
      %dma_start3A_63 = arith.constant 0 : i32
      %dma_start3A_64 = arith.constant 0 : i32
      %dma_start3A_65 = tpu.memref_slice %arg17[%dma_start3A_62, %dma_start3A_63, %dma_start3A_64] : memref<2x64x128xf32, #tpu.memory_space<vmem>> -> memref<1x64x128xf32, #tpu.memory_space<vmem>>
      %dma_start3A_66 = tpu.memref_squeeze %dma_start3A_65 : memref<1x64x128xf32, #tpu.memory_space<vmem>> -> memref<64x128xf32, #tpu.memory_space<vmem>>
      %dma_start3A_67 = arith.constant 0 : i32
      %dma_start3A_68 = tpu.memref_slice %arg13[%dma_start3A_61, %dma_start3A_67] : memref<2x64xi32, #tpu.memory_space<vmem>> -> memref<1x64xi32, #tpu.memory_space<vmem>>
      %dma_start3A_69 = tpu.memref_squeeze %dma_start3A_68 : memref<1x64xi32, #tpu.memory_space<vmem>> -> memref<64xi32, #tpu.memory_space<vmem>>
      %dma_start3A_70 = arith.constant 0 : i32
      %dma_start3A_71 = arith.constant 0 : i32
      %dma_start3A_72 = tpu.memref_slice %arg6[%dma_start3A_70, %dma_start3A_71] : memref<10000x128xf32, #tpu.memory_space<hbm>> -> memref<10000x128xf32, #tpu.memory_space<hbm>>
      tpu.enqueue_indirect_dma source(%dma_start3A_72 : memref<10000x128xf32, #tpu.memory_space<hbm>>) target(%dma_start3A_66 : memref<64x128xf32, #tpu.memory_space<vmem>>) offsets(%dma_start3A_69 : memref<64xi32, #tpu.memory_space<vmem>>) semaphore(%arg24 : memref<!tpu.dma_semaphore, #tpu.memory_space<semaphore_mem>>)
      %mul3A_73 = arith.constant 2 : i32
      %mul3A_74 = arith.muli %mul3A_73, %scan3A_28 : i32
      %add3A_75 = arith.constant 1 : i32
      %add3A_76 = arith.addi %mul3A_74, %add3A_75 : i32
      %mul3A_77 = arith.constant 32 : i32
      %mul3A_78 = arith.muli %add3A_76, %mul3A_77 : i32
      %add3A_79 = arith.addi %add3A, %mul3A_78 : i32
      %mul3A_80 = arith.constant 64 : i32
      %mul3A_81 = arith.muli %add3A_79, %mul3A_80 : i32
      %run_scoped3A_82 = arith.constant 1 : i32
      "tpu.region"() ({
        %run_scoped3A_212 = tpu.sem_alloc : memref<!tpu.dma_semaphore, #tpu.memory_space<semaphore_mem>>
        %dma_start3A_213 = arith.constant 0 : i32
        %dma_start3A_214 = tpu.memref_slice %arg13[%run_scoped3A_82, %dma_start3A_213] : memref<2x64xi32, #tpu.memory_space<vmem>> -> memref<1x64xi32, #tpu.memory_space<vmem>>
        %dma_start3A_215 = tpu.memref_squeeze %dma_start3A_214 : memref<1x64xi32, #tpu.memory_space<vmem>> -> memref<64xi32, #tpu.memory_space<vmem>>
        %dma_start3A_216 = tpu.memref_slice %arg2[%mul3A_81] : memref<320000xi32, #tpu.memory_space<hbm>> -> memref<64xi32, #tpu.memory_space<hbm>>
        %dma_start3A_217 = arith.constant 0 : i32
        %dma_start3A_218 = tpu.memref_slice %arg13[%run_scoped3A_82, %dma_start3A_217] : memref<2x64xi32, #tpu.memory_space<vmem>> -> memref<1x64xi32, #tpu.memory_space<vmem>>
        %dma_start3A_219 = tpu.memref_squeeze %dma_start3A_218 : memref<1x64xi32, #tpu.memory_space<vmem>> -> memref<64xi32, #tpu.memory_space<vmem>>
        %dma_start3A_220 = tpu.memref_slice %arg2[%mul3A_81] : memref<320000xi32, #tpu.memory_space<hbm>> -> memref<64xi32, #tpu.memory_space<hbm>>
        tpu.enqueue_dma source(%dma_start3A_220 : memref<64xi32, #tpu.memory_space<hbm>>) target(%dma_start3A_219 : memref<64xi32, #tpu.memory_space<vmem>>) target_semaphore(%run_scoped3A_212 : memref<!tpu.dma_semaphore, #tpu.memory_space<semaphore_mem>>)
        %dma_wait3A_221 = arith.constant 0 : i32
        %dma_wait3A_222 = tpu.memref_slice %arg13[%run_scoped3A_82, %dma_wait3A_221] : memref<2x64xi32, #tpu.memory_space<vmem>> -> memref<1x64xi32, #tpu.memory_space<vmem>>
        %dma_wait3A_223 = tpu.memref_squeeze %dma_wait3A_222 : memref<1x64xi32, #tpu.memory_space<vmem>> -> memref<64xi32, #tpu.memory_space<vmem>>
        %dma_wait3A_224 = tpu.memref_slice %arg2[%mul3A_81] : memref<320000xi32, #tpu.memory_space<hbm>> -> memref<64xi32, #tpu.memory_space<hbm>>
        %dma_wait3A_225 = arith.constant 0 : i32
        %dma_wait3A_226 = tpu.memref_slice %arg13[%run_scoped3A_82, %dma_wait3A_225] : memref<2x64xi32, #tpu.memory_space<vmem>> -> memref<1x64xi32, #tpu.memory_space<vmem>>
        %dma_wait3A_227 = tpu.memref_squeeze %dma_wait3A_226 : memref<1x64xi32, #tpu.memory_space<vmem>> -> memref<64xi32, #tpu.memory_space<vmem>>
        %dma_wait3A_228 = tpu.memref_slice %arg2[%mul3A_81] : memref<320000xi32, #tpu.memory_space<hbm>> -> memref<64xi32, #tpu.memory_space<hbm>>
        tpu.wait_dma2 semaphore(%run_scoped3A_212 : memref<!tpu.dma_semaphore, #tpu.memory_space<semaphore_mem>>) src(%dma_wait3A_228 : memref<64xi32, #tpu.memory_space<hbm>>) dst(%dma_wait3A_227 : memref<64xi32, #tpu.memory_space<vmem>>)
        tpu.yield
      }) : () -> ()
      %run_scoped3A_83 = arith.constant 1 : i32
      "tpu.region"() ({
        %run_scoped3A_212 = tpu.sem_alloc : memref<!tpu.dma_semaphore, #tpu.memory_space<semaphore_mem>>
        %dma_start3A_213 = arith.constant 0 : i32
        %dma_start3A_214 = tpu.memref_slice %arg14[%run_scoped3A_83, %dma_start3A_213] : memref<2x64xi32, #tpu.memory_space<vmem>> -> memref<1x64xi32, #tpu.memory_space<vmem>>
        %dma_start3A_215 = tpu.memref_squeeze %dma_start3A_214 : memref<1x64xi32, #tpu.memory_space<vmem>> -> memref<64xi32, #tpu.memory_space<vmem>>
        %dma_start3A_216 = tpu.memref_slice %arg3[%mul3A_81] : memref<320000xi32, #tpu.memory_space<hbm>> -> memref<64xi32, #tpu.memory_space<hbm>>
        %dma_start3A_217 = arith.constant 0 : i32
        %dma_start3A_218 = tpu.memref_slice %arg14[%run_scoped3A_83, %dma_start3A_217] : memref<2x64xi32, #tpu.memory_space<vmem>> -> memref<1x64xi32, #tpu.memory_space<vmem>>
        %dma_start3A_219 = tpu.memref_squeeze %dma_start3A_218 : memref<1x64xi32, #tpu.memory_space<vmem>> -> memref<64xi32, #tpu.memory_space<vmem>>
        %dma_start3A_220 = tpu.memref_slice %arg3[%mul3A_81] : memref<320000xi32, #tpu.memory_space<hbm>> -> memref<64xi32, #tpu.memory_space<hbm>>
        tpu.enqueue_dma source(%dma_start3A_220 : memref<64xi32, #tpu.memory_space<hbm>>) target(%dma_start3A_219 : memref<64xi32, #tpu.memory_space<vmem>>) target_semaphore(%run_scoped3A_212 : memref<!tpu.dma_semaphore, #tpu.memory_space<semaphore_mem>>)
        %dma_wait3A_221 = arith.constant 0 : i32
        %dma_wait3A_222 = tpu.memref_slice %arg14[%run_scoped3A_83, %dma_wait3A_221] : memref<2x64xi32, #tpu.memory_space<vmem>> -> memref<1x64xi32, #tpu.memory_space<vmem>>
        %dma_wait3A_223 = tpu.memref_squeeze %dma_wait3A_222 : memref<1x64xi32, #tpu.memory_space<vmem>> -> memref<64xi32, #tpu.memory_space<vmem>>
        %dma_wait3A_224 = tpu.memref_slice %arg3[%mul3A_81] : memref<320000xi32, #tpu.memory_space<hbm>> -> memref<64xi32, #tpu.memory_space<hbm>>
        %dma_wait3A_225 = arith.constant 0 : i32
        %dma_wait3A_226 = tpu.memref_slice %arg14[%run_scoped3A_83, %dma_wait3A_225] : memref<2x64xi32, #tpu.memory_space<vmem>> -> memref<1x64xi32, #tpu.memory_space<vmem>>
        %dma_wait3A_227 = tpu.memref_squeeze %dma_wait3A_226 : memref<1x64xi32, #tpu.memory_space<vmem>> -> memref<64xi32, #tpu.memory_space<vmem>>
        %dma_wait3A_228 = tpu.memref_slice %arg3[%mul3A_81] : memref<320000xi32, #tpu.memory_space<hbm>> -> memref<64xi32, #tpu.memory_space<hbm>>
        tpu.wait_dma2 semaphore(%run_scoped3A_212 : memref<!tpu.dma_semaphore, #tpu.memory_space<semaphore_mem>>) src(%dma_wait3A_228 : memref<64xi32, #tpu.memory_space<hbm>>) dst(%dma_wait3A_227 : memref<64xi32, #tpu.memory_space<vmem>>)
        tpu.yield
      }) : () -> ()
      %dma_start3A_84 = arith.constant 1 : i32
      %dma_start3A_85 = arith.constant 1 : i32
      %dma_start3A_86 = arith.constant 0 : i32
      %dma_start3A_87 = arith.constant 0 : i32
      %dma_start3A_88 = tpu.memref_slice %arg15[%dma_start3A_85, %dma_start3A_86, %dma_start3A_87] : memref<2x64x16xf32, #tpu.memory_space<vmem>> -> memref<1x64x16xf32, #tpu.memory_space<vmem>>
      %dma_start3A_89 = tpu.memref_squeeze %dma_start3A_88 : memref<1x64x16xf32, #tpu.memory_space<vmem>> -> memref<64x16xf32, #tpu.memory_space<vmem>>
      %dma_start3A_90 = arith.constant 0 : i32
      %dma_start3A_91 = tpu.memref_slice %arg13[%dma_start3A_84, %dma_start3A_90] : memref<2x64xi32, #tpu.memory_space<vmem>> -> memref<1x64xi32, #tpu.memory_space<vmem>>
      %dma_start3A_92 = tpu.memref_squeeze %dma_start3A_91 : memref<1x64xi32, #tpu.memory_space<vmem>> -> memref<64xi32, #tpu.memory_space<vmem>>
      %dma_start3A_93 = arith.constant 0 : i32
      %dma_start3A_94 = arith.constant 0 : i32
      %dma_start3A_95 = tpu.memref_slice %arg4[%dma_start3A_93, %dma_start3A_94] : memref<10000x16xf32, #tpu.memory_space<hbm>> -> memref<10000x16xf32, #tpu.memory_space<hbm>>
      tpu.enqueue_indirect_dma source(%dma_start3A_95 : memref<10000x16xf32, #tpu.memory_space<hbm>>) target(%dma_start3A_89 : memref<64x16xf32, #tpu.memory_space<vmem>>) offsets(%dma_start3A_92 : memref<64xi32, #tpu.memory_space<vmem>>) semaphore(%arg22 : memref<!tpu.dma_semaphore, #tpu.memory_space<semaphore_mem>>)
      %dma_start3A_96 = arith.constant 1 : i32
      %dma_start3A_97 = arith.constant 1 : i32
      %dma_start3A_98 = arith.constant 0 : i32
      %dma_start3A_99 = arith.constant 0 : i32
      %dma_start3A_100 = tpu.memref_slice %arg16[%dma_start3A_97, %dma_start3A_98, %dma_start3A_99] : memref<2x64x16xf32, #tpu.memory_space<vmem>> -> memref<1x64x16xf32, #tpu.memory_space<vmem>>
      %dma_start3A_101 = tpu.memref_squeeze %dma_start3A_100 : memref<1x64x16xf32, #tpu.memory_space<vmem>> -> memref<64x16xf32, #tpu.memory_space<vmem>>
      %dma_start3A_102 = arith.constant 0 : i32
      %dma_start3A_103 = tpu.memref_slice %arg14[%dma_start3A_96, %dma_start3A_102] : memref<2x64xi32, #tpu.memory_space<vmem>> -> memref<1x64xi32, #tpu.memory_space<vmem>>
      %dma_start3A_104 = tpu.memref_squeeze %dma_start3A_103 : memref<1x64xi32, #tpu.memory_space<vmem>> -> memref<64xi32, #tpu.memory_space<vmem>>
      %dma_start3A_105 = arith.constant 0 : i32
      %dma_start3A_106 = arith.constant 0 : i32
      %dma_start3A_107 = tpu.memref_slice %arg5[%dma_start3A_105, %dma_start3A_106] : memref<10000x16xf32, #tpu.memory_space<hbm>> -> memref<10000x16xf32, #tpu.memory_space<hbm>>
      tpu.enqueue_indirect_dma source(%dma_start3A_107 : memref<10000x16xf32, #tpu.memory_space<hbm>>) target(%dma_start3A_101 : memref<64x16xf32, #tpu.memory_space<vmem>>) offsets(%dma_start3A_104 : memref<64xi32, #tpu.memory_space<vmem>>) semaphore(%arg23 : memref<!tpu.dma_semaphore, #tpu.memory_space<semaphore_mem>>)
      %dma_start3A_108 = arith.constant 1 : i32
      %dma_start3A_109 = arith.constant 1 : i32
      %dma_start3A_110 = arith.constant 0 : i32
      %dma_start3A_111 = arith.constant 0 : i32
      %dma_start3A_112 = tpu.memref_slice %arg17[%dma_start3A_109, %dma_start3A_110, %dma_start3A_111] : memref<2x64x128xf32, #tpu.memory_space<vmem>> -> memref<1x64x128xf32, #tpu.memory_space<vmem>>
      %dma_start3A_113 = tpu.memref_squeeze %dma_start3A_112 : memref<1x64x128xf32, #tpu.memory_space<vmem>> -> memref<64x128xf32, #tpu.memory_space<vmem>>
      %dma_start3A_114 = arith.constant 0 : i32
      %dma_start3A_115 = tpu.memref_slice %arg13[%dma_start3A_108, %dma_start3A_114] : memref<2x64xi32, #tpu.memory_space<vmem>> -> memref<1x64xi32, #tpu.memory_space<vmem>>
      %dma_start3A_116 = tpu.memref_squeeze %dma_start3A_115 : memref<1x64xi32, #tpu.memory_space<vmem>> -> memref<64xi32, #tpu.memory_space<vmem>>
      %dma_start3A_117 = arith.constant 0 : i32
      %dma_start3A_118 = arith.constant 0 : i32
      %dma_start3A_119 = tpu.memref_slice %arg6[%dma_start3A_117, %dma_start3A_118] : memref<10000x128xf32, #tpu.memory_space<hbm>> -> memref<10000x128xf32, #tpu.memory_space<hbm>>
      tpu.enqueue_indirect_dma source(%dma_start3A_119 : memref<10000x128xf32, #tpu.memory_space<hbm>>) target(%dma_start3A_113 : memref<64x128xf32, #tpu.memory_space<vmem>>) offsets(%dma_start3A_116 : memref<64xi32, #tpu.memory_space<vmem>>) semaphore(%arg24 : memref<!tpu.dma_semaphore, #tpu.memory_space<semaphore_mem>>)
      %dma_wait3A_120 = arith.constant 0 : i32
      %dma_wait3A_121 = arith.constant 0 : i32
      %dma_wait3A_122 = arith.constant 0 : i32
      %dma_wait3A_123 = arith.constant 0 : i32
      %dma_wait3A_124 = tpu.memref_slice %arg15[%dma_wait3A_121, %dma_wait3A_122, %dma_wait3A_123] : memref<2x64x16xf32, #tpu.memory_space<vmem>> -> memref<1x64x16xf32, #tpu.memory_space<vmem>>
      %dma_wait3A_125 = tpu.memref_squeeze %dma_wait3A_124 : memref<1x64x16xf32, #tpu.memory_space<vmem>> -> memref<64x16xf32, #tpu.memory_space<vmem>>
      %dma_wait3A_126 = arith.constant 0 : i32
      %dma_wait3A_127 = tpu.memref_slice %arg13[%dma_wait3A_120, %dma_wait3A_126] : memref<2x64xi32, #tpu.memory_space<vmem>> -> memref<1x64xi32, #tpu.memory_space<vmem>>
      %dma_wait3A_128 = tpu.memref_squeeze %dma_wait3A_127 : memref<1x64xi32, #tpu.memory_space<vmem>> -> memref<64xi32, #tpu.memory_space<vmem>>
      %dma_wait3A_129 = arith.constant 0 : i32
      %dma_wait3A_130 = arith.constant 0 : i32
      %dma_wait3A_131 = tpu.memref_slice %arg4[%dma_wait3A_129, %dma_wait3A_130] : memref<10000x16xf32, #tpu.memory_space<hbm>> -> memref<10000x16xf32, #tpu.memory_space<hbm>>
      tpu.wait_indirect_dma semaphore(%arg22 : memref<!tpu.dma_semaphore, #tpu.memory_space<semaphore_mem>>) src(%dma_wait3A_131 : memref<10000x16xf32, #tpu.memory_space<hbm>>) dst(%dma_wait3A_125 : memref<64x16xf32, #tpu.memory_space<vmem>>)
      %dma_wait3A_132 = arith.constant 0 : i32
      %dma_wait3A_133 = arith.constant 0 : i32
      %dma_wait3A_134 = arith.constant 0 : i32
      %dma_wait3A_135 = arith.constant 0 : i32
      %dma_wait3A_136 = tpu.memref_slice %arg16[%dma_wait3A_133, %dma_wait3A_134, %dma_wait3A_135] : memref<2x64x16xf32, #tpu.memory_space<vmem>> -> memref<1x64x16xf32, #tpu.memory_space<vmem>>
      %dma_wait3A_137 = tpu.memref_squeeze %dma_wait3A_136 : memref<1x64x16xf32, #tpu.memory_space<vmem>> -> memref<64x16xf32, #tpu.memory_space<vmem>>
      %dma_wait3A_138 = arith.constant 0 : i32
      %dma_wait3A_139 = tpu.memref_slice %arg14[%dma_wait3A_132, %dma_wait3A_138] : memref<2x64xi32, #tpu.memory_space<vmem>> -> memref<1x64xi32, #tpu.memory_space<vmem>>
      %dma_wait3A_140 = tpu.memref_squeeze %dma_wait3A_139 : memref<1x64xi32, #tpu.memory_space<vmem>> -> memref<64xi32, #tpu.memory_space<vmem>>
      %dma_wait3A_141 = arith.constant 0 : i32
      %dma_wait3A_142 = arith.constant 0 : i32
      %dma_wait3A_143 = tpu.memref_slice %arg5[%dma_wait3A_141, %dma_wait3A_142] : memref<10000x16xf32, #tpu.memory_space<hbm>> -> memref<10000x16xf32, #tpu.memory_space<hbm>>
      tpu.wait_indirect_dma semaphore(%arg23 : memref<!tpu.dma_semaphore, #tpu.memory_space<semaphore_mem>>) src(%dma_wait3A_143 : memref<10000x16xf32, #tpu.memory_space<hbm>>) dst(%dma_wait3A_137 : memref<64x16xf32, #tpu.memory_space<vmem>>)
      %dma_wait3A_144 = arith.constant 0 : i32
      %dma_wait3A_145 = arith.constant 0 : i32
      %dma_wait3A_146 = arith.constant 0 : i32
      %dma_wait3A_147 = arith.constant 0 : i32
      %dma_wait3A_148 = tpu.memref_slice %arg17[%dma_wait3A_145, %dma_wait3A_146, %dma_wait3A_147] : memref<2x64x128xf32, #tpu.memory_space<vmem>> -> memref<1x64x128xf32, #tpu.memory_space<vmem>>
      %dma_wait3A_149 = tpu.memref_squeeze %dma_wait3A_148 : memref<1x64x128xf32, #tpu.memory_space<vmem>> -> memref<64x128xf32, #tpu.memory_space<vmem>>
      %dma_wait3A_150 = arith.constant 0 : i32
      %dma_wait3A_151 = tpu.memref_slice %arg13[%dma_wait3A_144, %dma_wait3A_150] : memref<2x64xi32, #tpu.memory_space<vmem>> -> memref<1x64xi32, #tpu.memory_space<vmem>>
      %dma_wait3A_152 = tpu.memref_squeeze %dma_wait3A_151 : memref<1x64xi32, #tpu.memory_space<vmem>> -> memref<64xi32, #tpu.memory_space<vmem>>
      %dma_wait3A_153 = arith.constant 0 : i32
      %dma_wait3A_154 = arith.constant 0 : i32
      %dma_wait3A_155 = tpu.memref_slice %arg6[%dma_wait3A_153, %dma_wait3A_154] : memref<10000x128xf32, #tpu.memory_space<hbm>> -> memref<10000x128xf32, #tpu.memory_space<hbm>>
      tpu.wait_indirect_dma semaphore(%arg24 : memref<!tpu.dma_semaphore, #tpu.memory_space<semaphore_mem>>) src(%dma_wait3A_155 : memref<10000x128xf32, #tpu.memory_space<hbm>>) dst(%dma_wait3A_149 : memref<64x128xf32, #tpu.memory_space<vmem>>)
      %scan3A_156 = arith.constant 0 : i32
      %scan3A_157 = arith.constant 0 : i32
      %scan3A_158 = arith.constant 64 : i32
      %scan3A_159 = arith.addi %scan3A_157, %scan3A_158 : i32
      %scan3A_160 = arith.constant 1 : i32
      scf.for %scan3A_212 = %scan3A_157 to %scan3A_159 step %scan3A_160  : i32 {
        %get3A_213 = arith.constant 0 : i32
        %get3A_214 = arith.index_cast %get3A_213 : i32 to index
        %get3A_215 = arith.index_cast %scan3A_212 : i32 to index
        %get3A_216 = arith.constant 0 : index
        %get3A_217 = tpu.vector_load %arg15[%get3A_214, %get3A_215, %get3A_216] {strides = array<i32>} : memref<2x64x16xf32, #tpu.memory_space<vmem>>, vector<1x1x16xf32>,
        %get3A_218 = vector.shape_cast %get3A_217 : vector<1x1x16xf32> to vector<16xf32>
        %get3A_219 = arith.constant 0 : i32
        %get3A_220 = arith.index_cast %get3A_219 : i32 to index
        %get3A_221 = arith.index_cast %scan3A_212 : i32 to index
        %get3A_222 = arith.constant 0 : index
        %get3A_223 = tpu.vector_load %arg16[%get3A_220, %get3A_221, %get3A_222] {strides = array<i32>} : memref<2x64x16xf32, #tpu.memory_space<vmem>>, vector<1x1x16xf32>,
        %get3A_224 = vector.shape_cast %get3A_223 : vector<1x1x16xf32> to vector<16xf32>
        %add3A_225 = arith.addf %get3A_218, %get3A_224 : vector<16xf32>
        %gt3A_226 = arith.constant 0.000000e+00 : f32
        %gt3A_227 = vector.broadcast %gt3A_226 : f32 to vector<16xf32>
        %gt3A_228 = arith.cmpf ogt, %add3A_225, %gt3A_227 : vector<16xf32>
        %mul3A_229 = arith.constant 2.000000e-01 : f32
        %mul3A_230 = vector.broadcast %mul3A_229 : f32 to vector<16xf32>
        %mul3A_231 = arith.mulf %mul3A_230, %add3A_225 : vector<16xf32>
        %select_n3A_232 = arith.select %gt3A_228, %add3A_225, %mul3A_231 : vector<16xi1>, vector<16xf32>
        %sub3A = arith.subf %select_n3A_232, %select_n3A : vector<16xf32>
        %exp3A = math.exp %sub3A : vector<16xf32>
        %swap3A = arith.constant 0 : i32
        %swap3A_233 = arith.index_cast %swap3A : i32 to index
        %swap3A_234 = arith.index_cast %scan3A_212 : i32 to index
        %swap3A_235 = arith.constant 0 : index
        %swap3A_236 = tpu.vector_load %arg18[%swap3A_233, %swap3A_234, %swap3A_235] {strides = array<i32>} : memref<2x64x16xf32, #tpu.memory_space<vmem>>, vector<1x1x16xf32>,
        %swap3A_237 = vector.shape_cast %swap3A_236 : vector<1x1x16xf32> to vector<16xf32>
        %swap3A_238 = vector.shape_cast %exp3A : vector<16xf32> to vector<1x1x16xf32>
        tpu.vector_store %arg18[%swap3A_233, %swap3A_234, %swap3A_235], %swap3A_238 {strides = array<i32>} : memref<2x64x16xf32, #tpu.memory_space<vmem>>, vector<1x1x16xf32>,
        %slice3A = vector.extract_strided_slice %exp3A {offsets = [0], sizes = [1], strides = [1]} : vector<16xf32> to vector<1xf32>
        %squeeze3A = vector.extract %slice3A[0] : f32 from vector<1xf32>
        %get3A_239 = arith.constant 0 : i32
        %get3A_240 = arith.index_cast %get3A_239 : i32 to index
        %get3A_241 = arith.index_cast %scan3A_212 : i32 to index
        %get3A_242 = arith.constant 0 : index
        %get3A_243 = tpu.vector_load %arg17[%get3A_240, %get3A_241, %get3A_242] {strides = array<i32>} : memref<2x64x128xf32, #tpu.memory_space<vmem>>, vector<1x1x16xf32>,
        %get3A_244 = vector.shape_cast %get3A_243 : vector<1x1x16xf32> to vector<16xf32>
        %mul3A_245 = vector.broadcast %squeeze3A : f32 to vector<16xf32>
        %mul3A_246 = arith.mulf %get3A_244, %mul3A_245 : vector<16xf32>
        %swap3A_247 = arith.constant 0 : i32
        %swap3A_248 = arith.index_cast %swap3A_247 : i32 to index
        %swap3A_249 = arith.index_cast %scan3A_212 : i32 to index
        %swap3A_250 = arith.constant 0 : index
        %swap3A_251 = tpu.vector_load %arg17[%swap3A_248, %swap3A_249, %swap3A_250] {strides = array<i32>} : memref<2x64x128xf32, #tpu.memory_space<vmem>>, vector<1x1x16xf32>,
        %swap3A_252 = vector.shape_cast %swap3A_251 : vector<1x1x16xf32> to vector<16xf32>
        %swap3A_253 = vector.shape_cast %mul3A_246 : vector<16xf32> to vector<1x1x16xf32>
        tpu.vector_store %arg17[%swap3A_248, %swap3A_249, %swap3A_250], %swap3A_253 {strides = array<i32>} : memref<2x64x128xf32, #tpu.memory_space<vmem>>, vector<1x1x16xf32>,
        %slice3A_254 = vector.extract_strided_slice %exp3A {offsets = [1], sizes = [1], strides = [1]} : vector<16xf32> to vector<1xf32>
        %squeeze3A_255 = vector.extract %slice3A_254[0] : f32 from vector<1xf32>
        %get3A_256 = arith.constant 0 : i32
        %get3A_257 = arith.index_cast %get3A_256 : i32 to index
        %get3A_258 = arith.index_cast %scan3A_212 : i32 to index
        %get3A_259 = arith.constant 16 : index
        %get3A_260 = tpu.vector_load %arg17[%get3A_257, %get3A_258, %get3A_259] {strides = array<i32>} : memref<2x64x128xf32, #tpu.memory_space<vmem>>, vector<1x1x16xf32>,
        %get3A_261 = vector.shape_cast %get3A_260 : vector<1x1x16xf32> to vector<16xf32>
        %mul3A_262 = vector.broadcast %squeeze3A_255 : f32 to vector<16xf32>
        %mul3A_263 = arith.mulf %get3A_261, %mul3A_262 : vector<16xf32>
        %swap3A_264 = arith.constant 0 : i32
        %swap3A_265 = arith.index_cast %swap3A_264 : i32 to index
        %swap3A_266 = arith.index_cast %scan3A_212 : i32 to index
        %swap3A_267 = arith.constant 16 : index
        %swap3A_268 = tpu.vector_load %arg17[%swap3A_265, %swap3A_266, %swap3A_267] {strides = array<i32>} : memref<2x64x128xf32, #tpu.memory_space<vmem>>, vector<1x1x16xf32>,
        %swap3A_269 = vector.shape_cast %swap3A_268 : vector<1x1x16xf32> to vector<16xf32>
        %swap3A_270 = vector.shape_cast %mul3A_263 : vector<16xf32> to vector<1x1x16xf32>
        tpu.vector_store %arg17[%swap3A_265, %swap3A_266, %swap3A_267], %swap3A_270 {strides = array<i32>} : memref<2x64x128xf32, #tpu.memory_space<vmem>>, vector<1x1x16xf32>,
        %slice3A_271 = vector.extract_strided_slice %exp3A {offsets = [2], sizes = [1], strides = [1]} : vector<16xf32> to vector<1xf32>
        %squeeze3A_272 = vector.extract %slice3A_271[0] : f32 from vector<1xf32>
        %get3A_273 = arith.constant 0 : i32
        %get3A_274 = arith.index_cast %get3A_273 : i32 to index
        %get3A_275 = arith.index_cast %scan3A_212 : i32 to index
        %get3A_276 = arith.constant 32 : index
        %get3A_277 = tpu.vector_load %arg17[%get3A_274, %get3A_275, %get3A_276] {strides = array<i32>} : memref<2x64x128xf32, #tpu.memory_space<vmem>>, vector<1x1x16xf32>,
        %get3A_278 = vector.shape_cast %get3A_277 : vector<1x1x16xf32> to vector<16xf32>
        %mul3A_279 = vector.broadcast %squeeze3A_272 : f32 to vector<16xf32>
        %mul3A_280 = arith.mulf %get3A_278, %mul3A_279 : vector<16xf32>
        %swap3A_281 = arith.constant 0 : i32
        %swap3A_282 = arith.index_cast %swap3A_281 : i32 to index
        %swap3A_283 = arith.index_cast %scan3A_212 : i32 to index
        %swap3A_284 = arith.constant 32 : index
        %swap3A_285 = tpu.vector_load %arg17[%swap3A_282, %swap3A_283, %swap3A_284] {strides = array<i32>} : memref<2x64x128xf32, #tpu.memory_space<vmem>>, vector<1x1x16xf32>,
        %swap3A_286 = vector.shape_cast %swap3A_285 : vector<1x1x16xf32> to vector<16xf32>
        %swap3A_287 = vector.shape_cast %mul3A_280 : vector<16xf32> to vector<1x1x16xf32>
        tpu.vector_store %arg17[%swap3A_282, %swap3A_283, %swap3A_284], %swap3A_287 {strides = array<i32>} : memref<2x64x128xf32, #tpu.memory_space<vmem>>, vector<1x1x16xf32>,
        %slice3A_288 = vector.extract_strided_slice %exp3A {offsets = [3], sizes = [1], strides = [1]} : vector<16xf32> to vector<1xf32>
        %squeeze3A_289 = vector.extract %slice3A_288[0] : f32 from vector<1xf32>
        %get3A_290 = arith.constant 0 : i32
        %get3A_291 = arith.index_cast %get3A_290 : i32 to index
        %get3A_292 = arith.index_cast %scan3A_212 : i32 to index
        %get3A_293 = arith.constant 48 : index
        %get3A_294 = tpu.vector_load %arg17[%get3A_291, %get3A_292, %get3A_293] {strides = array<i32>} : memref<2x64x128xf32, #tpu.memory_space<vmem>>, vector<1x1x16xf32>,
        %get3A_295 = vector.shape_cast %get3A_294 : vector<1x1x16xf32> to vector<16xf32>
        %mul3A_296 = vector.broadcast %squeeze3A_289 : f32 to vector<16xf32>
        %mul3A_297 = arith.mulf %get3A_295, %mul3A_296 : vector<16xf32>
        %swap3A_298 = arith.constant 0 : i32
        %swap3A_299 = arith.index_cast %swap3A_298 : i32 to index
        %swap3A_300 = arith.index_cast %scan3A_212 : i32 to index
        %swap3A_301 = arith.constant 48 : index
        %swap3A_302 = tpu.vector_load %arg17[%swap3A_299, %swap3A_300, %swap3A_301] {strides = array<i32>} : memref<2x64x128xf32, #tpu.memory_space<vmem>>, vector<1x1x16xf32>,
        %swap3A_303 = vector.shape_cast %swap3A_302 : vector<1x1x16xf32> to vector<16xf32>
        %swap3A_304 = vector.shape_cast %mul3A_297 : vector<16xf32> to vector<1x1x16xf32>
        tpu.vector_store %arg17[%swap3A_299, %swap3A_300, %swap3A_301], %swap3A_304 {strides = array<i32>} : memref<2x64x128xf32, #tpu.memory_space<vmem>>, vector<1x1x16xf32>,
        %slice3A_305 = vector.extract_strided_slice %exp3A {offsets = [4], sizes = [1], strides = [1]} : vector<16xf32> to vector<1xf32>
        %squeeze3A_306 = vector.extract %slice3A_305[0] : f32 from vector<1xf32>
        %get3A_307 = arith.constant 0 : i32
        %get3A_308 = arith.index_cast %get3A_307 : i32 to index
        %get3A_309 = arith.index_cast %scan3A_212 : i32 to index
        %get3A_310 = arith.constant 64 : index
        %get3A_311 = tpu.vector_load %arg17[%get3A_308, %get3A_309, %get3A_310] {strides = array<i32>} : memref<2x64x128xf32, #tpu.memory_space<vmem>>, vector<1x1x16xf32>,
        %get3A_312 = vector.shape_cast %get3A_311 : vector<1x1x16xf32> to vector<16xf32>
        %mul3A_313 = vector.broadcast %squeeze3A_306 : f32 to vector<16xf32>
        %mul3A_314 = arith.mulf %get3A_312, %mul3A_313 : vector<16xf32>
        %swap3A_315 = arith.constant 0 : i32
        %swap3A_316 = arith.index_cast %swap3A_315 : i32 to index
        %swap3A_317 = arith.index_cast %scan3A_212 : i32 to index
        %swap3A_318 = arith.constant 64 : index
        %swap3A_319 = tpu.vector_load %arg17[%swap3A_316, %swap3A_317, %swap3A_318] {strides = array<i32>} : memref<2x64x128xf32, #tpu.memory_space<vmem>>, vector<1x1x16xf32>,
        %swap3A_320 = vector.shape_cast %swap3A_319 : vector<1x1x16xf32> to vector<16xf32>
        %swap3A_321 = vector.shape_cast %mul3A_314 : vector<16xf32> to vector<1x1x16xf32>
        tpu.vector_store %arg17[%swap3A_316, %swap3A_317, %swap3A_318], %swap3A_321 {strides = array<i32>} : memref<2x64x128xf32, #tpu.memory_space<vmem>>, vector<1x1x16xf32>,
        %slice3A_322 = vector.extract_strided_slice %exp3A {offsets = [5], sizes = [1], strides = [1]} : vector<16xf32> to vector<1xf32>
        %squeeze3A_323 = vector.extract %slice3A_322[0] : f32 from vector<1xf32>
        %get3A_324 = arith.constant 0 : i32
        %get3A_325 = arith.index_cast %get3A_324 : i32 to index
        %get3A_326 = arith.index_cast %scan3A_212 : i32 to index
        %get3A_327 = arith.constant 80 : index
        %get3A_328 = tpu.vector_load %arg17[%get3A_325, %get3A_326, %get3A_327] {strides = array<i32>} : memref<2x64x128xf32, #tpu.memory_space<vmem>>, vector<1x1x16xf32>,
        %get3A_329 = vector.shape_cast %get3A_328 : vector<1x1x16xf32> to vector<16xf32>
        %mul3A_330 = vector.broadcast %squeeze3A_323 : f32 to vector<16xf32>
        %mul3A_331 = arith.mulf %get3A_329, %mul3A_330 : vector<16xf32>
        %swap3A_332 = arith.constant 0 : i32
        %swap3A_333 = arith.index_cast %swap3A_332 : i32 to index
        %swap3A_334 = arith.index_cast %scan3A_212 : i32 to index
        %swap3A_335 = arith.constant 80 : index
        %swap3A_336 = tpu.vector_load %arg17[%swap3A_333, %swap3A_334, %swap3A_335] {strides = array<i32>} : memref<2x64x128xf32, #tpu.memory_space<vmem>>, vector<1x1x16xf32>,
        %swap3A_337 = vector.shape_cast %swap3A_336 : vector<1x1x16xf32> to vector<16xf32>
        %swap3A_338 = vector.shape_cast %mul3A_331 : vector<16xf32> to vector<1x1x16xf32>
        tpu.vector_store %arg17[%swap3A_333, %swap3A_334, %swap3A_335], %swap3A_338 {strides = array<i32>} : memref<2x64x128xf32, #tpu.memory_space<vmem>>, vector<1x1x16xf32>,
        %slice3A_339 = vector.extract_strided_slice %exp3A {offsets = [6], sizes = [1], strides = [1]} : vector<16xf32> to vector<1xf32>
        %squeeze3A_340 = vector.extract %slice3A_339[0] : f32 from vector<1xf32>
        %get3A_341 = arith.constant 0 : i32
        %get3A_342 = arith.index_cast %get3A_341 : i32 to index
        %get3A_343 = arith.index_cast %scan3A_212 : i32 to index
        %get3A_344 = arith.constant 96 : index
        %get3A_345 = tpu.vector_load %arg17[%get3A_342, %get3A_343, %get3A_344] {strides = array<i32>} : memref<2x64x128xf32, #tpu.memory_space<vmem>>, vector<1x1x16xf32>,
        %get3A_346 = vector.shape_cast %get3A_345 : vector<1x1x16xf32> to vector<16xf32>
        %mul3A_347 = vector.broadcast %squeeze3A_340 : f32 to vector<16xf32>
        %mul3A_348 = arith.mulf %get3A_346, %mul3A_347 : vector<16xf32>
        %swap3A_349 = arith.constant 0 : i32
        %swap3A_350 = arith.index_cast %swap3A_349 : i32 to index
        %swap3A_351 = arith.index_cast %scan3A_212 : i32 to index
        %swap3A_352 = arith.constant 96 : index
        %swap3A_353 = tpu.vector_load %arg17[%swap3A_350, %swap3A_351, %swap3A_352] {strides = array<i32>} : memref<2x64x128xf32, #tpu.memory_space<vmem>>, vector<1x1x16xf32>,
        %swap3A_354 = vector.shape_cast %swap3A_353 : vector<1x1x16xf32> to vector<16xf32>
        %swap3A_355 = vector.shape_cast %mul3A_348 : vector<16xf32> to vector<1x1x16xf32>
        tpu.vector_store %arg17[%swap3A_350, %swap3A_351, %swap3A_352], %swap3A_355 {strides = array<i32>} : memref<2x64x128xf32, #tpu.memory_space<vmem>>, vector<1x1x16xf32>,
        %slice3A_356 = vector.extract_strided_slice %exp3A {offsets = [7], sizes = [1], strides = [1]} : vector<16xf32> to vector<1xf32>
        %squeeze3A_357 = vector.extract %slice3A_356[0] : f32 from vector<1xf32>
        %get3A_358 = arith.constant 0 : i32
        %get3A_359 = arith.index_cast %get3A_358 : i32 to index
        %get3A_360 = arith.index_cast %scan3A_212 : i32 to index
        %get3A_361 = arith.constant 112 : index
        %get3A_362 = tpu.vector_load %arg17[%get3A_359, %get3A_360, %get3A_361] {strides = array<i32>} : memref<2x64x128xf32, #tpu.memory_space<vmem>>, vector<1x1x16xf32>,
        %get3A_363 = vector.shape_cast %get3A_362 : vector<1x1x16xf32> to vector<16xf32>
        %mul3A_364 = vector.broadcast %squeeze3A_357 : f32 to vector<16xf32>
        %mul3A_365 = arith.mulf %get3A_363, %mul3A_364 : vector<16xf32>
        %swap3A_366 = arith.constant 0 : i32
        %swap3A_367 = arith.index_cast %swap3A_366 : i32 to index
        %swap3A_368 = arith.index_cast %scan3A_212 : i32 to index
        %swap3A_369 = arith.constant 112 : index
        %swap3A_370 = tpu.vector_load %arg17[%swap3A_367, %swap3A_368, %swap3A_369] {strides = array<i32>} : memref<2x64x128xf32, #tpu.memory_space<vmem>>, vector<1x1x16xf32>,
        %swap3A_371 = vector.shape_cast %swap3A_370 : vector<1x1x16xf32> to vector<16xf32>
        %swap3A_372 = vector.shape_cast %mul3A_365 : vector<16xf32> to vector<1x1x16xf32>
        tpu.vector_store %arg17[%swap3A_367, %swap3A_368, %swap3A_369], %swap3A_372 {strides = array<i32>} : memref<2x64x128xf32, #tpu.memory_space<vmem>>, vector<1x1x16xf32>,
      }
      %scan3A_161 = arith.constant 64 : i32
      %run_scoped3A_162 = arith.constant 0 : i32
      %run_scoped3A_163 = arith.constant 0 : i32
      "tpu.region"() ({
        %run_scoped3A_212 = tpu.sem_alloc : memref<!tpu.dma_semaphore, #tpu.memory_space<semaphore_mem>>
        %dma_start3A_213 = arith.constant 0 : i32
        %dma_start3A_214 = arith.constant 0 : i32
        %dma_start3A_215 = tpu.memref_slice %arg18[%run_scoped3A_162, %dma_start3A_213, %dma_start3A_214] : memref<2x64x16xf32, #tpu.memory_space<vmem>> -> memref<1x64x16xf32, #tpu.memory_space<vmem>>
        %dma_start3A_216 = tpu.memref_squeeze %dma_start3A_215 : memref<1x64x16xf32, #tpu.memory_space<vmem>> -> memref<64x16xf32, #tpu.memory_space<vmem>>
        %dma_start3A_217 = arith.constant 0 : i32
        %dma_start3A_218 = tpu.memref_slice %arg14[%run_scoped3A_163, %dma_start3A_217] : memref<2x64xi32, #tpu.memory_space<vmem>> -> memref<1x64xi32, #tpu.memory_space<vmem>>
        %dma_start3A_219 = tpu.memref_squeeze %dma_start3A_218 : memref<1x64xi32, #tpu.memory_space<vmem>> -> memref<64xi32, #tpu.memory_space<vmem>>
        %dma_start3A_220 = arith.constant 0 : i32
        %dma_start3A_221 = arith.constant 0 : i32
        %dma_start3A_222 = tpu.memref_slice %arg20[%dma_start3A_220, %dma_start3A_221] : memref<10112x16xf32, #tpu.memory_space<vmem_shared>> -> memref<10112x16xf32, #tpu.memory_space<vmem_shared>>
        tpu.enqueue_indirect_dma source(%dma_start3A_216 : memref<64x16xf32, #tpu.memory_space<vmem>>) target(%dma_start3A_222 : memref<10112x16xf32, #tpu.memory_space<vmem_shared>>) offsets(%dma_start3A_219 : memref<64xi32, #tpu.memory_space<vmem>>) semaphore(%run_scoped3A_212 : memref<!tpu.dma_semaphore, #tpu.memory_space<semaphore_mem>>) {add = true}
        %dma_wait3A_223 = arith.constant 0 : i32
        %dma_wait3A_224 = arith.constant 0 : i32
        %dma_wait3A_225 = tpu.memref_slice %arg18[%run_scoped3A_162, %dma_wait3A_223, %dma_wait3A_224] : memref<2x64x16xf32, #tpu.memory_space<vmem>> -> memref<1x64x16xf32, #tpu.memory_space<vmem>>
        %dma_wait3A_226 = tpu.memref_squeeze %dma_wait3A_225 : memref<1x64x16xf32, #tpu.memory_space<vmem>> -> memref<64x16xf32, #tpu.memory_space<vmem>>
        %dma_wait3A_227 = arith.constant 0 : i32
        %dma_wait3A_228 = tpu.memref_slice %arg14[%run_scoped3A_163, %dma_wait3A_227] : memref<2x64xi32, #tpu.memory_space<vmem>> -> memref<1x64xi32, #tpu.memory_space<vmem>>
        %dma_wait3A_229 = tpu.memref_squeeze %dma_wait3A_228 : memref<1x64xi32, #tpu.memory_space<vmem>> -> memref<64xi32, #tpu.memory_space<vmem>>
        %dma_wait3A_230 = arith.constant 0 : i32
        %dma_wait3A_231 = arith.constant 0 : i32
        %dma_wait3A_232 = tpu.memref_slice %arg20[%dma_wait3A_230, %dma_wait3A_231] : memref<10112x16xf32, #tpu.memory_space<vmem_shared>> -> memref<10112x16xf32, #tpu.memory_space<vmem_shared>>
        tpu.wait_indirect_dma semaphore(%run_scoped3A_212 : memref<!tpu.dma_semaphore, #tpu.memory_space<semaphore_mem>>) src(%dma_wait3A_226 : memref<64x16xf32, #tpu.memory_space<vmem>>) dst(%dma_wait3A_232 : memref<10112x16xf32, #tpu.memory_space<vmem_shared>>)
        tpu.yield
      }) : () -> ()
      %run_scoped3A_164 = arith.constant 0 : i32
      %run_scoped3A_165 = arith.constant 0 : i32
      "tpu.region"() ({
        %run_scoped3A_212 = tpu.sem_alloc : memref<!tpu.dma_semaphore, #tpu.memory_space<semaphore_mem>>
        %dma_start3A_213 = arith.constant 0 : i32
        %dma_start3A_214 = arith.constant 0 : i32
        %dma_start3A_215 = tpu.memref_slice %arg17[%run_scoped3A_164, %dma_start3A_213, %dma_start3A_214] : memref<2x64x128xf32, #tpu.memory_space<vmem>> -> memref<1x64x128xf32, #tpu.memory_space<vmem>>
        %dma_start3A_216 = tpu.memref_squeeze %dma_start3A_215 : memref<1x64x128xf32, #tpu.memory_space<vmem>> -> memref<64x128xf32, #tpu.memory_space<vmem>>
        %dma_start3A_217 = arith.constant 0 : i32
        %dma_start3A_218 = tpu.memref_slice %arg14[%run_scoped3A_165, %dma_start3A_217] : memref<2x64xi32, #tpu.memory_space<vmem>> -> memref<1x64xi32, #tpu.memory_space<vmem>>
        %dma_start3A_219 = tpu.memref_squeeze %dma_start3A_218 : memref<1x64xi32, #tpu.memory_space<vmem>> -> memref<64xi32, #tpu.memory_space<vmem>>
        %dma_start3A_220 = arith.constant 0 : i32
        %dma_start3A_221 = arith.constant 0 : i32
        %dma_start3A_222 = tpu.memref_slice %arg21[%dma_start3A_220, %dma_start3A_221] : memref<10112x128xf32, #tpu.memory_space<vmem_shared>> -> memref<10112x128xf32, #tpu.memory_space<vmem_shared>>
        tpu.enqueue_indirect_dma source(%dma_start3A_216 : memref<64x128xf32, #tpu.memory_space<vmem>>) target(%dma_start3A_222 : memref<10112x128xf32, #tpu.memory_space<vmem_shared>>) offsets(%dma_start3A_219 : memref<64xi32, #tpu.memory_space<vmem>>) semaphore(%run_scoped3A_212 : memref<!tpu.dma_semaphore, #tpu.memory_space<semaphore_mem>>) {add = true}
        %dma_wait3A_223 = arith.constant 0 : i32
        %dma_wait3A_224 = arith.constant 0 : i32
        %dma_wait3A_225 = tpu.memref_slice %arg17[%run_scoped3A_164, %dma_wait3A_223, %dma_wait3A_224] : memref<2x64x128xf32, #tpu.memory_space<vmem>> -> memref<1x64x128xf32, #tpu.memory_space<vmem>>
        %dma_wait3A_226 = tpu.memref_squeeze %dma_wait3A_225 : memref<1x64x128xf32, #tpu.memory_space<vmem>> -> memref<64x128xf32, #tpu.memory_space<vmem>>
        %dma_wait3A_227 = arith.constant 0 : i32
        %dma_wait3A_228 = tpu.memref_slice %arg14[%run_scoped3A_165, %dma_wait3A_227] : memref<2x64xi32, #tpu.memory_space<vmem>> -> memref<1x64xi32, #tpu.memory_space<vmem>>
        %dma_wait3A_229 = tpu.memref_squeeze %dma_wait3A_228 : memref<1x64xi32, #tpu.memory_space<vmem>> -> memref<64xi32, #tpu.memory_space<vmem>>
        %dma_wait3A_230 = arith.constant 0 : i32
        %dma_wait3A_231 = arith.constant 0 : i32
        %dma_wait3A_232 = tpu.memref_slice %arg21[%dma_wait3A_230, %dma_wait3A_231] : memref<10112x128xf32, #tpu.memory_space<vmem_shared>> -> memref<10112x128xf32, #tpu.memory_space<vmem_shared>>
        tpu.wait_indirect_dma semaphore(%run_scoped3A_212 : memref<!tpu.dma_semaphore, #tpu.memory_space<semaphore_mem>>) src(%dma_wait3A_226 : memref<64x128xf32, #tpu.memory_space<vmem>>) dst(%dma_wait3A_232 : memref<10112x128xf32, #tpu.memory_space<vmem_shared>>)
        tpu.yield
      }) : () -> ()
      %dma_wait3A_166 = arith.constant 1 : i32
      %dma_wait3A_167 = arith.constant 1 : i32
      %dma_wait3A_168 = arith.constant 0 : i32
      %dma_wait3A_169 = arith.constant 0 : i32
      %dma_wait3A_170 = tpu.memref_slice %arg15[%dma_wait3A_167, %dma_wait3A_168, %dma_wait3A_169] : memref<2x64x16xf32, #tpu.memory_space<vmem>> -> memref<1x64x16xf32, #tpu.memory_space<vmem>>
      %dma_wait3A_171 = tpu.memref_squeeze %dma_wait3A_170 : memref<1x64x16xf32, #tpu.memory_space<vmem>> -> memref<64x16xf32, #tpu.memory_space<vmem>>
      %dma_wait3A_172 = arith.constant 0 : i32
      %dma_wait3A_173 = tpu.memref_slice %arg13[%dma_wait3A_166, %dma_wait3A_172] : memref<2x64xi32, #tpu.memory_space<vmem>> -> memref<1x64xi32, #tpu.memory_space<vmem>>
      %dma_wait3A_174 = tpu.memref_squeeze %dma_wait3A_173 : memref<1x64xi32, #tpu.memory_space<vmem>> -> memref<64xi32, #tpu.memory_space<vmem>>
      %dma_wait3A_175 = arith.constant 0 : i32
      %dma_wait3A_176 = arith.constant 0 : i32
      %dma_wait3A_177 = tpu.memref_slice %arg4[%dma_wait3A_175, %dma_wait3A_176] : memref<10000x16xf32, #tpu.memory_space<hbm>> -> memref<10000x16xf32, #tpu.memory_space<hbm>>
      tpu.wait_indirect_dma semaphore(%arg22 : memref<!tpu.dma_semaphore, #tpu.memory_space<semaphore_mem>>) src(%dma_wait3A_177 : memref<10000x16xf32, #tpu.memory_space<hbm>>) dst(%dma_wait3A_171 : memref<64x16xf32, #tpu.memory_space<vmem>>)
      %dma_wait3A_178 = arith.constant 1 : i32
      %dma_wait3A_179 = arith.constant 1 : i32
      %dma_wait3A_180 = arith.constant 0 : i32
      %dma_wait3A_181 = arith.constant 0 : i32
      %dma_wait3A_182 = tpu.memref_slice %arg16[%dma_wait3A_179, %dma_wait3A_180, %dma_wait3A_181] : memref<2x64x16xf32, #tpu.memory_space<vmem>> -> memref<1x64x16xf32, #tpu.memory_space<vmem>>
      %dma_wait3A_183 = tpu.memref_squeeze %dma_wait3A_182 : memref<1x64x16xf32, #tpu.memory_space<vmem>> -> memref<64x16xf32, #tpu.memory_space<vmem>>
      %dma_wait3A_184 = arith.constant 0 : i32
      %dma_wait3A_185 = tpu.memref_slice %arg14[%dma_wait3A_178, %dma_wait3A_184] : memref<2x64xi32, #tpu.memory_space<vmem>> -> memref<1x64xi32, #tpu.memory_space<vmem>>
      %dma_wait3A_186 = tpu.memref_squeeze %dma_wait3A_185 : memref<1x64xi32, #tpu.memory_space<vmem>> -> memref<64xi32, #tpu.memory_space<vmem>>
      %dma_wait3A_187 = arith.constant 0 : i32
      %dma_wait3A_188 = arith.constant 0 : i32
      %dma_wait3A_189 = tpu.memref_slice %arg5[%dma_wait3A_187, %dma_wait3A_188] : memref<10000x16xf32, #tpu.memory_space<hbm>> -> memref<10000x16xf32, #tpu.memory_space<hbm>>
      tpu.wait_indirect_dma semaphore(%arg23 : memref<!tpu.dma_semaphore, #tpu.memory_space<semaphore_mem>>) src(%dma_wait3A_189 : memref<10000x16xf32, #tpu.memory_space<hbm>>) dst(%dma_wait3A_183 : memref<64x16xf32, #tpu.memory_space<vmem>>)
      %dma_wait3A_190 = arith.constant 1 : i32
      %dma_wait3A_191 = arith.constant 1 : i32
      %dma_wait3A_192 = arith.constant 0 : i32
      %dma_wait3A_193 = arith.constant 0 : i32
      %dma_wait3A_194 = tpu.memref_slice %arg17[%dma_wait3A_191, %dma_wait3A_192, %dma_wait3A_193] : memref<2x64x128xf32, #tpu.memory_space<vmem>> -> memref<1x64x128xf32, #tpu.memory_space<vmem>>
      %dma_wait3A_195 = tpu.memref_squeeze %dma_wait3A_194 : memref<1x64x128xf32, #tpu.memory_space<vmem>> -> memref<64x128xf32, #tpu.memory_space<vmem>>
      %dma_wait3A_196 = arith.constant 0 : i32
      %dma_wait3A_197 = tpu.memref_slice %arg13[%dma_wait3A_190, %dma_wait3A_196] : memref<2x64xi32, #tpu.memory_space<vmem>> -> memref<1x64xi32, #tpu.memory_space<vmem>>
      %dma_wait3A_198 = tpu.memref_squeeze %dma_wait3A_197 : memref<1x64xi32, #tpu.memory_space<vmem>> -> memref<64xi32, #tpu.memory_space<vmem>>
      %dma_wait3A_199 = arith.constant 0 : i32
      %dma_wait3A_200 = arith.constant 0 : i32
      %dma_wait3A_201 = tpu.memref_slice %arg6[%dma_wait3A_199, %dma_wait3A_200] : memref<10000x128xf32, #tpu.memory_space<hbm>> -> memref<10000x128xf32, #tpu.memory_space<hbm>>
      tpu.wait_indirect_dma semaphore(%arg24 : memref<!tpu.dma_semaphore, #tpu.memory_space<semaphore_mem>>) src(%dma_wait3A_201 : memref<10000x128xf32, #tpu.memory_space<hbm>>) dst(%dma_wait3A_195 : memref<64x128xf32, #tpu.memory_space<vmem>>)
      %scan3A_202 = arith.constant 0 : i32
      %scan3A_203 = arith.constant 0 : i32
      %scan3A_204 = arith.constant 64 : i32
      %scan3A_205 = arith.addi %scan3A_203, %scan3A_204 : i32
      %scan3A_206 = arith.constant 1 : i32
      scf.for %scan3A_212 = %scan3A_203 to %scan3A_205 step %scan3A_206  : i32 {
        %get3A_213 = arith.constant 1 : i32
        %get3A_214 = arith.index_cast %get3A_213 : i32 to index
        %get3A_215 = arith.index_cast %scan3A_212 : i32 to index
        %get3A_216 = arith.constant 0 : index
        %get3A_217 = tpu.vector_load %arg15[%get3A_214, %get3A_215, %get3A_216] {strides = array<i32>} : memref<2x64x16xf32, #tpu.memory_space<vmem>>, vector<1x1x16xf32>,
        %get3A_218 = vector.shape_cast %get3A_217 : vector<1x1x16xf32> to vector<16xf32>
        %get3A_219 = arith.constant 1 : i32
        %get3A_220 = arith.index_cast %get3A_219 : i32 to index
        %get3A_221 = arith.index_cast %scan3A_212 : i32 to index
        %get3A_222 = arith.constant 0 : index
        %get3A_223 = tpu.vector_load %arg16[%get3A_220, %get3A_221, %get3A_222] {strides = array<i32>} : memref<2x64x16xf32, #tpu.memory_space<vmem>>, vector<1x1x16xf32>,
        %get3A_224 = vector.shape_cast %get3A_223 : vector<1x1x16xf32> to vector<16xf32>
        %add3A_225 = arith.addf %get3A_218, %get3A_224 : vector<16xf32>
        %gt3A_226 = arith.constant 0.000000e+00 : f32
        %gt3A_227 = vector.broadcast %gt3A_226 : f32 to vector<16xf32>
        %gt3A_228 = arith.cmpf ogt, %add3A_225, %gt3A_227 : vector<16xf32>
        %mul3A_229 = arith.constant 2.000000e-01 : f32
        %mul3A_230 = vector.broadcast %mul3A_229 : f32 to vector<16xf32>
        %mul3A_231 = arith.mulf %mul3A_230, %add3A_225 : vector<16xf32>
        %select_n3A_232 = arith.select %gt3A_228, %add3A_225, %mul3A_231 : vector<16xi1>, vector<16xf32>
        %sub3A = arith.subf %select_n3A_232, %select_n3A : vector<16xf32>
        %exp3A = math.exp %sub3A : vector<16xf32>
        %swap3A = arith.constant 1 : i32
        %swap3A_233 = arith.index_cast %swap3A : i32 to index
        %swap3A_234 = arith.index_cast %scan3A_212 : i32 to index
        %swap3A_235 = arith.constant 0 : index
        %swap3A_236 = tpu.vector_load %arg18[%swap3A_233, %swap3A_234, %swap3A_235] {strides = array<i32>} : memref<2x64x16xf32, #tpu.memory_space<vmem>>, vector<1x1x16xf32>,
        %swap3A_237 = vector.shape_cast %swap3A_236 : vector<1x1x16xf32> to vector<16xf32>
        %swap3A_238 = vector.shape_cast %exp3A : vector<16xf32> to vector<1x1x16xf32>
        tpu.vector_store %arg18[%swap3A_233, %swap3A_234, %swap3A_235], %swap3A_238 {strides = array<i32>} : memref<2x64x16xf32, #tpu.memory_space<vmem>>, vector<1x1x16xf32>,
        %slice3A = vector.extract_strided_slice %exp3A {offsets = [0], sizes = [1], strides = [1]} : vector<16xf32> to vector<1xf32>
        %squeeze3A = vector.extract %slice3A[0] : f32 from vector<1xf32>
        %get3A_239 = arith.constant 1 : i32
        %get3A_240 = arith.index_cast %get3A_239 : i32 to index
        %get3A_241 = arith.index_cast %scan3A_212 : i32 to index
        %get3A_242 = arith.constant 0 : index
        %get3A_243 = tpu.vector_load %arg17[%get3A_240, %get3A_241, %get3A_242] {strides = array<i32>} : memref<2x64x128xf32, #tpu.memory_space<vmem>>, vector<1x1x16xf32>,
        %get3A_244 = vector.shape_cast %get3A_243 : vector<1x1x16xf32> to vector<16xf32>
        %mul3A_245 = vector.broadcast %squeeze3A : f32 to vector<16xf32>
        %mul3A_246 = arith.mulf %get3A_244, %mul3A_245 : vector<16xf32>
        %swap3A_247 = arith.constant 1 : i32
        %swap3A_248 = arith.index_cast %swap3A_247 : i32 to index
        %swap3A_249 = arith.index_cast %scan3A_212 : i32 to index
        %swap3A_250 = arith.constant 0 : index
        %swap3A_251 = tpu.vector_load %arg17[%swap3A_248, %swap3A_249, %swap3A_250] {strides = array<i32>} : memref<2x64x128xf32, #tpu.memory_space<vmem>>, vector<1x1x16xf32>,
        %swap3A_252 = vector.shape_cast %swap3A_251 : vector<1x1x16xf32> to vector<16xf32>
        %swap3A_253 = vector.shape_cast %mul3A_246 : vector<16xf32> to vector<1x1x16xf32>
        tpu.vector_store %arg17[%swap3A_248, %swap3A_249, %swap3A_250], %swap3A_253 {strides = array<i32>} : memref<2x64x128xf32, #tpu.memory_space<vmem>>, vector<1x1x16xf32>,
        %slice3A_254 = vector.extract_strided_slice %exp3A {offsets = [1], sizes = [1], strides = [1]} : vector<16xf32> to vector<1xf32>
        %squeeze3A_255 = vector.extract %slice3A_254[0] : f32 from vector<1xf32>
        %get3A_256 = arith.constant 1 : i32
        %get3A_257 = arith.index_cast %get3A_256 : i32 to index
        %get3A_258 = arith.index_cast %scan3A_212 : i32 to index
        %get3A_259 = arith.constant 16 : index
        %get3A_260 = tpu.vector_load %arg17[%get3A_257, %get3A_258, %get3A_259] {strides = array<i32>} : memref<2x64x128xf32, #tpu.memory_space<vmem>>, vector<1x1x16xf32>,
        %get3A_261 = vector.shape_cast %get3A_260 : vector<1x1x16xf32> to vector<16xf32>
        %mul3A_262 = vector.broadcast %squeeze3A_255 : f32 to vector<16xf32>
        %mul3A_263 = arith.mulf %get3A_261, %mul3A_262 : vector<16xf32>
        %swap3A_264 = arith.constant 1 : i32
        %swap3A_265 = arith.index_cast %swap3A_264 : i32 to index
        %swap3A_266 = arith.index_cast %scan3A_212 : i32 to index
        %swap3A_267 = arith.constant 16 : index
        %swap3A_268 = tpu.vector_load %arg17[%swap3A_265, %swap3A_266, %swap3A_267] {strides = array<i32>} : memref<2x64x128xf32, #tpu.memory_space<vmem>>, vector<1x1x16xf32>,
        %swap3A_269 = vector.shape_cast %swap3A_268 : vector<1x1x16xf32> to vector<16xf32>
        %swap3A_270 = vector.shape_cast %mul3A_263 : vector<16xf32> to vector<1x1x16xf32>
        tpu.vector_store %arg17[%swap3A_265, %swap3A_266, %swap3A_267], %swap3A_270 {strides = array<i32>} : memref<2x64x128xf32, #tpu.memory_space<vmem>>, vector<1x1x16xf32>,
        %slice3A_271 = vector.extract_strided_slice %exp3A {offsets = [2], sizes = [1], strides = [1]} : vector<16xf32> to vector<1xf32>
        %squeeze3A_272 = vector.extract %slice3A_271[0] : f32 from vector<1xf32>
        %get3A_273 = arith.constant 1 : i32
        %get3A_274 = arith.index_cast %get3A_273 : i32 to index
        %get3A_275 = arith.index_cast %scan3A_212 : i32 to index
        %get3A_276 = arith.constant 32 : index
        %get3A_277 = tpu.vector_load %arg17[%get3A_274, %get3A_275, %get3A_276] {strides = array<i32>} : memref<2x64x128xf32, #tpu.memory_space<vmem>>, vector<1x1x16xf32>,
        %get3A_278 = vector.shape_cast %get3A_277 : vector<1x1x16xf32> to vector<16xf32>
        %mul3A_279 = vector.broadcast %squeeze3A_272 : f32 to vector<16xf32>
        %mul3A_280 = arith.mulf %get3A_278, %mul3A_279 : vector<16xf32>
        %swap3A_281 = arith.constant 1 : i32
        %swap3A_282 = arith.index_cast %swap3A_281 : i32 to index
        %swap3A_283 = arith.index_cast %scan3A_212 : i32 to index
        %swap3A_284 = arith.constant 32 : index
        %swap3A_285 = tpu.vector_load %arg17[%swap3A_282, %swap3A_283, %swap3A_284] {strides = array<i32>} : memref<2x64x128xf32, #tpu.memory_space<vmem>>, vector<1x1x16xf32>,
        %swap3A_286 = vector.shape_cast %swap3A_285 : vector<1x1x16xf32> to vector<16xf32>
        %swap3A_287 = vector.shape_cast %mul3A_280 : vector<16xf32> to vector<1x1x16xf32>
        tpu.vector_store %arg17[%swap3A_282, %swap3A_283, %swap3A_284], %swap3A_287 {strides = array<i32>} : memref<2x64x128xf32, #tpu.memory_space<vmem>>, vector<1x1x16xf32>,
        %slice3A_288 = vector.extract_strided_slice %exp3A {offsets = [3], sizes = [1], strides = [1]} : vector<16xf32> to vector<1xf32>
        %squeeze3A_289 = vector.extract %slice3A_288[0] : f32 from vector<1xf32>
        %get3A_290 = arith.constant 1 : i32
        %get3A_291 = arith.index_cast %get3A_290 : i32 to index
        %get3A_292 = arith.index_cast %scan3A_212 : i32 to index
        %get3A_293 = arith.constant 48 : index
        %get3A_294 = tpu.vector_load %arg17[%get3A_291, %get3A_292, %get3A_293] {strides = array<i32>} : memref<2x64x128xf32, #tpu.memory_space<vmem>>, vector<1x1x16xf32>,
        %get3A_295 = vector.shape_cast %get3A_294 : vector<1x1x16xf32> to vector<16xf32>
        %mul3A_296 = vector.broadcast %squeeze3A_289 : f32 to vector<16xf32>
        %mul3A_297 = arith.mulf %get3A_295, %mul3A_296 : vector<16xf32>
        %swap3A_298 = arith.constant 1 : i32
        %swap3A_299 = arith.index_cast %swap3A_298 : i32 to index
        %swap3A_300 = arith.index_cast %scan3A_212 : i32 to index
        %swap3A_301 = arith.constant 48 : index
        %swap3A_302 = tpu.vector_load %arg17[%swap3A_299, %swap3A_300, %swap3A_301] {strides = array<i32>} : memref<2x64x128xf32, #tpu.memory_space<vmem>>, vector<1x1x16xf32>,
        %swap3A_303 = vector.shape_cast %swap3A_302 : vector<1x1x16xf32> to vector<16xf32>
        %swap3A_304 = vector.shape_cast %mul3A_297 : vector<16xf32> to vector<1x1x16xf32>
        tpu.vector_store %arg17[%swap3A_299, %swap3A_300, %swap3A_301], %swap3A_304 {strides = array<i32>} : memref<2x64x128xf32, #tpu.memory_space<vmem>>, vector<1x1x16xf32>,
        %slice3A_305 = vector.extract_strided_slice %exp3A {offsets = [4], sizes = [1], strides = [1]} : vector<16xf32> to vector<1xf32>
        %squeeze3A_306 = vector.extract %slice3A_305[0] : f32 from vector<1xf32>
        %get3A_307 = arith.constant 1 : i32
        %get3A_308 = arith.index_cast %get3A_307 : i32 to index
        %get3A_309 = arith.index_cast %scan3A_212 : i32 to index
        %get3A_310 = arith.constant 64 : index
        %get3A_311 = tpu.vector_load %arg17[%get3A_308, %get3A_309, %get3A_310] {strides = array<i32>} : memref<2x64x128xf32, #tpu.memory_space<vmem>>, vector<1x1x16xf32>,
        %get3A_312 = vector.shape_cast %get3A_311 : vector<1x1x16xf32> to vector<16xf32>
        %mul3A_313 = vector.broadcast %squeeze3A_306 : f32 to vector<16xf32>
        %mul3A_314 = arith.mulf %get3A_312, %mul3A_313 : vector<16xf32>
        %swap3A_315 = arith.constant 1 : i32
        %swap3A_316 = arith.index_cast %swap3A_315 : i32 to index
        %swap3A_317 = arith.index_cast %scan3A_212 : i32 to index
        %swap3A_318 = arith.constant 64 : index
        %swap3A_319 = tpu.vector_load %arg17[%swap3A_316, %swap3A_317, %swap3A_318] {strides = array<i32>} : memref<2x64x128xf32, #tpu.memory_space<vmem>>, vector<1x1x16xf32>,
        %swap3A_320 = vector.shape_cast %swap3A_319 : vector<1x1x16xf32> to vector<16xf32>
        %swap3A_321 = vector.shape_cast %mul3A_314 : vector<16xf32> to vector<1x1x16xf32>
        tpu.vector_store %arg17[%swap3A_316, %swap3A_317, %swap3A_318], %swap3A_321 {strides = array<i32>} : memref<2x64x128xf32, #tpu.memory_space<vmem>>, vector<1x1x16xf32>,
        %slice3A_322 = vector.extract_strided_slice %exp3A {offsets = [5], sizes = [1], strides = [1]} : vector<16xf32> to vector<1xf32>
        %squeeze3A_323 = vector.extract %slice3A_322[0] : f32 from vector<1xf32>
        %get3A_324 = arith.constant 1 : i32
        %get3A_325 = arith.index_cast %get3A_324 : i32 to index
        %get3A_326 = arith.index_cast %scan3A_212 : i32 to index
        %get3A_327 = arith.constant 80 : index
        %get3A_328 = tpu.vector_load %arg17[%get3A_325, %get3A_326, %get3A_327] {strides = array<i32>} : memref<2x64x128xf32, #tpu.memory_space<vmem>>, vector<1x1x16xf32>,
        %get3A_329 = vector.shape_cast %get3A_328 : vector<1x1x16xf32> to vector<16xf32>
        %mul3A_330 = vector.broadcast %squeeze3A_323 : f32 to vector<16xf32>
        %mul3A_331 = arith.mulf %get3A_329, %mul3A_330 : vector<16xf32>
        %swap3A_332 = arith.constant 1 : i32
        %swap3A_333 = arith.index_cast %swap3A_332 : i32 to index
        %swap3A_334 = arith.index_cast %scan3A_212 : i32 to index
        %swap3A_335 = arith.constant 80 : index
        %swap3A_336 = tpu.vector_load %arg17[%swap3A_333, %swap3A_334, %swap3A_335] {strides = array<i32>} : memref<2x64x128xf32, #tpu.memory_space<vmem>>, vector<1x1x16xf32>,
        %swap3A_337 = vector.shape_cast %swap3A_336 : vector<1x1x16xf32> to vector<16xf32>
        %swap3A_338 = vector.shape_cast %mul3A_331 : vector<16xf32> to vector<1x1x16xf32>
        tpu.vector_store %arg17[%swap3A_333, %swap3A_334, %swap3A_335], %swap3A_338 {strides = array<i32>} : memref<2x64x128xf32, #tpu.memory_space<vmem>>, vector<1x1x16xf32>,
        %slice3A_339 = vector.extract_strided_slice %exp3A {offsets = [6], sizes = [1], strides = [1]} : vector<16xf32> to vector<1xf32>
        %squeeze3A_340 = vector.extract %slice3A_339[0] : f32 from vector<1xf32>
        %get3A_341 = arith.constant 1 : i32
        %get3A_342 = arith.index_cast %get3A_341 : i32 to index
        %get3A_343 = arith.index_cast %scan3A_212 : i32 to index
        %get3A_344 = arith.constant 96 : index
        %get3A_345 = tpu.vector_load %arg17[%get3A_342, %get3A_343, %get3A_344] {strides = array<i32>} : memref<2x64x128xf32, #tpu.memory_space<vmem>>, vector<1x1x16xf32>,
        %get3A_346 = vector.shape_cast %get3A_345 : vector<1x1x16xf32> to vector<16xf32>
        %mul3A_347 = vector.broadcast %squeeze3A_340 : f32 to vector<16xf32>
        %mul3A_348 = arith.mulf %get3A_346, %mul3A_347 : vector<16xf32>
        %swap3A_349 = arith.constant 1 : i32
        %swap3A_350 = arith.index_cast %swap3A_349 : i32 to index
        %swap3A_351 = arith.index_cast %scan3A_212 : i32 to index
        %swap3A_352 = arith.constant 96 : index
        %swap3A_353 = tpu.vector_load %arg17[%swap3A_350, %swap3A_351, %swap3A_352] {strides = array<i32>} : memref<2x64x128xf32, #tpu.memory_space<vmem>>, vector<1x1x16xf32>,
        %swap3A_354 = vector.shape_cast %swap3A_353 : vector<1x1x16xf32> to vector<16xf32>
        %swap3A_355 = vector.shape_cast %mul3A_348 : vector<16xf32> to vector<1x1x16xf32>
        tpu.vector_store %arg17[%swap3A_350, %swap3A_351, %swap3A_352], %swap3A_355 {strides = array<i32>} : memref<2x64x128xf32, #tpu.memory_space<vmem>>, vector<1x1x16xf32>,
        %slice3A_356 = vector.extract_strided_slice %exp3A {offsets = [7], sizes = [1], strides = [1]} : vector<16xf32> to vector<1xf32>
        %squeeze3A_357 = vector.extract %slice3A_356[0] : f32 from vector<1xf32>
        %get3A_358 = arith.constant 1 : i32
        %get3A_359 = arith.index_cast %get3A_358 : i32 to index
        %get3A_360 = arith.index_cast %scan3A_212 : i32 to index
        %get3A_361 = arith.constant 112 : index
        %get3A_362 = tpu.vector_load %arg17[%get3A_359, %get3A_360, %get3A_361] {strides = array<i32>} : memref<2x64x128xf32, #tpu.memory_space<vmem>>, vector<1x1x16xf32>,
        %get3A_363 = vector.shape_cast %get3A_362 : vector<1x1x16xf32> to vector<16xf32>
        %mul3A_364 = vector.broadcast %squeeze3A_357 : f32 to vector<16xf32>
        %mul3A_365 = arith.mulf %get3A_363, %mul3A_364 : vector<16xf32>
        %swap3A_366 = arith.constant 1 : i32
        %swap3A_367 = arith.index_cast %swap3A_366 : i32 to index
        %swap3A_368 = arith.index_cast %scan3A_212 : i32 to index
        %swap3A_369 = arith.constant 112 : index
        %swap3A_370 = tpu.vector_load %arg17[%swap3A_367, %swap3A_368, %swap3A_369] {strides = array<i32>} : memref<2x64x128xf32, #tpu.memory_space<vmem>>, vector<1x1x16xf32>,
        %swap3A_371 = vector.shape_cast %swap3A_370 : vector<1x1x16xf32> to vector<16xf32>
        %swap3A_372 = vector.shape_cast %mul3A_365 : vector<16xf32> to vector<1x1x16xf32>
        tpu.vector_store %arg17[%swap3A_367, %swap3A_368, %swap3A_369], %swap3A_372 {strides = array<i32>} : memref<2x64x128xf32, #tpu.memory_space<vmem>>, vector<1x1x16xf32>,
      }
      %scan3A_207 = arith.constant 64 : i32
      %run_scoped3A_208 = arith.constant 1 : i32
      %run_scoped3A_209 = arith.constant 1 : i32
      "tpu.region"() ({
        %run_scoped3A_212 = tpu.sem_alloc : memref<!tpu.dma_semaphore, #tpu.memory_space<semaphore_mem>>
        %dma_start3A_213 = arith.constant 0 : i32
        %dma_start3A_214 = arith.constant 0 : i32
        %dma_start3A_215 = tpu.memref_slice %arg18[%run_scoped3A_208, %dma_start3A_213, %dma_start3A_214] : memref<2x64x16xf32, #tpu.memory_space<vmem>> -> memref<1x64x16xf32, #tpu.memory_space<vmem>>
        %dma_start3A_216 = tpu.memref_squeeze %dma_start3A_215 : memref<1x64x16xf32, #tpu.memory_space<vmem>> -> memref<64x16xf32, #tpu.memory_space<vmem>>
        %dma_start3A_217 = arith.constant 0 : i32
        %dma_start3A_218 = tpu.memref_slice %arg14[%run_scoped3A_209, %dma_start3A_217] : memref<2x64xi32, #tpu.memory_space<vmem>> -> memref<1x64xi32, #tpu.memory_space<vmem>>
        %dma_start3A_219 = tpu.memref_squeeze %dma_start3A_218 : memref<1x64xi32, #tpu.memory_space<vmem>> -> memref<64xi32, #tpu.memory_space<vmem>>
        %dma_start3A_220 = arith.constant 0 : i32
        %dma_start3A_221 = arith.constant 0 : i32
        %dma_start3A_222 = tpu.memref_slice %arg20[%dma_start3A_220, %dma_start3A_221] : memref<10112x16xf32, #tpu.memory_space<vmem_shared>> -> memref<10112x16xf32, #tpu.memory_space<vmem_shared>>
        tpu.enqueue_indirect_dma source(%dma_start3A_216 : memref<64x16xf32, #tpu.memory_space<vmem>>) target(%dma_start3A_222 : memref<10112x16xf32, #tpu.memory_space<vmem_shared>>) offsets(%dma_start3A_219 : memref<64xi32, #tpu.memory_space<vmem>>) semaphore(%run_scoped3A_212 : memref<!tpu.dma_semaphore, #tpu.memory_space<semaphore_mem>>) {add = true}
        %dma_wait3A_223 = arith.constant 0 : i32
        %dma_wait3A_224 = arith.constant 0 : i32
        %dma_wait3A_225 = tpu.memref_slice %arg18[%run_scoped3A_208, %dma_wait3A_223, %dma_wait3A_224] : memref<2x64x16xf32, #tpu.memory_space<vmem>> -> memref<1x64x16xf32, #tpu.memory_space<vmem>>
        %dma_wait3A_226 = tpu.memref_squeeze %dma_wait3A_225 : memref<1x64x16xf32, #tpu.memory_space<vmem>> -> memref<64x16xf32, #tpu.memory_space<vmem>>
        %dma_wait3A_227 = arith.constant 0 : i32
        %dma_wait3A_228 = tpu.memref_slice %arg14[%run_scoped3A_209, %dma_wait3A_227] : memref<2x64xi32, #tpu.memory_space<vmem>> -> memref<1x64xi32, #tpu.memory_space<vmem>>
        %dma_wait3A_229 = tpu.memref_squeeze %dma_wait3A_228 : memref<1x64xi32, #tpu.memory_space<vmem>> -> memref<64xi32, #tpu.memory_space<vmem>>
        %dma_wait3A_230 = arith.constant 0 : i32
        %dma_wait3A_231 = arith.constant 0 : i32
        %dma_wait3A_232 = tpu.memref_slice %arg20[%dma_wait3A_230, %dma_wait3A_231] : memref<10112x16xf32, #tpu.memory_space<vmem_shared>> -> memref<10112x16xf32, #tpu.memory_space<vmem_shared>>
        tpu.wait_indirect_dma semaphore(%run_scoped3A_212 : memref<!tpu.dma_semaphore, #tpu.memory_space<semaphore_mem>>) src(%dma_wait3A_226 : memref<64x16xf32, #tpu.memory_space<vmem>>) dst(%dma_wait3A_232 : memref<10112x16xf32, #tpu.memory_space<vmem_shared>>)
        tpu.yield
      }) : () -> ()
      %run_scoped3A_210 = arith.constant 1 : i32
      %run_scoped3A_211 = arith.constant 1 : i32
      "tpu.region"() ({
        %run_scoped3A_212 = tpu.sem_alloc : memref<!tpu.dma_semaphore, #tpu.memory_space<semaphore_mem>>
        %dma_start3A_213 = arith.constant 0 : i32
        %dma_start3A_214 = arith.constant 0 : i32
        %dma_start3A_215 = tpu.memref_slice %arg17[%run_scoped3A_210, %dma_start3A_213, %dma_start3A_214] : memref<2x64x128xf32, #tpu.memory_space<vmem>> -> memref<1x64x128xf32, #tpu.memory_space<vmem>>
        %dma_start3A_216 = tpu.memref_squeeze %dma_start3A_215 : memref<1x64x128xf32, #tpu.memory_space<vmem>> -> memref<64x128xf32, #tpu.memory_space<vmem>>
        %dma_start3A_217 = arith.constant 0 : i32
        %dma_start3A_218 = tpu.memref_slice %arg14[%run_scoped3A_211, %dma_start3A_217] : memref<2x64xi32, #tpu.memory_space<vmem>> -> memref<1x64xi32, #tpu.memory_space<vmem>>
        %dma_start3A_219 = tpu.memref_squeeze %dma_start3A_218 : memref<1x64xi32, #tpu.memory_space<vmem>> -> memref<64xi32, #tpu.memory_space<vmem>>
        %dma_start3A_220 = arith.constant 0 : i32
        %dma_start3A_221 = arith.constant 0 : i32
        %dma_start3A_222 = tpu.memref_slice %arg21[%dma_start3A_220, %dma_start3A_221] : memref<10112x128xf32, #tpu.memory_space<vmem_shared>> -> memref<10112x128xf32, #tpu.memory_space<vmem_shared>>
        tpu.enqueue_indirect_dma source(%dma_start3A_216 : memref<64x128xf32, #tpu.memory_space<vmem>>) target(%dma_start3A_222 : memref<10112x128xf32, #tpu.memory_space<vmem_shared>>) offsets(%dma_start3A_219 : memref<64xi32, #tpu.memory_space<vmem>>) semaphore(%run_scoped3A_212 : memref<!tpu.dma_semaphore, #tpu.memory_space<semaphore_mem>>) {add = true}
        %dma_wait3A_223 = arith.constant 0 : i32
        %dma_wait3A_224 = arith.constant 0 : i32
        %dma_wait3A_225 = tpu.memref_slice %arg17[%run_scoped3A_210, %dma_wait3A_223, %dma_wait3A_224] : memref<2x64x128xf32, #tpu.memory_space<vmem>> -> memref<1x64x128xf32, #tpu.memory_space<vmem>>
        %dma_wait3A_226 = tpu.memref_squeeze %dma_wait3A_225 : memref<1x64x128xf32, #tpu.memory_space<vmem>> -> memref<64x128xf32, #tpu.memory_space<vmem>>
        %dma_wait3A_227 = arith.constant 0 : i32
        %dma_wait3A_228 = tpu.memref_slice %arg14[%run_scoped3A_211, %dma_wait3A_227] : memref<2x64xi32, #tpu.memory_space<vmem>> -> memref<1x64xi32, #tpu.memory_space<vmem>>
        %dma_wait3A_229 = tpu.memref_squeeze %dma_wait3A_228 : memref<1x64xi32, #tpu.memory_space<vmem>> -> memref<64xi32, #tpu.memory_space<vmem>>
        %dma_wait3A_230 = arith.constant 0 : i32
        %dma_wait3A_231 = arith.constant 0 : i32
        %dma_wait3A_232 = tpu.memref_slice %arg21[%dma_wait3A_230, %dma_wait3A_231] : memref<10112x128xf32, #tpu.memory_space<vmem_shared>> -> memref<10112x128xf32, #tpu.memory_space<vmem_shared>>
        tpu.wait_indirect_dma semaphore(%run_scoped3A_212 : memref<!tpu.dma_semaphore, #tpu.memory_space<semaphore_mem>>) src(%dma_wait3A_226 : memref<64x128xf32, #tpu.memory_space<vmem>>) dst(%dma_wait3A_232 : memref<10112x128xf32, #tpu.memory_space<vmem_shared>>)
        tpu.yield
      }) : () -> ()
    }
    %scan3A_24 = arith.constant 78 : i32
    %lt3A = arith.constant 8 : i32
    %lt3A_25 = arith.cmpi slt, %add3A, %lt3A : i32
    %convert_element_type3A = arith.extui %lt3A_25 : i1 to i32
    %cond3A = arith.constant 0 : i32
    %cond3A_26 = arith.cmpi ne, %convert_element_type3A, %cond3A : i32
    scf.if %cond3A_26 {
      %add3A_28 = arith.constant 4992 : i32
      %add3A_29 = arith.addi %add3A, %add3A_28 : i32
      %mul3A_30 = arith.constant 64 : i32
      %mul3A_31 = arith.muli %add3A_29, %mul3A_30 : i32
      %run_scoped3A = arith.constant 0 : i32
      "tpu.region"() ({
        %run_scoped3A_115 = tpu.sem_alloc : memref<!tpu.dma_semaphore, #tpu.memory_space<semaphore_mem>>
        %dma_start3A_116 = arith.constant 0 : i32
        %dma_start3A_117 = tpu.memref_slice %arg13[%run_scoped3A, %dma_start3A_116] : memref<2x64xi32, #tpu.memory_space<vmem>> -> memref<1x64xi32, #tpu.memory_space<vmem>>
        %dma_start3A_118 = tpu.memref_squeeze %dma_start3A_117 : memref<1x64xi32, #tpu.memory_space<vmem>> -> memref<64xi32, #tpu.memory_space<vmem>>
        %dma_start3A_119 = tpu.memref_slice %arg2[%mul3A_31] : memref<320000xi32, #tpu.memory_space<hbm>> -> memref<64xi32, #tpu.memory_space<hbm>>
        %dma_start3A_120 = arith.constant 0 : i32
        %dma_start3A_121 = tpu.memref_slice %arg13[%run_scoped3A, %dma_start3A_120] : memref<2x64xi32, #tpu.memory_space<vmem>> -> memref<1x64xi32, #tpu.memory_space<vmem>>
        %dma_start3A_122 = tpu.memref_squeeze %dma_start3A_121 : memref<1x64xi32, #tpu.memory_space<vmem>> -> memref<64xi32, #tpu.memory_space<vmem>>
        %dma_start3A_123 = tpu.memref_slice %arg2[%mul3A_31] : memref<320000xi32, #tpu.memory_space<hbm>> -> memref<64xi32, #tpu.memory_space<hbm>>
        tpu.enqueue_dma source(%dma_start3A_123 : memref<64xi32, #tpu.memory_space<hbm>>) target(%dma_start3A_122 : memref<64xi32, #tpu.memory_space<vmem>>) target_semaphore(%run_scoped3A_115 : memref<!tpu.dma_semaphore, #tpu.memory_space<semaphore_mem>>)
        %dma_wait3A_124 = arith.constant 0 : i32
        %dma_wait3A_125 = tpu.memref_slice %arg13[%run_scoped3A, %dma_wait3A_124] : memref<2x64xi32, #tpu.memory_space<vmem>> -> memref<1x64xi32, #tpu.memory_space<vmem>>
        %dma_wait3A_126 = tpu.memref_squeeze %dma_wait3A_125 : memref<1x64xi32, #tpu.memory_space<vmem>> -> memref<64xi32, #tpu.memory_space<vmem>>
        %dma_wait3A_127 = tpu.memref_slice %arg2[%mul3A_31] : memref<320000xi32, #tpu.memory_space<hbm>> -> memref<64xi32, #tpu.memory_space<hbm>>
        %dma_wait3A_128 = arith.constant 0 : i32
        %dma_wait3A_129 = tpu.memref_slice %arg13[%run_scoped3A, %dma_wait3A_128] : memref<2x64xi32, #tpu.memory_space<vmem>> -> memref<1x64xi32, #tpu.memory_space<vmem>>
        %dma_wait3A_130 = tpu.memref_squeeze %dma_wait3A_129 : memref<1x64xi32, #tpu.memory_space<vmem>> -> memref<64xi32, #tpu.memory_space<vmem>>
        %dma_wait3A_131 = tpu.memref_slice %arg2[%mul3A_31] : memref<320000xi32, #tpu.memory_space<hbm>> -> memref<64xi32, #tpu.memory_space<hbm>>
        tpu.wait_dma2 semaphore(%run_scoped3A_115 : memref<!tpu.dma_semaphore, #tpu.memory_space<semaphore_mem>>) src(%dma_wait3A_131 : memref<64xi32, #tpu.memory_space<hbm>>) dst(%dma_wait3A_130 : memref<64xi32, #tpu.memory_space<vmem>>)
        tpu.yield
      }) : () -> ()
      %run_scoped3A_32 = arith.constant 0 : i32
      "tpu.region"() ({
        %run_scoped3A_115 = tpu.sem_alloc : memref<!tpu.dma_semaphore, #tpu.memory_space<semaphore_mem>>
        %dma_start3A_116 = arith.constant 0 : i32
        %dma_start3A_117 = tpu.memref_slice %arg14[%run_scoped3A_32, %dma_start3A_116] : memref<2x64xi32, #tpu.memory_space<vmem>> -> memref<1x64xi32, #tpu.memory_space<vmem>>
        %dma_start3A_118 = tpu.memref_squeeze %dma_start3A_117 : memref<1x64xi32, #tpu.memory_space<vmem>> -> memref<64xi32, #tpu.memory_space<vmem>>
        %dma_start3A_119 = tpu.memref_slice %arg3[%mul3A_31] : memref<320000xi32, #tpu.memory_space<hbm>> -> memref<64xi32, #tpu.memory_space<hbm>>
        %dma_start3A_120 = arith.constant 0 : i32
        %dma_start3A_121 = tpu.memref_slice %arg14[%run_scoped3A_32, %dma_start3A_120] : memref<2x64xi32, #tpu.memory_space<vmem>> -> memref<1x64xi32, #tpu.memory_space<vmem>>
        %dma_start3A_122 = tpu.memref_squeeze %dma_start3A_121 : memref<1x64xi32, #tpu.memory_space<vmem>> -> memref<64xi32, #tpu.memory_space<vmem>>
        %dma_start3A_123 = tpu.memref_slice %arg3[%mul3A_31] : memref<320000xi32, #tpu.memory_space<hbm>> -> memref<64xi32, #tpu.memory_space<hbm>>
        tpu.enqueue_dma source(%dma_start3A_123 : memref<64xi32, #tpu.memory_space<hbm>>) target(%dma_start3A_122 : memref<64xi32, #tpu.memory_space<vmem>>) target_semaphore(%run_scoped3A_115 : memref<!tpu.dma_semaphore, #tpu.memory_space<semaphore_mem>>)
        %dma_wait3A_124 = arith.constant 0 : i32
        %dma_wait3A_125 = tpu.memref_slice %arg14[%run_scoped3A_32, %dma_wait3A_124] : memref<2x64xi32, #tpu.memory_space<vmem>> -> memref<1x64xi32, #tpu.memory_space<vmem>>
        %dma_wait3A_126 = tpu.memref_squeeze %dma_wait3A_125 : memref<1x64xi32, #tpu.memory_space<vmem>> -> memref<64xi32, #tpu.memory_space<vmem>>
        %dma_wait3A_127 = tpu.memref_slice %arg3[%mul3A_31] : memref<320000xi32, #tpu.memory_space<hbm>> -> memref<64xi32, #tpu.memory_space<hbm>>
        %dma_wait3A_128 = arith.constant 0 : i32
        %dma_wait3A_129 = tpu.memref_slice %arg14[%run_scoped3A_32, %dma_wait3A_128] : memref<2x64xi32, #tpu.memory_space<vmem>> -> memref<1x64xi32, #tpu.memory_space<vmem>>
        %dma_wait3A_130 = tpu.memref_squeeze %dma_wait3A_129 : memref<1x64xi32, #tpu.memory_space<vmem>> -> memref<64xi32, #tpu.memory_space<vmem>>
        %dma_wait3A_131 = tpu.memref_slice %arg3[%mul3A_31] : memref<320000xi32, #tpu.memory_space<hbm>> -> memref<64xi32, #tpu.memory_space<hbm>>
        tpu.wait_dma2 semaphore(%run_scoped3A_115 : memref<!tpu.dma_semaphore, #tpu.memory_space<semaphore_mem>>) src(%dma_wait3A_131 : memref<64xi32, #tpu.memory_space<hbm>>) dst(%dma_wait3A_130 : memref<64xi32, #tpu.memory_space<vmem>>)
        tpu.yield
      }) : () -> ()
      %dma_start3A_33 = arith.constant 0 : i32
      %dma_start3A_34 = arith.constant 0 : i32
      %dma_start3A_35 = arith.constant 0 : i32
      %dma_start3A_36 = arith.constant 0 : i32
      %dma_start3A_37 = tpu.memref_slice %arg15[%dma_start3A_34, %dma_start3A_35, %dma_start3A_36] : memref<2x64x16xf32, #tpu.memory_space<vmem>> -> memref<1x64x16xf32, #tpu.memory_space<vmem>>
      %dma_start3A_38 = tpu.memref_squeeze %dma_start3A_37 : memref<1x64x16xf32, #tpu.memory_space<vmem>> -> memref<64x16xf32, #tpu.memory_space<vmem>>
      %dma_start3A_39 = arith.constant 0 : i32
      %dma_start3A_40 = tpu.memref_slice %arg13[%dma_start3A_33, %dma_start3A_39] : memref<2x64xi32, #tpu.memory_space<vmem>> -> memref<1x64xi32, #tpu.memory_space<vmem>>
      %dma_start3A_41 = tpu.memref_squeeze %dma_start3A_40 : memref<1x64xi32, #tpu.memory_space<vmem>> -> memref<64xi32, #tpu.memory_space<vmem>>
      %dma_start3A_42 = arith.constant 0 : i32
      %dma_start3A_43 = arith.constant 0 : i32
      %dma_start3A_44 = tpu.memref_slice %arg4[%dma_start3A_42, %dma_start3A_43] : memref<10000x16xf32, #tpu.memory_space<hbm>> -> memref<10000x16xf32, #tpu.memory_space<hbm>>
      tpu.enqueue_indirect_dma source(%dma_start3A_44 : memref<10000x16xf32, #tpu.memory_space<hbm>>) target(%dma_start3A_38 : memref<64x16xf32, #tpu.memory_space<vmem>>) offsets(%dma_start3A_41 : memref<64xi32, #tpu.memory_space<vmem>>) semaphore(%arg22 : memref<!tpu.dma_semaphore, #tpu.memory_space<semaphore_mem>>)
      %dma_start3A_45 = arith.constant 0 : i32
      %dma_start3A_46 = arith.constant 0 : i32
      %dma_start3A_47 = arith.constant 0 : i32
      %dma_start3A_48 = arith.constant 0 : i32
      %dma_start3A_49 = tpu.memref_slice %arg16[%dma_start3A_46, %dma_start3A_47, %dma_start3A_48] : memref<2x64x16xf32, #tpu.memory_space<vmem>> -> memref<1x64x16xf32, #tpu.memory_space<vmem>>
      %dma_start3A_50 = tpu.memref_squeeze %dma_start3A_49 : memref<1x64x16xf32, #tpu.memory_space<vmem>> -> memref<64x16xf32, #tpu.memory_space<vmem>>
      %dma_start3A_51 = arith.constant 0 : i32
      %dma_start3A_52 = tpu.memref_slice %arg14[%dma_start3A_45, %dma_start3A_51] : memref<2x64xi32, #tpu.memory_space<vmem>> -> memref<1x64xi32, #tpu.memory_space<vmem>>
      %dma_start3A_53 = tpu.memref_squeeze %dma_start3A_52 : memref<1x64xi32, #tpu.memory_space<vmem>> -> memref<64xi32, #tpu.memory_space<vmem>>
      %dma_start3A_54 = arith.constant 0 : i32
      %dma_start3A_55 = arith.constant 0 : i32
      %dma_start3A_56 = tpu.memref_slice %arg5[%dma_start3A_54, %dma_start3A_55] : memref<10000x16xf32, #tpu.memory_space<hbm>> -> memref<10000x16xf32, #tpu.memory_space<hbm>>
      tpu.enqueue_indirect_dma source(%dma_start3A_56 : memref<10000x16xf32, #tpu.memory_space<hbm>>) target(%dma_start3A_50 : memref<64x16xf32, #tpu.memory_space<vmem>>) offsets(%dma_start3A_53 : memref<64xi32, #tpu.memory_space<vmem>>) semaphore(%arg23 : memref<!tpu.dma_semaphore, #tpu.memory_space<semaphore_mem>>)
      %dma_start3A_57 = arith.constant 0 : i32
      %dma_start3A_58 = arith.constant 0 : i32
      %dma_start3A_59 = arith.constant 0 : i32
      %dma_start3A_60 = arith.constant 0 : i32
      %dma_start3A_61 = tpu.memref_slice %arg17[%dma_start3A_58, %dma_start3A_59, %dma_start3A_60] : memref<2x64x128xf32, #tpu.memory_space<vmem>> -> memref<1x64x128xf32, #tpu.memory_space<vmem>>
      %dma_start3A_62 = tpu.memref_squeeze %dma_start3A_61 : memref<1x64x128xf32, #tpu.memory_space<vmem>> -> memref<64x128xf32, #tpu.memory_space<vmem>>
      %dma_start3A_63 = arith.constant 0 : i32
      %dma_start3A_64 = tpu.memref_slice %arg13[%dma_start3A_57, %dma_start3A_63] : memref<2x64xi32, #tpu.memory_space<vmem>> -> memref<1x64xi32, #tpu.memory_space<vmem>>
      %dma_start3A_65 = tpu.memref_squeeze %dma_start3A_64 : memref<1x64xi32, #tpu.memory_space<vmem>> -> memref<64xi32, #tpu.memory_space<vmem>>
      %dma_start3A_66 = arith.constant 0 : i32
      %dma_start3A_67 = arith.constant 0 : i32
      %dma_start3A_68 = tpu.memref_slice %arg6[%dma_start3A_66, %dma_start3A_67] : memref<10000x128xf32, #tpu.memory_space<hbm>> -> memref<10000x128xf32, #tpu.memory_space<hbm>>
      tpu.enqueue_indirect_dma source(%dma_start3A_68 : memref<10000x128xf32, #tpu.memory_space<hbm>>) target(%dma_start3A_62 : memref<64x128xf32, #tpu.memory_space<vmem>>) offsets(%dma_start3A_65 : memref<64xi32, #tpu.memory_space<vmem>>) semaphore(%arg24 : memref<!tpu.dma_semaphore, #tpu.memory_space<semaphore_mem>>)
      %dma_wait3A_69 = arith.constant 0 : i32
      %dma_wait3A_70 = arith.constant 0 : i32
      %dma_wait3A_71 = arith.constant 0 : i32
      %dma_wait3A_72 = arith.constant 0 : i32
      %dma_wait3A_73 = tpu.memref_slice %arg15[%dma_wait3A_70, %dma_wait3A_71, %dma_wait3A_72] : memref<2x64x16xf32, #tpu.memory_space<vmem>> -> memref<1x64x16xf32, #tpu.memory_space<vmem>>
      %dma_wait3A_74 = tpu.memref_squeeze %dma_wait3A_73 : memref<1x64x16xf32, #tpu.memory_space<vmem>> -> memref<64x16xf32, #tpu.memory_space<vmem>>
      %dma_wait3A_75 = arith.constant 0 : i32
      %dma_wait3A_76 = tpu.memref_slice %arg13[%dma_wait3A_69, %dma_wait3A_75] : memref<2x64xi32, #tpu.memory_space<vmem>> -> memref<1x64xi32, #tpu.memory_space<vmem>>
      %dma_wait3A_77 = tpu.memref_squeeze %dma_wait3A_76 : memref<1x64xi32, #tpu.memory_space<vmem>> -> memref<64xi32, #tpu.memory_space<vmem>>
      %dma_wait3A_78 = arith.constant 0 : i32
      %dma_wait3A_79 = arith.constant 0 : i32
      %dma_wait3A_80 = tpu.memref_slice %arg4[%dma_wait3A_78, %dma_wait3A_79] : memref<10000x16xf32, #tpu.memory_space<hbm>> -> memref<10000x16xf32, #tpu.memory_space<hbm>>
      tpu.wait_indirect_dma semaphore(%arg22 : memref<!tpu.dma_semaphore, #tpu.memory_space<semaphore_mem>>) src(%dma_wait3A_80 : memref<10000x16xf32, #tpu.memory_space<hbm>>) dst(%dma_wait3A_74 : memref<64x16xf32, #tpu.memory_space<vmem>>)
      %dma_wait3A_81 = arith.constant 0 : i32
      %dma_wait3A_82 = arith.constant 0 : i32
      %dma_wait3A_83 = arith.constant 0 : i32
      %dma_wait3A_84 = arith.constant 0 : i32
      %dma_wait3A_85 = tpu.memref_slice %arg16[%dma_wait3A_82, %dma_wait3A_83, %dma_wait3A_84] : memref<2x64x16xf32, #tpu.memory_space<vmem>> -> memref<1x64x16xf32, #tpu.memory_space<vmem>>
      %dma_wait3A_86 = tpu.memref_squeeze %dma_wait3A_85 : memref<1x64x16xf32, #tpu.memory_space<vmem>> -> memref<64x16xf32, #tpu.memory_space<vmem>>
      %dma_wait3A_87 = arith.constant 0 : i32
      %dma_wait3A_88 = tpu.memref_slice %arg14[%dma_wait3A_81, %dma_wait3A_87] : memref<2x64xi32, #tpu.memory_space<vmem>> -> memref<1x64xi32, #tpu.memory_space<vmem>>
      %dma_wait3A_89 = tpu.memref_squeeze %dma_wait3A_88 : memref<1x64xi32, #tpu.memory_space<vmem>> -> memref<64xi32, #tpu.memory_space<vmem>>
      %dma_wait3A_90 = arith.constant 0 : i32
      %dma_wait3A_91 = arith.constant 0 : i32
      %dma_wait3A_92 = tpu.memref_slice %arg5[%dma_wait3A_90, %dma_wait3A_91] : memref<10000x16xf32, #tpu.memory_space<hbm>> -> memref<10000x16xf32, #tpu.memory_space<hbm>>
      tpu.wait_indirect_dma semaphore(%arg23 : memref<!tpu.dma_semaphore, #tpu.memory_space<semaphore_mem>>) src(%dma_wait3A_92 : memref<10000x16xf32, #tpu.memory_space<hbm>>) dst(%dma_wait3A_86 : memref<64x16xf32, #tpu.memory_space<vmem>>)
      %dma_wait3A_93 = arith.constant 0 : i32
      %dma_wait3A_94 = arith.constant 0 : i32
      %dma_wait3A_95 = arith.constant 0 : i32
      %dma_wait3A_96 = arith.constant 0 : i32
      %dma_wait3A_97 = tpu.memref_slice %arg17[%dma_wait3A_94, %dma_wait3A_95, %dma_wait3A_96] : memref<2x64x128xf32, #tpu.memory_space<vmem>> -> memref<1x64x128xf32, #tpu.memory_space<vmem>>
      %dma_wait3A_98 = tpu.memref_squeeze %dma_wait3A_97 : memref<1x64x128xf32, #tpu.memory_space<vmem>> -> memref<64x128xf32, #tpu.memory_space<vmem>>
      %dma_wait3A_99 = arith.constant 0 : i32
      %dma_wait3A_100 = tpu.memref_slice %arg13[%dma_wait3A_93, %dma_wait3A_99] : memref<2x64xi32, #tpu.memory_space<vmem>> -> memref<1x64xi32, #tpu.memory_space<vmem>>
      %dma_wait3A_101 = tpu.memref_squeeze %dma_wait3A_100 : memref<1x64xi32, #tpu.memory_space<vmem>> -> memref<64xi32, #tpu.memory_space<vmem>>
      %dma_wait3A_102 = arith.constant 0 : i32
      %dma_wait3A_103 = arith.constant 0 : i32
      %dma_wait3A_104 = tpu.memref_slice %arg6[%dma_wait3A_102, %dma_wait3A_103] : memref<10000x128xf32, #tpu.memory_space<hbm>> -> memref<10000x128xf32, #tpu.memory_space<hbm>>
      tpu.wait_indirect_dma semaphore(%arg24 : memref<!tpu.dma_semaphore, #tpu.memory_space<semaphore_mem>>) src(%dma_wait3A_104 : memref<10000x128xf32, #tpu.memory_space<hbm>>) dst(%dma_wait3A_98 : memref<64x128xf32, #tpu.memory_space<vmem>>)
      %scan3A_105 = arith.constant 0 : i32
      %scan3A_106 = arith.constant 0 : i32
      %scan3A_107 = arith.constant 64 : i32
      %scan3A_108 = arith.addi %scan3A_106, %scan3A_107 : i32
      %scan3A_109 = arith.constant 1 : i32
      scf.for %scan3A_115 = %scan3A_106 to %scan3A_108 step %scan3A_109  : i32 {
        %get3A_116 = arith.constant 0 : i32
        %get3A_117 = arith.index_cast %get3A_116 : i32 to index
        %get3A_118 = arith.index_cast %scan3A_115 : i32 to index
        %get3A_119 = arith.constant 0 : index
        %get3A_120 = tpu.vector_load %arg15[%get3A_117, %get3A_118, %get3A_119] {strides = array<i32>} : memref<2x64x16xf32, #tpu.memory_space<vmem>>, vector<1x1x16xf32>,
        %get3A_121 = vector.shape_cast %get3A_120 : vector<1x1x16xf32> to vector<16xf32>
        %get3A_122 = arith.constant 0 : i32
        %get3A_123 = arith.index_cast %get3A_122 : i32 to index
        %get3A_124 = arith.index_cast %scan3A_115 : i32 to index
        %get3A_125 = arith.constant 0 : index
        %get3A_126 = tpu.vector_load %arg16[%get3A_123, %get3A_124, %get3A_125] {strides = array<i32>} : memref<2x64x16xf32, #tpu.memory_space<vmem>>, vector<1x1x16xf32>,
        %get3A_127 = vector.shape_cast %get3A_126 : vector<1x1x16xf32> to vector<16xf32>
        %add3A_128 = arith.addf %get3A_121, %get3A_127 : vector<16xf32>
        %gt3A_129 = arith.constant 0.000000e+00 : f32
        %gt3A_130 = vector.broadcast %gt3A_129 : f32 to vector<16xf32>
        %gt3A_131 = arith.cmpf ogt, %add3A_128, %gt3A_130 : vector<16xf32>
        %mul3A_132 = arith.constant 2.000000e-01 : f32
        %mul3A_133 = vector.broadcast %mul3A_132 : f32 to vector<16xf32>
        %mul3A_134 = arith.mulf %mul3A_133, %add3A_128 : vector<16xf32>
        %select_n3A_135 = arith.select %gt3A_131, %add3A_128, %mul3A_134 : vector<16xi1>, vector<16xf32>
        %sub3A = arith.subf %select_n3A_135, %select_n3A : vector<16xf32>
        %exp3A = math.exp %sub3A : vector<16xf32>
        %swap3A = arith.constant 0 : i32
        %swap3A_136 = arith.index_cast %swap3A : i32 to index
        %swap3A_137 = arith.index_cast %scan3A_115 : i32 to index
        %swap3A_138 = arith.constant 0 : index
        %swap3A_139 = tpu.vector_load %arg18[%swap3A_136, %swap3A_137, %swap3A_138] {strides = array<i32>} : memref<2x64x16xf32, #tpu.memory_space<vmem>>, vector<1x1x16xf32>,
        %swap3A_140 = vector.shape_cast %swap3A_139 : vector<1x1x16xf32> to vector<16xf32>
        %swap3A_141 = vector.shape_cast %exp3A : vector<16xf32> to vector<1x1x16xf32>
        tpu.vector_store %arg18[%swap3A_136, %swap3A_137, %swap3A_138], %swap3A_141 {strides = array<i32>} : memref<2x64x16xf32, #tpu.memory_space<vmem>>, vector<1x1x16xf32>,
        %slice3A = vector.extract_strided_slice %exp3A {offsets = [0], sizes = [1], strides = [1]} : vector<16xf32> to vector<1xf32>
        %squeeze3A = vector.extract %slice3A[0] : f32 from vector<1xf32>
        %get3A_142 = arith.constant 0 : i32
        %get3A_143 = arith.index_cast %get3A_142 : i32 to index
        %get3A_144 = arith.index_cast %scan3A_115 : i32 to index
        %get3A_145 = arith.constant 0 : index
        %get3A_146 = tpu.vector_load %arg17[%get3A_143, %get3A_144, %get3A_145] {strides = array<i32>} : memref<2x64x128xf32, #tpu.memory_space<vmem>>, vector<1x1x16xf32>,
        %get3A_147 = vector.shape_cast %get3A_146 : vector<1x1x16xf32> to vector<16xf32>
        %mul3A_148 = vector.broadcast %squeeze3A : f32 to vector<16xf32>
        %mul3A_149 = arith.mulf %get3A_147, %mul3A_148 : vector<16xf32>
        %swap3A_150 = arith.constant 0 : i32
        %swap3A_151 = arith.index_cast %swap3A_150 : i32 to index
        %swap3A_152 = arith.index_cast %scan3A_115 : i32 to index
        %swap3A_153 = arith.constant 0 : index
        %swap3A_154 = tpu.vector_load %arg17[%swap3A_151, %swap3A_152, %swap3A_153] {strides = array<i32>} : memref<2x64x128xf32, #tpu.memory_space<vmem>>, vector<1x1x16xf32>,
        %swap3A_155 = vector.shape_cast %swap3A_154 : vector<1x1x16xf32> to vector<16xf32>
        %swap3A_156 = vector.shape_cast %mul3A_149 : vector<16xf32> to vector<1x1x16xf32>
        tpu.vector_store %arg17[%swap3A_151, %swap3A_152, %swap3A_153], %swap3A_156 {strides = array<i32>} : memref<2x64x128xf32, #tpu.memory_space<vmem>>, vector<1x1x16xf32>,
        %slice3A_157 = vector.extract_strided_slice %exp3A {offsets = [1], sizes = [1], strides = [1]} : vector<16xf32> to vector<1xf32>
        %squeeze3A_158 = vector.extract %slice3A_157[0] : f32 from vector<1xf32>
        %get3A_159 = arith.constant 0 : i32
        %get3A_160 = arith.index_cast %get3A_159 : i32 to index
        %get3A_161 = arith.index_cast %scan3A_115 : i32 to index
        %get3A_162 = arith.constant 16 : index
        %get3A_163 = tpu.vector_load %arg17[%get3A_160, %get3A_161, %get3A_162] {strides = array<i32>} : memref<2x64x128xf32, #tpu.memory_space<vmem>>, vector<1x1x16xf32>,
        %get3A_164 = vector.shape_cast %get3A_163 : vector<1x1x16xf32> to vector<16xf32>
        %mul3A_165 = vector.broadcast %squeeze3A_158 : f32 to vector<16xf32>
        %mul3A_166 = arith.mulf %get3A_164, %mul3A_165 : vector<16xf32>
        %swap3A_167 = arith.constant 0 : i32
        %swap3A_168 = arith.index_cast %swap3A_167 : i32 to index
        %swap3A_169 = arith.index_cast %scan3A_115 : i32 to index
        %swap3A_170 = arith.constant 16 : index
        %swap3A_171 = tpu.vector_load %arg17[%swap3A_168, %swap3A_169, %swap3A_170] {strides = array<i32>} : memref<2x64x128xf32, #tpu.memory_space<vmem>>, vector<1x1x16xf32>,
        %swap3A_172 = vector.shape_cast %swap3A_171 : vector<1x1x16xf32> to vector<16xf32>
        %swap3A_173 = vector.shape_cast %mul3A_166 : vector<16xf32> to vector<1x1x16xf32>
        tpu.vector_store %arg17[%swap3A_168, %swap3A_169, %swap3A_170], %swap3A_173 {strides = array<i32>} : memref<2x64x128xf32, #tpu.memory_space<vmem>>, vector<1x1x16xf32>,
        %slice3A_174 = vector.extract_strided_slice %exp3A {offsets = [2], sizes = [1], strides = [1]} : vector<16xf32> to vector<1xf32>
        %squeeze3A_175 = vector.extract %slice3A_174[0] : f32 from vector<1xf32>
        %get3A_176 = arith.constant 0 : i32
        %get3A_177 = arith.index_cast %get3A_176 : i32 to index
        %get3A_178 = arith.index_cast %scan3A_115 : i32 to index
        %get3A_179 = arith.constant 32 : index
        %get3A_180 = tpu.vector_load %arg17[%get3A_177, %get3A_178, %get3A_179] {strides = array<i32>} : memref<2x64x128xf32, #tpu.memory_space<vmem>>, vector<1x1x16xf32>,
        %get3A_181 = vector.shape_cast %get3A_180 : vector<1x1x16xf32> to vector<16xf32>
        %mul3A_182 = vector.broadcast %squeeze3A_175 : f32 to vector<16xf32>
        %mul3A_183 = arith.mulf %get3A_181, %mul3A_182 : vector<16xf32>
        %swap3A_184 = arith.constant 0 : i32
        %swap3A_185 = arith.index_cast %swap3A_184 : i32 to index
        %swap3A_186 = arith.index_cast %scan3A_115 : i32 to index
        %swap3A_187 = arith.constant 32 : index
        %swap3A_188 = tpu.vector_load %arg17[%swap3A_185, %swap3A_186, %swap3A_187] {strides = array<i32>} : memref<2x64x128xf32, #tpu.memory_space<vmem>>, vector<1x1x16xf32>,
        %swap3A_189 = vector.shape_cast %swap3A_188 : vector<1x1x16xf32> to vector<16xf32>
        %swap3A_190 = vector.shape_cast %mul3A_183 : vector<16xf32> to vector<1x1x16xf32>
        tpu.vector_store %arg17[%swap3A_185, %swap3A_186, %swap3A_187], %swap3A_190 {strides = array<i32>} : memref<2x64x128xf32, #tpu.memory_space<vmem>>, vector<1x1x16xf32>,
        %slice3A_191 = vector.extract_strided_slice %exp3A {offsets = [3], sizes = [1], strides = [1]} : vector<16xf32> to vector<1xf32>
        %squeeze3A_192 = vector.extract %slice3A_191[0] : f32 from vector<1xf32>
        %get3A_193 = arith.constant 0 : i32
        %get3A_194 = arith.index_cast %get3A_193 : i32 to index
        %get3A_195 = arith.index_cast %scan3A_115 : i32 to index
        %get3A_196 = arith.constant 48 : index
        %get3A_197 = tpu.vector_load %arg17[%get3A_194, %get3A_195, %get3A_196] {strides = array<i32>} : memref<2x64x128xf32, #tpu.memory_space<vmem>>, vector<1x1x16xf32>,
        %get3A_198 = vector.shape_cast %get3A_197 : vector<1x1x16xf32> to vector<16xf32>
        %mul3A_199 = vector.broadcast %squeeze3A_192 : f32 to vector<16xf32>
        %mul3A_200 = arith.mulf %get3A_198, %mul3A_199 : vector<16xf32>
        %swap3A_201 = arith.constant 0 : i32
        %swap3A_202 = arith.index_cast %swap3A_201 : i32 to index
        %swap3A_203 = arith.index_cast %scan3A_115 : i32 to index
        %swap3A_204 = arith.constant 48 : index
        %swap3A_205 = tpu.vector_load %arg17[%swap3A_202, %swap3A_203, %swap3A_204] {strides = array<i32>} : memref<2x64x128xf32, #tpu.memory_space<vmem>>, vector<1x1x16xf32>,
        %swap3A_206 = vector.shape_cast %swap3A_205 : vector<1x1x16xf32> to vector<16xf32>
        %swap3A_207 = vector.shape_cast %mul3A_200 : vector<16xf32> to vector<1x1x16xf32>
        tpu.vector_store %arg17[%swap3A_202, %swap3A_203, %swap3A_204], %swap3A_207 {strides = array<i32>} : memref<2x64x128xf32, #tpu.memory_space<vmem>>, vector<1x1x16xf32>,
        %slice3A_208 = vector.extract_strided_slice %exp3A {offsets = [4], sizes = [1], strides = [1]} : vector<16xf32> to vector<1xf32>
        %squeeze3A_209 = vector.extract %slice3A_208[0] : f32 from vector<1xf32>
        %get3A_210 = arith.constant 0 : i32
        %get3A_211 = arith.index_cast %get3A_210 : i32 to index
        %get3A_212 = arith.index_cast %scan3A_115 : i32 to index
        %get3A_213 = arith.constant 64 : index
        %get3A_214 = tpu.vector_load %arg17[%get3A_211, %get3A_212, %get3A_213] {strides = array<i32>} : memref<2x64x128xf32, #tpu.memory_space<vmem>>, vector<1x1x16xf32>,
        %get3A_215 = vector.shape_cast %get3A_214 : vector<1x1x16xf32> to vector<16xf32>
        %mul3A_216 = vector.broadcast %squeeze3A_209 : f32 to vector<16xf32>
        %mul3A_217 = arith.mulf %get3A_215, %mul3A_216 : vector<16xf32>
        %swap3A_218 = arith.constant 0 : i32
        %swap3A_219 = arith.index_cast %swap3A_218 : i32 to index
        %swap3A_220 = arith.index_cast %scan3A_115 : i32 to index
        %swap3A_221 = arith.constant 64 : index
        %swap3A_222 = tpu.vector_load %arg17[%swap3A_219, %swap3A_220, %swap3A_221] {strides = array<i32>} : memref<2x64x128xf32, #tpu.memory_space<vmem>>, vector<1x1x16xf32>,
        %swap3A_223 = vector.shape_cast %swap3A_222 : vector<1x1x16xf32> to vector<16xf32>
        %swap3A_224 = vector.shape_cast %mul3A_217 : vector<16xf32> to vector<1x1x16xf32>
        tpu.vector_store %arg17[%swap3A_219, %swap3A_220, %swap3A_221], %swap3A_224 {strides = array<i32>} : memref<2x64x128xf32, #tpu.memory_space<vmem>>, vector<1x1x16xf32>,
        %slice3A_225 = vector.extract_strided_slice %exp3A {offsets = [5], sizes = [1], strides = [1]} : vector<16xf32> to vector<1xf32>
        %squeeze3A_226 = vector.extract %slice3A_225[0] : f32 from vector<1xf32>
        %get3A_227 = arith.constant 0 : i32
        %get3A_228 = arith.index_cast %get3A_227 : i32 to index
        %get3A_229 = arith.index_cast %scan3A_115 : i32 to index
        %get3A_230 = arith.constant 80 : index
        %get3A_231 = tpu.vector_load %arg17[%get3A_228, %get3A_229, %get3A_230] {strides = array<i32>} : memref<2x64x128xf32, #tpu.memory_space<vmem>>, vector<1x1x16xf32>,
        %get3A_232 = vector.shape_cast %get3A_231 : vector<1x1x16xf32> to vector<16xf32>
        %mul3A_233 = vector.broadcast %squeeze3A_226 : f32 to vector<16xf32>
        %mul3A_234 = arith.mulf %get3A_232, %mul3A_233 : vector<16xf32>
        %swap3A_235 = arith.constant 0 : i32
        %swap3A_236 = arith.index_cast %swap3A_235 : i32 to index
        %swap3A_237 = arith.index_cast %scan3A_115 : i32 to index
        %swap3A_238 = arith.constant 80 : index
        %swap3A_239 = tpu.vector_load %arg17[%swap3A_236, %swap3A_237, %swap3A_238] {strides = array<i32>} : memref<2x64x128xf32, #tpu.memory_space<vmem>>, vector<1x1x16xf32>,
        %swap3A_240 = vector.shape_cast %swap3A_239 : vector<1x1x16xf32> to vector<16xf32>
        %swap3A_241 = vector.shape_cast %mul3A_234 : vector<16xf32> to vector<1x1x16xf32>
        tpu.vector_store %arg17[%swap3A_236, %swap3A_237, %swap3A_238], %swap3A_241 {strides = array<i32>} : memref<2x64x128xf32, #tpu.memory_space<vmem>>, vector<1x1x16xf32>,
        %slice3A_242 = vector.extract_strided_slice %exp3A {offsets = [6], sizes = [1], strides = [1]} : vector<16xf32> to vector<1xf32>
        %squeeze3A_243 = vector.extract %slice3A_242[0] : f32 from vector<1xf32>
        %get3A_244 = arith.constant 0 : i32
        %get3A_245 = arith.index_cast %get3A_244 : i32 to index
        %get3A_246 = arith.index_cast %scan3A_115 : i32 to index
        %get3A_247 = arith.constant 96 : index
        %get3A_248 = tpu.vector_load %arg17[%get3A_245, %get3A_246, %get3A_247] {strides = array<i32>} : memref<2x64x128xf32, #tpu.memory_space<vmem>>, vector<1x1x16xf32>,
        %get3A_249 = vector.shape_cast %get3A_248 : vector<1x1x16xf32> to vector<16xf32>
        %mul3A_250 = vector.broadcast %squeeze3A_243 : f32 to vector<16xf32>
        %mul3A_251 = arith.mulf %get3A_249, %mul3A_250 : vector<16xf32>
        %swap3A_252 = arith.constant 0 : i32
        %swap3A_253 = arith.index_cast %swap3A_252 : i32 to index
        %swap3A_254 = arith.index_cast %scan3A_115 : i32 to index
        %swap3A_255 = arith.constant 96 : index
        %swap3A_256 = tpu.vector_load %arg17[%swap3A_253, %swap3A_254, %swap3A_255] {strides = array<i32>} : memref<2x64x128xf32, #tpu.memory_space<vmem>>, vector<1x1x16xf32>,
        %swap3A_257 = vector.shape_cast %swap3A_256 : vector<1x1x16xf32> to vector<16xf32>
        %swap3A_258 = vector.shape_cast %mul3A_251 : vector<16xf32> to vector<1x1x16xf32>
        tpu.vector_store %arg17[%swap3A_253, %swap3A_254, %swap3A_255], %swap3A_258 {strides = array<i32>} : memref<2x64x128xf32, #tpu.memory_space<vmem>>, vector<1x1x16xf32>,
        %slice3A_259 = vector.extract_strided_slice %exp3A {offsets = [7], sizes = [1], strides = [1]} : vector<16xf32> to vector<1xf32>
        %squeeze3A_260 = vector.extract %slice3A_259[0] : f32 from vector<1xf32>
        %get3A_261 = arith.constant 0 : i32
        %get3A_262 = arith.index_cast %get3A_261 : i32 to index
        %get3A_263 = arith.index_cast %scan3A_115 : i32 to index
        %get3A_264 = arith.constant 112 : index
        %get3A_265 = tpu.vector_load %arg17[%get3A_262, %get3A_263, %get3A_264] {strides = array<i32>} : memref<2x64x128xf32, #tpu.memory_space<vmem>>, vector<1x1x16xf32>,
        %get3A_266 = vector.shape_cast %get3A_265 : vector<1x1x16xf32> to vector<16xf32>
        %mul3A_267 = vector.broadcast %squeeze3A_260 : f32 to vector<16xf32>
        %mul3A_268 = arith.mulf %get3A_266, %mul3A_267 : vector<16xf32>
        %swap3A_269 = arith.constant 0 : i32
        %swap3A_270 = arith.index_cast %swap3A_269 : i32 to index
        %swap3A_271 = arith.index_cast %scan3A_115 : i32 to index
        %swap3A_272 = arith.constant 112 : index
        %swap3A_273 = tpu.vector_load %arg17[%swap3A_270, %swap3A_271, %swap3A_272] {strides = array<i32>} : memref<2x64x128xf32, #tpu.memory_space<vmem>>, vector<1x1x16xf32>,
        %swap3A_274 = vector.shape_cast %swap3A_273 : vector<1x1x16xf32> to vector<16xf32>
        %swap3A_275 = vector.shape_cast %mul3A_268 : vector<16xf32> to vector<1x1x16xf32>
        tpu.vector_store %arg17[%swap3A_270, %swap3A_271, %swap3A_272], %swap3A_275 {strides = array<i32>} : memref<2x64x128xf32, #tpu.memory_space<vmem>>, vector<1x1x16xf32>,
      }
      %scan3A_110 = arith.constant 64 : i32
      %run_scoped3A_111 = arith.constant 0 : i32
      %run_scoped3A_112 = arith.constant 0 : i32
      "tpu.region"() ({
        %run_scoped3A_115 = tpu.sem_alloc : memref<!tpu.dma_semaphore, #tpu.memory_space<semaphore_mem>>
        %dma_start3A_116 = arith.constant 0 : i32
        %dma_start3A_117 = arith.constant 0 : i32
        %dma_start3A_118 = tpu.memref_slice %arg18[%run_scoped3A_111, %dma_start3A_116, %dma_start3A_117] : memref<2x64x16xf32, #tpu.memory_space<vmem>> -> memref<1x64x16xf32, #tpu.memory_space<vmem>>
        %dma_start3A_119 = tpu.memref_squeeze %dma_start3A_118 : memref<1x64x16xf32, #tpu.memory_space<vmem>> -> memref<64x16xf32, #tpu.memory_space<vmem>>
        %dma_start3A_120 = arith.constant 0 : i32
        %dma_start3A_121 = tpu.memref_slice %arg14[%run_scoped3A_112, %dma_start3A_120] : memref<2x64xi32, #tpu.memory_space<vmem>> -> memref<1x64xi32, #tpu.memory_space<vmem>>
        %dma_start3A_122 = tpu.memref_squeeze %dma_start3A_121 : memref<1x64xi32, #tpu.memory_space<vmem>> -> memref<64xi32, #tpu.memory_space<vmem>>
        %dma_start3A_123 = arith.constant 0 : i32
        %dma_start3A_124 = arith.constant 0 : i32
        %dma_start3A_125 = tpu.memref_slice %arg20[%dma_start3A_123, %dma_start3A_124] : memref<10112x16xf32, #tpu.memory_space<vmem_shared>> -> memref<10112x16xf32, #tpu.memory_space<vmem_shared>>
        tpu.enqueue_indirect_dma source(%dma_start3A_119 : memref<64x16xf32, #tpu.memory_space<vmem>>) target(%dma_start3A_125 : memref<10112x16xf32, #tpu.memory_space<vmem_shared>>) offsets(%dma_start3A_122 : memref<64xi32, #tpu.memory_space<vmem>>) semaphore(%run_scoped3A_115 : memref<!tpu.dma_semaphore, #tpu.memory_space<semaphore_mem>>) {add = true}
        %dma_wait3A_126 = arith.constant 0 : i32
        %dma_wait3A_127 = arith.constant 0 : i32
        %dma_wait3A_128 = tpu.memref_slice %arg18[%run_scoped3A_111, %dma_wait3A_126, %dma_wait3A_127] : memref<2x64x16xf32, #tpu.memory_space<vmem>> -> memref<1x64x16xf32, #tpu.memory_space<vmem>>
        %dma_wait3A_129 = tpu.memref_squeeze %dma_wait3A_128 : memref<1x64x16xf32, #tpu.memory_space<vmem>> -> memref<64x16xf32, #tpu.memory_space<vmem>>
        %dma_wait3A_130 = arith.constant 0 : i32
        %dma_wait3A_131 = tpu.memref_slice %arg14[%run_scoped3A_112, %dma_wait3A_130] : memref<2x64xi32, #tpu.memory_space<vmem>> -> memref<1x64xi32, #tpu.memory_space<vmem>>
        %dma_wait3A_132 = tpu.memref_squeeze %dma_wait3A_131 : memref<1x64xi32, #tpu.memory_space<vmem>> -> memref<64xi32, #tpu.memory_space<vmem>>
        %dma_wait3A_133 = arith.constant 0 : i32
        %dma_wait3A_134 = arith.constant 0 : i32
        %dma_wait3A_135 = tpu.memref_slice %arg20[%dma_wait3A_133, %dma_wait3A_134] : memref<10112x16xf32, #tpu.memory_space<vmem_shared>> -> memref<10112x16xf32, #tpu.memory_space<vmem_shared>>
        tpu.wait_indirect_dma semaphore(%run_scoped3A_115 : memref<!tpu.dma_semaphore, #tpu.memory_space<semaphore_mem>>) src(%dma_wait3A_129 : memref<64x16xf32, #tpu.memory_space<vmem>>) dst(%dma_wait3A_135 : memref<10112x16xf32, #tpu.memory_space<vmem_shared>>)
        tpu.yield
      }) : () -> ()
      %run_scoped3A_113 = arith.constant 0 : i32
      %run_scoped3A_114 = arith.constant 0 : i32
      "tpu.region"() ({
        %run_scoped3A_115 = tpu.sem_alloc : memref<!tpu.dma_semaphore, #tpu.memory_space<semaphore_mem>>
        %dma_start3A_116 = arith.constant 0 : i32
        %dma_start3A_117 = arith.constant 0 : i32
        %dma_start3A_118 = tpu.memref_slice %arg17[%run_scoped3A_113, %dma_start3A_116, %dma_start3A_117] : memref<2x64x128xf32, #tpu.memory_space<vmem>> -> memref<1x64x128xf32, #tpu.memory_space<vmem>>
        %dma_start3A_119 = tpu.memref_squeeze %dma_start3A_118 : memref<1x64x128xf32, #tpu.memory_space<vmem>> -> memref<64x128xf32, #tpu.memory_space<vmem>>
        %dma_start3A_120 = arith.constant 0 : i32
        %dma_start3A_121 = tpu.memref_slice %arg14[%run_scoped3A_114, %dma_start3A_120] : memref<2x64xi32, #tpu.memory_space<vmem>> -> memref<1x64xi32, #tpu.memory_space<vmem>>
        %dma_start3A_122 = tpu.memref_squeeze %dma_start3A_121 : memref<1x64xi32, #tpu.memory_space<vmem>> -> memref<64xi32, #tpu.memory_space<vmem>>
        %dma_start3A_123 = arith.constant 0 : i32
        %dma_start3A_124 = arith.constant 0 : i32
        %dma_start3A_125 = tpu.memref_slice %arg21[%dma_start3A_123, %dma_start3A_124] : memref<10112x128xf32, #tpu.memory_space<vmem_shared>> -> memref<10112x128xf32, #tpu.memory_space<vmem_shared>>
        tpu.enqueue_indirect_dma source(%dma_start3A_119 : memref<64x128xf32, #tpu.memory_space<vmem>>) target(%dma_start3A_125 : memref<10112x128xf32, #tpu.memory_space<vmem_shared>>) offsets(%dma_start3A_122 : memref<64xi32, #tpu.memory_space<vmem>>) semaphore(%run_scoped3A_115 : memref<!tpu.dma_semaphore, #tpu.memory_space<semaphore_mem>>) {add = true}
        %dma_wait3A_126 = arith.constant 0 : i32
        %dma_wait3A_127 = arith.constant 0 : i32
        %dma_wait3A_128 = tpu.memref_slice %arg17[%run_scoped3A_113, %dma_wait3A_126, %dma_wait3A_127] : memref<2x64x128xf32, #tpu.memory_space<vmem>> -> memref<1x64x128xf32, #tpu.memory_space<vmem>>
        %dma_wait3A_129 = tpu.memref_squeeze %dma_wait3A_128 : memref<1x64x128xf32, #tpu.memory_space<vmem>> -> memref<64x128xf32, #tpu.memory_space<vmem>>
        %dma_wait3A_130 = arith.constant 0 : i32
        %dma_wait3A_131 = tpu.memref_slice %arg14[%run_scoped3A_114, %dma_wait3A_130] : memref<2x64xi32, #tpu.memory_space<vmem>> -> memref<1x64xi32, #tpu.memory_space<vmem>>
        %dma_wait3A_132 = tpu.memref_squeeze %dma_wait3A_131 : memref<1x64xi32, #tpu.memory_space<vmem>> -> memref<64xi32, #tpu.memory_space<vmem>>
        %dma_wait3A_133 = arith.constant 0 : i32
        %dma_wait3A_134 = arith.constant 0 : i32
        %dma_wait3A_135 = tpu.memref_slice %arg21[%dma_wait3A_133, %dma_wait3A_134] : memref<10112x128xf32, #tpu.memory_space<vmem_shared>> -> memref<10112x128xf32, #tpu.memory_space<vmem_shared>>
        tpu.wait_indirect_dma semaphore(%run_scoped3A_115 : memref<!tpu.dma_semaphore, #tpu.memory_space<semaphore_mem>>) src(%dma_wait3A_129 : memref<64x128xf32, #tpu.memory_space<vmem>>) dst(%dma_wait3A_135 : memref<10112x128xf32, #tpu.memory_space<vmem_shared>>)
        tpu.yield
      }) : () -> ()
    } else {
    }
    %barrier3A_27 = arith.constant 0 : index
    tpu.barrier barrier_id(%barrier3A_27)
    "tpu.region"() ({
      %run_scoped3A = tpu.sem_alloc : memref<!tpu.dma_semaphore, #tpu.memory_space<semaphore_mem>>
      %dma_start3A_28 = arith.constant 0 : i32
      %dma_start3A_29 = tpu.memref_slice %arg11[%arg0, %multiple_of3A, %dma_start3A_28] : memref<2x10112x16xf32, #tpu.memory_space<hbm>> -> memref<1x632x16xf32, #tpu.memory_space<hbm>>
      %dma_start3A_30 = tpu.memref_squeeze %dma_start3A_29 : memref<1x632x16xf32, #tpu.memory_space<hbm>> -> memref<632x16xf32, #tpu.memory_space<hbm>>
      %dma_start3A_31 = arith.constant 0 : i32
      %dma_start3A_32 = tpu.memref_slice %arg20[%multiple_of3A, %dma_start3A_31] : memref<10112x16xf32, #tpu.memory_space<vmem_shared>> -> memref<632x16xf32, #tpu.memory_space<vmem_shared>>
      tpu.enqueue_dma source(%dma_start3A_32 : memref<632x16xf32, #tpu.memory_space<vmem_shared>>) target(%dma_start3A_30 : memref<632x16xf32, #tpu.memory_space<hbm>>) target_semaphore(%run_scoped3A : memref<!tpu.dma_semaphore, #tpu.memory_space<semaphore_mem>>)
      %dma_wait3A_33 = arith.constant 0 : i32
      %dma_wait3A_34 = tpu.memref_slice %arg11[%arg0, %multiple_of3A, %dma_wait3A_33] : memref<2x10112x16xf32, #tpu.memory_space<hbm>> -> memref<1x632x16xf32, #tpu.memory_space<hbm>>
      %dma_wait3A_35 = tpu.memref_squeeze %dma_wait3A_34 : memref<1x632x16xf32, #tpu.memory_space<hbm>> -> memref<632x16xf32, #tpu.memory_space<hbm>>
      %dma_wait3A_36 = arith.constant 0 : i32
      %dma_wait3A_37 = tpu.memref_slice %arg20[%multiple_of3A, %dma_wait3A_36] : memref<10112x16xf32, #tpu.memory_space<vmem_shared>> -> memref<632x16xf32, #tpu.memory_space<vmem_shared>>
      tpu.wait_dma2 semaphore(%run_scoped3A : memref<!tpu.dma_semaphore, #tpu.memory_space<semaphore_mem>>) src(%dma_wait3A_37 : memref<632x16xf32, #tpu.memory_space<vmem_shared>>) dst(%dma_wait3A_35 : memref<632x16xf32, #tpu.memory_space<hbm>>)
      tpu.yield
    }) : () -> ()
    "tpu.region"() ({
      %run_scoped3A = tpu.sem_alloc : memref<!tpu.dma_semaphore, #tpu.memory_space<semaphore_mem>>
      %dma_start3A_28 = arith.constant 0 : i32
      %dma_start3A_29 = tpu.memref_slice %arg12[%arg0, %multiple_of3A, %dma_start3A_28] : memref<2x10112x128xf32, #tpu.memory_space<hbm>> -> memref<1x632x128xf32, #tpu.memory_space<hbm>>
      %dma_start3A_30 = tpu.memref_squeeze %dma_start3A_29 : memref<1x632x128xf32, #tpu.memory_space<hbm>> -> memref<632x128xf32, #tpu.memory_space<hbm>>
      %dma_start3A_31 = arith.constant 0 : i32
      %dma_start3A_32 = tpu.memref_slice %arg21[%multiple_of3A, %dma_start3A_31] : memref<10112x128xf32, #tpu.memory_space<vmem_shared>> -> memref<632x128xf32, #tpu.memory_space<vmem_shared>>
      tpu.enqueue_dma source(%dma_start3A_32 : memref<632x128xf32, #tpu.memory_space<vmem_shared>>) target(%dma_start3A_30 : memref<632x128xf32, #tpu.memory_space<hbm>>) target_semaphore(%run_scoped3A : memref<!tpu.dma_semaphore, #tpu.memory_space<semaphore_mem>>)
      %dma_wait3A_33 = arith.constant 0 : i32
      %dma_wait3A_34 = tpu.memref_slice %arg12[%arg0, %multiple_of3A, %dma_wait3A_33] : memref<2x10112x128xf32, #tpu.memory_space<hbm>> -> memref<1x632x128xf32, #tpu.memory_space<hbm>>
      %dma_wait3A_35 = tpu.memref_squeeze %dma_wait3A_34 : memref<1x632x128xf32, #tpu.memory_space<hbm>> -> memref<632x128xf32, #tpu.memory_space<hbm>>
      %dma_wait3A_36 = arith.constant 0 : i32
      %dma_wait3A_37 = tpu.memref_slice %arg21[%multiple_of3A, %dma_wait3A_36] : memref<10112x128xf32, #tpu.memory_space<vmem_shared>> -> memref<632x128xf32, #tpu.memory_space<vmem_shared>>
      tpu.wait_dma2 semaphore(%run_scoped3A : memref<!tpu.dma_semaphore, #tpu.memory_space<semaphore_mem>>) src(%dma_wait3A_37 : memref<632x128xf32, #tpu.memory_space<vmem_shared>>) dst(%dma_wait3A_35 : memref<632x128xf32, #tpu.memory_space<hbm>>)
      tpu.yield
    }) : () -> ()
    return
  }
}

#map = affine_map<(d0, d1) -> (0)>
#map1 = affine_map<(d0, d1) -> (0, 0)>
#map2 = affine_map<(d0, d1) -> (0, 0, 0)>
module attributes {stable_mosaic.version = 14 : i64} {
  func.func @_sc_edge_body(%arg0: i32, %arg1: i32, %arg2: memref<320000xi32, #tpu.memory_space<hbm>>, %arg3: memref<320000xi32, #tpu.memory_space<hbm>>, %arg4: memref<10000x16xf32, #tpu.memory_space<hbm>>, %arg5: memref<10000x16xf32, #tpu.memory_space<hbm>>, %arg6: memref<10000x128xf32, #tpu.memory_space<hbm>>, %arg7: memref<16xf32, #tpu.memory_space<hbm>>, %arg8: memref<16xf32, #tpu.memory_space<hbm>>, %arg9: memref<632x128xf32, #tpu.memory_space<hbm>>, %arg10: memref<632x16xf32, #tpu.memory_space<hbm>>, %arg11: memref<2x10112x16xf32, #tpu.memory_space<hbm>>, %arg12: memref<2x10112x128xf32, #tpu.memory_space<hbm>>, %arg13: memref<2x64xi32, #tpu.memory_space<vmem>>, %arg14: memref<2x64xi32, #tpu.memory_space<vmem>>, %arg15: memref<2x64x16xf32, #tpu.memory_space<vmem>>, %arg16: memref<2x64x16xf32, #tpu.memory_space<vmem>>, %arg17: memref<2x64x128xf32, #tpu.memory_space<vmem>>, %arg18: memref<2x64x16xf32, #tpu.memory_space<vmem>>, %arg19: memref<16xf32, #tpu.memory_space<vmem>>, %arg20: memref<10112x16xf32, #tpu.memory_space<vmem_shared>>, %arg21: memref<10112x128xf32, #tpu.memory_space<vmem_shared>>, %arg22: memref<!tpu.dma_semaphore, #tpu.memory_space<semaphore_mem>>, %arg23: memref<!tpu.dma_semaphore, #tpu.memory_space<semaphore_mem>>, %arg24: memref<!tpu.dma_semaphore, #tpu.memory_space<semaphore_mem>>) attributes {dimension_semantics = [#tpu.dimension_semantics<core_parallel>, #tpu.dimension_semantics<subcore_parallel>], iteration_bounds = array<i64: 2, 16>, scalar_prefetch = 0 : i64, scratch_operands = 12 : i64, tpu.core_type = #tpu.core_type<sc_vector_subcore>, window_params = [{transform_indices = #map}, {transform_indices = #map}, {transform_indices = #map1}, {transform_indices = #map1}, {transform_indices = #map1}, {transform_indices = #map}, {transform_indices = #map}, {transform_indices = #map1}, {transform_indices = #map1}, {transform_indices = #map2}, {transform_indices = #map2}]} {
    %mul3A = arith.constant 2 : i32
    %mul3A_0 = arith.muli %arg1, %mul3A : i32
    %add3A = arith.addi %mul3A_0, %arg0 : i32
    "tpu.region"() ({
      %run_scoped3A = tpu.sem_alloc : memref<!tpu.dma_semaphore, #tpu.memory_space<semaphore_mem>>
      tpu.enqueue_dma source(%arg7 : memref<16xf32, #tpu.memory_space<hbm>>) target(%arg19 : memref<16xf32, #tpu.memory_space<vmem>>) target_semaphore(%run_scoped3A : memref<!tpu.dma_semaphore, #tpu.memory_space<semaphore_mem>>)
      tpu.wait_dma2 semaphore(%run_scoped3A : memref<!tpu.dma_semaphore, #tpu.memory_space<semaphore_mem>>) src(%arg7 : memref<16xf32, #tpu.memory_space<hbm>>) dst(%arg19 : memref<16xf32, #tpu.memory_space<vmem>>)
      tpu.yield
    }) : () -> ()
    %get3A = arith.constant 0 : index
    %get3A_1 = tpu.vector_load %arg19[%get3A] {strides = array<i32>} : memref<16xf32, #tpu.memory_space<vmem>>, vector<16xf32>,
    %get3A_2 = vector.shape_cast %get3A_1 : vector<16xf32> to vector<16xf32>
    "tpu.region"() ({
      %run_scoped3A = tpu.sem_alloc : memref<!tpu.dma_semaphore, #tpu.memory_space<semaphore_mem>>
      tpu.enqueue_dma source(%arg8 : memref<16xf32, #tpu.memory_space<hbm>>) target(%arg19 : memref<16xf32, #tpu.memory_space<vmem>>) target_semaphore(%run_scoped3A : memref<!tpu.dma_semaphore, #tpu.memory_space<semaphore_mem>>)
      tpu.wait_dma2 semaphore(%run_scoped3A : memref<!tpu.dma_semaphore, #tpu.memory_space<semaphore_mem>>) src(%arg8 : memref<16xf32, #tpu.memory_space<hbm>>) dst(%arg19 : memref<16xf32, #tpu.memory_space<vmem>>)
      tpu.yield
    }) : () -> ()
    %get3A_3 = arith.constant 0 : index
    %get3A_4 = tpu.vector_load %arg19[%get3A_3] {strides = array<i32>} : memref<16xf32, #tpu.memory_space<vmem>>, vector<16xf32>,
    %get3A_5 = vector.shape_cast %get3A_4 : vector<16xf32> to vector<16xf32>
    %add3A_6 = arith.addf %get3A_2, %get3A_5 : vector<16xf32>
    %gt3A = arith.constant 0.000000e+00 : f32
    %gt3A_7 = vector.broadcast %gt3A : f32 to vector<16xf32>
    %gt3A_8 = arith.cmpf ogt, %add3A_6, %gt3A_7 : vector<16xf32>
    %mul3A_9 = arith.constant 2.000000e-01 : f32
    %mul3A_10 = vector.broadcast %mul3A_9 : f32 to vector<16xf32>
    %mul3A_11 = arith.mulf %mul3A_10, %add3A_6 : vector<16xf32>
    %select_n3A = arith.select %gt3A_8, %add3A_6, %mul3A_11 : vector<16xi1>, vector<16xf32>
    %mul3A_12 = arith.constant 632 : i32
    %mul3A_13 = arith.muli %arg1, %mul3A_12 : i32
    %multiple_of3A = tpu.assume_multiple %mul3A_13, 8 : i32
    %dma_start3A = arith.constant 0 : i32
    %dma_start3A_14 = tpu.memref_slice %arg21[%multiple_of3A, %dma_start3A] : memref<10112x128xf32, #tpu.memory_space<vmem_shared>> -> memref<632x128xf32, #tpu.memory_space<vmem_shared>>
    tpu.enqueue_dma source(%arg9 : memref<632x128xf32, #tpu.memory_space<hbm>>) target(%dma_start3A_14 : memref<632x128xf32, #tpu.memory_space<vmem_shared>>) target_semaphore(%arg22 : memref<!tpu.dma_semaphore, #tpu.memory_space<semaphore_mem>>)
    %dma_start3A_15 = arith.constant 0 : i32
    %dma_start3A_16 = tpu.memref_slice %arg20[%multiple_of3A, %dma_start3A_15] : memref<10112x16xf32, #tpu.memory_space<vmem_shared>> -> memref<632x16xf32, #tpu.memory_space<vmem_shared>>
    tpu.enqueue_dma source(%arg10 : memref<632x16xf32, #tpu.memory_space<hbm>>) target(%dma_start3A_16 : memref<632x16xf32, #tpu.memory_space<vmem_shared>>) target_semaphore(%arg23 : memref<!tpu.dma_semaphore, #tpu.memory_space<semaphore_mem>>)
    %dma_wait3A = arith.constant 0 : i32
    %dma_wait3A_17 = tpu.memref_slice %arg21[%multiple_of3A, %dma_wait3A] : memref<10112x128xf32, #tpu.memory_space<vmem_shared>> -> memref<632x128xf32, #tpu.memory_space<vmem_shared>>
    tpu.wait_dma2 semaphore(%arg22 : memref<!tpu.dma_semaphore, #tpu.memory_space<semaphore_mem>>) src(%arg9 : memref<632x128xf32, #tpu.memory_space<hbm>>) dst(%dma_wait3A_17 : memref<632x128xf32, #tpu.memory_space<vmem_shared>>)
    %dma_wait3A_18 = arith.constant 0 : i32
    %dma_wait3A_19 = tpu.memref_slice %arg20[%multiple_of3A, %dma_wait3A_18] : memref<10112x16xf32, #tpu.memory_space<vmem_shared>> -> memref<632x16xf32, #tpu.memory_space<vmem_shared>>
    tpu.wait_dma2 semaphore(%arg23 : memref<!tpu.dma_semaphore, #tpu.memory_space<semaphore_mem>>) src(%arg10 : memref<632x16xf32, #tpu.memory_space<hbm>>) dst(%dma_wait3A_19 : memref<632x16xf32, #tpu.memory_space<vmem_shared>>)
    %barrier3A = arith.constant 0 : index
    tpu.barrier barrier_id(%barrier3A)
    %scan3A = arith.constant 0 : i32
    %scan3A_20 = arith.constant 0 : i32
    %scan3A_21 = arith.constant 78 : i32
    %scan3A_22 = arith.addi %scan3A_20, %scan3A_21 : i32
    %scan3A_23 = arith.constant 1 : i32
    scf.for %scan3A_28 = %scan3A_20 to %scan3A_22 step %scan3A_23  : i32 {
      %mul3A_29 = arith.constant 2 : i32
      %mul3A_30 = arith.muli %mul3A_29, %scan3A_28 : i32
      %mul3A_31 = arith.constant 32 : i32
      %mul3A_32 = arith.muli %mul3A_30, %mul3A_31 : i32
      %add3A_33 = arith.addi %add3A, %mul3A_32 : i32
      %mul3A_34 = arith.constant 64 : i32
      %mul3A_35 = arith.muli %add3A_33, %mul3A_34 : i32
      %run_scoped3A = arith.constant 0 : i32
      "tpu.region"() ({
        %run_scoped3A_212 = tpu.sem_alloc : memref<!tpu.dma_semaphore, #tpu.memory_space<semaphore_mem>>
        %dma_start3A_213 = arith.constant 0 : i32
        %dma_start3A_214 = tpu.memref_slice %arg13[%run_scoped3A, %dma_start3A_213] : memref<2x64xi32, #tpu.memory_space<vmem>> -> memref<1x64xi32, #tpu.memory_space<vmem>>
        %dma_start3A_215 = tpu.memref_squeeze %dma_start3A_214 : memref<1x64xi32, #tpu.memory_space<vmem>> -> memref<64xi32, #tpu.memory_space<vmem>>
        %dma_start3A_216 = tpu.memref_slice %arg2[%mul3A_35] : memref<320000xi32, #tpu.memory_space<hbm>> -> memref<64xi32, #tpu.memory_space<hbm>>
        %dma_start3A_217 = arith.constant 0 : i32
        %dma_start3A_218 = tpu.memref_slice %arg13[%run_scoped3A, %dma_start3A_217] : memref<2x64xi32, #tpu.memory_space<vmem>> -> memref<1x64xi32, #tpu.memory_space<vmem>>
        %dma_start3A_219 = tpu.memref_squeeze %dma_start3A_218 : memref<1x64xi32, #tpu.memory_space<vmem>> -> memref<64xi32, #tpu.memory_space<vmem>>
        %dma_start3A_220 = tpu.memref_slice %arg2[%mul3A_35] : memref<320000xi32, #tpu.memory_space<hbm>> -> memref<64xi32, #tpu.memory_space<hbm>>
        tpu.enqueue_dma source(%dma_start3A_220 : memref<64xi32, #tpu.memory_space<hbm>>) target(%dma_start3A_219 : memref<64xi32, #tpu.memory_space<vmem>>) target_semaphore(%run_scoped3A_212 : memref<!tpu.dma_semaphore, #tpu.memory_space<semaphore_mem>>)
        %dma_wait3A_221 = arith.constant 0 : i32
        %dma_wait3A_222 = tpu.memref_slice %arg13[%run_scoped3A, %dma_wait3A_221] : memref<2x64xi32, #tpu.memory_space<vmem>> -> memref<1x64xi32, #tpu.memory_space<vmem>>
        %dma_wait3A_223 = tpu.memref_squeeze %dma_wait3A_222 : memref<1x64xi32, #tpu.memory_space<vmem>> -> memref<64xi32, #tpu.memory_space<vmem>>
        %dma_wait3A_224 = tpu.memref_slice %arg2[%mul3A_35] : memref<320000xi32, #tpu.memory_space<hbm>> -> memref<64xi32, #tpu.memory_space<hbm>>
        %dma_wait3A_225 = arith.constant 0 : i32
        %dma_wait3A_226 = tpu.memref_slice %arg13[%run_scoped3A, %dma_wait3A_225] : memref<2x64xi32, #tpu.memory_space<vmem>> -> memref<1x64xi32, #tpu.memory_space<vmem>>
        %dma_wait3A_227 = tpu.memref_squeeze %dma_wait3A_226 : memref<1x64xi32, #tpu.memory_space<vmem>> -> memref<64xi32, #tpu.memory_space<vmem>>
        %dma_wait3A_228 = tpu.memref_slice %arg2[%mul3A_35] : memref<320000xi32, #tpu.memory_space<hbm>> -> memref<64xi32, #tpu.memory_space<hbm>>
        tpu.wait_dma2 semaphore(%run_scoped3A_212 : memref<!tpu.dma_semaphore, #tpu.memory_space<semaphore_mem>>) src(%dma_wait3A_228 : memref<64xi32, #tpu.memory_space<hbm>>) dst(%dma_wait3A_227 : memref<64xi32, #tpu.memory_space<vmem>>)
        tpu.yield
      }) : () -> ()
      %run_scoped3A_36 = arith.constant 0 : i32
      "tpu.region"() ({
        %run_scoped3A_212 = tpu.sem_alloc : memref<!tpu.dma_semaphore, #tpu.memory_space<semaphore_mem>>
        %dma_start3A_213 = arith.constant 0 : i32
        %dma_start3A_214 = tpu.memref_slice %arg14[%run_scoped3A_36, %dma_start3A_213] : memref<2x64xi32, #tpu.memory_space<vmem>> -> memref<1x64xi32, #tpu.memory_space<vmem>>
        %dma_start3A_215 = tpu.memref_squeeze %dma_start3A_214 : memref<1x64xi32, #tpu.memory_space<vmem>> -> memref<64xi32, #tpu.memory_space<vmem>>
        %dma_start3A_216 = tpu.memref_slice %arg3[%mul3A_35] : memref<320000xi32, #tpu.memory_space<hbm>> -> memref<64xi32, #tpu.memory_space<hbm>>
        %dma_start3A_217 = arith.constant 0 : i32
        %dma_start3A_218 = tpu.memref_slice %arg14[%run_scoped3A_36, %dma_start3A_217] : memref<2x64xi32, #tpu.memory_space<vmem>> -> memref<1x64xi32, #tpu.memory_space<vmem>>
        %dma_start3A_219 = tpu.memref_squeeze %dma_start3A_218 : memref<1x64xi32, #tpu.memory_space<vmem>> -> memref<64xi32, #tpu.memory_space<vmem>>
        %dma_start3A_220 = tpu.memref_slice %arg3[%mul3A_35] : memref<320000xi32, #tpu.memory_space<hbm>> -> memref<64xi32, #tpu.memory_space<hbm>>
        tpu.enqueue_dma source(%dma_start3A_220 : memref<64xi32, #tpu.memory_space<hbm>>) target(%dma_start3A_219 : memref<64xi32, #tpu.memory_space<vmem>>) target_semaphore(%run_scoped3A_212 : memref<!tpu.dma_semaphore, #tpu.memory_space<semaphore_mem>>)
        %dma_wait3A_221 = arith.constant 0 : i32
        %dma_wait3A_222 = tpu.memref_slice %arg14[%run_scoped3A_36, %dma_wait3A_221] : memref<2x64xi32, #tpu.memory_space<vmem>> -> memref<1x64xi32, #tpu.memory_space<vmem>>
        %dma_wait3A_223 = tpu.memref_squeeze %dma_wait3A_222 : memref<1x64xi32, #tpu.memory_space<vmem>> -> memref<64xi32, #tpu.memory_space<vmem>>
        %dma_wait3A_224 = tpu.memref_slice %arg3[%mul3A_35] : memref<320000xi32, #tpu.memory_space<hbm>> -> memref<64xi32, #tpu.memory_space<hbm>>
        %dma_wait3A_225 = arith.constant 0 : i32
        %dma_wait3A_226 = tpu.memref_slice %arg14[%run_scoped3A_36, %dma_wait3A_225] : memref<2x64xi32, #tpu.memory_space<vmem>> -> memref<1x64xi32, #tpu.memory_space<vmem>>
        %dma_wait3A_227 = tpu.memref_squeeze %dma_wait3A_226 : memref<1x64xi32, #tpu.memory_space<vmem>> -> memref<64xi32, #tpu.memory_space<vmem>>
        %dma_wait3A_228 = tpu.memref_slice %arg3[%mul3A_35] : memref<320000xi32, #tpu.memory_space<hbm>> -> memref<64xi32, #tpu.memory_space<hbm>>
        tpu.wait_dma2 semaphore(%run_scoped3A_212 : memref<!tpu.dma_semaphore, #tpu.memory_space<semaphore_mem>>) src(%dma_wait3A_228 : memref<64xi32, #tpu.memory_space<hbm>>) dst(%dma_wait3A_227 : memref<64xi32, #tpu.memory_space<vmem>>)
        tpu.yield
      }) : () -> ()
      %dma_start3A_37 = arith.constant 0 : i32
      %dma_start3A_38 = arith.constant 0 : i32
      %dma_start3A_39 = arith.constant 0 : i32
      %dma_start3A_40 = arith.constant 0 : i32
      %dma_start3A_41 = tpu.memref_slice %arg15[%dma_start3A_38, %dma_start3A_39, %dma_start3A_40] : memref<2x64x16xf32, #tpu.memory_space<vmem>> -> memref<1x64x16xf32, #tpu.memory_space<vmem>>
      %dma_start3A_42 = tpu.memref_squeeze %dma_start3A_41 : memref<1x64x16xf32, #tpu.memory_space<vmem>> -> memref<64x16xf32, #tpu.memory_space<vmem>>
      %dma_start3A_43 = arith.constant 0 : i32
      %dma_start3A_44 = tpu.memref_slice %arg13[%dma_start3A_37, %dma_start3A_43] : memref<2x64xi32, #tpu.memory_space<vmem>> -> memref<1x64xi32, #tpu.memory_space<vmem>>
      %dma_start3A_45 = tpu.memref_squeeze %dma_start3A_44 : memref<1x64xi32, #tpu.memory_space<vmem>> -> memref<64xi32, #tpu.memory_space<vmem>>
      %dma_start3A_46 = arith.constant 0 : i32
      %dma_start3A_47 = arith.constant 0 : i32
      %dma_start3A_48 = tpu.memref_slice %arg4[%dma_start3A_46, %dma_start3A_47] : memref<10000x16xf32, #tpu.memory_space<hbm>> -> memref<10000x16xf32, #tpu.memory_space<hbm>>
      tpu.enqueue_indirect_dma source(%dma_start3A_48 : memref<10000x16xf32, #tpu.memory_space<hbm>>) target(%dma_start3A_42 : memref<64x16xf32, #tpu.memory_space<vmem>>) offsets(%dma_start3A_45 : memref<64xi32, #tpu.memory_space<vmem>>) semaphore(%arg22 : memref<!tpu.dma_semaphore, #tpu.memory_space<semaphore_mem>>)
      %dma_start3A_49 = arith.constant 0 : i32
      %dma_start3A_50 = arith.constant 0 : i32
      %dma_start3A_51 = arith.constant 0 : i32
      %dma_start3A_52 = arith.constant 0 : i32
      %dma_start3A_53 = tpu.memref_slice %arg16[%dma_start3A_50, %dma_start3A_51, %dma_start3A_52] : memref<2x64x16xf32, #tpu.memory_space<vmem>> -> memref<1x64x16xf32, #tpu.memory_space<vmem>>
      %dma_start3A_54 = tpu.memref_squeeze %dma_start3A_53 : memref<1x64x16xf32, #tpu.memory_space<vmem>> -> memref<64x16xf32, #tpu.memory_space<vmem>>
      %dma_start3A_55 = arith.constant 0 : i32
      %dma_start3A_56 = tpu.memref_slice %arg14[%dma_start3A_49, %dma_start3A_55] : memref<2x64xi32, #tpu.memory_space<vmem>> -> memref<1x64xi32, #tpu.memory_space<vmem>>
      %dma_start3A_57 = tpu.memref_squeeze %dma_start3A_56 : memref<1x64xi32, #tpu.memory_space<vmem>> -> memref<64xi32, #tpu.memory_space<vmem>>
      %dma_start3A_58 = arith.constant 0 : i32
      %dma_start3A_59 = arith.constant 0 : i32
      %dma_start3A_60 = tpu.memref_slice %arg5[%dma_start3A_58, %dma_start3A_59] : memref<10000x16xf32, #tpu.memory_space<hbm>> -> memref<10000x16xf32, #tpu.memory_space<hbm>>
      tpu.enqueue_indirect_dma source(%dma_start3A_60 : memref<10000x16xf32, #tpu.memory_space<hbm>>) target(%dma_start3A_54 : memref<64x16xf32, #tpu.memory_space<vmem>>) offsets(%dma_start3A_57 : memref<64xi32, #tpu.memory_space<vmem>>) semaphore(%arg23 : memref<!tpu.dma_semaphore, #tpu.memory_space<semaphore_mem>>)
      %dma_start3A_61 = arith.constant 0 : i32
      %dma_start3A_62 = arith.constant 0 : i32
      %dma_start3A_63 = arith.constant 0 : i32
      %dma_start3A_64 = arith.constant 0 : i32
      %dma_start3A_65 = tpu.memref_slice %arg17[%dma_start3A_62, %dma_start3A_63, %dma_start3A_64] : memref<2x64x128xf32, #tpu.memory_space<vmem>> -> memref<1x64x128xf32, #tpu.memory_space<vmem>>
      %dma_start3A_66 = tpu.memref_squeeze %dma_start3A_65 : memref<1x64x128xf32, #tpu.memory_space<vmem>> -> memref<64x128xf32, #tpu.memory_space<vmem>>
      %dma_start3A_67 = arith.constant 0 : i32
      %dma_start3A_68 = tpu.memref_slice %arg13[%dma_start3A_61, %dma_start3A_67] : memref<2x64xi32, #tpu.memory_space<vmem>> -> memref<1x64xi32, #tpu.memory_space<vmem>>
      %dma_start3A_69 = tpu.memref_squeeze %dma_start3A_68 : memref<1x64xi32, #tpu.memory_space<vmem>> -> memref<64xi32, #tpu.memory_space<vmem>>
      %dma_start3A_70 = arith.constant 0 : i32
      %dma_start3A_71 = arith.constant 0 : i32
      %dma_start3A_72 = tpu.memref_slice %arg6[%dma_start3A_70, %dma_start3A_71] : memref<10000x128xf32, #tpu.memory_space<hbm>> -> memref<10000x128xf32, #tpu.memory_space<hbm>>
      tpu.enqueue_indirect_dma source(%dma_start3A_72 : memref<10000x128xf32, #tpu.memory_space<hbm>>) target(%dma_start3A_66 : memref<64x128xf32, #tpu.memory_space<vmem>>) offsets(%dma_start3A_69 : memref<64xi32, #tpu.memory_space<vmem>>) semaphore(%arg24 : memref<!tpu.dma_semaphore, #tpu.memory_space<semaphore_mem>>)
      %mul3A_73 = arith.constant 2 : i32
      %mul3A_74 = arith.muli %mul3A_73, %scan3A_28 : i32
      %add3A_75 = arith.constant 1 : i32
      %add3A_76 = arith.addi %mul3A_74, %add3A_75 : i32
      %mul3A_77 = arith.constant 32 : i32
      %mul3A_78 = arith.muli %add3A_76, %mul3A_77 : i32
      %add3A_79 = arith.addi %add3A, %mul3A_78 : i32
      %mul3A_80 = arith.constant 64 : i32
      %mul3A_81 = arith.muli %add3A_79, %mul3A_80 : i32
      %run_scoped3A_82 = arith.constant 1 : i32
      "tpu.region"() ({
        %run_scoped3A_212 = tpu.sem_alloc : memref<!tpu.dma_semaphore, #tpu.memory_space<semaphore_mem>>
        %dma_start3A_213 = arith.constant 0 : i32
        %dma_start3A_214 = tpu.memref_slice %arg13[%run_scoped3A_82, %dma_start3A_213] : memref<2x64xi32, #tpu.memory_space<vmem>> -> memref<1x64xi32, #tpu.memory_space<vmem>>
        %dma_start3A_215 = tpu.memref_squeeze %dma_start3A_214 : memref<1x64xi32, #tpu.memory_space<vmem>> -> memref<64xi32, #tpu.memory_space<vmem>>
        %dma_start3A_216 = tpu.memref_slice %arg2[%mul3A_81] : memref<320000xi32, #tpu.memory_space<hbm>> -> memref<64xi32, #tpu.memory_space<hbm>>
        %dma_start3A_217 = arith.constant 0 : i32
        %dma_start3A_218 = tpu.memref_slice %arg13[%run_scoped3A_82, %dma_start3A_217] : memref<2x64xi32, #tpu.memory_space<vmem>> -> memref<1x64xi32, #tpu.memory_space<vmem>>
        %dma_start3A_219 = tpu.memref_squeeze %dma_start3A_218 : memref<1x64xi32, #tpu.memory_space<vmem>> -> memref<64xi32, #tpu.memory_space<vmem>>
        %dma_start3A_220 = tpu.memref_slice %arg2[%mul3A_81] : memref<320000xi32, #tpu.memory_space<hbm>> -> memref<64xi32, #tpu.memory_space<hbm>>
        tpu.enqueue_dma source(%dma_start3A_220 : memref<64xi32, #tpu.memory_space<hbm>>) target(%dma_start3A_219 : memref<64xi32, #tpu.memory_space<vmem>>) target_semaphore(%run_scoped3A_212 : memref<!tpu.dma_semaphore, #tpu.memory_space<semaphore_mem>>)
        %dma_wait3A_221 = arith.constant 0 : i32
        %dma_wait3A_222 = tpu.memref_slice %arg13[%run_scoped3A_82, %dma_wait3A_221] : memref<2x64xi32, #tpu.memory_space<vmem>> -> memref<1x64xi32, #tpu.memory_space<vmem>>
        %dma_wait3A_223 = tpu.memref_squeeze %dma_wait3A_222 : memref<1x64xi32, #tpu.memory_space<vmem>> -> memref<64xi32, #tpu.memory_space<vmem>>
        %dma_wait3A_224 = tpu.memref_slice %arg2[%mul3A_81] : memref<320000xi32, #tpu.memory_space<hbm>> -> memref<64xi32, #tpu.memory_space<hbm>>
        %dma_wait3A_225 = arith.constant 0 : i32
        %dma_wait3A_226 = tpu.memref_slice %arg13[%run_scoped3A_82, %dma_wait3A_225] : memref<2x64xi32, #tpu.memory_space<vmem>> -> memref<1x64xi32, #tpu.memory_space<vmem>>
        %dma_wait3A_227 = tpu.memref_squeeze %dma_wait3A_226 : memref<1x64xi32, #tpu.memory_space<vmem>> -> memref<64xi32, #tpu.memory_space<vmem>>
        %dma_wait3A_228 = tpu.memref_slice %arg2[%mul3A_81] : memref<320000xi32, #tpu.memory_space<hbm>> -> memref<64xi32, #tpu.memory_space<hbm>>
        tpu.wait_dma2 semaphore(%run_scoped3A_212 : memref<!tpu.dma_semaphore, #tpu.memory_space<semaphore_mem>>) src(%dma_wait3A_228 : memref<64xi32, #tpu.memory_space<hbm>>) dst(%dma_wait3A_227 : memref<64xi32, #tpu.memory_space<vmem>>)
        tpu.yield
      }) : () -> ()
      %run_scoped3A_83 = arith.constant 1 : i32
      "tpu.region"() ({
        %run_scoped3A_212 = tpu.sem_alloc : memref<!tpu.dma_semaphore, #tpu.memory_space<semaphore_mem>>
        %dma_start3A_213 = arith.constant 0 : i32
        %dma_start3A_214 = tpu.memref_slice %arg14[%run_scoped3A_83, %dma_start3A_213] : memref<2x64xi32, #tpu.memory_space<vmem>> -> memref<1x64xi32, #tpu.memory_space<vmem>>
        %dma_start3A_215 = tpu.memref_squeeze %dma_start3A_214 : memref<1x64xi32, #tpu.memory_space<vmem>> -> memref<64xi32, #tpu.memory_space<vmem>>
        %dma_start3A_216 = tpu.memref_slice %arg3[%mul3A_81] : memref<320000xi32, #tpu.memory_space<hbm>> -> memref<64xi32, #tpu.memory_space<hbm>>
        %dma_start3A_217 = arith.constant 0 : i32
        %dma_start3A_218 = tpu.memref_slice %arg14[%run_scoped3A_83, %dma_start3A_217] : memref<2x64xi32, #tpu.memory_space<vmem>> -> memref<1x64xi32, #tpu.memory_space<vmem>>
        %dma_start3A_219 = tpu.memref_squeeze %dma_start3A_218 : memref<1x64xi32, #tpu.memory_space<vmem>> -> memref<64xi32, #tpu.memory_space<vmem>>
        %dma_start3A_220 = tpu.memref_slice %arg3[%mul3A_81] : memref<320000xi32, #tpu.memory_space<hbm>> -> memref<64xi32, #tpu.memory_space<hbm>>
        tpu.enqueue_dma source(%dma_start3A_220 : memref<64xi32, #tpu.memory_space<hbm>>) target(%dma_start3A_219 : memref<64xi32, #tpu.memory_space<vmem>>) target_semaphore(%run_scoped3A_212 : memref<!tpu.dma_semaphore, #tpu.memory_space<semaphore_mem>>)
        %dma_wait3A_221 = arith.constant 0 : i32
        %dma_wait3A_222 = tpu.memref_slice %arg14[%run_scoped3A_83, %dma_wait3A_221] : memref<2x64xi32, #tpu.memory_space<vmem>> -> memref<1x64xi32, #tpu.memory_space<vmem>>
        %dma_wait3A_223 = tpu.memref_squeeze %dma_wait3A_222 : memref<1x64xi32, #tpu.memory_space<vmem>> -> memref<64xi32, #tpu.memory_space<vmem>>
        %dma_wait3A_224 = tpu.memref_slice %arg3[%mul3A_81] : memref<320000xi32, #tpu.memory_space<hbm>> -> memref<64xi32, #tpu.memory_space<hbm>>
        %dma_wait3A_225 = arith.constant 0 : i32
        %dma_wait3A_226 = tpu.memref_slice %arg14[%run_scoped3A_83, %dma_wait3A_225] : memref<2x64xi32, #tpu.memory_space<vmem>> -> memref<1x64xi32, #tpu.memory_space<vmem>>
        %dma_wait3A_227 = tpu.memref_squeeze %dma_wait3A_226 : memref<1x64xi32, #tpu.memory_space<vmem>> -> memref<64xi32, #tpu.memory_space<vmem>>
        %dma_wait3A_228 = tpu.memref_slice %arg3[%mul3A_81] : memref<320000xi32, #tpu.memory_space<hbm>> -> memref<64xi32, #tpu.memory_space<hbm>>
        tpu.wait_dma2 semaphore(%run_scoped3A_212 : memref<!tpu.dma_semaphore, #tpu.memory_space<semaphore_mem>>) src(%dma_wait3A_228 : memref<64xi32, #tpu.memory_space<hbm>>) dst(%dma_wait3A_227 : memref<64xi32, #tpu.memory_space<vmem>>)
        tpu.yield
      }) : () -> ()
      %dma_start3A_84 = arith.constant 1 : i32
      %dma_start3A_85 = arith.constant 1 : i32
      %dma_start3A_86 = arith.constant 0 : i32
      %dma_start3A_87 = arith.constant 0 : i32
      %dma_start3A_88 = tpu.memref_slice %arg15[%dma_start3A_85, %dma_start3A_86, %dma_start3A_87] : memref<2x64x16xf32, #tpu.memory_space<vmem>> -> memref<1x64x16xf32, #tpu.memory_space<vmem>>
      %dma_start3A_89 = tpu.memref_squeeze %dma_start3A_88 : memref<1x64x16xf32, #tpu.memory_space<vmem>> -> memref<64x16xf32, #tpu.memory_space<vmem>>
      %dma_start3A_90 = arith.constant 0 : i32
      %dma_start3A_91 = tpu.memref_slice %arg13[%dma_start3A_84, %dma_start3A_90] : memref<2x64xi32, #tpu.memory_space<vmem>> -> memref<1x64xi32, #tpu.memory_space<vmem>>
      %dma_start3A_92 = tpu.memref_squeeze %dma_start3A_91 : memref<1x64xi32, #tpu.memory_space<vmem>> -> memref<64xi32, #tpu.memory_space<vmem>>
      %dma_start3A_93 = arith.constant 0 : i32
      %dma_start3A_94 = arith.constant 0 : i32
      %dma_start3A_95 = tpu.memref_slice %arg4[%dma_start3A_93, %dma_start3A_94] : memref<10000x16xf32, #tpu.memory_space<hbm>> -> memref<10000x16xf32, #tpu.memory_space<hbm>>
      tpu.enqueue_indirect_dma source(%dma_start3A_95 : memref<10000x16xf32, #tpu.memory_space<hbm>>) target(%dma_start3A_89 : memref<64x16xf32, #tpu.memory_space<vmem>>) offsets(%dma_start3A_92 : memref<64xi32, #tpu.memory_space<vmem>>) semaphore(%arg22 : memref<!tpu.dma_semaphore, #tpu.memory_space<semaphore_mem>>)
      %dma_start3A_96 = arith.constant 1 : i32
      %dma_start3A_97 = arith.constant 1 : i32
      %dma_start3A_98 = arith.constant 0 : i32
      %dma_start3A_99 = arith.constant 0 : i32
      %dma_start3A_100 = tpu.memref_slice %arg16[%dma_start3A_97, %dma_start3A_98, %dma_start3A_99] : memref<2x64x16xf32, #tpu.memory_space<vmem>> -> memref<1x64x16xf32, #tpu.memory_space<vmem>>
      %dma_start3A_101 = tpu.memref_squeeze %dma_start3A_100 : memref<1x64x16xf32, #tpu.memory_space<vmem>> -> memref<64x16xf32, #tpu.memory_space<vmem>>
      %dma_start3A_102 = arith.constant 0 : i32
      %dma_start3A_103 = tpu.memref_slice %arg14[%dma_start3A_96, %dma_start3A_102] : memref<2x64xi32, #tpu.memory_space<vmem>> -> memref<1x64xi32, #tpu.memory_space<vmem>>
      %dma_start3A_104 = tpu.memref_squeeze %dma_start3A_103 : memref<1x64xi32, #tpu.memory_space<vmem>> -> memref<64xi32, #tpu.memory_space<vmem>>
      %dma_start3A_105 = arith.constant 0 : i32
      %dma_start3A_106 = arith.constant 0 : i32
      %dma_start3A_107 = tpu.memref_slice %arg5[%dma_start3A_105, %dma_start3A_106] : memref<10000x16xf32, #tpu.memory_space<hbm>> -> memref<10000x16xf32, #tpu.memory_space<hbm>>
      tpu.enqueue_indirect_dma source(%dma_start3A_107 : memref<10000x16xf32, #tpu.memory_space<hbm>>) target(%dma_start3A_101 : memref<64x16xf32, #tpu.memory_space<vmem>>) offsets(%dma_start3A_104 : memref<64xi32, #tpu.memory_space<vmem>>) semaphore(%arg23 : memref<!tpu.dma_semaphore, #tpu.memory_space<semaphore_mem>>)
      %dma_start3A_108 = arith.constant 1 : i32
      %dma_start3A_109 = arith.constant 1 : i32
      %dma_start3A_110 = arith.constant 0 : i32
      %dma_start3A_111 = arith.constant 0 : i32
      %dma_start3A_112 = tpu.memref_slice %arg17[%dma_start3A_109, %dma_start3A_110, %dma_start3A_111] : memref<2x64x128xf32, #tpu.memory_space<vmem>> -> memref<1x64x128xf32, #tpu.memory_space<vmem>>
      %dma_start3A_113 = tpu.memref_squeeze %dma_start3A_112 : memref<1x64x128xf32, #tpu.memory_space<vmem>> -> memref<64x128xf32, #tpu.memory_space<vmem>>
      %dma_start3A_114 = arith.constant 0 : i32
      %dma_start3A_115 = tpu.memref_slice %arg13[%dma_start3A_108, %dma_start3A_114] : memref<2x64xi32, #tpu.memory_space<vmem>> -> memref<1x64xi32, #tpu.memory_space<vmem>>
      %dma_start3A_116 = tpu.memref_squeeze %dma_start3A_115 : memref<1x64xi32, #tpu.memory_space<vmem>> -> memref<64xi32, #tpu.memory_space<vmem>>
      %dma_start3A_117 = arith.constant 0 : i32
      %dma_start3A_118 = arith.constant 0 : i32
      %dma_start3A_119 = tpu.memref_slice %arg6[%dma_start3A_117, %dma_start3A_118] : memref<10000x128xf32, #tpu.memory_space<hbm>> -> memref<10000x128xf32, #tpu.memory_space<hbm>>
      tpu.enqueue_indirect_dma source(%dma_start3A_119 : memref<10000x128xf32, #tpu.memory_space<hbm>>) target(%dma_start3A_113 : memref<64x128xf32, #tpu.memory_space<vmem>>) offsets(%dma_start3A_116 : memref<64xi32, #tpu.memory_space<vmem>>) semaphore(%arg24 : memref<!tpu.dma_semaphore, #tpu.memory_space<semaphore_mem>>)
      %dma_wait3A_120 = arith.constant 0 : i32
      %dma_wait3A_121 = arith.constant 0 : i32
      %dma_wait3A_122 = arith.constant 0 : i32
      %dma_wait3A_123 = arith.constant 0 : i32
      %dma_wait3A_124 = tpu.memref_slice %arg15[%dma_wait3A_121, %dma_wait3A_122, %dma_wait3A_123] : memref<2x64x16xf32, #tpu.memory_space<vmem>> -> memref<1x64x16xf32, #tpu.memory_space<vmem>>
      %dma_wait3A_125 = tpu.memref_squeeze %dma_wait3A_124 : memref<1x64x16xf32, #tpu.memory_space<vmem>> -> memref<64x16xf32, #tpu.memory_space<vmem>>
      %dma_wait3A_126 = arith.constant 0 : i32
      %dma_wait3A_127 = tpu.memref_slice %arg13[%dma_wait3A_120, %dma_wait3A_126] : memref<2x64xi32, #tpu.memory_space<vmem>> -> memref<1x64xi32, #tpu.memory_space<vmem>>
      %dma_wait3A_128 = tpu.memref_squeeze %dma_wait3A_127 : memref<1x64xi32, #tpu.memory_space<vmem>> -> memref<64xi32, #tpu.memory_space<vmem>>
      %dma_wait3A_129 = arith.constant 0 : i32
      %dma_wait3A_130 = arith.constant 0 : i32
      %dma_wait3A_131 = tpu.memref_slice %arg4[%dma_wait3A_129, %dma_wait3A_130] : memref<10000x16xf32, #tpu.memory_space<hbm>> -> memref<10000x16xf32, #tpu.memory_space<hbm>>
      tpu.wait_indirect_dma semaphore(%arg22 : memref<!tpu.dma_semaphore, #tpu.memory_space<semaphore_mem>>) src(%dma_wait3A_131 : memref<10000x16xf32, #tpu.memory_space<hbm>>) dst(%dma_wait3A_125 : memref<64x16xf32, #tpu.memory_space<vmem>>)
      %dma_wait3A_132 = arith.constant 0 : i32
      %dma_wait3A_133 = arith.constant 0 : i32
      %dma_wait3A_134 = arith.constant 0 : i32
      %dma_wait3A_135 = arith.constant 0 : i32
      %dma_wait3A_136 = tpu.memref_slice %arg16[%dma_wait3A_133, %dma_wait3A_134, %dma_wait3A_135] : memref<2x64x16xf32, #tpu.memory_space<vmem>> -> memref<1x64x16xf32, #tpu.memory_space<vmem>>
      %dma_wait3A_137 = tpu.memref_squeeze %dma_wait3A_136 : memref<1x64x16xf32, #tpu.memory_space<vmem>> -> memref<64x16xf32, #tpu.memory_space<vmem>>
      %dma_wait3A_138 = arith.constant 0 : i32
      %dma_wait3A_139 = tpu.memref_slice %arg14[%dma_wait3A_132, %dma_wait3A_138] : memref<2x64xi32, #tpu.memory_space<vmem>> -> memref<1x64xi32, #tpu.memory_space<vmem>>
      %dma_wait3A_140 = tpu.memref_squeeze %dma_wait3A_139 : memref<1x64xi32, #tpu.memory_space<vmem>> -> memref<64xi32, #tpu.memory_space<vmem>>
      %dma_wait3A_141 = arith.constant 0 : i32
      %dma_wait3A_142 = arith.constant 0 : i32
      %dma_wait3A_143 = tpu.memref_slice %arg5[%dma_wait3A_141, %dma_wait3A_142] : memref<10000x16xf32, #tpu.memory_space<hbm>> -> memref<10000x16xf32, #tpu.memory_space<hbm>>
      tpu.wait_indirect_dma semaphore(%arg23 : memref<!tpu.dma_semaphore, #tpu.memory_space<semaphore_mem>>) src(%dma_wait3A_143 : memref<10000x16xf32, #tpu.memory_space<hbm>>) dst(%dma_wait3A_137 : memref<64x16xf32, #tpu.memory_space<vmem>>)
      %dma_wait3A_144 = arith.constant 0 : i32
      %dma_wait3A_145 = arith.constant 0 : i32
      %dma_wait3A_146 = arith.constant 0 : i32
      %dma_wait3A_147 = arith.constant 0 : i32
      %dma_wait3A_148 = tpu.memref_slice %arg17[%dma_wait3A_145, %dma_wait3A_146, %dma_wait3A_147] : memref<2x64x128xf32, #tpu.memory_space<vmem>> -> memref<1x64x128xf32, #tpu.memory_space<vmem>>
      %dma_wait3A_149 = tpu.memref_squeeze %dma_wait3A_148 : memref<1x64x128xf32, #tpu.memory_space<vmem>> -> memref<64x128xf32, #tpu.memory_space<vmem>>
      %dma_wait3A_150 = arith.constant 0 : i32
      %dma_wait3A_151 = tpu.memref_slice %arg13[%dma_wait3A_144, %dma_wait3A_150] : memref<2x64xi32, #tpu.memory_space<vmem>> -> memref<1x64xi32, #tpu.memory_space<vmem>>
      %dma_wait3A_152 = tpu.memref_squeeze %dma_wait3A_151 : memref<1x64xi32, #tpu.memory_space<vmem>> -> memref<64xi32, #tpu.memory_space<vmem>>
      %dma_wait3A_153 = arith.constant 0 : i32
      %dma_wait3A_154 = arith.constant 0 : i32
      %dma_wait3A_155 = tpu.memref_slice %arg6[%dma_wait3A_153, %dma_wait3A_154] : memref<10000x128xf32, #tpu.memory_space<hbm>> -> memref<10000x128xf32, #tpu.memory_space<hbm>>
      tpu.wait_indirect_dma semaphore(%arg24 : memref<!tpu.dma_semaphore, #tpu.memory_space<semaphore_mem>>) src(%dma_wait3A_155 : memref<10000x128xf32, #tpu.memory_space<hbm>>) dst(%dma_wait3A_149 : memref<64x128xf32, #tpu.memory_space<vmem>>)
      %scan3A_156 = arith.constant 0 : i32
      %scan3A_157 = arith.constant 0 : i32
      %scan3A_158 = arith.constant 64 : i32
      %scan3A_159 = arith.addi %scan3A_157, %scan3A_158 : i32
      %scan3A_160 = arith.constant 1 : i32
      scf.for %scan3A_212 = %scan3A_157 to %scan3A_159 step %scan3A_160  : i32 {
        %get3A_213 = arith.constant 0 : i32
        %get3A_214 = arith.index_cast %get3A_213 : i32 to index
        %get3A_215 = arith.index_cast %scan3A_212 : i32 to index
        %get3A_216 = arith.constant 0 : index
        %get3A_217 = tpu.vector_load %arg15[%get3A_214, %get3A_215, %get3A_216] {strides = array<i32>} : memref<2x64x16xf32, #tpu.memory_space<vmem>>, vector<1x1x16xf32>,
        %get3A_218 = vector.shape_cast %get3A_217 : vector<1x1x16xf32> to vector<16xf32>
        %get3A_219 = arith.constant 0 : i32
        %get3A_220 = arith.index_cast %get3A_219 : i32 to index
        %get3A_221 = arith.index_cast %scan3A_212 : i32 to index
        %get3A_222 = arith.constant 0 : index
        %get3A_223 = tpu.vector_load %arg16[%get3A_220, %get3A_221, %get3A_222] {strides = array<i32>} : memref<2x64x16xf32, #tpu.memory_space<vmem>>, vector<1x1x16xf32>,
        %get3A_224 = vector.shape_cast %get3A_223 : vector<1x1x16xf32> to vector<16xf32>
        %add3A_225 = arith.addf %get3A_218, %get3A_224 : vector<16xf32>
        %gt3A_226 = arith.constant 0.000000e+00 : f32
        %gt3A_227 = vector.broadcast %gt3A_226 : f32 to vector<16xf32>
        %gt3A_228 = arith.cmpf ogt, %add3A_225, %gt3A_227 : vector<16xf32>
        %mul3A_229 = arith.constant 2.000000e-01 : f32
        %mul3A_230 = vector.broadcast %mul3A_229 : f32 to vector<16xf32>
        %mul3A_231 = arith.mulf %mul3A_230, %add3A_225 : vector<16xf32>
        %select_n3A_232 = arith.select %gt3A_228, %add3A_225, %mul3A_231 : vector<16xi1>, vector<16xf32>
        %sub3A = arith.subf %select_n3A_232, %select_n3A : vector<16xf32>
        %exp3A = math.exp %sub3A : vector<16xf32>
        %swap3A = arith.constant 0 : i32
        %swap3A_233 = arith.index_cast %swap3A : i32 to index
        %swap3A_234 = arith.index_cast %scan3A_212 : i32 to index
        %swap3A_235 = arith.constant 0 : index
        %swap3A_236 = tpu.vector_load %arg18[%swap3A_233, %swap3A_234, %swap3A_235] {strides = array<i32>} : memref<2x64x16xf32, #tpu.memory_space<vmem>>, vector<1x1x16xf32>,
        %swap3A_237 = vector.shape_cast %swap3A_236 : vector<1x1x16xf32> to vector<16xf32>
        %swap3A_238 = vector.shape_cast %exp3A : vector<16xf32> to vector<1x1x16xf32>
        tpu.vector_store %arg18[%swap3A_233, %swap3A_234, %swap3A_235], %swap3A_238 {strides = array<i32>} : memref<2x64x16xf32, #tpu.memory_space<vmem>>, vector<1x1x16xf32>,
        %slice3A = vector.extract_strided_slice %exp3A {offsets = [0], sizes = [1], strides = [1]} : vector<16xf32> to vector<1xf32>
        %squeeze3A = vector.extract %slice3A[0] : f32 from vector<1xf32>
        %get3A_239 = arith.constant 0 : i32
        %get3A_240 = arith.index_cast %get3A_239 : i32 to index
        %get3A_241 = arith.index_cast %scan3A_212 : i32 to index
        %get3A_242 = arith.constant 0 : index
        %get3A_243 = tpu.vector_load %arg17[%get3A_240, %get3A_241, %get3A_242] {strides = array<i32>} : memref<2x64x128xf32, #tpu.memory_space<vmem>>, vector<1x1x16xf32>,
        %get3A_244 = vector.shape_cast %get3A_243 : vector<1x1x16xf32> to vector<16xf32>
        %mul3A_245 = vector.broadcast %squeeze3A : f32 to vector<16xf32>
        %mul3A_246 = arith.mulf %get3A_244, %mul3A_245 : vector<16xf32>
        %swap3A_247 = arith.constant 0 : i32
        %swap3A_248 = arith.index_cast %swap3A_247 : i32 to index
        %swap3A_249 = arith.index_cast %scan3A_212 : i32 to index
        %swap3A_250 = arith.constant 0 : index
        %swap3A_251 = tpu.vector_load %arg17[%swap3A_248, %swap3A_249, %swap3A_250] {strides = array<i32>} : memref<2x64x128xf32, #tpu.memory_space<vmem>>, vector<1x1x16xf32>,
        %swap3A_252 = vector.shape_cast %swap3A_251 : vector<1x1x16xf32> to vector<16xf32>
        %swap3A_253 = vector.shape_cast %mul3A_246 : vector<16xf32> to vector<1x1x16xf32>
        tpu.vector_store %arg17[%swap3A_248, %swap3A_249, %swap3A_250], %swap3A_253 {strides = array<i32>} : memref<2x64x128xf32, #tpu.memory_space<vmem>>, vector<1x1x16xf32>,
        %slice3A_254 = vector.extract_strided_slice %exp3A {offsets = [1], sizes = [1], strides = [1]} : vector<16xf32> to vector<1xf32>
        %squeeze3A_255 = vector.extract %slice3A_254[0] : f32 from vector<1xf32>
        %get3A_256 = arith.constant 0 : i32
        %get3A_257 = arith.index_cast %get3A_256 : i32 to index
        %get3A_258 = arith.index_cast %scan3A_212 : i32 to index
        %get3A_259 = arith.constant 16 : index
        %get3A_260 = tpu.vector_load %arg17[%get3A_257, %get3A_258, %get3A_259] {strides = array<i32>} : memref<2x64x128xf32, #tpu.memory_space<vmem>>, vector<1x1x16xf32>,
        %get3A_261 = vector.shape_cast %get3A_260 : vector<1x1x16xf32> to vector<16xf32>
        %mul3A_262 = vector.broadcast %squeeze3A_255 : f32 to vector<16xf32>
        %mul3A_263 = arith.mulf %get3A_261, %mul3A_262 : vector<16xf32>
        %swap3A_264 = arith.constant 0 : i32
        %swap3A_265 = arith.index_cast %swap3A_264 : i32 to index
        %swap3A_266 = arith.index_cast %scan3A_212 : i32 to index
        %swap3A_267 = arith.constant 16 : index
        %swap3A_268 = tpu.vector_load %arg17[%swap3A_265, %swap3A_266, %swap3A_267] {strides = array<i32>} : memref<2x64x128xf32, #tpu.memory_space<vmem>>, vector<1x1x16xf32>,
        %swap3A_269 = vector.shape_cast %swap3A_268 : vector<1x1x16xf32> to vector<16xf32>
        %swap3A_270 = vector.shape_cast %mul3A_263 : vector<16xf32> to vector<1x1x16xf32>
        tpu.vector_store %arg17[%swap3A_265, %swap3A_266, %swap3A_267], %swap3A_270 {strides = array<i32>} : memref<2x64x128xf32, #tpu.memory_space<vmem>>, vector<1x1x16xf32>,
        %slice3A_271 = vector.extract_strided_slice %exp3A {offsets = [2], sizes = [1], strides = [1]} : vector<16xf32> to vector<1xf32>
        %squeeze3A_272 = vector.extract %slice3A_271[0] : f32 from vector<1xf32>
        %get3A_273 = arith.constant 0 : i32
        %get3A_274 = arith.index_cast %get3A_273 : i32 to index
        %get3A_275 = arith.index_cast %scan3A_212 : i32 to index
        %get3A_276 = arith.constant 32 : index
        %get3A_277 = tpu.vector_load %arg17[%get3A_274, %get3A_275, %get3A_276] {strides = array<i32>} : memref<2x64x128xf32, #tpu.memory_space<vmem>>, vector<1x1x16xf32>,
        %get3A_278 = vector.shape_cast %get3A_277 : vector<1x1x16xf32> to vector<16xf32>
        %mul3A_279 = vector.broadcast %squeeze3A_272 : f32 to vector<16xf32>
        %mul3A_280 = arith.mulf %get3A_278, %mul3A_279 : vector<16xf32>
        %swap3A_281 = arith.constant 0 : i32
        %swap3A_282 = arith.index_cast %swap3A_281 : i32 to index
        %swap3A_283 = arith.index_cast %scan3A_212 : i32 to index
        %swap3A_284 = arith.constant 32 : index
        %swap3A_285 = tpu.vector_load %arg17[%swap3A_282, %swap3A_283, %swap3A_284] {strides = array<i32>} : memref<2x64x128xf32, #tpu.memory_space<vmem>>, vector<1x1x16xf32>,
        %swap3A_286 = vector.shape_cast %swap3A_285 : vector<1x1x16xf32> to vector<16xf32>
        %swap3A_287 = vector.shape_cast %mul3A_280 : vector<16xf32> to vector<1x1x16xf32>
        tpu.vector_store %arg17[%swap3A_282, %swap3A_283, %swap3A_284], %swap3A_287 {strides = array<i32>} : memref<2x64x128xf32, #tpu.memory_space<vmem>>, vector<1x1x16xf32>,
        %slice3A_288 = vector.extract_strided_slice %exp3A {offsets = [3], sizes = [1], strides = [1]} : vector<16xf32> to vector<1xf32>
        %squeeze3A_289 = vector.extract %slice3A_288[0] : f32 from vector<1xf32>
        %get3A_290 = arith.constant 0 : i32
        %get3A_291 = arith.index_cast %get3A_290 : i32 to index
        %get3A_292 = arith.index_cast %scan3A_212 : i32 to index
        %get3A_293 = arith.constant 48 : index
        %get3A_294 = tpu.vector_load %arg17[%get3A_291, %get3A_292, %get3A_293] {strides = array<i32>} : memref<2x64x128xf32, #tpu.memory_space<vmem>>, vector<1x1x16xf32>,
        %get3A_295 = vector.shape_cast %get3A_294 : vector<1x1x16xf32> to vector<16xf32>
        %mul3A_296 = vector.broadcast %squeeze3A_289 : f32 to vector<16xf32>
        %mul3A_297 = arith.mulf %get3A_295, %mul3A_296 : vector<16xf32>
        %swap3A_298 = arith.constant 0 : i32
        %swap3A_299 = arith.index_cast %swap3A_298 : i32 to index
        %swap3A_300 = arith.index_cast %scan3A_212 : i32 to index
        %swap3A_301 = arith.constant 48 : index
        %swap3A_302 = tpu.vector_load %arg17[%swap3A_299, %swap3A_300, %swap3A_301] {strides = array<i32>} : memref<2x64x128xf32, #tpu.memory_space<vmem>>, vector<1x1x16xf32>,
        %swap3A_303 = vector.shape_cast %swap3A_302 : vector<1x1x16xf32> to vector<16xf32>
        %swap3A_304 = vector.shape_cast %mul3A_297 : vector<16xf32> to vector<1x1x16xf32>
        tpu.vector_store %arg17[%swap3A_299, %swap3A_300, %swap3A_301], %swap3A_304 {strides = array<i32>} : memref<2x64x128xf32, #tpu.memory_space<vmem>>, vector<1x1x16xf32>,
        %slice3A_305 = vector.extract_strided_slice %exp3A {offsets = [4], sizes = [1], strides = [1]} : vector<16xf32> to vector<1xf32>
        %squeeze3A_306 = vector.extract %slice3A_305[0] : f32 from vector<1xf32>
        %get3A_307 = arith.constant 0 : i32
        %get3A_308 = arith.index_cast %get3A_307 : i32 to index
        %get3A_309 = arith.index_cast %scan3A_212 : i32 to index
        %get3A_310 = arith.constant 64 : index
        %get3A_311 = tpu.vector_load %arg17[%get3A_308, %get3A_309, %get3A_310] {strides = array<i32>} : memref<2x64x128xf32, #tpu.memory_space<vmem>>, vector<1x1x16xf32>,
        %get3A_312 = vector.shape_cast %get3A_311 : vector<1x1x16xf32> to vector<16xf32>
        %mul3A_313 = vector.broadcast %squeeze3A_306 : f32 to vector<16xf32>
        %mul3A_314 = arith.mulf %get3A_312, %mul3A_313 : vector<16xf32>
        %swap3A_315 = arith.constant 0 : i32
        %swap3A_316 = arith.index_cast %swap3A_315 : i32 to index
        %swap3A_317 = arith.index_cast %scan3A_212 : i32 to index
        %swap3A_318 = arith.constant 64 : index
        %swap3A_319 = tpu.vector_load %arg17[%swap3A_316, %swap3A_317, %swap3A_318] {strides = array<i32>} : memref<2x64x128xf32, #tpu.memory_space<vmem>>, vector<1x1x16xf32>,
        %swap3A_320 = vector.shape_cast %swap3A_319 : vector<1x1x16xf32> to vector<16xf32>
        %swap3A_321 = vector.shape_cast %mul3A_314 : vector<16xf32> to vector<1x1x16xf32>
        tpu.vector_store %arg17[%swap3A_316, %swap3A_317, %swap3A_318], %swap3A_321 {strides = array<i32>} : memref<2x64x128xf32, #tpu.memory_space<vmem>>, vector<1x1x16xf32>,
        %slice3A_322 = vector.extract_strided_slice %exp3A {offsets = [5], sizes = [1], strides = [1]} : vector<16xf32> to vector<1xf32>
        %squeeze3A_323 = vector.extract %slice3A_322[0] : f32 from vector<1xf32>
        %get3A_324 = arith.constant 0 : i32
        %get3A_325 = arith.index_cast %get3A_324 : i32 to index
        %get3A_326 = arith.index_cast %scan3A_212 : i32 to index
        %get3A_327 = arith.constant 80 : index
        %get3A_328 = tpu.vector_load %arg17[%get3A_325, %get3A_326, %get3A_327] {strides = array<i32>} : memref<2x64x128xf32, #tpu.memory_space<vmem>>, vector<1x1x16xf32>,
        %get3A_329 = vector.shape_cast %get3A_328 : vector<1x1x16xf32> to vector<16xf32>
        %mul3A_330 = vector.broadcast %squeeze3A_323 : f32 to vector<16xf32>
        %mul3A_331 = arith.mulf %get3A_329, %mul3A_330 : vector<16xf32>
        %swap3A_332 = arith.constant 0 : i32
        %swap3A_333 = arith.index_cast %swap3A_332 : i32 to index
        %swap3A_334 = arith.index_cast %scan3A_212 : i32 to index
        %swap3A_335 = arith.constant 80 : index
        %swap3A_336 = tpu.vector_load %arg17[%swap3A_333, %swap3A_334, %swap3A_335] {strides = array<i32>} : memref<2x64x128xf32, #tpu.memory_space<vmem>>, vector<1x1x16xf32>,
        %swap3A_337 = vector.shape_cast %swap3A_336 : vector<1x1x16xf32> to vector<16xf32>
        %swap3A_338 = vector.shape_cast %mul3A_331 : vector<16xf32> to vector<1x1x16xf32>
        tpu.vector_store %arg17[%swap3A_333, %swap3A_334, %swap3A_335], %swap3A_338 {strides = array<i32>} : memref<2x64x128xf32, #tpu.memory_space<vmem>>, vector<1x1x16xf32>,
        %slice3A_339 = vector.extract_strided_slice %exp3A {offsets = [6], sizes = [1], strides = [1]} : vector<16xf32> to vector<1xf32>
        %squeeze3A_340 = vector.extract %slice3A_339[0] : f32 from vector<1xf32>
        %get3A_341 = arith.constant 0 : i32
        %get3A_342 = arith.index_cast %get3A_341 : i32 to index
        %get3A_343 = arith.index_cast %scan3A_212 : i32 to index
        %get3A_344 = arith.constant 96 : index
        %get3A_345 = tpu.vector_load %arg17[%get3A_342, %get3A_343, %get3A_344] {strides = array<i32>} : memref<2x64x128xf32, #tpu.memory_space<vmem>>, vector<1x1x16xf32>,
        %get3A_346 = vector.shape_cast %get3A_345 : vector<1x1x16xf32> to vector<16xf32>
        %mul3A_347 = vector.broadcast %squeeze3A_340 : f32 to vector<16xf32>
        %mul3A_348 = arith.mulf %get3A_346, %mul3A_347 : vector<16xf32>
        %swap3A_349 = arith.constant 0 : i32
        %swap3A_350 = arith.index_cast %swap3A_349 : i32 to index
        %swap3A_351 = arith.index_cast %scan3A_212 : i32 to index
        %swap3A_352 = arith.constant 96 : index
        %swap3A_353 = tpu.vector_load %arg17[%swap3A_350, %swap3A_351, %swap3A_352] {strides = array<i32>} : memref<2x64x128xf32, #tpu.memory_space<vmem>>, vector<1x1x16xf32>,
        %swap3A_354 = vector.shape_cast %swap3A_353 : vector<1x1x16xf32> to vector<16xf32>
        %swap3A_355 = vector.shape_cast %mul3A_348 : vector<16xf32> to vector<1x1x16xf32>
        tpu.vector_store %arg17[%swap3A_350, %swap3A_351, %swap3A_352], %swap3A_355 {strides = array<i32>} : memref<2x64x128xf32, #tpu.memory_space<vmem>>, vector<1x1x16xf32>,
        %slice3A_356 = vector.extract_strided_slice %exp3A {offsets = [7], sizes = [1], strides = [1]} : vector<16xf32> to vector<1xf32>
        %squeeze3A_357 = vector.extract %slice3A_356[0] : f32 from vector<1xf32>
        %get3A_358 = arith.constant 0 : i32
        %get3A_359 = arith.index_cast %get3A_358 : i32 to index
        %get3A_360 = arith.index_cast %scan3A_212 : i32 to index
        %get3A_361 = arith.constant 112 : index
        %get3A_362 = tpu.vector_load %arg17[%get3A_359, %get3A_360, %get3A_361] {strides = array<i32>} : memref<2x64x128xf32, #tpu.memory_space<vmem>>, vector<1x1x16xf32>,
        %get3A_363 = vector.shape_cast %get3A_362 : vector<1x1x16xf32> to vector<16xf32>
        %mul3A_364 = vector.broadcast %squeeze3A_357 : f32 to vector<16xf32>
        %mul3A_365 = arith.mulf %get3A_363, %mul3A_364 : vector<16xf32>
        %swap3A_366 = arith.constant 0 : i32
        %swap3A_367 = arith.index_cast %swap3A_366 : i32 to index
        %swap3A_368 = arith.index_cast %scan3A_212 : i32 to index
        %swap3A_369 = arith.constant 112 : index
        %swap3A_370 = tpu.vector_load %arg17[%swap3A_367, %swap3A_368, %swap3A_369] {strides = array<i32>} : memref<2x64x128xf32, #tpu.memory_space<vmem>>, vector<1x1x16xf32>,
        %swap3A_371 = vector.shape_cast %swap3A_370 : vector<1x1x16xf32> to vector<16xf32>
        %swap3A_372 = vector.shape_cast %mul3A_365 : vector<16xf32> to vector<1x1x16xf32>
        tpu.vector_store %arg17[%swap3A_367, %swap3A_368, %swap3A_369], %swap3A_372 {strides = array<i32>} : memref<2x64x128xf32, #tpu.memory_space<vmem>>, vector<1x1x16xf32>,
      }
      %scan3A_161 = arith.constant 64 : i32
      %run_scoped3A_162 = arith.constant 0 : i32
      %run_scoped3A_163 = arith.constant 0 : i32
      "tpu.region"() ({
        %run_scoped3A_212 = tpu.sem_alloc : memref<!tpu.dma_semaphore, #tpu.memory_space<semaphore_mem>>
        %dma_start3A_213 = arith.constant 0 : i32
        %dma_start3A_214 = arith.constant 0 : i32
        %dma_start3A_215 = tpu.memref_slice %arg18[%run_scoped3A_162, %dma_start3A_213, %dma_start3A_214] : memref<2x64x16xf32, #tpu.memory_space<vmem>> -> memref<1x64x16xf32, #tpu.memory_space<vmem>>
        %dma_start3A_216 = tpu.memref_squeeze %dma_start3A_215 : memref<1x64x16xf32, #tpu.memory_space<vmem>> -> memref<64x16xf32, #tpu.memory_space<vmem>>
        %dma_start3A_217 = arith.constant 0 : i32
        %dma_start3A_218 = tpu.memref_slice %arg14[%run_scoped3A_163, %dma_start3A_217] : memref<2x64xi32, #tpu.memory_space<vmem>> -> memref<1x64xi32, #tpu.memory_space<vmem>>
        %dma_start3A_219 = tpu.memref_squeeze %dma_start3A_218 : memref<1x64xi32, #tpu.memory_space<vmem>> -> memref<64xi32, #tpu.memory_space<vmem>>
        %dma_start3A_220 = arith.constant 0 : i32
        %dma_start3A_221 = arith.constant 0 : i32
        %dma_start3A_222 = tpu.memref_slice %arg20[%dma_start3A_220, %dma_start3A_221] : memref<10112x16xf32, #tpu.memory_space<vmem_shared>> -> memref<10112x16xf32, #tpu.memory_space<vmem_shared>>
        tpu.enqueue_indirect_dma source(%dma_start3A_216 : memref<64x16xf32, #tpu.memory_space<vmem>>) target(%dma_start3A_222 : memref<10112x16xf32, #tpu.memory_space<vmem_shared>>) offsets(%dma_start3A_219 : memref<64xi32, #tpu.memory_space<vmem>>) semaphore(%run_scoped3A_212 : memref<!tpu.dma_semaphore, #tpu.memory_space<semaphore_mem>>) {add = true}
        %dma_wait3A_223 = arith.constant 0 : i32
        %dma_wait3A_224 = arith.constant 0 : i32
        %dma_wait3A_225 = tpu.memref_slice %arg18[%run_scoped3A_162, %dma_wait3A_223, %dma_wait3A_224] : memref<2x64x16xf32, #tpu.memory_space<vmem>> -> memref<1x64x16xf32, #tpu.memory_space<vmem>>
        %dma_wait3A_226 = tpu.memref_squeeze %dma_wait3A_225 : memref<1x64x16xf32, #tpu.memory_space<vmem>> -> memref<64x16xf32, #tpu.memory_space<vmem>>
        %dma_wait3A_227 = arith.constant 0 : i32
        %dma_wait3A_228 = tpu.memref_slice %arg14[%run_scoped3A_163, %dma_wait3A_227] : memref<2x64xi32, #tpu.memory_space<vmem>> -> memref<1x64xi32, #tpu.memory_space<vmem>>
        %dma_wait3A_229 = tpu.memref_squeeze %dma_wait3A_228 : memref<1x64xi32, #tpu.memory_space<vmem>> -> memref<64xi32, #tpu.memory_space<vmem>>
        %dma_wait3A_230 = arith.constant 0 : i32
        %dma_wait3A_231 = arith.constant 0 : i32
        %dma_wait3A_232 = tpu.memref_slice %arg20[%dma_wait3A_230, %dma_wait3A_231] : memref<10112x16xf32, #tpu.memory_space<vmem_shared>> -> memref<10112x16xf32, #tpu.memory_space<vmem_shared>>
        tpu.wait_indirect_dma semaphore(%run_scoped3A_212 : memref<!tpu.dma_semaphore, #tpu.memory_space<semaphore_mem>>) src(%dma_wait3A_226 : memref<64x16xf32, #tpu.memory_space<vmem>>) dst(%dma_wait3A_232 : memref<10112x16xf32, #tpu.memory_space<vmem_shared>>)
        tpu.yield
      }) : () -> ()
      %run_scoped3A_164 = arith.constant 0 : i32
      %run_scoped3A_165 = arith.constant 0 : i32
      "tpu.region"() ({
        %run_scoped3A_212 = tpu.sem_alloc : memref<!tpu.dma_semaphore, #tpu.memory_space<semaphore_mem>>
        %dma_start3A_213 = arith.constant 0 : i32
        %dma_start3A_214 = arith.constant 0 : i32
        %dma_start3A_215 = tpu.memref_slice %arg17[%run_scoped3A_164, %dma_start3A_213, %dma_start3A_214] : memref<2x64x128xf32, #tpu.memory_space<vmem>> -> memref<1x64x128xf32, #tpu.memory_space<vmem>>
        %dma_start3A_216 = tpu.memref_squeeze %dma_start3A_215 : memref<1x64x128xf32, #tpu.memory_space<vmem>> -> memref<64x128xf32, #tpu.memory_space<vmem>>
        %dma_start3A_217 = arith.constant 0 : i32
        %dma_start3A_218 = tpu.memref_slice %arg14[%run_scoped3A_165, %dma_start3A_217] : memref<2x64xi32, #tpu.memory_space<vmem>> -> memref<1x64xi32, #tpu.memory_space<vmem>>
        %dma_start3A_219 = tpu.memref_squeeze %dma_start3A_218 : memref<1x64xi32, #tpu.memory_space<vmem>> -> memref<64xi32, #tpu.memory_space<vmem>>
        %dma_start3A_220 = arith.constant 0 : i32
        %dma_start3A_221 = arith.constant 0 : i32
        %dma_start3A_222 = tpu.memref_slice %arg21[%dma_start3A_220, %dma_start3A_221] : memref<10112x128xf32, #tpu.memory_space<vmem_shared>> -> memref<10112x128xf32, #tpu.memory_space<vmem_shared>>
        tpu.enqueue_indirect_dma source(%dma_start3A_216 : memref<64x128xf32, #tpu.memory_space<vmem>>) target(%dma_start3A_222 : memref<10112x128xf32, #tpu.memory_space<vmem_shared>>) offsets(%dma_start3A_219 : memref<64xi32, #tpu.memory_space<vmem>>) semaphore(%run_scoped3A_212 : memref<!tpu.dma_semaphore, #tpu.memory_space<semaphore_mem>>) {add = true}
        %dma_wait3A_223 = arith.constant 0 : i32
        %dma_wait3A_224 = arith.constant 0 : i32
        %dma_wait3A_225 = tpu.memref_slice %arg17[%run_scoped3A_164, %dma_wait3A_223, %dma_wait3A_224] : memref<2x64x128xf32, #tpu.memory_space<vmem>> -> memref<1x64x128xf32, #tpu.memory_space<vmem>>
        %dma_wait3A_226 = tpu.memref_squeeze %dma_wait3A_225 : memref<1x64x128xf32, #tpu.memory_space<vmem>> -> memref<64x128xf32, #tpu.memory_space<vmem>>
        %dma_wait3A_227 = arith.constant 0 : i32
        %dma_wait3A_228 = tpu.memref_slice %arg14[%run_scoped3A_165, %dma_wait3A_227] : memref<2x64xi32, #tpu.memory_space<vmem>> -> memref<1x64xi32, #tpu.memory_space<vmem>>
        %dma_wait3A_229 = tpu.memref_squeeze %dma_wait3A_228 : memref<1x64xi32, #tpu.memory_space<vmem>> -> memref<64xi32, #tpu.memory_space<vmem>>
        %dma_wait3A_230 = arith.constant 0 : i32
        %dma_wait3A_231 = arith.constant 0 : i32
        %dma_wait3A_232 = tpu.memref_slice %arg21[%dma_wait3A_230, %dma_wait3A_231] : memref<10112x128xf32, #tpu.memory_space<vmem_shared>> -> memref<10112x128xf32, #tpu.memory_space<vmem_shared>>
        tpu.wait_indirect_dma semaphore(%run_scoped3A_212 : memref<!tpu.dma_semaphore, #tpu.memory_space<semaphore_mem>>) src(%dma_wait3A_226 : memref<64x128xf32, #tpu.memory_space<vmem>>) dst(%dma_wait3A_232 : memref<10112x128xf32, #tpu.memory_space<vmem_shared>>)
        tpu.yield
      }) : () -> ()
      %dma_wait3A_166 = arith.constant 1 : i32
      %dma_wait3A_167 = arith.constant 1 : i32
      %dma_wait3A_168 = arith.constant 0 : i32
      %dma_wait3A_169 = arith.constant 0 : i32
      %dma_wait3A_170 = tpu.memref_slice %arg15[%dma_wait3A_167, %dma_wait3A_168, %dma_wait3A_169] : memref<2x64x16xf32, #tpu.memory_space<vmem>> -> memref<1x64x16xf32, #tpu.memory_space<vmem>>
      %dma_wait3A_171 = tpu.memref_squeeze %dma_wait3A_170 : memref<1x64x16xf32, #tpu.memory_space<vmem>> -> memref<64x16xf32, #tpu.memory_space<vmem>>
      %dma_wait3A_172 = arith.constant 0 : i32
      %dma_wait3A_173 = tpu.memref_slice %arg13[%dma_wait3A_166, %dma_wait3A_172] : memref<2x64xi32, #tpu.memory_space<vmem>> -> memref<1x64xi32, #tpu.memory_space<vmem>>
      %dma_wait3A_174 = tpu.memref_squeeze %dma_wait3A_173 : memref<1x64xi32, #tpu.memory_space<vmem>> -> memref<64xi32, #tpu.memory_space<vmem>>
      %dma_wait3A_175 = arith.constant 0 : i32
      %dma_wait3A_176 = arith.constant 0 : i32
      %dma_wait3A_177 = tpu.memref_slice %arg4[%dma_wait3A_175, %dma_wait3A_176] : memref<10000x16xf32, #tpu.memory_space<hbm>> -> memref<10000x16xf32, #tpu.memory_space<hbm>>
      tpu.wait_indirect_dma semaphore(%arg22 : memref<!tpu.dma_semaphore, #tpu.memory_space<semaphore_mem>>) src(%dma_wait3A_177 : memref<10000x16xf32, #tpu.memory_space<hbm>>) dst(%dma_wait3A_171 : memref<64x16xf32, #tpu.memory_space<vmem>>)
      %dma_wait3A_178 = arith.constant 1 : i32
      %dma_wait3A_179 = arith.constant 1 : i32
      %dma_wait3A_180 = arith.constant 0 : i32
      %dma_wait3A_181 = arith.constant 0 : i32
      %dma_wait3A_182 = tpu.memref_slice %arg16[%dma_wait3A_179, %dma_wait3A_180, %dma_wait3A_181] : memref<2x64x16xf32, #tpu.memory_space<vmem>> -> memref<1x64x16xf32, #tpu.memory_space<vmem>>
      %dma_wait3A_183 = tpu.memref_squeeze %dma_wait3A_182 : memref<1x64x16xf32, #tpu.memory_space<vmem>> -> memref<64x16xf32, #tpu.memory_space<vmem>>
      %dma_wait3A_184 = arith.constant 0 : i32
      %dma_wait3A_185 = tpu.memref_slice %arg14[%dma_wait3A_178, %dma_wait3A_184] : memref<2x64xi32, #tpu.memory_space<vmem>> -> memref<1x64xi32, #tpu.memory_space<vmem>>
      %dma_wait3A_186 = tpu.memref_squeeze %dma_wait3A_185 : memref<1x64xi32, #tpu.memory_space<vmem>> -> memref<64xi32, #tpu.memory_space<vmem>>
      %dma_wait3A_187 = arith.constant 0 : i32
      %dma_wait3A_188 = arith.constant 0 : i32
      %dma_wait3A_189 = tpu.memref_slice %arg5[%dma_wait3A_187, %dma_wait3A_188] : memref<10000x16xf32, #tpu.memory_space<hbm>> -> memref<10000x16xf32, #tpu.memory_space<hbm>>
      tpu.wait_indirect_dma semaphore(%arg23 : memref<!tpu.dma_semaphore, #tpu.memory_space<semaphore_mem>>) src(%dma_wait3A_189 : memref<10000x16xf32, #tpu.memory_space<hbm>>) dst(%dma_wait3A_183 : memref<64x16xf32, #tpu.memory_space<vmem>>)
      %dma_wait3A_190 = arith.constant 1 : i32
      %dma_wait3A_191 = arith.constant 1 : i32
      %dma_wait3A_192 = arith.constant 0 : i32
      %dma_wait3A_193 = arith.constant 0 : i32
      %dma_wait3A_194 = tpu.memref_slice %arg17[%dma_wait3A_191, %dma_wait3A_192, %dma_wait3A_193] : memref<2x64x128xf32, #tpu.memory_space<vmem>> -> memref<1x64x128xf32, #tpu.memory_space<vmem>>
      %dma_wait3A_195 = tpu.memref_squeeze %dma_wait3A_194 : memref<1x64x128xf32, #tpu.memory_space<vmem>> -> memref<64x128xf32, #tpu.memory_space<vmem>>
      %dma_wait3A_196 = arith.constant 0 : i32
      %dma_wait3A_197 = tpu.memref_slice %arg13[%dma_wait3A_190, %dma_wait3A_196] : memref<2x64xi32, #tpu.memory_space<vmem>> -> memref<1x64xi32, #tpu.memory_space<vmem>>
      %dma_wait3A_198 = tpu.memref_squeeze %dma_wait3A_197 : memref<1x64xi32, #tpu.memory_space<vmem>> -> memref<64xi32, #tpu.memory_space<vmem>>
      %dma_wait3A_199 = arith.constant 0 : i32
      %dma_wait3A_200 = arith.constant 0 : i32
      %dma_wait3A_201 = tpu.memref_slice %arg6[%dma_wait3A_199, %dma_wait3A_200] : memref<10000x128xf32, #tpu.memory_space<hbm>> -> memref<10000x128xf32, #tpu.memory_space<hbm>>
      tpu.wait_indirect_dma semaphore(%arg24 : memref<!tpu.dma_semaphore, #tpu.memory_space<semaphore_mem>>) src(%dma_wait3A_201 : memref<10000x128xf32, #tpu.memory_space<hbm>>) dst(%dma_wait3A_195 : memref<64x128xf32, #tpu.memory_space<vmem>>)
      %scan3A_202 = arith.constant 0 : i32
      %scan3A_203 = arith.constant 0 : i32
      %scan3A_204 = arith.constant 64 : i32
      %scan3A_205 = arith.addi %scan3A_203, %scan3A_204 : i32
      %scan3A_206 = arith.constant 1 : i32
      scf.for %scan3A_212 = %scan3A_203 to %scan3A_205 step %scan3A_206  : i32 {
        %get3A_213 = arith.constant 1 : i32
        %get3A_214 = arith.index_cast %get3A_213 : i32 to index
        %get3A_215 = arith.index_cast %scan3A_212 : i32 to index
        %get3A_216 = arith.constant 0 : index
        %get3A_217 = tpu.vector_load %arg15[%get3A_214, %get3A_215, %get3A_216] {strides = array<i32>} : memref<2x64x16xf32, #tpu.memory_space<vmem>>, vector<1x1x16xf32>,
        %get3A_218 = vector.shape_cast %get3A_217 : vector<1x1x16xf32> to vector<16xf32>
        %get3A_219 = arith.constant 1 : i32
        %get3A_220 = arith.index_cast %get3A_219 : i32 to index
        %get3A_221 = arith.index_cast %scan3A_212 : i32 to index
        %get3A_222 = arith.constant 0 : index
        %get3A_223 = tpu.vector_load %arg16[%get3A_220, %get3A_221, %get3A_222] {strides = array<i32>} : memref<2x64x16xf32, #tpu.memory_space<vmem>>, vector<1x1x16xf32>,
        %get3A_224 = vector.shape_cast %get3A_223 : vector<1x1x16xf32> to vector<16xf32>
        %add3A_225 = arith.addf %get3A_218, %get3A_224 : vector<16xf32>
        %gt3A_226 = arith.constant 0.000000e+00 : f32
        %gt3A_227 = vector.broadcast %gt3A_226 : f32 to vector<16xf32>
        %gt3A_228 = arith.cmpf ogt, %add3A_225, %gt3A_227 : vector<16xf32>
        %mul3A_229 = arith.constant 2.000000e-01 : f32
        %mul3A_230 = vector.broadcast %mul3A_229 : f32 to vector<16xf32>
        %mul3A_231 = arith.mulf %mul3A_230, %add3A_225 : vector<16xf32>
        %select_n3A_232 = arith.select %gt3A_228, %add3A_225, %mul3A_231 : vector<16xi1>, vector<16xf32>
        %sub3A = arith.subf %select_n3A_232, %select_n3A : vector<16xf32>
        %exp3A = math.exp %sub3A : vector<16xf32>
        %swap3A = arith.constant 1 : i32
        %swap3A_233 = arith.index_cast %swap3A : i32 to index
        %swap3A_234 = arith.index_cast %scan3A_212 : i32 to index
        %swap3A_235 = arith.constant 0 : index
        %swap3A_236 = tpu.vector_load %arg18[%swap3A_233, %swap3A_234, %swap3A_235] {strides = array<i32>} : memref<2x64x16xf32, #tpu.memory_space<vmem>>, vector<1x1x16xf32>,
        %swap3A_237 = vector.shape_cast %swap3A_236 : vector<1x1x16xf32> to vector<16xf32>
        %swap3A_238 = vector.shape_cast %exp3A : vector<16xf32> to vector<1x1x16xf32>
        tpu.vector_store %arg18[%swap3A_233, %swap3A_234, %swap3A_235], %swap3A_238 {strides = array<i32>} : memref<2x64x16xf32, #tpu.memory_space<vmem>>, vector<1x1x16xf32>,
        %slice3A = vector.extract_strided_slice %exp3A {offsets = [0], sizes = [1], strides = [1]} : vector<16xf32> to vector<1xf32>
        %squeeze3A = vector.extract %slice3A[0] : f32 from vector<1xf32>
        %get3A_239 = arith.constant 1 : i32
        %get3A_240 = arith.index_cast %get3A_239 : i32 to index
        %get3A_241 = arith.index_cast %scan3A_212 : i32 to index
        %get3A_242 = arith.constant 0 : index
        %get3A_243 = tpu.vector_load %arg17[%get3A_240, %get3A_241, %get3A_242] {strides = array<i32>} : memref<2x64x128xf32, #tpu.memory_space<vmem>>, vector<1x1x16xf32>,
        %get3A_244 = vector.shape_cast %get3A_243 : vector<1x1x16xf32> to vector<16xf32>
        %mul3A_245 = vector.broadcast %squeeze3A : f32 to vector<16xf32>
        %mul3A_246 = arith.mulf %get3A_244, %mul3A_245 : vector<16xf32>
        %swap3A_247 = arith.constant 1 : i32
        %swap3A_248 = arith.index_cast %swap3A_247 : i32 to index
        %swap3A_249 = arith.index_cast %scan3A_212 : i32 to index
        %swap3A_250 = arith.constant 0 : index
        %swap3A_251 = tpu.vector_load %arg17[%swap3A_248, %swap3A_249, %swap3A_250] {strides = array<i32>} : memref<2x64x128xf32, #tpu.memory_space<vmem>>, vector<1x1x16xf32>,
        %swap3A_252 = vector.shape_cast %swap3A_251 : vector<1x1x16xf32> to vector<16xf32>
        %swap3A_253 = vector.shape_cast %mul3A_246 : vector<16xf32> to vector<1x1x16xf32>
        tpu.vector_store %arg17[%swap3A_248, %swap3A_249, %swap3A_250], %swap3A_253 {strides = array<i32>} : memref<2x64x128xf32, #tpu.memory_space<vmem>>, vector<1x1x16xf32>,
        %slice3A_254 = vector.extract_strided_slice %exp3A {offsets = [1], sizes = [1], strides = [1]} : vector<16xf32> to vector<1xf32>
        %squeeze3A_255 = vector.extract %slice3A_254[0] : f32 from vector<1xf32>
        %get3A_256 = arith.constant 1 : i32
        %get3A_257 = arith.index_cast %get3A_256 : i32 to index
        %get3A_258 = arith.index_cast %scan3A_212 : i32 to index
        %get3A_259 = arith.constant 16 : index
        %get3A_260 = tpu.vector_load %arg17[%get3A_257, %get3A_258, %get3A_259] {strides = array<i32>} : memref<2x64x128xf32, #tpu.memory_space<vmem>>, vector<1x1x16xf32>,
        %get3A_261 = vector.shape_cast %get3A_260 : vector<1x1x16xf32> to vector<16xf32>
        %mul3A_262 = vector.broadcast %squeeze3A_255 : f32 to vector<16xf32>
        %mul3A_263 = arith.mulf %get3A_261, %mul3A_262 : vector<16xf32>
        %swap3A_264 = arith.constant 1 : i32
        %swap3A_265 = arith.index_cast %swap3A_264 : i32 to index
        %swap3A_266 = arith.index_cast %scan3A_212 : i32 to index
        %swap3A_267 = arith.constant 16 : index
        %swap3A_268 = tpu.vector_load %arg17[%swap3A_265, %swap3A_266, %swap3A_267] {strides = array<i32>} : memref<2x64x128xf32, #tpu.memory_space<vmem>>, vector<1x1x16xf32>,
        %swap3A_269 = vector.shape_cast %swap3A_268 : vector<1x1x16xf32> to vector<16xf32>
        %swap3A_270 = vector.shape_cast %mul3A_263 : vector<16xf32> to vector<1x1x16xf32>
        tpu.vector_store %arg17[%swap3A_265, %swap3A_266, %swap3A_267], %swap3A_270 {strides = array<i32>} : memref<2x64x128xf32, #tpu.memory_space<vmem>>, vector<1x1x16xf32>,
        %slice3A_271 = vector.extract_strided_slice %exp3A {offsets = [2], sizes = [1], strides = [1]} : vector<16xf32> to vector<1xf32>
        %squeeze3A_272 = vector.extract %slice3A_271[0] : f32 from vector<1xf32>
        %get3A_273 = arith.constant 1 : i32
        %get3A_274 = arith.index_cast %get3A_273 : i32 to index
        %get3A_275 = arith.index_cast %scan3A_212 : i32 to index
        %get3A_276 = arith.constant 32 : index
        %get3A_277 = tpu.vector_load %arg17[%get3A_274, %get3A_275, %get3A_276] {strides = array<i32>} : memref<2x64x128xf32, #tpu.memory_space<vmem>>, vector<1x1x16xf32>,
        %get3A_278 = vector.shape_cast %get3A_277 : vector<1x1x16xf32> to vector<16xf32>
        %mul3A_279 = vector.broadcast %squeeze3A_272 : f32 to vector<16xf32>
        %mul3A_280 = arith.mulf %get3A_278, %mul3A_279 : vector<16xf32>
        %swap3A_281 = arith.constant 1 : i32
        %swap3A_282 = arith.index_cast %swap3A_281 : i32 to index
        %swap3A_283 = arith.index_cast %scan3A_212 : i32 to index
        %swap3A_284 = arith.constant 32 : index
        %swap3A_285 = tpu.vector_load %arg17[%swap3A_282, %swap3A_283, %swap3A_284] {strides = array<i32>} : memref<2x64x128xf32, #tpu.memory_space<vmem>>, vector<1x1x16xf32>,
        %swap3A_286 = vector.shape_cast %swap3A_285 : vector<1x1x16xf32> to vector<16xf32>
        %swap3A_287 = vector.shape_cast %mul3A_280 : vector<16xf32> to vector<1x1x16xf32>
        tpu.vector_store %arg17[%swap3A_282, %swap3A_283, %swap3A_284], %swap3A_287 {strides = array<i32>} : memref<2x64x128xf32, #tpu.memory_space<vmem>>, vector<1x1x16xf32>,
        %slice3A_288 = vector.extract_strided_slice %exp3A {offsets = [3], sizes = [1], strides = [1]} : vector<16xf32> to vector<1xf32>
        %squeeze3A_289 = vector.extract %slice3A_288[0] : f32 from vector<1xf32>
        %get3A_290 = arith.constant 1 : i32
        %get3A_291 = arith.index_cast %get3A_290 : i32 to index
        %get3A_292 = arith.index_cast %scan3A_212 : i32 to index
        %get3A_293 = arith.constant 48 : index
        %get3A_294 = tpu.vector_load %arg17[%get3A_291, %get3A_292, %get3A_293] {strides = array<i32>} : memref<2x64x128xf32, #tpu.memory_space<vmem>>, vector<1x1x16xf32>,
        %get3A_295 = vector.shape_cast %get3A_294 : vector<1x1x16xf32> to vector<16xf32>
        %mul3A_296 = vector.broadcast %squeeze3A_289 : f32 to vector<16xf32>
        %mul3A_297 = arith.mulf %get3A_295, %mul3A_296 : vector<16xf32>
        %swap3A_298 = arith.constant 1 : i32
        %swap3A_299 = arith.index_cast %swap3A_298 : i32 to index
        %swap3A_300 = arith.index_cast %scan3A_212 : i32 to index
        %swap3A_301 = arith.constant 48 : index
        %swap3A_302 = tpu.vector_load %arg17[%swap3A_299, %swap3A_300, %swap3A_301] {strides = array<i32>} : memref<2x64x128xf32, #tpu.memory_space<vmem>>, vector<1x1x16xf32>,
        %swap3A_303 = vector.shape_cast %swap3A_302 : vector<1x1x16xf32> to vector<16xf32>
        %swap3A_304 = vector.shape_cast %mul3A_297 : vector<16xf32> to vector<1x1x16xf32>
        tpu.vector_store %arg17[%swap3A_299, %swap3A_300, %swap3A_301], %swap3A_304 {strides = array<i32>} : memref<2x64x128xf32, #tpu.memory_space<vmem>>, vector<1x1x16xf32>,
        %slice3A_305 = vector.extract_strided_slice %exp3A {offsets = [4], sizes = [1], strides = [1]} : vector<16xf32> to vector<1xf32>
        %squeeze3A_306 = vector.extract %slice3A_305[0] : f32 from vector<1xf32>
        %get3A_307 = arith.constant 1 : i32
        %get3A_308 = arith.index_cast %get3A_307 : i32 to index
        %get3A_309 = arith.index_cast %scan3A_212 : i32 to index
        %get3A_310 = arith.constant 64 : index
        %get3A_311 = tpu.vector_load %arg17[%get3A_308, %get3A_309, %get3A_310] {strides = array<i32>} : memref<2x64x128xf32, #tpu.memory_space<vmem>>, vector<1x1x16xf32>,
        %get3A_312 = vector.shape_cast %get3A_311 : vector<1x1x16xf32> to vector<16xf32>
        %mul3A_313 = vector.broadcast %squeeze3A_306 : f32 to vector<16xf32>
        %mul3A_314 = arith.mulf %get3A_312, %mul3A_313 : vector<16xf32>
        %swap3A_315 = arith.constant 1 : i32
        %swap3A_316 = arith.index_cast %swap3A_315 : i32 to index
        %swap3A_317 = arith.index_cast %scan3A_212 : i32 to index
        %swap3A_318 = arith.constant 64 : index
        %swap3A_319 = tpu.vector_load %arg17[%swap3A_316, %swap3A_317, %swap3A_318] {strides = array<i32>} : memref<2x64x128xf32, #tpu.memory_space<vmem>>, vector<1x1x16xf32>,
        %swap3A_320 = vector.shape_cast %swap3A_319 : vector<1x1x16xf32> to vector<16xf32>
        %swap3A_321 = vector.shape_cast %mul3A_314 : vector<16xf32> to vector<1x1x16xf32>
        tpu.vector_store %arg17[%swap3A_316, %swap3A_317, %swap3A_318], %swap3A_321 {strides = array<i32>} : memref<2x64x128xf32, #tpu.memory_space<vmem>>, vector<1x1x16xf32>,
        %slice3A_322 = vector.extract_strided_slice %exp3A {offsets = [5], sizes = [1], strides = [1]} : vector<16xf32> to vector<1xf32>
        %squeeze3A_323 = vector.extract %slice3A_322[0] : f32 from vector<1xf32>
        %get3A_324 = arith.constant 1 : i32
        %get3A_325 = arith.index_cast %get3A_324 : i32 to index
        %get3A_326 = arith.index_cast %scan3A_212 : i32 to index
        %get3A_327 = arith.constant 80 : index
        %get3A_328 = tpu.vector_load %arg17[%get3A_325, %get3A_326, %get3A_327] {strides = array<i32>} : memref<2x64x128xf32, #tpu.memory_space<vmem>>, vector<1x1x16xf32>,
        %get3A_329 = vector.shape_cast %get3A_328 : vector<1x1x16xf32> to vector<16xf32>
        %mul3A_330 = vector.broadcast %squeeze3A_323 : f32 to vector<16xf32>
        %mul3A_331 = arith.mulf %get3A_329, %mul3A_330 : vector<16xf32>
        %swap3A_332 = arith.constant 1 : i32
        %swap3A_333 = arith.index_cast %swap3A_332 : i32 to index
        %swap3A_334 = arith.index_cast %scan3A_212 : i32 to index
        %swap3A_335 = arith.constant 80 : index
        %swap3A_336 = tpu.vector_load %arg17[%swap3A_333, %swap3A_334, %swap3A_335] {strides = array<i32>} : memref<2x64x128xf32, #tpu.memory_space<vmem>>, vector<1x1x16xf32>,
        %swap3A_337 = vector.shape_cast %swap3A_336 : vector<1x1x16xf32> to vector<16xf32>
        %swap3A_338 = vector.shape_cast %mul3A_331 : vector<16xf32> to vector<1x1x16xf32>
        tpu.vector_store %arg17[%swap3A_333, %swap3A_334, %swap3A_335], %swap3A_338 {strides = array<i32>} : memref<2x64x128xf32, #tpu.memory_space<vmem>>, vector<1x1x16xf32>,
        %slice3A_339 = vector.extract_strided_slice %exp3A {offsets = [6], sizes = [1], strides = [1]} : vector<16xf32> to vector<1xf32>
        %squeeze3A_340 = vector.extract %slice3A_339[0] : f32 from vector<1xf32>
        %get3A_341 = arith.constant 1 : i32
        %get3A_342 = arith.index_cast %get3A_341 : i32 to index
        %get3A_343 = arith.index_cast %scan3A_212 : i32 to index
        %get3A_344 = arith.constant 96 : index
        %get3A_345 = tpu.vector_load %arg17[%get3A_342, %get3A_343, %get3A_344] {strides = array<i32>} : memref<2x64x128xf32, #tpu.memory_space<vmem>>, vector<1x1x16xf32>,
        %get3A_346 = vector.shape_cast %get3A_345 : vector<1x1x16xf32> to vector<16xf32>
        %mul3A_347 = vector.broadcast %squeeze3A_340 : f32 to vector<16xf32>
        %mul3A_348 = arith.mulf %get3A_346, %mul3A_347 : vector<16xf32>
        %swap3A_349 = arith.constant 1 : i32
        %swap3A_350 = arith.index_cast %swap3A_349 : i32 to index
        %swap3A_351 = arith.index_cast %scan3A_212 : i32 to index
        %swap3A_352 = arith.constant 96 : index
        %swap3A_353 = tpu.vector_load %arg17[%swap3A_350, %swap3A_351, %swap3A_352] {strides = array<i32>} : memref<2x64x128xf32, #tpu.memory_space<vmem>>, vector<1x1x16xf32>,
        %swap3A_354 = vector.shape_cast %swap3A_353 : vector<1x1x16xf32> to vector<16xf32>
        %swap3A_355 = vector.shape_cast %mul3A_348 : vector<16xf32> to vector<1x1x16xf32>
        tpu.vector_store %arg17[%swap3A_350, %swap3A_351, %swap3A_352], %swap3A_355 {strides = array<i32>} : memref<2x64x128xf32, #tpu.memory_space<vmem>>, vector<1x1x16xf32>,
        %slice3A_356 = vector.extract_strided_slice %exp3A {offsets = [7], sizes = [1], strides = [1]} : vector<16xf32> to vector<1xf32>
        %squeeze3A_357 = vector.extract %slice3A_356[0] : f32 from vector<1xf32>
        %get3A_358 = arith.constant 1 : i32
        %get3A_359 = arith.index_cast %get3A_358 : i32 to index
        %get3A_360 = arith.index_cast %scan3A_212 : i32 to index
        %get3A_361 = arith.constant 112 : index
        %get3A_362 = tpu.vector_load %arg17[%get3A_359, %get3A_360, %get3A_361] {strides = array<i32>} : memref<2x64x128xf32, #tpu.memory_space<vmem>>, vector<1x1x16xf32>,
        %get3A_363 = vector.shape_cast %get3A_362 : vector<1x1x16xf32> to vector<16xf32>
        %mul3A_364 = vector.broadcast %squeeze3A_357 : f32 to vector<16xf32>
        %mul3A_365 = arith.mulf %get3A_363, %mul3A_364 : vector<16xf32>
        %swap3A_366 = arith.constant 1 : i32
        %swap3A_367 = arith.index_cast %swap3A_366 : i32 to index
        %swap3A_368 = arith.index_cast %scan3A_212 : i32 to index
        %swap3A_369 = arith.constant 112 : index
        %swap3A_370 = tpu.vector_load %arg17[%swap3A_367, %swap3A_368, %swap3A_369] {strides = array<i32>} : memref<2x64x128xf32, #tpu.memory_space<vmem>>, vector<1x1x16xf32>,
        %swap3A_371 = vector.shape_cast %swap3A_370 : vector<1x1x16xf32> to vector<16xf32>
        %swap3A_372 = vector.shape_cast %mul3A_365 : vector<16xf32> to vector<1x1x16xf32>
        tpu.vector_store %arg17[%swap3A_367, %swap3A_368, %swap3A_369], %swap3A_372 {strides = array<i32>} : memref<2x64x128xf32, #tpu.memory_space<vmem>>, vector<1x1x16xf32>,
      }
      %scan3A_207 = arith.constant 64 : i32
      %run_scoped3A_208 = arith.constant 1 : i32
      %run_scoped3A_209 = arith.constant 1 : i32
      "tpu.region"() ({
        %run_scoped3A_212 = tpu.sem_alloc : memref<!tpu.dma_semaphore, #tpu.memory_space<semaphore_mem>>
        %dma_start3A_213 = arith.constant 0 : i32
        %dma_start3A_214 = arith.constant 0 : i32
        %dma_start3A_215 = tpu.memref_slice %arg18[%run_scoped3A_208, %dma_start3A_213, %dma_start3A_214] : memref<2x64x16xf32, #tpu.memory_space<vmem>> -> memref<1x64x16xf32, #tpu.memory_space<vmem>>
        %dma_start3A_216 = tpu.memref_squeeze %dma_start3A_215 : memref<1x64x16xf32, #tpu.memory_space<vmem>> -> memref<64x16xf32, #tpu.memory_space<vmem>>
        %dma_start3A_217 = arith.constant 0 : i32
        %dma_start3A_218 = tpu.memref_slice %arg14[%run_scoped3A_209, %dma_start3A_217] : memref<2x64xi32, #tpu.memory_space<vmem>> -> memref<1x64xi32, #tpu.memory_space<vmem>>
        %dma_start3A_219 = tpu.memref_squeeze %dma_start3A_218 : memref<1x64xi32, #tpu.memory_space<vmem>> -> memref<64xi32, #tpu.memory_space<vmem>>
        %dma_start3A_220 = arith.constant 0 : i32
        %dma_start3A_221 = arith.constant 0 : i32
        %dma_start3A_222 = tpu.memref_slice %arg20[%dma_start3A_220, %dma_start3A_221] : memref<10112x16xf32, #tpu.memory_space<vmem_shared>> -> memref<10112x16xf32, #tpu.memory_space<vmem_shared>>
        tpu.enqueue_indirect_dma source(%dma_start3A_216 : memref<64x16xf32, #tpu.memory_space<vmem>>) target(%dma_start3A_222 : memref<10112x16xf32, #tpu.memory_space<vmem_shared>>) offsets(%dma_start3A_219 : memref<64xi32, #tpu.memory_space<vmem>>) semaphore(%run_scoped3A_212 : memref<!tpu.dma_semaphore, #tpu.memory_space<semaphore_mem>>) {add = true}
        %dma_wait3A_223 = arith.constant 0 : i32
        %dma_wait3A_224 = arith.constant 0 : i32
        %dma_wait3A_225 = tpu.memref_slice %arg18[%run_scoped3A_208, %dma_wait3A_223, %dma_wait3A_224] : memref<2x64x16xf32, #tpu.memory_space<vmem>> -> memref<1x64x16xf32, #tpu.memory_space<vmem>>
        %dma_wait3A_226 = tpu.memref_squeeze %dma_wait3A_225 : memref<1x64x16xf32, #tpu.memory_space<vmem>> -> memref<64x16xf32, #tpu.memory_space<vmem>>
        %dma_wait3A_227 = arith.constant 0 : i32
        %dma_wait3A_228 = tpu.memref_slice %arg14[%run_scoped3A_209, %dma_wait3A_227] : memref<2x64xi32, #tpu.memory_space<vmem>> -> memref<1x64xi32, #tpu.memory_space<vmem>>
        %dma_wait3A_229 = tpu.memref_squeeze %dma_wait3A_228 : memref<1x64xi32, #tpu.memory_space<vmem>> -> memref<64xi32, #tpu.memory_space<vmem>>
        %dma_wait3A_230 = arith.constant 0 : i32
        %dma_wait3A_231 = arith.constant 0 : i32
        %dma_wait3A_232 = tpu.memref_slice %arg20[%dma_wait3A_230, %dma_wait3A_231] : memref<10112x16xf32, #tpu.memory_space<vmem_shared>> -> memref<10112x16xf32, #tpu.memory_space<vmem_shared>>
        tpu.wait_indirect_dma semaphore(%run_scoped3A_212 : memref<!tpu.dma_semaphore, #tpu.memory_space<semaphore_mem>>) src(%dma_wait3A_226 : memref<64x16xf32, #tpu.memory_space<vmem>>) dst(%dma_wait3A_232 : memref<10112x16xf32, #tpu.memory_space<vmem_shared>>)
        tpu.yield
      }) : () -> ()
      %run_scoped3A_210 = arith.constant 1 : i32
      %run_scoped3A_211 = arith.constant 1 : i32
      "tpu.region"() ({
        %run_scoped3A_212 = tpu.sem_alloc : memref<!tpu.dma_semaphore, #tpu.memory_space<semaphore_mem>>
        %dma_start3A_213 = arith.constant 0 : i32
        %dma_start3A_214 = arith.constant 0 : i32
        %dma_start3A_215 = tpu.memref_slice %arg17[%run_scoped3A_210, %dma_start3A_213, %dma_start3A_214] : memref<2x64x128xf32, #tpu.memory_space<vmem>> -> memref<1x64x128xf32, #tpu.memory_space<vmem>>
        %dma_start3A_216 = tpu.memref_squeeze %dma_start3A_215 : memref<1x64x128xf32, #tpu.memory_space<vmem>> -> memref<64x128xf32, #tpu.memory_space<vmem>>
        %dma_start3A_217 = arith.constant 0 : i32
        %dma_start3A_218 = tpu.memref_slice %arg14[%run_scoped3A_211, %dma_start3A_217] : memref<2x64xi32, #tpu.memory_space<vmem>> -> memref<1x64xi32, #tpu.memory_space<vmem>>
        %dma_start3A_219 = tpu.memref_squeeze %dma_start3A_218 : memref<1x64xi32, #tpu.memory_space<vmem>> -> memref<64xi32, #tpu.memory_space<vmem>>
        %dma_start3A_220 = arith.constant 0 : i32
        %dma_start3A_221 = arith.constant 0 : i32
        %dma_start3A_222 = tpu.memref_slice %arg21[%dma_start3A_220, %dma_start3A_221] : memref<10112x128xf32, #tpu.memory_space<vmem_shared>> -> memref<10112x128xf32, #tpu.memory_space<vmem_shared>>
        tpu.enqueue_indirect_dma source(%dma_start3A_216 : memref<64x128xf32, #tpu.memory_space<vmem>>) target(%dma_start3A_222 : memref<10112x128xf32, #tpu.memory_space<vmem_shared>>) offsets(%dma_start3A_219 : memref<64xi32, #tpu.memory_space<vmem>>) semaphore(%run_scoped3A_212 : memref<!tpu.dma_semaphore, #tpu.memory_space<semaphore_mem>>) {add = true}
        %dma_wait3A_223 = arith.constant 0 : i32
        %dma_wait3A_224 = arith.constant 0 : i32
        %dma_wait3A_225 = tpu.memref_slice %arg17[%run_scoped3A_210, %dma_wait3A_223, %dma_wait3A_224] : memref<2x64x128xf32, #tpu.memory_space<vmem>> -> memref<1x64x128xf32, #tpu.memory_space<vmem>>
        %dma_wait3A_226 = tpu.memref_squeeze %dma_wait3A_225 : memref<1x64x128xf32, #tpu.memory_space<vmem>> -> memref<64x128xf32, #tpu.memory_space<vmem>>
        %dma_wait3A_227 = arith.constant 0 : i32
        %dma_wait3A_228 = tpu.memref_slice %arg14[%run_scoped3A_211, %dma_wait3A_227] : memref<2x64xi32, #tpu.memory_space<vmem>> -> memref<1x64xi32, #tpu.memory_space<vmem>>
        %dma_wait3A_229 = tpu.memref_squeeze %dma_wait3A_228 : memref<1x64xi32, #tpu.memory_space<vmem>> -> memref<64xi32, #tpu.memory_space<vmem>>
        %dma_wait3A_230 = arith.constant 0 : i32
        %dma_wait3A_231 = arith.constant 0 : i32
        %dma_wait3A_232 = tpu.memref_slice %arg21[%dma_wait3A_230, %dma_wait3A_231] : memref<10112x128xf32, #tpu.memory_space<vmem_shared>> -> memref<10112x128xf32, #tpu.memory_space<vmem_shared>>
        tpu.wait_indirect_dma semaphore(%run_scoped3A_212 : memref<!tpu.dma_semaphore, #tpu.memory_space<semaphore_mem>>) src(%dma_wait3A_226 : memref<64x128xf32, #tpu.memory_space<vmem>>) dst(%dma_wait3A_232 : memref<10112x128xf32, #tpu.memory_space<vmem_shared>>)
        tpu.yield
      }) : () -> ()
    }
    %scan3A_24 = arith.constant 78 : i32
    %lt3A = arith.constant 8 : i32
    %lt3A_25 = arith.cmpi slt, %add3A, %lt3A : i32
    %convert_element_type3A = arith.extui %lt3A_25 : i1 to i32
    %cond3A = arith.constant 0 : i32
    %cond3A_26 = arith.cmpi ne, %convert_element_type3A, %cond3A : i32
    scf.if %cond3A_26 {
      %add3A_28 = arith.constant 4992 : i32
      %add3A_29 = arith.addi %add3A, %add3A_28 : i32
      %mul3A_30 = arith.constant 64 : i32
      %mul3A_31 = arith.muli %add3A_29, %mul3A_30 : i32
      %run_scoped3A = arith.constant 0 : i32
      "tpu.region"() ({
        %run_scoped3A_115 = tpu.sem_alloc : memref<!tpu.dma_semaphore, #tpu.memory_space<semaphore_mem>>
        %dma_start3A_116 = arith.constant 0 : i32
        %dma_start3A_117 = tpu.memref_slice %arg13[%run_scoped3A, %dma_start3A_116] : memref<2x64xi32, #tpu.memory_space<vmem>> -> memref<1x64xi32, #tpu.memory_space<vmem>>
        %dma_start3A_118 = tpu.memref_squeeze %dma_start3A_117 : memref<1x64xi32, #tpu.memory_space<vmem>> -> memref<64xi32, #tpu.memory_space<vmem>>
        %dma_start3A_119 = tpu.memref_slice %arg2[%mul3A_31] : memref<320000xi32, #tpu.memory_space<hbm>> -> memref<64xi32, #tpu.memory_space<hbm>>
        %dma_start3A_120 = arith.constant 0 : i32
        %dma_start3A_121 = tpu.memref_slice %arg13[%run_scoped3A, %dma_start3A_120] : memref<2x64xi32, #tpu.memory_space<vmem>> -> memref<1x64xi32, #tpu.memory_space<vmem>>
        %dma_start3A_122 = tpu.memref_squeeze %dma_start3A_121 : memref<1x64xi32, #tpu.memory_space<vmem>> -> memref<64xi32, #tpu.memory_space<vmem>>
        %dma_start3A_123 = tpu.memref_slice %arg2[%mul3A_31] : memref<320000xi32, #tpu.memory_space<hbm>> -> memref<64xi32, #tpu.memory_space<hbm>>
        tpu.enqueue_dma source(%dma_start3A_123 : memref<64xi32, #tpu.memory_space<hbm>>) target(%dma_start3A_122 : memref<64xi32, #tpu.memory_space<vmem>>) target_semaphore(%run_scoped3A_115 : memref<!tpu.dma_semaphore, #tpu.memory_space<semaphore_mem>>)
        %dma_wait3A_124 = arith.constant 0 : i32
        %dma_wait3A_125 = tpu.memref_slice %arg13[%run_scoped3A, %dma_wait3A_124] : memref<2x64xi32, #tpu.memory_space<vmem>> -> memref<1x64xi32, #tpu.memory_space<vmem>>
        %dma_wait3A_126 = tpu.memref_squeeze %dma_wait3A_125 : memref<1x64xi32, #tpu.memory_space<vmem>> -> memref<64xi32, #tpu.memory_space<vmem>>
        %dma_wait3A_127 = tpu.memref_slice %arg2[%mul3A_31] : memref<320000xi32, #tpu.memory_space<hbm>> -> memref<64xi32, #tpu.memory_space<hbm>>
        %dma_wait3A_128 = arith.constant 0 : i32
        %dma_wait3A_129 = tpu.memref_slice %arg13[%run_scoped3A, %dma_wait3A_128] : memref<2x64xi32, #tpu.memory_space<vmem>> -> memref<1x64xi32, #tpu.memory_space<vmem>>
        %dma_wait3A_130 = tpu.memref_squeeze %dma_wait3A_129 : memref<1x64xi32, #tpu.memory_space<vmem>> -> memref<64xi32, #tpu.memory_space<vmem>>
        %dma_wait3A_131 = tpu.memref_slice %arg2[%mul3A_31] : memref<320000xi32, #tpu.memory_space<hbm>> -> memref<64xi32, #tpu.memory_space<hbm>>
        tpu.wait_dma2 semaphore(%run_scoped3A_115 : memref<!tpu.dma_semaphore, #tpu.memory_space<semaphore_mem>>) src(%dma_wait3A_131 : memref<64xi32, #tpu.memory_space<hbm>>) dst(%dma_wait3A_130 : memref<64xi32, #tpu.memory_space<vmem>>)
        tpu.yield
      }) : () -> ()
      %run_scoped3A_32 = arith.constant 0 : i32
      "tpu.region"() ({
        %run_scoped3A_115 = tpu.sem_alloc : memref<!tpu.dma_semaphore, #tpu.memory_space<semaphore_mem>>
        %dma_start3A_116 = arith.constant 0 : i32
        %dma_start3A_117 = tpu.memref_slice %arg14[%run_scoped3A_32, %dma_start3A_116] : memref<2x64xi32, #tpu.memory_space<vmem>> -> memref<1x64xi32, #tpu.memory_space<vmem>>
        %dma_start3A_118 = tpu.memref_squeeze %dma_start3A_117 : memref<1x64xi32, #tpu.memory_space<vmem>> -> memref<64xi32, #tpu.memory_space<vmem>>
        %dma_start3A_119 = tpu.memref_slice %arg3[%mul3A_31] : memref<320000xi32, #tpu.memory_space<hbm>> -> memref<64xi32, #tpu.memory_space<hbm>>
        %dma_start3A_120 = arith.constant 0 : i32
        %dma_start3A_121 = tpu.memref_slice %arg14[%run_scoped3A_32, %dma_start3A_120] : memref<2x64xi32, #tpu.memory_space<vmem>> -> memref<1x64xi32, #tpu.memory_space<vmem>>
        %dma_start3A_122 = tpu.memref_squeeze %dma_start3A_121 : memref<1x64xi32, #tpu.memory_space<vmem>> -> memref<64xi32, #tpu.memory_space<vmem>>
        %dma_start3A_123 = tpu.memref_slice %arg3[%mul3A_31] : memref<320000xi32, #tpu.memory_space<hbm>> -> memref<64xi32, #tpu.memory_space<hbm>>
        tpu.enqueue_dma source(%dma_start3A_123 : memref<64xi32, #tpu.memory_space<hbm>>) target(%dma_start3A_122 : memref<64xi32, #tpu.memory_space<vmem>>) target_semaphore(%run_scoped3A_115 : memref<!tpu.dma_semaphore, #tpu.memory_space<semaphore_mem>>)
        %dma_wait3A_124 = arith.constant 0 : i32
        %dma_wait3A_125 = tpu.memref_slice %arg14[%run_scoped3A_32, %dma_wait3A_124] : memref<2x64xi32, #tpu.memory_space<vmem>> -> memref<1x64xi32, #tpu.memory_space<vmem>>
        %dma_wait3A_126 = tpu.memref_squeeze %dma_wait3A_125 : memref<1x64xi32, #tpu.memory_space<vmem>> -> memref<64xi32, #tpu.memory_space<vmem>>
        %dma_wait3A_127 = tpu.memref_slice %arg3[%mul3A_31] : memref<320000xi32, #tpu.memory_space<hbm>> -> memref<64xi32, #tpu.memory_space<hbm>>
        %dma_wait3A_128 = arith.constant 0 : i32
        %dma_wait3A_129 = tpu.memref_slice %arg14[%run_scoped3A_32, %dma_wait3A_128] : memref<2x64xi32, #tpu.memory_space<vmem>> -> memref<1x64xi32, #tpu.memory_space<vmem>>
        %dma_wait3A_130 = tpu.memref_squeeze %dma_wait3A_129 : memref<1x64xi32, #tpu.memory_space<vmem>> -> memref<64xi32, #tpu.memory_space<vmem>>
        %dma_wait3A_131 = tpu.memref_slice %arg3[%mul3A_31] : memref<320000xi32, #tpu.memory_space<hbm>> -> memref<64xi32, #tpu.memory_space<hbm>>
        tpu.wait_dma2 semaphore(%run_scoped3A_115 : memref<!tpu.dma_semaphore, #tpu.memory_space<semaphore_mem>>) src(%dma_wait3A_131 : memref<64xi32, #tpu.memory_space<hbm>>) dst(%dma_wait3A_130 : memref<64xi32, #tpu.memory_space<vmem>>)
        tpu.yield
      }) : () -> ()
      %dma_start3A_33 = arith.constant 0 : i32
      %dma_start3A_34 = arith.constant 0 : i32
      %dma_start3A_35 = arith.constant 0 : i32
      %dma_start3A_36 = arith.constant 0 : i32
      %dma_start3A_37 = tpu.memref_slice %arg15[%dma_start3A_34, %dma_start3A_35, %dma_start3A_36] : memref<2x64x16xf32, #tpu.memory_space<vmem>> -> memref<1x64x16xf32, #tpu.memory_space<vmem>>
      %dma_start3A_38 = tpu.memref_squeeze %dma_start3A_37 : memref<1x64x16xf32, #tpu.memory_space<vmem>> -> memref<64x16xf32, #tpu.memory_space<vmem>>
      %dma_start3A_39 = arith.constant 0 : i32
      %dma_start3A_40 = tpu.memref_slice %arg13[%dma_start3A_33, %dma_start3A_39] : memref<2x64xi32, #tpu.memory_space<vmem>> -> memref<1x64xi32, #tpu.memory_space<vmem>>
      %dma_start3A_41 = tpu.memref_squeeze %dma_start3A_40 : memref<1x64xi32, #tpu.memory_space<vmem>> -> memref<64xi32, #tpu.memory_space<vmem>>
      %dma_start3A_42 = arith.constant 0 : i32
      %dma_start3A_43 = arith.constant 0 : i32
      %dma_start3A_44 = tpu.memref_slice %arg4[%dma_start3A_42, %dma_start3A_43] : memref<10000x16xf32, #tpu.memory_space<hbm>> -> memref<10000x16xf32, #tpu.memory_space<hbm>>
      tpu.enqueue_indirect_dma source(%dma_start3A_44 : memref<10000x16xf32, #tpu.memory_space<hbm>>) target(%dma_start3A_38 : memref<64x16xf32, #tpu.memory_space<vmem>>) offsets(%dma_start3A_41 : memref<64xi32, #tpu.memory_space<vmem>>) semaphore(%arg22 : memref<!tpu.dma_semaphore, #tpu.memory_space<semaphore_mem>>)
      %dma_start3A_45 = arith.constant 0 : i32
      %dma_start3A_46 = arith.constant 0 : i32
      %dma_start3A_47 = arith.constant 0 : i32
      %dma_start3A_48 = arith.constant 0 : i32
      %dma_start3A_49 = tpu.memref_slice %arg16[%dma_start3A_46, %dma_start3A_47, %dma_start3A_48] : memref<2x64x16xf32, #tpu.memory_space<vmem>> -> memref<1x64x16xf32, #tpu.memory_space<vmem>>
      %dma_start3A_50 = tpu.memref_squeeze %dma_start3A_49 : memref<1x64x16xf32, #tpu.memory_space<vmem>> -> memref<64x16xf32, #tpu.memory_space<vmem>>
      %dma_start3A_51 = arith.constant 0 : i32
      %dma_start3A_52 = tpu.memref_slice %arg14[%dma_start3A_45, %dma_start3A_51] : memref<2x64xi32, #tpu.memory_space<vmem>> -> memref<1x64xi32, #tpu.memory_space<vmem>>
      %dma_start3A_53 = tpu.memref_squeeze %dma_start3A_52 : memref<1x64xi32, #tpu.memory_space<vmem>> -> memref<64xi32, #tpu.memory_space<vmem>>
      %dma_start3A_54 = arith.constant 0 : i32
      %dma_start3A_55 = arith.constant 0 : i32
      %dma_start3A_56 = tpu.memref_slice %arg5[%dma_start3A_54, %dma_start3A_55] : memref<10000x16xf32, #tpu.memory_space<hbm>> -> memref<10000x16xf32, #tpu.memory_space<hbm>>
      tpu.enqueue_indirect_dma source(%dma_start3A_56 : memref<10000x16xf32, #tpu.memory_space<hbm>>) target(%dma_start3A_50 : memref<64x16xf32, #tpu.memory_space<vmem>>) offsets(%dma_start3A_53 : memref<64xi32, #tpu.memory_space<vmem>>) semaphore(%arg23 : memref<!tpu.dma_semaphore, #tpu.memory_space<semaphore_mem>>)
      %dma_start3A_57 = arith.constant 0 : i32
      %dma_start3A_58 = arith.constant 0 : i32
      %dma_start3A_59 = arith.constant 0 : i32
      %dma_start3A_60 = arith.constant 0 : i32
      %dma_start3A_61 = tpu.memref_slice %arg17[%dma_start3A_58, %dma_start3A_59, %dma_start3A_60] : memref<2x64x128xf32, #tpu.memory_space<vmem>> -> memref<1x64x128xf32, #tpu.memory_space<vmem>>
      %dma_start3A_62 = tpu.memref_squeeze %dma_start3A_61 : memref<1x64x128xf32, #tpu.memory_space<vmem>> -> memref<64x128xf32, #tpu.memory_space<vmem>>
      %dma_start3A_63 = arith.constant 0 : i32
      %dma_start3A_64 = tpu.memref_slice %arg13[%dma_start3A_57, %dma_start3A_63] : memref<2x64xi32, #tpu.memory_space<vmem>> -> memref<1x64xi32, #tpu.memory_space<vmem>>
      %dma_start3A_65 = tpu.memref_squeeze %dma_start3A_64 : memref<1x64xi32, #tpu.memory_space<vmem>> -> memref<64xi32, #tpu.memory_space<vmem>>
      %dma_start3A_66 = arith.constant 0 : i32
      %dma_start3A_67 = arith.constant 0 : i32
      %dma_start3A_68 = tpu.memref_slice %arg6[%dma_start3A_66, %dma_start3A_67] : memref<10000x128xf32, #tpu.memory_space<hbm>> -> memref<10000x128xf32, #tpu.memory_space<hbm>>
      tpu.enqueue_indirect_dma source(%dma_start3A_68 : memref<10000x128xf32, #tpu.memory_space<hbm>>) target(%dma_start3A_62 : memref<64x128xf32, #tpu.memory_space<vmem>>) offsets(%dma_start3A_65 : memref<64xi32, #tpu.memory_space<vmem>>) semaphore(%arg24 : memref<!tpu.dma_semaphore, #tpu.memory_space<semaphore_mem>>)
      %dma_wait3A_69 = arith.constant 0 : i32
      %dma_wait3A_70 = arith.constant 0 : i32
      %dma_wait3A_71 = arith.constant 0 : i32
      %dma_wait3A_72 = arith.constant 0 : i32
      %dma_wait3A_73 = tpu.memref_slice %arg15[%dma_wait3A_70, %dma_wait3A_71, %dma_wait3A_72] : memref<2x64x16xf32, #tpu.memory_space<vmem>> -> memref<1x64x16xf32, #tpu.memory_space<vmem>>
      %dma_wait3A_74 = tpu.memref_squeeze %dma_wait3A_73 : memref<1x64x16xf32, #tpu.memory_space<vmem>> -> memref<64x16xf32, #tpu.memory_space<vmem>>
      %dma_wait3A_75 = arith.constant 0 : i32
      %dma_wait3A_76 = tpu.memref_slice %arg13[%dma_wait3A_69, %dma_wait3A_75] : memref<2x64xi32, #tpu.memory_space<vmem>> -> memref<1x64xi32, #tpu.memory_space<vmem>>
      %dma_wait3A_77 = tpu.memref_squeeze %dma_wait3A_76 : memref<1x64xi32, #tpu.memory_space<vmem>> -> memref<64xi32, #tpu.memory_space<vmem>>
      %dma_wait3A_78 = arith.constant 0 : i32
      %dma_wait3A_79 = arith.constant 0 : i32
      %dma_wait3A_80 = tpu.memref_slice %arg4[%dma_wait3A_78, %dma_wait3A_79] : memref<10000x16xf32, #tpu.memory_space<hbm>> -> memref<10000x16xf32, #tpu.memory_space<hbm>>
      tpu.wait_indirect_dma semaphore(%arg22 : memref<!tpu.dma_semaphore, #tpu.memory_space<semaphore_mem>>) src(%dma_wait3A_80 : memref<10000x16xf32, #tpu.memory_space<hbm>>) dst(%dma_wait3A_74 : memref<64x16xf32, #tpu.memory_space<vmem>>)
      %dma_wait3A_81 = arith.constant 0 : i32
      %dma_wait3A_82 = arith.constant 0 : i32
      %dma_wait3A_83 = arith.constant 0 : i32
      %dma_wait3A_84 = arith.constant 0 : i32
      %dma_wait3A_85 = tpu.memref_slice %arg16[%dma_wait3A_82, %dma_wait3A_83, %dma_wait3A_84] : memref<2x64x16xf32, #tpu.memory_space<vmem>> -> memref<1x64x16xf32, #tpu.memory_space<vmem>>
      %dma_wait3A_86 = tpu.memref_squeeze %dma_wait3A_85 : memref<1x64x16xf32, #tpu.memory_space<vmem>> -> memref<64x16xf32, #tpu.memory_space<vmem>>
      %dma_wait3A_87 = arith.constant 0 : i32
      %dma_wait3A_88 = tpu.memref_slice %arg14[%dma_wait3A_81, %dma_wait3A_87] : memref<2x64xi32, #tpu.memory_space<vmem>> -> memref<1x64xi32, #tpu.memory_space<vmem>>
      %dma_wait3A_89 = tpu.memref_squeeze %dma_wait3A_88 : memref<1x64xi32, #tpu.memory_space<vmem>> -> memref<64xi32, #tpu.memory_space<vmem>>
      %dma_wait3A_90 = arith.constant 0 : i32
      %dma_wait3A_91 = arith.constant 0 : i32
      %dma_wait3A_92 = tpu.memref_slice %arg5[%dma_wait3A_90, %dma_wait3A_91] : memref<10000x16xf32, #tpu.memory_space<hbm>> -> memref<10000x16xf32, #tpu.memory_space<hbm>>
      tpu.wait_indirect_dma semaphore(%arg23 : memref<!tpu.dma_semaphore, #tpu.memory_space<semaphore_mem>>) src(%dma_wait3A_92 : memref<10000x16xf32, #tpu.memory_space<hbm>>) dst(%dma_wait3A_86 : memref<64x16xf32, #tpu.memory_space<vmem>>)
      %dma_wait3A_93 = arith.constant 0 : i32
      %dma_wait3A_94 = arith.constant 0 : i32
      %dma_wait3A_95 = arith.constant 0 : i32
      %dma_wait3A_96 = arith.constant 0 : i32
      %dma_wait3A_97 = tpu.memref_slice %arg17[%dma_wait3A_94, %dma_wait3A_95, %dma_wait3A_96] : memref<2x64x128xf32, #tpu.memory_space<vmem>> -> memref<1x64x128xf32, #tpu.memory_space<vmem>>
      %dma_wait3A_98 = tpu.memref_squeeze %dma_wait3A_97 : memref<1x64x128xf32, #tpu.memory_space<vmem>> -> memref<64x128xf32, #tpu.memory_space<vmem>>
      %dma_wait3A_99 = arith.constant 0 : i32
      %dma_wait3A_100 = tpu.memref_slice %arg13[%dma_wait3A_93, %dma_wait3A_99] : memref<2x64xi32, #tpu.memory_space<vmem>> -> memref<1x64xi32, #tpu.memory_space<vmem>>
      %dma_wait3A_101 = tpu.memref_squeeze %dma_wait3A_100 : memref<1x64xi32, #tpu.memory_space<vmem>> -> memref<64xi32, #tpu.memory_space<vmem>>
      %dma_wait3A_102 = arith.constant 0 : i32
      %dma_wait3A_103 = arith.constant 0 : i32
      %dma_wait3A_104 = tpu.memref_slice %arg6[%dma_wait3A_102, %dma_wait3A_103] : memref<10000x128xf32, #tpu.memory_space<hbm>> -> memref<10000x128xf32, #tpu.memory_space<hbm>>
      tpu.wait_indirect_dma semaphore(%arg24 : memref<!tpu.dma_semaphore, #tpu.memory_space<semaphore_mem>>) src(%dma_wait3A_104 : memref<10000x128xf32, #tpu.memory_space<hbm>>) dst(%dma_wait3A_98 : memref<64x128xf32, #tpu.memory_space<vmem>>)
      %scan3A_105 = arith.constant 0 : i32
      %scan3A_106 = arith.constant 0 : i32
      %scan3A_107 = arith.constant 64 : i32
      %scan3A_108 = arith.addi %scan3A_106, %scan3A_107 : i32
      %scan3A_109 = arith.constant 1 : i32
      scf.for %scan3A_115 = %scan3A_106 to %scan3A_108 step %scan3A_109  : i32 {
        %get3A_116 = arith.constant 0 : i32
        %get3A_117 = arith.index_cast %get3A_116 : i32 to index
        %get3A_118 = arith.index_cast %scan3A_115 : i32 to index
        %get3A_119 = arith.constant 0 : index
        %get3A_120 = tpu.vector_load %arg15[%get3A_117, %get3A_118, %get3A_119] {strides = array<i32>} : memref<2x64x16xf32, #tpu.memory_space<vmem>>, vector<1x1x16xf32>,
        %get3A_121 = vector.shape_cast %get3A_120 : vector<1x1x16xf32> to vector<16xf32>
        %get3A_122 = arith.constant 0 : i32
        %get3A_123 = arith.index_cast %get3A_122 : i32 to index
        %get3A_124 = arith.index_cast %scan3A_115 : i32 to index
        %get3A_125 = arith.constant 0 : index
        %get3A_126 = tpu.vector_load %arg16[%get3A_123, %get3A_124, %get3A_125] {strides = array<i32>} : memref<2x64x16xf32, #tpu.memory_space<vmem>>, vector<1x1x16xf32>,
        %get3A_127 = vector.shape_cast %get3A_126 : vector<1x1x16xf32> to vector<16xf32>
        %add3A_128 = arith.addf %get3A_121, %get3A_127 : vector<16xf32>
        %gt3A_129 = arith.constant 0.000000e+00 : f32
        %gt3A_130 = vector.broadcast %gt3A_129 : f32 to vector<16xf32>
        %gt3A_131 = arith.cmpf ogt, %add3A_128, %gt3A_130 : vector<16xf32>
        %mul3A_132 = arith.constant 2.000000e-01 : f32
        %mul3A_133 = vector.broadcast %mul3A_132 : f32 to vector<16xf32>
        %mul3A_134 = arith.mulf %mul3A_133, %add3A_128 : vector<16xf32>
        %select_n3A_135 = arith.select %gt3A_131, %add3A_128, %mul3A_134 : vector<16xi1>, vector<16xf32>
        %sub3A = arith.subf %select_n3A_135, %select_n3A : vector<16xf32>
        %exp3A = math.exp %sub3A : vector<16xf32>
        %swap3A = arith.constant 0 : i32
        %swap3A_136 = arith.index_cast %swap3A : i32 to index
        %swap3A_137 = arith.index_cast %scan3A_115 : i32 to index
        %swap3A_138 = arith.constant 0 : index
        %swap3A_139 = tpu.vector_load %arg18[%swap3A_136, %swap3A_137, %swap3A_138] {strides = array<i32>} : memref<2x64x16xf32, #tpu.memory_space<vmem>>, vector<1x1x16xf32>,
        %swap3A_140 = vector.shape_cast %swap3A_139 : vector<1x1x16xf32> to vector<16xf32>
        %swap3A_141 = vector.shape_cast %exp3A : vector<16xf32> to vector<1x1x16xf32>
        tpu.vector_store %arg18[%swap3A_136, %swap3A_137, %swap3A_138], %swap3A_141 {strides = array<i32>} : memref<2x64x16xf32, #tpu.memory_space<vmem>>, vector<1x1x16xf32>,
        %slice3A = vector.extract_strided_slice %exp3A {offsets = [0], sizes = [1], strides = [1]} : vector<16xf32> to vector<1xf32>
        %squeeze3A = vector.extract %slice3A[0] : f32 from vector<1xf32>
        %get3A_142 = arith.constant 0 : i32
        %get3A_143 = arith.index_cast %get3A_142 : i32 to index
        %get3A_144 = arith.index_cast %scan3A_115 : i32 to index
        %get3A_145 = arith.constant 0 : index
        %get3A_146 = tpu.vector_load %arg17[%get3A_143, %get3A_144, %get3A_145] {strides = array<i32>} : memref<2x64x128xf32, #tpu.memory_space<vmem>>, vector<1x1x16xf32>,
        %get3A_147 = vector.shape_cast %get3A_146 : vector<1x1x16xf32> to vector<16xf32>
        %mul3A_148 = vector.broadcast %squeeze3A : f32 to vector<16xf32>
        %mul3A_149 = arith.mulf %get3A_147, %mul3A_148 : vector<16xf32>
        %swap3A_150 = arith.constant 0 : i32
        %swap3A_151 = arith.index_cast %swap3A_150 : i32 to index
        %swap3A_152 = arith.index_cast %scan3A_115 : i32 to index
        %swap3A_153 = arith.constant 0 : index
        %swap3A_154 = tpu.vector_load %arg17[%swap3A_151, %swap3A_152, %swap3A_153] {strides = array<i32>} : memref<2x64x128xf32, #tpu.memory_space<vmem>>, vector<1x1x16xf32>,
        %swap3A_155 = vector.shape_cast %swap3A_154 : vector<1x1x16xf32> to vector<16xf32>
        %swap3A_156 = vector.shape_cast %mul3A_149 : vector<16xf32> to vector<1x1x16xf32>
        tpu.vector_store %arg17[%swap3A_151, %swap3A_152, %swap3A_153], %swap3A_156 {strides = array<i32>} : memref<2x64x128xf32, #tpu.memory_space<vmem>>, vector<1x1x16xf32>,
        %slice3A_157 = vector.extract_strided_slice %exp3A {offsets = [1], sizes = [1], strides = [1]} : vector<16xf32> to vector<1xf32>
        %squeeze3A_158 = vector.extract %slice3A_157[0] : f32 from vector<1xf32>
        %get3A_159 = arith.constant 0 : i32
        %get3A_160 = arith.index_cast %get3A_159 : i32 to index
        %get3A_161 = arith.index_cast %scan3A_115 : i32 to index
        %get3A_162 = arith.constant 16 : index
        %get3A_163 = tpu.vector_load %arg17[%get3A_160, %get3A_161, %get3A_162] {strides = array<i32>} : memref<2x64x128xf32, #tpu.memory_space<vmem>>, vector<1x1x16xf32>,
        %get3A_164 = vector.shape_cast %get3A_163 : vector<1x1x16xf32> to vector<16xf32>
        %mul3A_165 = vector.broadcast %squeeze3A_158 : f32 to vector<16xf32>
        %mul3A_166 = arith.mulf %get3A_164, %mul3A_165 : vector<16xf32>
        %swap3A_167 = arith.constant 0 : i32
        %swap3A_168 = arith.index_cast %swap3A_167 : i32 to index
        %swap3A_169 = arith.index_cast %scan3A_115 : i32 to index
        %swap3A_170 = arith.constant 16 : index
        %swap3A_171 = tpu.vector_load %arg17[%swap3A_168, %swap3A_169, %swap3A_170] {strides = array<i32>} : memref<2x64x128xf32, #tpu.memory_space<vmem>>, vector<1x1x16xf32>,
        %swap3A_172 = vector.shape_cast %swap3A_171 : vector<1x1x16xf32> to vector<16xf32>
        %swap3A_173 = vector.shape_cast %mul3A_166 : vector<16xf32> to vector<1x1x16xf32>
        tpu.vector_store %arg17[%swap3A_168, %swap3A_169, %swap3A_170], %swap3A_173 {strides = array<i32>} : memref<2x64x128xf32, #tpu.memory_space<vmem>>, vector<1x1x16xf32>,
        %slice3A_174 = vector.extract_strided_slice %exp3A {offsets = [2], sizes = [1], strides = [1]} : vector<16xf32> to vector<1xf32>
        %squeeze3A_175 = vector.extract %slice3A_174[0] : f32 from vector<1xf32>
        %get3A_176 = arith.constant 0 : i32
        %get3A_177 = arith.index_cast %get3A_176 : i32 to index
        %get3A_178 = arith.index_cast %scan3A_115 : i32 to index
        %get3A_179 = arith.constant 32 : index
        %get3A_180 = tpu.vector_load %arg17[%get3A_177, %get3A_178, %get3A_179] {strides = array<i32>} : memref<2x64x128xf32, #tpu.memory_space<vmem>>, vector<1x1x16xf32>,
        %get3A_181 = vector.shape_cast %get3A_180 : vector<1x1x16xf32> to vector<16xf32>
        %mul3A_182 = vector.broadcast %squeeze3A_175 : f32 to vector<16xf32>
        %mul3A_183 = arith.mulf %get3A_181, %mul3A_182 : vector<16xf32>
        %swap3A_184 = arith.constant 0 : i32
        %swap3A_185 = arith.index_cast %swap3A_184 : i32 to index
        %swap3A_186 = arith.index_cast %scan3A_115 : i32 to index
        %swap3A_187 = arith.constant 32 : index
        %swap3A_188 = tpu.vector_load %arg17[%swap3A_185, %swap3A_186, %swap3A_187] {strides = array<i32>} : memref<2x64x128xf32, #tpu.memory_space<vmem>>, vector<1x1x16xf32>,
        %swap3A_189 = vector.shape_cast %swap3A_188 : vector<1x1x16xf32> to vector<16xf32>
        %swap3A_190 = vector.shape_cast %mul3A_183 : vector<16xf32> to vector<1x1x16xf32>
        tpu.vector_store %arg17[%swap3A_185, %swap3A_186, %swap3A_187], %swap3A_190 {strides = array<i32>} : memref<2x64x128xf32, #tpu.memory_space<vmem>>, vector<1x1x16xf32>,
        %slice3A_191 = vector.extract_strided_slice %exp3A {offsets = [3], sizes = [1], strides = [1]} : vector<16xf32> to vector<1xf32>
        %squeeze3A_192 = vector.extract %slice3A_191[0] : f32 from vector<1xf32>
        %get3A_193 = arith.constant 0 : i32
        %get3A_194 = arith.index_cast %get3A_193 : i32 to index
        %get3A_195 = arith.index_cast %scan3A_115 : i32 to index
        %get3A_196 = arith.constant 48 : index
        %get3A_197 = tpu.vector_load %arg17[%get3A_194, %get3A_195, %get3A_196] {strides = array<i32>} : memref<2x64x128xf32, #tpu.memory_space<vmem>>, vector<1x1x16xf32>,
        %get3A_198 = vector.shape_cast %get3A_197 : vector<1x1x16xf32> to vector<16xf32>
        %mul3A_199 = vector.broadcast %squeeze3A_192 : f32 to vector<16xf32>
        %mul3A_200 = arith.mulf %get3A_198, %mul3A_199 : vector<16xf32>
        %swap3A_201 = arith.constant 0 : i32
        %swap3A_202 = arith.index_cast %swap3A_201 : i32 to index
        %swap3A_203 = arith.index_cast %scan3A_115 : i32 to index
        %swap3A_204 = arith.constant 48 : index
        %swap3A_205 = tpu.vector_load %arg17[%swap3A_202, %swap3A_203, %swap3A_204] {strides = array<i32>} : memref<2x64x128xf32, #tpu.memory_space<vmem>>, vector<1x1x16xf32>,
        %swap3A_206 = vector.shape_cast %swap3A_205 : vector<1x1x16xf32> to vector<16xf32>
        %swap3A_207 = vector.shape_cast %mul3A_200 : vector<16xf32> to vector<1x1x16xf32>
        tpu.vector_store %arg17[%swap3A_202, %swap3A_203, %swap3A_204], %swap3A_207 {strides = array<i32>} : memref<2x64x128xf32, #tpu.memory_space<vmem>>, vector<1x1x16xf32>,
        %slice3A_208 = vector.extract_strided_slice %exp3A {offsets = [4], sizes = [1], strides = [1]} : vector<16xf32> to vector<1xf32>
        %squeeze3A_209 = vector.extract %slice3A_208[0] : f32 from vector<1xf32>
        %get3A_210 = arith.constant 0 : i32
        %get3A_211 = arith.index_cast %get3A_210 : i32 to index
        %get3A_212 = arith.index_cast %scan3A_115 : i32 to index
        %get3A_213 = arith.constant 64 : index
        %get3A_214 = tpu.vector_load %arg17[%get3A_211, %get3A_212, %get3A_213] {strides = array<i32>} : memref<2x64x128xf32, #tpu.memory_space<vmem>>, vector<1x1x16xf32>,
        %get3A_215 = vector.shape_cast %get3A_214 : vector<1x1x16xf32> to vector<16xf32>
        %mul3A_216 = vector.broadcast %squeeze3A_209 : f32 to vector<16xf32>
        %mul3A_217 = arith.mulf %get3A_215, %mul3A_216 : vector<16xf32>
        %swap3A_218 = arith.constant 0 : i32
        %swap3A_219 = arith.index_cast %swap3A_218 : i32 to index
        %swap3A_220 = arith.index_cast %scan3A_115 : i32 to index
        %swap3A_221 = arith.constant 64 : index
        %swap3A_222 = tpu.vector_load %arg17[%swap3A_219, %swap3A_220, %swap3A_221] {strides = array<i32>} : memref<2x64x128xf32, #tpu.memory_space<vmem>>, vector<1x1x16xf32>,
        %swap3A_223 = vector.shape_cast %swap3A_222 : vector<1x1x16xf32> to vector<16xf32>
        %swap3A_224 = vector.shape_cast %mul3A_217 : vector<16xf32> to vector<1x1x16xf32>
        tpu.vector_store %arg17[%swap3A_219, %swap3A_220, %swap3A_221], %swap3A_224 {strides = array<i32>} : memref<2x64x128xf32, #tpu.memory_space<vmem>>, vector<1x1x16xf32>,
        %slice3A_225 = vector.extract_strided_slice %exp3A {offsets = [5], sizes = [1], strides = [1]} : vector<16xf32> to vector<1xf32>
        %squeeze3A_226 = vector.extract %slice3A_225[0] : f32 from vector<1xf32>
        %get3A_227 = arith.constant 0 : i32
        %get3A_228 = arith.index_cast %get3A_227 : i32 to index
        %get3A_229 = arith.index_cast %scan3A_115 : i32 to index
        %get3A_230 = arith.constant 80 : index
        %get3A_231 = tpu.vector_load %arg17[%get3A_228, %get3A_229, %get3A_230] {strides = array<i32>} : memref<2x64x128xf32, #tpu.memory_space<vmem>>, vector<1x1x16xf32>,
        %get3A_232 = vector.shape_cast %get3A_231 : vector<1x1x16xf32> to vector<16xf32>
        %mul3A_233 = vector.broadcast %squeeze3A_226 : f32 to vector<16xf32>
        %mul3A_234 = arith.mulf %get3A_232, %mul3A_233 : vector<16xf32>
        %swap3A_235 = arith.constant 0 : i32
        %swap3A_236 = arith.index_cast %swap3A_235 : i32 to index
        %swap3A_237 = arith.index_cast %scan3A_115 : i32 to index
        %swap3A_238 = arith.constant 80 : index
        %swap3A_239 = tpu.vector_load %arg17[%swap3A_236, %swap3A_237, %swap3A_238] {strides = array<i32>} : memref<2x64x128xf32, #tpu.memory_space<vmem>>, vector<1x1x16xf32>,
        %swap3A_240 = vector.shape_cast %swap3A_239 : vector<1x1x16xf32> to vector<16xf32>
        %swap3A_241 = vector.shape_cast %mul3A_234 : vector<16xf32> to vector<1x1x16xf32>
        tpu.vector_store %arg17[%swap3A_236, %swap3A_237, %swap3A_238], %swap3A_241 {strides = array<i32>} : memref<2x64x128xf32, #tpu.memory_space<vmem>>, vector<1x1x16xf32>,
        %slice3A_242 = vector.extract_strided_slice %exp3A {offsets = [6], sizes = [1], strides = [1]} : vector<16xf32> to vector<1xf32>
        %squeeze3A_243 = vector.extract %slice3A_242[0] : f32 from vector<1xf32>
        %get3A_244 = arith.constant 0 : i32
        %get3A_245 = arith.index_cast %get3A_244 : i32 to index
        %get3A_246 = arith.index_cast %scan3A_115 : i32 to index
        %get3A_247 = arith.constant 96 : index
        %get3A_248 = tpu.vector_load %arg17[%get3A_245, %get3A_246, %get3A_247] {strides = array<i32>} : memref<2x64x128xf32, #tpu.memory_space<vmem>>, vector<1x1x16xf32>,
        %get3A_249 = vector.shape_cast %get3A_248 : vector<1x1x16xf32> to vector<16xf32>
        %mul3A_250 = vector.broadcast %squeeze3A_243 : f32 to vector<16xf32>
        %mul3A_251 = arith.mulf %get3A_249, %mul3A_250 : vector<16xf32>
        %swap3A_252 = arith.constant 0 : i32
        %swap3A_253 = arith.index_cast %swap3A_252 : i32 to index
        %swap3A_254 = arith.index_cast %scan3A_115 : i32 to index
        %swap3A_255 = arith.constant 96 : index
        %swap3A_256 = tpu.vector_load %arg17[%swap3A_253, %swap3A_254, %swap3A_255] {strides = array<i32>} : memref<2x64x128xf32, #tpu.memory_space<vmem>>, vector<1x1x16xf32>,
        %swap3A_257 = vector.shape_cast %swap3A_256 : vector<1x1x16xf32> to vector<16xf32>
        %swap3A_258 = vector.shape_cast %mul3A_251 : vector<16xf32> to vector<1x1x16xf32>
        tpu.vector_store %arg17[%swap3A_253, %swap3A_254, %swap3A_255], %swap3A_258 {strides = array<i32>} : memref<2x64x128xf32, #tpu.memory_space<vmem>>, vector<1x1x16xf32>,
        %slice3A_259 = vector.extract_strided_slice %exp3A {offsets = [7], sizes = [1], strides = [1]} : vector<16xf32> to vector<1xf32>
        %squeeze3A_260 = vector.extract %slice3A_259[0] : f32 from vector<1xf32>
        %get3A_261 = arith.constant 0 : i32
        %get3A_262 = arith.index_cast %get3A_261 : i32 to index
        %get3A_263 = arith.index_cast %scan3A_115 : i32 to index
        %get3A_264 = arith.constant 112 : index
        %get3A_265 = tpu.vector_load %arg17[%get3A_262, %get3A_263, %get3A_264] {strides = array<i32>} : memref<2x64x128xf32, #tpu.memory_space<vmem>>, vector<1x1x16xf32>,
        %get3A_266 = vector.shape_cast %get3A_265 : vector<1x1x16xf32> to vector<16xf32>
        %mul3A_267 = vector.broadcast %squeeze3A_260 : f32 to vector<16xf32>
        %mul3A_268 = arith.mulf %get3A_266, %mul3A_267 : vector<16xf32>
        %swap3A_269 = arith.constant 0 : i32
        %swap3A_270 = arith.index_cast %swap3A_269 : i32 to index
        %swap3A_271 = arith.index_cast %scan3A_115 : i32 to index
        %swap3A_272 = arith.constant 112 : index
        %swap3A_273 = tpu.vector_load %arg17[%swap3A_270, %swap3A_271, %swap3A_272] {strides = array<i32>} : memref<2x64x128xf32, #tpu.memory_space<vmem>>, vector<1x1x16xf32>,
        %swap3A_274 = vector.shape_cast %swap3A_273 : vector<1x1x16xf32> to vector<16xf32>
        %swap3A_275 = vector.shape_cast %mul3A_268 : vector<16xf32> to vector<1x1x16xf32>
        tpu.vector_store %arg17[%swap3A_270, %swap3A_271, %swap3A_272], %swap3A_275 {strides = array<i32>} : memref<2x64x128xf32, #tpu.memory_space<vmem>>, vector<1x1x16xf32>,
      }
      %scan3A_110 = arith.constant 64 : i32
      %run_scoped3A_111 = arith.constant 0 : i32
      %run_scoped3A_112 = arith.constant 0 : i32
      "tpu.region"() ({
        %run_scoped3A_115 = tpu.sem_alloc : memref<!tpu.dma_semaphore, #tpu.memory_space<semaphore_mem>>
        %dma_start3A_116 = arith.constant 0 : i32
        %dma_start3A_117 = arith.constant 0 : i32
        %dma_start3A_118 = tpu.memref_slice %arg18[%run_scoped3A_111, %dma_start3A_116, %dma_start3A_117] : memref<2x64x16xf32, #tpu.memory_space<vmem>> -> memref<1x64x16xf32, #tpu.memory_space<vmem>>
        %dma_start3A_119 = tpu.memref_squeeze %dma_start3A_118 : memref<1x64x16xf32, #tpu.memory_space<vmem>> -> memref<64x16xf32, #tpu.memory_space<vmem>>
        %dma_start3A_120 = arith.constant 0 : i32
        %dma_start3A_121 = tpu.memref_slice %arg14[%run_scoped3A_112, %dma_start3A_120] : memref<2x64xi32, #tpu.memory_space<vmem>> -> memref<1x64xi32, #tpu.memory_space<vmem>>
        %dma_start3A_122 = tpu.memref_squeeze %dma_start3A_121 : memref<1x64xi32, #tpu.memory_space<vmem>> -> memref<64xi32, #tpu.memory_space<vmem>>
        %dma_start3A_123 = arith.constant 0 : i32
        %dma_start3A_124 = arith.constant 0 : i32
        %dma_start3A_125 = tpu.memref_slice %arg20[%dma_start3A_123, %dma_start3A_124] : memref<10112x16xf32, #tpu.memory_space<vmem_shared>> -> memref<10112x16xf32, #tpu.memory_space<vmem_shared>>
        tpu.enqueue_indirect_dma source(%dma_start3A_119 : memref<64x16xf32, #tpu.memory_space<vmem>>) target(%dma_start3A_125 : memref<10112x16xf32, #tpu.memory_space<vmem_shared>>) offsets(%dma_start3A_122 : memref<64xi32, #tpu.memory_space<vmem>>) semaphore(%run_scoped3A_115 : memref<!tpu.dma_semaphore, #tpu.memory_space<semaphore_mem>>) {add = true}
        %dma_wait3A_126 = arith.constant 0 : i32
        %dma_wait3A_127 = arith.constant 0 : i32
        %dma_wait3A_128 = tpu.memref_slice %arg18[%run_scoped3A_111, %dma_wait3A_126, %dma_wait3A_127] : memref<2x64x16xf32, #tpu.memory_space<vmem>> -> memref<1x64x16xf32, #tpu.memory_space<vmem>>
        %dma_wait3A_129 = tpu.memref_squeeze %dma_wait3A_128 : memref<1x64x16xf32, #tpu.memory_space<vmem>> -> memref<64x16xf32, #tpu.memory_space<vmem>>
        %dma_wait3A_130 = arith.constant 0 : i32
        %dma_wait3A_131 = tpu.memref_slice %arg14[%run_scoped3A_112, %dma_wait3A_130] : memref<2x64xi32, #tpu.memory_space<vmem>> -> memref<1x64xi32, #tpu.memory_space<vmem>>
        %dma_wait3A_132 = tpu.memref_squeeze %dma_wait3A_131 : memref<1x64xi32, #tpu.memory_space<vmem>> -> memref<64xi32, #tpu.memory_space<vmem>>
        %dma_wait3A_133 = arith.constant 0 : i32
        %dma_wait3A_134 = arith.constant 0 : i32
        %dma_wait3A_135 = tpu.memref_slice %arg20[%dma_wait3A_133, %dma_wait3A_134] : memref<10112x16xf32, #tpu.memory_space<vmem_shared>> -> memref<10112x16xf32, #tpu.memory_space<vmem_shared>>
        tpu.wait_indirect_dma semaphore(%run_scoped3A_115 : memref<!tpu.dma_semaphore, #tpu.memory_space<semaphore_mem>>) src(%dma_wait3A_129 : memref<64x16xf32, #tpu.memory_space<vmem>>) dst(%dma_wait3A_135 : memref<10112x16xf32, #tpu.memory_space<vmem_shared>>)
        tpu.yield
      }) : () -> ()
      %run_scoped3A_113 = arith.constant 0 : i32
      %run_scoped3A_114 = arith.constant 0 : i32
      "tpu.region"() ({
        %run_scoped3A_115 = tpu.sem_alloc : memref<!tpu.dma_semaphore, #tpu.memory_space<semaphore_mem>>
        %dma_start3A_116 = arith.constant 0 : i32
        %dma_start3A_117 = arith.constant 0 : i32
        %dma_start3A_118 = tpu.memref_slice %arg17[%run_scoped3A_113, %dma_start3A_116, %dma_start3A_117] : memref<2x64x128xf32, #tpu.memory_space<vmem>> -> memref<1x64x128xf32, #tpu.memory_space<vmem>>
        %dma_start3A_119 = tpu.memref_squeeze %dma_start3A_118 : memref<1x64x128xf32, #tpu.memory_space<vmem>> -> memref<64x128xf32, #tpu.memory_space<vmem>>
        %dma_start3A_120 = arith.constant 0 : i32
        %dma_start3A_121 = tpu.memref_slice %arg14[%run_scoped3A_114, %dma_start3A_120] : memref<2x64xi32, #tpu.memory_space<vmem>> -> memref<1x64xi32, #tpu.memory_space<vmem>>
        %dma_start3A_122 = tpu.memref_squeeze %dma_start3A_121 : memref<1x64xi32, #tpu.memory_space<vmem>> -> memref<64xi32, #tpu.memory_space<vmem>>
        %dma_start3A_123 = arith.constant 0 : i32
        %dma_start3A_124 = arith.constant 0 : i32
        %dma_start3A_125 = tpu.memref_slice %arg21[%dma_start3A_123, %dma_start3A_124] : memref<10112x128xf32, #tpu.memory_space<vmem_shared>> -> memref<10112x128xf32, #tpu.memory_space<vmem_shared>>
        tpu.enqueue_indirect_dma source(%dma_start3A_119 : memref<64x128xf32, #tpu.memory_space<vmem>>) target(%dma_start3A_125 : memref<10112x128xf32, #tpu.memory_space<vmem_shared>>) offsets(%dma_start3A_122 : memref<64xi32, #tpu.memory_space<vmem>>) semaphore(%run_scoped3A_115 : memref<!tpu.dma_semaphore, #tpu.memory_space<semaphore_mem>>) {add = true}
        %dma_wait3A_126 = arith.constant 0 : i32
        %dma_wait3A_127 = arith.constant 0 : i32
        %dma_wait3A_128 = tpu.memref_slice %arg17[%run_scoped3A_113, %dma_wait3A_126, %dma_wait3A_127] : memref<2x64x128xf32, #tpu.memory_space<vmem>> -> memref<1x64x128xf32, #tpu.memory_space<vmem>>
        %dma_wait3A_129 = tpu.memref_squeeze %dma_wait3A_128 : memref<1x64x128xf32, #tpu.memory_space<vmem>> -> memref<64x128xf32, #tpu.memory_space<vmem>>
        %dma_wait3A_130 = arith.constant 0 : i32
        %dma_wait3A_131 = tpu.memref_slice %arg14[%run_scoped3A_114, %dma_wait3A_130] : memref<2x64xi32, #tpu.memory_space<vmem>> -> memref<1x64xi32, #tpu.memory_space<vmem>>
        %dma_wait3A_132 = tpu.memref_squeeze %dma_wait3A_131 : memref<1x64xi32, #tpu.memory_space<vmem>> -> memref<64xi32, #tpu.memory_space<vmem>>
        %dma_wait3A_133 = arith.constant 0 : i32
        %dma_wait3A_134 = arith.constant 0 : i32
        %dma_wait3A_135 = tpu.memref_slice %arg21[%dma_wait3A_133, %dma_wait3A_134] : memref<10112x128xf32, #tpu.memory_space<vmem_shared>> -> memref<10112x128xf32, #tpu.memory_space<vmem_shared>>
        tpu.wait_indirect_dma semaphore(%run_scoped3A_115 : memref<!tpu.dma_semaphore, #tpu.memory_space<semaphore_mem>>) src(%dma_wait3A_129 : memref<64x128xf32, #tpu.memory_space<vmem>>) dst(%dma_wait3A_135 : memref<10112x128xf32, #tpu.memory_space<vmem_shared>>)
        tpu.yield
      }) : () -> ()
    } else {
    }
    %barrier3A_27 = arith.constant 0 : index
    tpu.barrier barrier_id(%barrier3A_27)
    "tpu.region"() ({
      %run_scoped3A = tpu.sem_alloc : memref<!tpu.dma_semaphore, #tpu.memory_space<semaphore_mem>>
      %dma_start3A_28 = arith.constant 0 : i32
      %dma_start3A_29 = tpu.memref_slice %arg11[%arg0, %multiple_of3A, %dma_start3A_28] : memref<2x10112x16xf32, #tpu.memory_space<hbm>> -> memref<1x632x16xf32, #tpu.memory_space<hbm>>
      %dma_start3A_30 = tpu.memref_squeeze %dma_start3A_29 : memref<1x632x16xf32, #tpu.memory_space<hbm>> -> memref<632x16xf32, #tpu.memory_space<hbm>>
      %dma_start3A_31 = arith.constant 0 : i32
      %dma_start3A_32 = tpu.memref_slice %arg20[%multiple_of3A, %dma_start3A_31] : memref<10112x16xf32, #tpu.memory_space<vmem_shared>> -> memref<632x16xf32, #tpu.memory_space<vmem_shared>>
      tpu.enqueue_dma source(%dma_start3A_32 : memref<632x16xf32, #tpu.memory_space<vmem_shared>>) target(%dma_start3A_30 : memref<632x16xf32, #tpu.memory_space<hbm>>) target_semaphore(%run_scoped3A : memref<!tpu.dma_semaphore, #tpu.memory_space<semaphore_mem>>)
      %dma_wait3A_33 = arith.constant 0 : i32
      %dma_wait3A_34 = tpu.memref_slice %arg11[%arg0, %multiple_of3A, %dma_wait3A_33] : memref<2x10112x16xf32, #tpu.memory_space<hbm>> -> memref<1x632x16xf32, #tpu.memory_space<hbm>>
      %dma_wait3A_35 = tpu.memref_squeeze %dma_wait3A_34 : memref<1x632x16xf32, #tpu.memory_space<hbm>> -> memref<632x16xf32, #tpu.memory_space<hbm>>
      %dma_wait3A_36 = arith.constant 0 : i32
      %dma_wait3A_37 = tpu.memref_slice %arg20[%multiple_of3A, %dma_wait3A_36] : memref<10112x16xf32, #tpu.memory_space<vmem_shared>> -> memref<632x16xf32, #tpu.memory_space<vmem_shared>>
      tpu.wait_dma2 semaphore(%run_scoped3A : memref<!tpu.dma_semaphore, #tpu.memory_space<semaphore_mem>>) src(%dma_wait3A_37 : memref<632x16xf32, #tpu.memory_space<vmem_shared>>) dst(%dma_wait3A_35 : memref<632x16xf32, #tpu.memory_space<hbm>>)
      tpu.yield
    }) : () -> ()
    "tpu.region"() ({
      %run_scoped3A = tpu.sem_alloc : memref<!tpu.dma_semaphore, #tpu.memory_space<semaphore_mem>>
      %dma_start3A_28 = arith.constant 0 : i32
      %dma_start3A_29 = tpu.memref_slice %arg12[%arg0, %multiple_of3A, %dma_start3A_28] : memref<2x10112x128xf32, #tpu.memory_space<hbm>> -> memref<1x632x128xf32, #tpu.memory_space<hbm>>
      %dma_start3A_30 = tpu.memref_squeeze %dma_start3A_29 : memref<1x632x128xf32, #tpu.memory_space<hbm>> -> memref<632x128xf32, #tpu.memory_space<hbm>>
      %dma_start3A_31 = arith.constant 0 : i32
      %dma_start3A_32 = tpu.memref_slice %arg21[%multiple_of3A, %dma_start3A_31] : memref<10112x128xf32, #tpu.memory_space<vmem_shared>> -> memref<632x128xf32, #tpu.memory_space<vmem_shared>>
      tpu.enqueue_dma source(%dma_start3A_32 : memref<632x128xf32, #tpu.memory_space<vmem_shared>>) target(%dma_start3A_30 : memref<632x128xf32, #tpu.memory_space<hbm>>) target_semaphore(%run_scoped3A : memref<!tpu.dma_semaphore, #tpu.memory_space<semaphore_mem>>)
      %dma_wait3A_33 = arith.constant 0 : i32
      %dma_wait3A_34 = tpu.memref_slice %arg12[%arg0, %multiple_of3A, %dma_wait3A_33] : memref<2x10112x128xf32, #tpu.memory_space<hbm>> -> memref<1x632x128xf32, #tpu.memory_space<hbm>>
      %dma_wait3A_35 = tpu.memref_squeeze %dma_wait3A_34 : memref<1x632x128xf32, #tpu.memory_space<hbm>> -> memref<632x128xf32, #tpu.memory_space<hbm>>
      %dma_wait3A_36 = arith.constant 0 : i32
      %dma_wait3A_37 = tpu.memref_slice %arg21[%multiple_of3A, %dma_wait3A_36] : memref<10112x128xf32, #tpu.memory_space<vmem_shared>> -> memref<632x128xf32, #tpu.memory_space<vmem_shared>>
      tpu.wait_dma2 semaphore(%run_scoped3A : memref<!tpu.dma_semaphore, #tpu.memory_space<semaphore_mem>>) src(%dma_wait3A_37 : memref<632x128xf32, #tpu.memory_space<vmem_shared>>) dst(%dma_wait3A_35 : memref<632x128xf32, #tpu.memory_space<hbm>>)
      tpu.yield
    }) : () -> ()
    return
  }
}

module attributes {stable_mosaic.version = 14 : i64} {
  func.func @_tc_embed(%arg0: i32, %arg1: memref<2000x128xf32, #tpu.memory_space<vmem>>, %arg2: memref<128x128xf32, #tpu.memory_space<vmem>>, %arg3: memref<128x16xf32, #tpu.memory_space<vmem>>, %arg4: memref<128x16xf32, #tpu.memory_space<vmem>>, %arg5: memref<2000x128xf32, #tpu.memory_space<vmem>>, %arg6: memref<2000x16xf32, #tpu.memory_space<vmem>>, %arg7: memref<2000x16xf32, #tpu.memory_space<vmem>>, %arg8: memref<1x16xf32, #tpu.memory_space<vmem>>, %arg9: memref<1x16xf32, #tpu.memory_space<vmem>>) attributes {dimension_semantics = [#tpu.dimension_semantics<arbitrary>], iteration_bounds = array<i64: 5>, scalar_prefetch = 0 : i64, scratch_operands = 0 : i64, tpu.core_type = #tpu.core_type<tc>, window_params = [{transform_indices = @transform_0, window_bounds = array<i64: 2000, 128>}, {pipeline_mode = #tpu.pipeline_mode<synchronous>, transform_indices = @transform_1, window_bounds = array<i64: 128, 128>}, {pipeline_mode = #tpu.pipeline_mode<synchronous>, transform_indices = @transform_2, window_bounds = array<i64: 128, 16>}, {pipeline_mode = #tpu.pipeline_mode<synchronous>, transform_indices = @transform_3, window_bounds = array<i64: 128, 16>}, {transform_indices = @transform_4, window_bounds = array<i64: 2000, 128>}, {transform_indices = @transform_5, window_bounds = array<i64: 2000, 16>}, {transform_indices = @transform_6, window_bounds = array<i64: 2000, 16>}, {pipeline_mode = #tpu.pipeline_mode<synchronous>, transform_indices = @transform_7, window_bounds = array<i64: 1, 16>}, {pipeline_mode = #tpu.pipeline_mode<synchronous>, transform_indices = @transform_8, window_bounds = array<i64: 1, 16>}]} {
    %get3A = arith.constant 0 : index
    %get3A_0 = arith.constant 0 : index
    %get3A_1 = vector.load %arg1[%get3A, %get3A_0] : memref<2000x128xf32, #tpu.memory_space<vmem>>, vector<2000x128xf32>
    %get3A_2 = arith.constant 0 : index
    %get3A_3 = arith.constant 0 : index
    %get3A_4 = vector.load %arg2[%get3A_2, %get3A_3] : memref<128x128xf32, #tpu.memory_space<vmem>>, vector<128x128xf32>
    %dot_general3A = arith.constant dense<0.000000e+00> : vector<2000x128xf32>
    %dot_general3A_5 = tpu.matmul %get3A_1, %get3A_4, %dot_general3A {dimension_numbers = #tpu.dot_dimension_numbers<[1], [0], [0], [1], [0, 0, 1, 1], [], []>, transpose_lhs_hint = false} : vector<2000x128xf32>, vector<128x128xf32>, vector<2000x128xf32> -> vector<2000x128xf32>
    %swap3A = arith.constant 0 : index
    %swap3A_6 = arith.constant 0 : index
    %swap3A_7 = vector.load %arg5[%swap3A, %swap3A_6] : memref<2000x128xf32, #tpu.memory_space<vmem>>, vector<2000x128xf32>
    tpu.vector_store %arg5[%swap3A, %swap3A_6], %dot_general3A_5 {strides = array<i32>} : memref<2000x128xf32, #tpu.memory_space<vmem>>, vector<2000x128xf32>,
    %get3A_8 = arith.constant 0 : index
    %get3A_9 = arith.constant 0 : index
    %get3A_10 = vector.load %arg3[%get3A_8, %get3A_9] : memref<128x16xf32, #tpu.memory_space<vmem>>, vector<128x16xf32>
    %dot_general3A_11 = arith.constant dense<0.000000e+00> : vector<2000x16xf32>
    %dot_general3A_12 = tpu.matmul %dot_general3A_5, %get3A_10, %dot_general3A_11 {dimension_numbers = #tpu.dot_dimension_numbers<[1], [0], [0], [1], [0, 0, 1, 1], [], []>, transpose_lhs_hint = false} : vector<2000x128xf32>, vector<128x16xf32>, vector<2000x16xf32> -> vector<2000x16xf32>
    %get3A_13 = arith.constant 0 : index
    %get3A_14 = arith.constant 0 : index
    %get3A_15 = vector.load %arg4[%get3A_13, %get3A_14] : memref<128x16xf32, #tpu.memory_space<vmem>>, vector<128x16xf32>
    %dot_general3A_16 = arith.constant dense<0.000000e+00> : vector<2000x16xf32>
    %dot_general3A_17 = tpu.matmul %dot_general3A_5, %get3A_15, %dot_general3A_16 {dimension_numbers = #tpu.dot_dimension_numbers<[1], [0], [0], [1], [0, 0, 1, 1], [], []>, transpose_lhs_hint = false} : vector<2000x128xf32>, vector<128x16xf32>, vector<2000x16xf32> -> vector<2000x16xf32>
    %swap3A_18 = arith.constant 0 : index
    %swap3A_19 = arith.constant 0 : index
    %swap3A_20 = vector.load %arg6[%swap3A_18, %swap3A_19] : memref<2000x16xf32, #tpu.memory_space<vmem>>, vector<2000x16xf32>
    tpu.vector_store %arg6[%swap3A_18, %swap3A_19], %dot_general3A_12 {strides = array<i32>} : memref<2000x16xf32, #tpu.memory_space<vmem>>, vector<2000x16xf32>,
    %swap3A_21 = arith.constant 0 : index
    %swap3A_22 = arith.constant 0 : index
    %swap3A_23 = vector.load %arg7[%swap3A_21, %swap3A_22] : memref<2000x16xf32, #tpu.memory_space<vmem>>, vector<2000x16xf32>
    tpu.vector_store %arg7[%swap3A_21, %swap3A_22], %dot_general3A_17 {strides = array<i32>} : memref<2000x16xf32, #tpu.memory_space<vmem>>, vector<2000x16xf32>,
    %reduce_max3A = arith.constant dense<0xFF800000> : vector<16xf32>
    %reduce_max3A_24 = vector.multi_reduction <maximumf>, %dot_general3A_12, %reduce_max3A [0] : vector<2000x16xf32> to vector<16xf32>
    %broadcast_in_dim3A = vector.shape_cast %reduce_max3A_24 : vector<16xf32> to vector<1x16xf32>
    %reduce_max3A_25 = arith.constant dense<0xFF800000> : vector<16xf32>
    %reduce_max3A_26 = vector.multi_reduction <maximumf>, %dot_general3A_17, %reduce_max3A_25 [0] : vector<2000x16xf32> to vector<16xf32>
    %broadcast_in_dim3A_27 = vector.shape_cast %reduce_max3A_26 : vector<16xf32> to vector<1x16xf32>
    %eq3A = arith.constant 0 : i32
    %eq3A_28 = arith.cmpi eq, %arg0, %eq3A : i32
    %convert_element_type3A = arith.extui %eq3A_28 : i1 to i32
    %cond3A = arith.constant 0 : i32
    %cond3A_29 = arith.cmpi ne, %convert_element_type3A, %cond3A : i32
    scf.if %cond3A_29 {
      %swap3A_34 = arith.constant 0 : index
      %swap3A_35 = arith.constant 0 : index
      %swap3A_36 = vector.load %arg8[%swap3A_34, %swap3A_35] : memref<1x16xf32, #tpu.memory_space<vmem>>, vector<1x16xf32>
      tpu.vector_store %arg8[%swap3A_34, %swap3A_35], %broadcast_in_dim3A {strides = array<i32>} : memref<1x16xf32, #tpu.memory_space<vmem>>, vector<1x16xf32>,
      %swap3A_37 = arith.constant 0 : index
      %swap3A_38 = arith.constant 0 : index
      %swap3A_39 = vector.load %arg9[%swap3A_37, %swap3A_38] : memref<1x16xf32, #tpu.memory_space<vmem>>, vector<1x16xf32>
      tpu.vector_store %arg9[%swap3A_37, %swap3A_38], %broadcast_in_dim3A_27 {strides = array<i32>} : memref<1x16xf32, #tpu.memory_space<vmem>>, vector<1x16xf32>,
    } else {
    }
    %gt3A = arith.constant 0 : i32
    %gt3A_30 = arith.cmpi sgt, %arg0, %gt3A : i32
    %convert_element_type3A_31 = arith.extui %gt3A_30 : i1 to i32
    %cond3A_32 = arith.constant 0 : i32
    %cond3A_33 = arith.cmpi ne, %convert_element_type3A_31, %cond3A_32 : i32
    scf.if %cond3A_33 {
      %get3A_34 = arith.constant 0 : index
      %get3A_35 = arith.constant 0 : index
      %get3A_36 = vector.load %arg8[%get3A_34, %get3A_35] : memref<1x16xf32, #tpu.memory_space<vmem>>, vector<1x16xf32>
      %max3A = arith.maximumf %get3A_36, %broadcast_in_dim3A : vector<1x16xf32>
      %swap3A_37 = arith.constant 0 : index
      %swap3A_38 = arith.constant 0 : index
      %swap3A_39 = vector.load %arg8[%swap3A_37, %swap3A_38] : memref<1x16xf32, #tpu.memory_space<vmem>>, vector<1x16xf32>
      tpu.vector_store %arg8[%swap3A_37, %swap3A_38], %max3A {strides = array<i32>} : memref<1x16xf32, #tpu.memory_space<vmem>>, vector<1x16xf32>,
      %get3A_40 = arith.constant 0 : index
      %get3A_41 = arith.constant 0 : index
      %get3A_42 = vector.load %arg9[%get3A_40, %get3A_41] : memref<1x16xf32, #tpu.memory_space<vmem>>, vector<1x16xf32>
      %max3A_43 = arith.maximumf %get3A_42, %broadcast_in_dim3A_27 : vector<1x16xf32>
      %swap3A_44 = arith.constant 0 : index
      %swap3A_45 = arith.constant 0 : index
      %swap3A_46 = vector.load %arg9[%swap3A_44, %swap3A_45] : memref<1x16xf32, #tpu.memory_space<vmem>>, vector<1x16xf32>
      tpu.vector_store %arg9[%swap3A_44, %swap3A_45], %max3A_43 {strides = array<i32>} : memref<1x16xf32, #tpu.memory_space<vmem>>, vector<1x16xf32>,
    } else {
    }
    return
  }
  func.func @transform_0(%arg0: i32) -> (i32, i32) {
    %c0_i32 = arith.constant 0 : i32
    %c0_i32_0 = arith.constant 0 : i32
    return %arg0, %c0_i32 : i32, i32
  }
  func.func @transform_1(%arg0: i32) -> (i32, i32) {
    %c0_i32 = arith.constant 0 : i32
    %c0_i32_0 = arith.constant 0 : i32
    %c0_i32_1 = arith.constant 0 : i32
    return %c0_i32, %c0_i32_0 : i32, i32
  }
  func.func @transform_2(%arg0: i32) -> (i32, i32) {
    %c0_i32 = arith.constant 0 : i32
    %c0_i32_0 = arith.constant 0 : i32
    %c0_i32_1 = arith.constant 0 : i32
    return %c0_i32, %c0_i32_0 : i32, i32
  }
  func.func @transform_3(%arg0: i32) -> (i32, i32) {
    %c0_i32 = arith.constant 0 : i32
    %c0_i32_0 = arith.constant 0 : i32
    %c0_i32_1 = arith.constant 0 : i32
    return %c0_i32, %c0_i32_0 : i32, i32
  }
  func.func @transform_4(%arg0: i32) -> (i32, i32) {
    %c0_i32 = arith.constant 0 : i32
    %c0_i32_0 = arith.constant 0 : i32
    return %arg0, %c0_i32 : i32, i32
  }
  func.func @transform_5(%arg0: i32) -> (i32, i32) {
    %c0_i32 = arith.constant 0 : i32
    %c0_i32_0 = arith.constant 0 : i32
    return %arg0, %c0_i32 : i32, i32
  }
  func.func @transform_6(%arg0: i32) -> (i32, i32) {
    %c0_i32 = arith.constant 0 : i32
    %c0_i32_0 = arith.constant 0 : i32
    return %arg0, %c0_i32 : i32, i32
  }
  func.func @transform_7(%arg0: i32) -> (i32, i32) {
    %c0_i32 = arith.constant 0 : i32
    %c0_i32_0 = arith.constant 0 : i32
    %c0_i32_1 = arith.constant 0 : i32
    return %c0_i32, %c0_i32_0 : i32, i32
  }
  func.func @transform_8(%arg0: i32) -> (i32, i32) {
    %c0_i32 = arith.constant 0 : i32
    %c0_i32_0 = arith.constant 0 : i32
    %c0_i32_1 = arith.constant 0 : i32
    return %c0_i32, %c0_i32_0 : i32, i32
  }
}

module attributes {stable_mosaic.version = 14 : i64} {
  func.func @_tc_mid(%arg0: i32, %arg1: memref<2000x128xf32, #tpu.memory_space<vmem>>, %arg2: memref<2000x128xf32, #tpu.memory_space<vmem>>, %arg3: memref<2000x16xf32, #tpu.memory_space<vmem>>, %arg4: memref<2000x16xf32, #tpu.memory_space<vmem>>, %arg5: memref<1x128xf32, #tpu.memory_space<vmem>>, %arg6: memref<128x128xf32, #tpu.memory_space<vmem>>, %arg7: memref<128x16xf32, #tpu.memory_space<vmem>>, %arg8: memref<128x16xf32, #tpu.memory_space<vmem>>, %arg9: memref<2000x128xf32, #tpu.memory_space<vmem>>, %arg10: memref<2000x16xf32, #tpu.memory_space<vmem>>, %arg11: memref<2000x16xf32, #tpu.memory_space<vmem>>, %arg12: memref<1x16xf32, #tpu.memory_space<vmem>>, %arg13: memref<1x16xf32, #tpu.memory_space<vmem>>) attributes {dimension_semantics = [#tpu.dimension_semantics<arbitrary>], iteration_bounds = array<i64: 5>, scalar_prefetch = 0 : i64, scratch_operands = 0 : i64, tpu.core_type = #tpu.core_type<tc>, window_params = [{transform_indices = @transform_0, window_bounds = array<i64: 2000, 128>}, {transform_indices = @transform_1, window_bounds = array<i64: 2000, 128>}, {transform_indices = @transform_2, window_bounds = array<i64: 2000, 16>}, {transform_indices = @transform_3, window_bounds = array<i64: 2000, 16>}, {pipeline_mode = #tpu.pipeline_mode<synchronous>, transform_indices = @transform_4, window_bounds = array<i64: 1, 128>}, {pipeline_mode = #tpu.pipeline_mode<synchronous>, transform_indices = @transform_5, window_bounds = array<i64: 128, 128>}, {pipeline_mode = #tpu.pipeline_mode<synchronous>, transform_indices = @transform_6, window_bounds = array<i64: 128, 16>}, {pipeline_mode = #tpu.pipeline_mode<synchronous>, transform_indices = @transform_7, window_bounds = array<i64: 128, 16>}, {transform_indices = @transform_8, window_bounds = array<i64: 2000, 128>}, {transform_indices = @transform_9, window_bounds = array<i64: 2000, 16>}, {transform_indices = @transform_10, window_bounds = array<i64: 2000, 16>}, {pipeline_mode = #tpu.pipeline_mode<synchronous>, transform_indices = @transform_11, window_bounds = array<i64: 1, 16>}, {pipeline_mode = #tpu.pipeline_mode<synchronous>, transform_indices = @transform_12, window_bounds = array<i64: 1, 16>}]} {
    %get3A = arith.constant 0 : index
    %get3A_0 = arith.constant 0 : index
    %get3A_1 = vector.load %arg3[%get3A, %get3A_0] : memref<2000x16xf32, #tpu.memory_space<vmem>>, vector<2000x16xf32>
    %get3A_2 = arith.constant 0 : index
    %get3A_3 = arith.constant 0 : index
    %get3A_4 = vector.load %arg4[%get3A_2, %get3A_3] : memref<2000x16xf32, #tpu.memory_space<vmem>>, vector<2000x16xf32>
    %add3A = arith.addf %get3A_1, %get3A_4 : vector<2000x16xf32>
    %add3A_5 = arith.constant 1.000000e-16 : f32
    %add3A_6 = vector.broadcast %add3A_5 : f32 to vector<2000x16xf32>
    %add3A_7 = arith.addf %add3A, %add3A_6 : vector<2000x16xf32>
    %get3A_8 = arith.constant 0 : index
    %get3A_9 = arith.constant 0 : index
    %get3A_10 = vector.load %arg1[%get3A_8, %get3A_9] : memref<2000x128xf32, #tpu.memory_space<vmem>>, vector<2000x128xf32>
    %get3A_11 = arith.constant 0 : index
    %get3A_12 = arith.constant 0 : index
    %get3A_13 = vector.load %arg2[%get3A_11, %get3A_12] : memref<2000x128xf32, #tpu.memory_space<vmem>>, vector<2000x128xf32>
    %add3A_14 = arith.addf %get3A_10, %get3A_13 : vector<2000x128xf32>
    %slice3A = vector.extract_strided_slice %add3A_14 {offsets = [0, 0], sizes = [2000, 16], strides = [1, 1]} : vector<2000x128xf32> to vector<2000x16xf32>
    %slice3A_15 = vector.extract_strided_slice %add3A_7 {offsets = [0, 0], sizes = [2000, 1], strides = [1, 1]} : vector<2000x16xf32> to vector<2000x1xf32>
    %div3A = vector.broadcast %slice3A_15 : vector<2000x1xf32> to vector<2000x16xf32>
    %div3A_16 = arith.divf %slice3A, %div3A : vector<2000x16xf32>
    %slice3A_17 = vector.extract_strided_slice %add3A_14 {offsets = [0, 16], sizes = [2000, 16], strides = [1, 1]} : vector<2000x128xf32> to vector<2000x16xf32>
    %slice3A_18 = vector.extract_strided_slice %add3A_7 {offsets = [0, 1], sizes = [2000, 1], strides = [1, 1]} : vector<2000x16xf32> to vector<2000x1xf32>
    %div3A_19 = vector.broadcast %slice3A_18 : vector<2000x1xf32> to vector<2000x16xf32>
    %div3A_20 = arith.divf %slice3A_17, %div3A_19 : vector<2000x16xf32>
    %slice3A_21 = vector.extract_strided_slice %add3A_14 {offsets = [0, 32], sizes = [2000, 16], strides = [1, 1]} : vector<2000x128xf32> to vector<2000x16xf32>
    %slice3A_22 = vector.extract_strided_slice %add3A_7 {offsets = [0, 2], sizes = [2000, 1], strides = [1, 1]} : vector<2000x16xf32> to vector<2000x1xf32>
    %div3A_23 = vector.broadcast %slice3A_22 : vector<2000x1xf32> to vector<2000x16xf32>
    %div3A_24 = arith.divf %slice3A_21, %div3A_23 : vector<2000x16xf32>
    %slice3A_25 = vector.extract_strided_slice %add3A_14 {offsets = [0, 48], sizes = [2000, 16], strides = [1, 1]} : vector<2000x128xf32> to vector<2000x16xf32>
    %slice3A_26 = vector.extract_strided_slice %add3A_7 {offsets = [0, 3], sizes = [2000, 1], strides = [1, 1]} : vector<2000x16xf32> to vector<2000x1xf32>
    %div3A_27 = vector.broadcast %slice3A_26 : vector<2000x1xf32> to vector<2000x16xf32>
    %div3A_28 = arith.divf %slice3A_25, %div3A_27 : vector<2000x16xf32>
    %slice3A_29 = vector.extract_strided_slice %add3A_14 {offsets = [0, 64], sizes = [2000, 16], strides = [1, 1]} : vector<2000x128xf32> to vector<2000x16xf32>
    %slice3A_30 = vector.extract_strided_slice %add3A_7 {offsets = [0, 4], sizes = [2000, 1], strides = [1, 1]} : vector<2000x16xf32> to vector<2000x1xf32>
    %div3A_31 = vector.broadcast %slice3A_30 : vector<2000x1xf32> to vector<2000x16xf32>
    %div3A_32 = arith.divf %slice3A_29, %div3A_31 : vector<2000x16xf32>
    %slice3A_33 = vector.extract_strided_slice %add3A_14 {offsets = [0, 80], sizes = [2000, 16], strides = [1, 1]} : vector<2000x128xf32> to vector<2000x16xf32>
    %slice3A_34 = vector.extract_strided_slice %add3A_7 {offsets = [0, 5], sizes = [2000, 1], strides = [1, 1]} : vector<2000x16xf32> to vector<2000x1xf32>
    %div3A_35 = vector.broadcast %slice3A_34 : vector<2000x1xf32> to vector<2000x16xf32>
    %div3A_36 = arith.divf %slice3A_33, %div3A_35 : vector<2000x16xf32>
    %slice3A_37 = vector.extract_strided_slice %add3A_14 {offsets = [0, 96], sizes = [2000, 16], strides = [1, 1]} : vector<2000x128xf32> to vector<2000x16xf32>
    %slice3A_38 = vector.extract_strided_slice %add3A_7 {offsets = [0, 6], sizes = [2000, 1], strides = [1, 1]} : vector<2000x16xf32> to vector<2000x1xf32>
    %div3A_39 = vector.broadcast %slice3A_38 : vector<2000x1xf32> to vector<2000x16xf32>
    %div3A_40 = arith.divf %slice3A_37, %div3A_39 : vector<2000x16xf32>
    %slice3A_41 = vector.extract_strided_slice %add3A_14 {offsets = [0, 112], sizes = [2000, 16], strides = [1, 1]} : vector<2000x128xf32> to vector<2000x16xf32>
    %slice3A_42 = vector.extract_strided_slice %add3A_7 {offsets = [0, 7], sizes = [2000, 1], strides = [1, 1]} : vector<2000x16xf32> to vector<2000x1xf32>
    %div3A_43 = vector.broadcast %slice3A_42 : vector<2000x1xf32> to vector<2000x16xf32>
    %div3A_44 = arith.divf %slice3A_41, %div3A_43 : vector<2000x16xf32>
    %concatenate3A = tpu.concatenate %div3A_16, %div3A_20, %div3A_24, %div3A_28, %div3A_32, %div3A_36, %div3A_40, %div3A_44 in 1 : vector<2000x16xf32>, vector<2000x16xf32>, vector<2000x16xf32>, vector<2000x16xf32>, vector<2000x16xf32>, vector<2000x16xf32>, vector<2000x16xf32>, vector<2000x16xf32> -> vector<2000x128xf32>
    %get3A_45 = arith.constant 0 : index
    %get3A_46 = arith.constant 0 : index
    %get3A_47 = vector.load %arg5[%get3A_45, %get3A_46] : memref<1x128xf32, #tpu.memory_space<vmem>>, vector<1x128xf32>
    %add3A_48 = vector.broadcast %get3A_47 : vector<1x128xf32> to vector<2000x128xf32>
    %add3A_49 = arith.addf %concatenate3A, %add3A_48 : vector<2000x128xf32>
    %max3A = arith.constant 0.000000e+00 : f32
    %max3A_50 = vector.broadcast %max3A : f32 to vector<2000x128xf32>
    %max3A_51 = arith.maximumf %add3A_49, %max3A_50 : vector<2000x128xf32>
    %get3A_52 = arith.constant 0 : index
    %get3A_53 = arith.constant 0 : index
    %get3A_54 = vector.load %arg6[%get3A_52, %get3A_53] : memref<128x128xf32, #tpu.memory_space<vmem>>, vector<128x128xf32>
    %dot_general3A = arith.constant dense<0.000000e+00> : vector<2000x128xf32>
    %dot_general3A_55 = tpu.matmul %max3A_51, %get3A_54, %dot_general3A {dimension_numbers = #tpu.dot_dimension_numbers<[1], [0], [0], [1], [0, 0, 1, 1], [], []>, transpose_lhs_hint = false} : vector<2000x128xf32>, vector<128x128xf32>, vector<2000x128xf32> -> vector<2000x128xf32>
    %swap3A = arith.constant 0 : index
    %swap3A_56 = arith.constant 0 : index
    %swap3A_57 = vector.load %arg9[%swap3A, %swap3A_56] : memref<2000x128xf32, #tpu.memory_space<vmem>>, vector<2000x128xf32>
    tpu.vector_store %arg9[%swap3A, %swap3A_56], %dot_general3A_55 {strides = array<i32>} : memref<2000x128xf32, #tpu.memory_space<vmem>>, vector<2000x128xf32>,
    %get3A_58 = arith.constant 0 : index
    %get3A_59 = arith.constant 0 : index
    %get3A_60 = vector.load %arg7[%get3A_58, %get3A_59] : memref<128x16xf32, #tpu.memory_space<vmem>>, vector<128x16xf32>
    %dot_general3A_61 = arith.constant dense<0.000000e+00> : vector<2000x16xf32>
    %dot_general3A_62 = tpu.matmul %dot_general3A_55, %get3A_60, %dot_general3A_61 {dimension_numbers = #tpu.dot_dimension_numbers<[1], [0], [0], [1], [0, 0, 1, 1], [], []>, transpose_lhs_hint = false} : vector<2000x128xf32>, vector<128x16xf32>, vector<2000x16xf32> -> vector<2000x16xf32>
    %get3A_63 = arith.constant 0 : index
    %get3A_64 = arith.constant 0 : index
    %get3A_65 = vector.load %arg8[%get3A_63, %get3A_64] : memref<128x16xf32, #tpu.memory_space<vmem>>, vector<128x16xf32>
    %dot_general3A_66 = arith.constant dense<0.000000e+00> : vector<2000x16xf32>
    %dot_general3A_67 = tpu.matmul %dot_general3A_55, %get3A_65, %dot_general3A_66 {dimension_numbers = #tpu.dot_dimension_numbers<[1], [0], [0], [1], [0, 0, 1, 1], [], []>, transpose_lhs_hint = false} : vector<2000x128xf32>, vector<128x16xf32>, vector<2000x16xf32> -> vector<2000x16xf32>
    %swap3A_68 = arith.constant 0 : index
    %swap3A_69 = arith.constant 0 : index
    %swap3A_70 = vector.load %arg10[%swap3A_68, %swap3A_69] : memref<2000x16xf32, #tpu.memory_space<vmem>>, vector<2000x16xf32>
    tpu.vector_store %arg10[%swap3A_68, %swap3A_69], %dot_general3A_62 {strides = array<i32>} : memref<2000x16xf32, #tpu.memory_space<vmem>>, vector<2000x16xf32>,
    %swap3A_71 = arith.constant 0 : index
    %swap3A_72 = arith.constant 0 : index
    %swap3A_73 = vector.load %arg11[%swap3A_71, %swap3A_72] : memref<2000x16xf32, #tpu.memory_space<vmem>>, vector<2000x16xf32>
    tpu.vector_store %arg11[%swap3A_71, %swap3A_72], %dot_general3A_67 {strides = array<i32>} : memref<2000x16xf32, #tpu.memory_space<vmem>>, vector<2000x16xf32>,
    %reduce_max3A = arith.constant dense<0xFF800000> : vector<16xf32>
    %reduce_max3A_74 = vector.multi_reduction <maximumf>, %dot_general3A_62, %reduce_max3A [0] : vector<2000x16xf32> to vector<16xf32>
    %broadcast_in_dim3A = vector.shape_cast %reduce_max3A_74 : vector<16xf32> to vector<1x16xf32>
    %reduce_max3A_75 = arith.constant dense<0xFF800000> : vector<16xf32>
    %reduce_max3A_76 = vector.multi_reduction <maximumf>, %dot_general3A_67, %reduce_max3A_75 [0] : vector<2000x16xf32> to vector<16xf32>
    %broadcast_in_dim3A_77 = vector.shape_cast %reduce_max3A_76 : vector<16xf32> to vector<1x16xf32>
    %eq3A = arith.constant 0 : i32
    %eq3A_78 = arith.cmpi eq, %arg0, %eq3A : i32
    %convert_element_type3A = arith.extui %eq3A_78 : i1 to i32
    %cond3A = arith.constant 0 : i32
    %cond3A_79 = arith.cmpi ne, %convert_element_type3A, %cond3A : i32
    scf.if %cond3A_79 {
      %swap3A_84 = arith.constant 0 : index
      %swap3A_85 = arith.constant 0 : index
      %swap3A_86 = vector.load %arg12[%swap3A_84, %swap3A_85] : memref<1x16xf32, #tpu.memory_space<vmem>>, vector<1x16xf32>
      tpu.vector_store %arg12[%swap3A_84, %swap3A_85], %broadcast_in_dim3A {strides = array<i32>} : memref<1x16xf32, #tpu.memory_space<vmem>>, vector<1x16xf32>,
      %swap3A_87 = arith.constant 0 : index
      %swap3A_88 = arith.constant 0 : index
      %swap3A_89 = vector.load %arg13[%swap3A_87, %swap3A_88] : memref<1x16xf32, #tpu.memory_space<vmem>>, vector<1x16xf32>
      tpu.vector_store %arg13[%swap3A_87, %swap3A_88], %broadcast_in_dim3A_77 {strides = array<i32>} : memref<1x16xf32, #tpu.memory_space<vmem>>, vector<1x16xf32>,
    } else {
    }
    %gt3A = arith.constant 0 : i32
    %gt3A_80 = arith.cmpi sgt, %arg0, %gt3A : i32
    %convert_element_type3A_81 = arith.extui %gt3A_80 : i1 to i32
    %cond3A_82 = arith.constant 0 : i32
    %cond3A_83 = arith.cmpi ne, %convert_element_type3A_81, %cond3A_82 : i32
    scf.if %cond3A_83 {
      %get3A_84 = arith.constant 0 : index
      %get3A_85 = arith.constant 0 : index
      %get3A_86 = vector.load %arg12[%get3A_84, %get3A_85] : memref<1x16xf32, #tpu.memory_space<vmem>>, vector<1x16xf32>
      %max3A_87 = arith.maximumf %get3A_86, %broadcast_in_dim3A : vector<1x16xf32>
      %swap3A_88 = arith.constant 0 : index
      %swap3A_89 = arith.constant 0 : index
      %swap3A_90 = vector.load %arg12[%swap3A_88, %swap3A_89] : memref<1x16xf32, #tpu.memory_space<vmem>>, vector<1x16xf32>
      tpu.vector_store %arg12[%swap3A_88, %swap3A_89], %max3A_87 {strides = array<i32>} : memref<1x16xf32, #tpu.memory_space<vmem>>, vector<1x16xf32>,
      %get3A_91 = arith.constant 0 : index
      %get3A_92 = arith.constant 0 : index
      %get3A_93 = vector.load %arg13[%get3A_91, %get3A_92] : memref<1x16xf32, #tpu.memory_space<vmem>>, vector<1x16xf32>
      %max3A_94 = arith.maximumf %get3A_93, %broadcast_in_dim3A_77 : vector<1x16xf32>
      %swap3A_95 = arith.constant 0 : index
      %swap3A_96 = arith.constant 0 : index
      %swap3A_97 = vector.load %arg13[%swap3A_95, %swap3A_96] : memref<1x16xf32, #tpu.memory_space<vmem>>, vector<1x16xf32>
      tpu.vector_store %arg13[%swap3A_95, %swap3A_96], %max3A_94 {strides = array<i32>} : memref<1x16xf32, #tpu.memory_space<vmem>>, vector<1x16xf32>,
    } else {
    }
    return
  }
  func.func @transform_0(%arg0: i32) -> (i32, i32) {
    %c0_i32 = arith.constant 0 : i32
    %c0_i32_0 = arith.constant 0 : i32
    return %arg0, %c0_i32 : i32, i32
  }
  func.func @transform_1(%arg0: i32) -> (i32, i32) {
    %c0_i32 = arith.constant 0 : i32
    %c0_i32_0 = arith.constant 0 : i32
    return %arg0, %c0_i32 : i32, i32
  }
  func.func @transform_2(%arg0: i32) -> (i32, i32) {
    %c0_i32 = arith.constant 0 : i32
    %c0_i32_0 = arith.constant 0 : i32
    return %arg0, %c0_i32 : i32, i32
  }
  func.func @transform_3(%arg0: i32) -> (i32, i32) {
    %c0_i32 = arith.constant 0 : i32
    %c0_i32_0 = arith.constant 0 : i32
    return %arg0, %c0_i32 : i32, i32
  }
  func.func @transform_4(%arg0: i32) -> (i32, i32) {
    %c0_i32 = arith.constant 0 : i32
    %c0_i32_0 = arith.constant 0 : i32
    %c0_i32_1 = arith.constant 0 : i32
    return %c0_i32, %c0_i32_0 : i32, i32
  }
  func.func @transform_5(%arg0: i32) -> (i32, i32) {
    %c0_i32 = arith.constant 0 : i32
    %c0_i32_0 = arith.constant 0 : i32
    %c0_i32_1 = arith.constant 0 : i32
    return %c0_i32, %c0_i32_0 : i32, i32
  }
  func.func @transform_6(%arg0: i32) -> (i32, i32) {
    %c0_i32 = arith.constant 0 : i32
    %c0_i32_0 = arith.constant 0 : i32
    %c0_i32_1 = arith.constant 0 : i32
    return %c0_i32, %c0_i32_0 : i32, i32
  }
  func.func @transform_7(%arg0: i32) -> (i32, i32) {
    %c0_i32 = arith.constant 0 : i32
    %c0_i32_0 = arith.constant 0 : i32
    %c0_i32_1 = arith.constant 0 : i32
    return %c0_i32, %c0_i32_0 : i32, i32
  }
  func.func @transform_8(%arg0: i32) -> (i32, i32) {
    %c0_i32 = arith.constant 0 : i32
    %c0_i32_0 = arith.constant 0 : i32
    return %arg0, %c0_i32 : i32, i32
  }
  func.func @transform_9(%arg0: i32) -> (i32, i32) {
    %c0_i32 = arith.constant 0 : i32
    %c0_i32_0 = arith.constant 0 : i32
    return %arg0, %c0_i32 : i32, i32
  }
  func.func @transform_10(%arg0: i32) -> (i32, i32) {
    %c0_i32 = arith.constant 0 : i32
    %c0_i32_0 = arith.constant 0 : i32
    return %arg0, %c0_i32 : i32, i32
  }
  func.func @transform_11(%arg0: i32) -> (i32, i32) {
    %c0_i32 = arith.constant 0 : i32
    %c0_i32_0 = arith.constant 0 : i32
    %c0_i32_1 = arith.constant 0 : i32
    return %c0_i32, %c0_i32_0 : i32, i32
  }
  func.func @transform_12(%arg0: i32) -> (i32, i32) {
    %c0_i32 = arith.constant 0 : i32
    %c0_i32_0 = arith.constant 0 : i32
    %c0_i32_1 = arith.constant 0 : i32
    return %c0_i32, %c0_i32_0 : i32, i32
  }
}

module attributes {stable_mosaic.version = 14 : i64} {
  func.func @_tc_head(%arg0: i32, %arg1: memref<2000x128xf32, #tpu.memory_space<vmem>>, %arg2: memref<2000x128xf32, #tpu.memory_space<vmem>>, %arg3: memref<2000x16xf32, #tpu.memory_space<vmem>>, %arg4: memref<2000x16xf32, #tpu.memory_space<vmem>>, %arg5: memref<1x128xf32, #tpu.memory_space<vmem>>, %arg6: memref<128x128xf32, #tpu.memory_space<vmem>>, %arg7: memref<1x128xf32, #tpu.memory_space<vmem>>, %arg8: memref<128x128xf32, #tpu.memory_space<vmem>>, %arg9: memref<1x128xf32, #tpu.memory_space<vmem>>, %arg10: memref<2000x128xf32, #tpu.memory_space<vmem>>, %arg11: memref<2000x128xf32, #tpu.memory_space<vmem>>) attributes {dimension_semantics = [#tpu.dimension_semantics<arbitrary>], iteration_bounds = array<i64: 5>, scalar_prefetch = 0 : i64, scratch_operands = 0 : i64, tpu.core_type = #tpu.core_type<tc>, window_params = [{transform_indices = @transform_0, window_bounds = array<i64: 2000, 128>}, {transform_indices = @transform_1, window_bounds = array<i64: 2000, 128>}, {transform_indices = @transform_2, window_bounds = array<i64: 2000, 16>}, {transform_indices = @transform_3, window_bounds = array<i64: 2000, 16>}, {pipeline_mode = #tpu.pipeline_mode<synchronous>, transform_indices = @transform_4, window_bounds = array<i64: 1, 128>}, {pipeline_mode = #tpu.pipeline_mode<synchronous>, transform_indices = @transform_5, window_bounds = array<i64: 128, 128>}, {pipeline_mode = #tpu.pipeline_mode<synchronous>, transform_indices = @transform_6, window_bounds = array<i64: 1, 128>}, {pipeline_mode = #tpu.pipeline_mode<synchronous>, transform_indices = @transform_7, window_bounds = array<i64: 128, 128>}, {pipeline_mode = #tpu.pipeline_mode<synchronous>, transform_indices = @transform_8, window_bounds = array<i64: 1, 128>}, {transform_indices = @transform_9, window_bounds = array<i64: 2000, 128>}, {transform_indices = @transform_10, window_bounds = array<i64: 2000, 128>}]} {
    %get3A = arith.constant 0 : index
    %get3A_0 = arith.constant 0 : index
    %get3A_1 = vector.load %arg3[%get3A, %get3A_0] : memref<2000x16xf32, #tpu.memory_space<vmem>>, vector<2000x1xf32>
    %get3A_2 = arith.constant 0 : index
    %get3A_3 = arith.constant 0 : index
    %get3A_4 = vector.load %arg4[%get3A_2, %get3A_3] : memref<2000x16xf32, #tpu.memory_space<vmem>>, vector<2000x1xf32>
    %add3A = arith.addf %get3A_1, %get3A_4 : vector<2000x1xf32>
    %add3A_5 = arith.constant 1.000000e-16 : f32
    %add3A_6 = vector.broadcast %add3A_5 : f32 to vector<2000x1xf32>
    %add3A_7 = arith.addf %add3A, %add3A_6 : vector<2000x1xf32>
    %get3A_8 = arith.constant 0 : index
    %get3A_9 = arith.constant 0 : index
    %get3A_10 = vector.load %arg1[%get3A_8, %get3A_9] : memref<2000x128xf32, #tpu.memory_space<vmem>>, vector<2000x128xf32>
    %get3A_11 = arith.constant 0 : index
    %get3A_12 = arith.constant 0 : index
    %get3A_13 = vector.load %arg2[%get3A_11, %get3A_12] : memref<2000x128xf32, #tpu.memory_space<vmem>>, vector<2000x128xf32>
    %add3A_14 = arith.addf %get3A_10, %get3A_13 : vector<2000x128xf32>
    %div3A = vector.broadcast %add3A_7 : vector<2000x1xf32> to vector<2000x128xf32>
    %div3A_15 = arith.divf %add3A_14, %div3A : vector<2000x128xf32>
    %get3A_16 = arith.constant 0 : index
    %get3A_17 = arith.constant 0 : index
    %get3A_18 = vector.load %arg5[%get3A_16, %get3A_17] : memref<1x128xf32, #tpu.memory_space<vmem>>, vector<1x128xf32>
    %add3A_19 = vector.broadcast %get3A_18 : vector<1x128xf32> to vector<2000x128xf32>
    %add3A_20 = arith.addf %div3A_15, %add3A_19 : vector<2000x128xf32>
    %swap3A = arith.constant 0 : index
    %swap3A_21 = arith.constant 0 : index
    %swap3A_22 = vector.load %arg10[%swap3A, %swap3A_21] : memref<2000x128xf32, #tpu.memory_space<vmem>>, vector<2000x128xf32>
    tpu.vector_store %arg10[%swap3A, %swap3A_21], %add3A_20 {strides = array<i32>} : memref<2000x128xf32, #tpu.memory_space<vmem>>, vector<2000x128xf32>,
    %get3A_23 = arith.constant 0 : index
    %get3A_24 = arith.constant 0 : index
    %get3A_25 = vector.load %arg6[%get3A_23, %get3A_24] : memref<128x128xf32, #tpu.memory_space<vmem>>, vector<128x128xf32>
    %dot_general3A = arith.constant dense<0.000000e+00> : vector<2000x128xf32>
    %dot_general3A_26 = tpu.matmul %add3A_20, %get3A_25, %dot_general3A {dimension_numbers = #tpu.dot_dimension_numbers<[1], [0], [0], [1], [0, 0, 1, 1], [], []>, transpose_lhs_hint = false} : vector<2000x128xf32>, vector<128x128xf32>, vector<2000x128xf32> -> vector<2000x128xf32>
    %get3A_27 = arith.constant 0 : index
    %get3A_28 = arith.constant 0 : index
    %get3A_29 = vector.load %arg7[%get3A_27, %get3A_28] : memref<1x128xf32, #tpu.memory_space<vmem>>, vector<1x128xf32>
    %add3A_30 = vector.broadcast %get3A_29 : vector<1x128xf32> to vector<2000x128xf32>
    %add3A_31 = arith.addf %dot_general3A_26, %add3A_30 : vector<2000x128xf32>
    %max3A = arith.constant 0.000000e+00 : f32
    %max3A_32 = vector.broadcast %max3A : f32 to vector<2000x128xf32>
    %max3A_33 = arith.maximumf %add3A_31, %max3A_32 : vector<2000x128xf32>
    %get3A_34 = arith.constant 0 : index
    %get3A_35 = arith.constant 0 : index
    %get3A_36 = vector.load %arg8[%get3A_34, %get3A_35] : memref<128x128xf32, #tpu.memory_space<vmem>>, vector<128x128xf32>
    %dot_general3A_37 = arith.constant dense<0.000000e+00> : vector<2000x128xf32>
    %dot_general3A_38 = tpu.matmul %max3A_33, %get3A_36, %dot_general3A_37 {dimension_numbers = #tpu.dot_dimension_numbers<[1], [0], [0], [1], [0, 0, 1, 1], [], []>, transpose_lhs_hint = false} : vector<2000x128xf32>, vector<128x128xf32>, vector<2000x128xf32> -> vector<2000x128xf32>
    %get3A_39 = arith.constant 0 : index
    %get3A_40 = arith.constant 0 : index
    %get3A_41 = vector.load %arg9[%get3A_39, %get3A_40] : memref<1x128xf32, #tpu.memory_space<vmem>>, vector<1x128xf32>
    %add3A_42 = vector.broadcast %get3A_41 : vector<1x128xf32> to vector<2000x128xf32>
    %add3A_43 = arith.addf %dot_general3A_38, %add3A_42 : vector<2000x128xf32>
    %swap3A_44 = arith.constant 0 : index
    %swap3A_45 = arith.constant 0 : index
    %swap3A_46 = vector.load %arg11[%swap3A_44, %swap3A_45] : memref<2000x128xf32, #tpu.memory_space<vmem>>, vector<2000x128xf32>
    tpu.vector_store %arg11[%swap3A_44, %swap3A_45], %add3A_43 {strides = array<i32>} : memref<2000x128xf32, #tpu.memory_space<vmem>>, vector<2000x128xf32>,
    return
  }
  func.func @transform_0(%arg0: i32) -> (i32, i32) {
    %c0_i32 = arith.constant 0 : i32
    %c0_i32_0 = arith.constant 0 : i32
    return %arg0, %c0_i32 : i32, i32
  }
  func.func @transform_1(%arg0: i32) -> (i32, i32) {
    %c0_i32 = arith.constant 0 : i32
    %c0_i32_0 = arith.constant 0 : i32
    return %arg0, %c0_i32 : i32, i32
  }
  func.func @transform_2(%arg0: i32) -> (i32, i32) {
    %c0_i32 = arith.constant 0 : i32
    %c0_i32_0 = arith.constant 0 : i32
    return %arg0, %c0_i32 : i32, i32
  }
  func.func @transform_3(%arg0: i32) -> (i32, i32) {
    %c0_i32 = arith.constant 0 : i32
    %c0_i32_0 = arith.constant 0 : i32
    return %arg0, %c0_i32 : i32, i32
  }
  func.func @transform_4(%arg0: i32) -> (i32, i32) {
    %c0_i32 = arith.constant 0 : i32
    %c0_i32_0 = arith.constant 0 : i32
    %c0_i32_1 = arith.constant 0 : i32
    return %c0_i32, %c0_i32_0 : i32, i32
  }
  func.func @transform_5(%arg0: i32) -> (i32, i32) {
    %c0_i32 = arith.constant 0 : i32
    %c0_i32_0 = arith.constant 0 : i32
    %c0_i32_1 = arith.constant 0 : i32
    return %c0_i32, %c0_i32_0 : i32, i32
  }
  func.func @transform_6(%arg0: i32) -> (i32, i32) {
    %c0_i32 = arith.constant 0 : i32
    %c0_i32_0 = arith.constant 0 : i32
    %c0_i32_1 = arith.constant 0 : i32
    return %c0_i32, %c0_i32_0 : i32, i32
  }
  func.func @transform_7(%arg0: i32) -> (i32, i32) {
    %c0_i32 = arith.constant 0 : i32
    %c0_i32_0 = arith.constant 0 : i32
    %c0_i32_1 = arith.constant 0 : i32
    return %c0_i32, %c0_i32_0 : i32, i32
  }
  func.func @transform_8(%arg0: i32) -> (i32, i32) {
    %c0_i32 = arith.constant 0 : i32
    %c0_i32_0 = arith.constant 0 : i32
    %c0_i32_1 = arith.constant 0 : i32
    return %c0_i32, %c0_i32_0 : i32, i32
  }
  func.func @transform_9(%arg0: i32) -> (i32, i32) {
    %c0_i32 = arith.constant 0 : i32
    %c0_i32_0 = arith.constant 0 : i32
    return %arg0, %c0_i32 : i32, i32
  }
  func.func @transform_10(%arg0: i32) -> (i32, i32) {
    %c0_i32 = arith.constant 0 : i32
    %c0_i32_0 = arith.constant 0 : i32
    return %arg0, %c0_i32 : i32, i32
  }
}

</mosaic_0001>

<sc_bundles>
// kernel: kernel.10.cloned.1.call-start
scs
__scs_entry_jumppad:
0x0: {  	(pc) =	sbr.rel $0x88, $3  }
0x1: {  	(tag) =	ssettag $0x0;
	lr =	simm.s32 $0x1  }
0x2: {  	[smem:$0x3F93] =	sst lr;
	_ =	strace $0xD0000000  }
0x3: {  	_ = 	snop  }
0x4: {  	_ = 	snop  }
0x5: {  	_ = 	snop  }
0x6: {  	_ = 	snop  }
0x7: {  	_ = 	snop  }
__scs_overlays_trampoline_lowered:
0x8: {  	[smem:$0x3FA2] =	sst s0  }
0x9: {  	[smem:$0x3FA3] =	sst s1  }
0xa: {  	[smem:$0x3FA4] =	sst s2  }
0xb: {  	[smem:$0x3FA5] =	sst s3  }
0xc: {  	[smem:$0x3FA6] =	sst s4  }
0xd: {  	[smem:$0x3FA7] =	sst s5  }
0xe: {  	[smem:$0x3FA8] =	sst s6  }
0xf: {  	[smem:$0x3FA9] =	sst s7  }
0x10: {  	[smem:$0x3FAA] =	sst s8  }
0x11: {  	[smem:$0x3FAB] =	sst s9;
	s0 =	simm.s32 @!p0 $0x0  }
0x12: {  	s1 =	sld [smem:$0x3F91];
	s0 =	simm.s32 @p0 $0x1  }
0x13: {  	[smem:$0x3FAC] =	sst s0;
	s0 =	simm.s32 @!p1 $0x0  }
0x14: {  	s2 =	sld [smem:$0x3F90];
	s0 =	simm.s32 @p1 $0x1  }
0x15: {  	[smem:$0x3FAD] =	sst s0;
	s0 =	simm.s32 @!p2 $0x0  }
0x16: {  	s3 =	sld [smem:$0x3FDB];
	s0 =	simm.s32 @p2 $0x1  }
0x17: {  	s4 =	simm.s32 $0x1BF5;
	[smem:$0x3FAF] =	sst s0  }
0x18: {  	s0 =	sld [smem:$0x3F92];
	_ =	swait.ge [sflag:s4], $0x0  }
0x19: {  	s7 =	sld [smem:$0x3F93]  }
0x1a: {  	s8 =	sadd.s32 $0xFFFFE003, lr  }
0x1b: {  	s9 =	sadd.s32 $0xFFFFFEF7, lr;
	s5 =	simm.s32 $0xFFFFFFFF;
	p2 =	slt.u32 s8, $0xFFFFF086  }
0x1c: {  	p1 =	slt.u32 s9, $0xF7A;
	s5 =	simm.s32 @!p2 $0x0  }
0x1d: {  	s5 =	simm.s32 @p1 $0x1;
	p0 =	seq.s32 s7, s2  }
0x1e: {  	s7 =	smul.u32 @!p0 $0xF7A, s2;
	p2 =	seq.s32 @!p0 s5, $0x0  }
0x1f: {  	s9 =	smul.u32 $0xF7A, s1;
	s8 =	simm.s32 @!p0 $0x1BF5;
	p2 =	por !p2, p0  }
0x20: {  	[sflag:s8] =	ssyncset.s32 @!p0 $0xFFFFF086;
	s6 =	sadd.s32 @!p0 s3, s7;
	s7 =	simm.s32 @!p0 $0x108  }
0x21: {  	s3 =	sadd.s32 s3, s9;
	s6 =	sadd.s32 @!p0 $0x88, s6;
	s7 =	simm.s32 @p2 $0x1082  }
0x22: {  	[simem:s7], [sflag:s8] =	dma.local @!p0 [hbm:s6], $0xF7A  }
0x23: {  	s9 =	sor.u32 $0xD0000000, s2;
	s6 =	simm.s32 $0x108;
	_ =	swait.ge @!p0 [sflag:s8], $0x0  }
0x24: {  	s3 =	sadd.s32 $0x88, s3;
	s6 =	simm.s32 @!p1 $0x1082;
	[sflag:s4] =	ssyncset.s32 $0xFFFFF086  }
0x25: {  	[simem:s6], [sflag:s4] =	dma.local [hbm:s3], $0xF7A  }
0x26: {  	[smem:$0x3F93] =	sst s1;
	(tag) =	ssettag s2;
	_ =	strace s9  }
0x27: {  	s1 =	sld [smem:$0x3FA3]  }
0x28: {  	s2 =	sld [smem:$0x3FA4]  }
0x29: {  	s4 =	sld [smem:$0x3FA6]  }
0x2a: {  	p0 =	seq.s32 s5, $0x0;
	s5 =	sld [smem:$0x3FA7]  }
0x2b: {  	s6 =	sld [smem:$0x3FA8]  }
0x2c: {  	s7 =	sld [smem:$0x3FA9]  }
0x2d: {  	s3 =	simm.s32 $0x108;
	s8 =	sld [smem:$0x3FAA]  }
0x2e: {  	s3 =	simm.s32 @!p0 $0x1082;
	s9 =	sld [smem:$0x3FAB]  }
0x2f: {  	lr =	sadd.s32 s0, s3;
	s0 =	sld [smem:$0x3FA2]  }
0x30: {  	s3 =	sld [smem:$0x3FA5]  }
0x31: {  	[smem:$0x3FAE] =	sst s10  }
0x32: {  	s10 =	sld [smem:$0x3FAC];
	_ =	sdelay $0x3  }
0x33: {  	p0 =	seq.s32 s10, $0x1;
	s10 =	sld [smem:$0x3FAE];
	_ =	sdelay $0x3  }
0x34: {  	[smem:$0x3FAE] =	sst s10  }
0x35: {  	s10 =	sld [smem:$0x3FAD];
	_ =	sdelay $0x3  }
0x36: {  	p1 =	seq.s32 s10, $0x1;
	s10 =	sld [smem:$0x3FAE];
	_ =	sdelay $0x3  }
0x37: {  	[smem:$0x3FAE] =	sst s10  }
0x38: {  	s10 =	sld [smem:$0x3FAF]  }
0x39: {  	_ = 	snop;
	(pc) =	sbr.ind lr, $3  }
0x3a: {  	_ = 	snop  }
0x3b: {  	_ = 	snop  }
0x3c: {  	p2 =	seq.s32 s10, $0x1;
	s10 =	sld [smem:$0x3FAE]  }
0x3d: {  	_ =	shalt  }
0x3e: {  	_ =	shalt  }
0x3f: {  	_ =	shalt  }
0x40: {  	_ =	shalt  }
0x41: {  	_ =	shalt  }
0x42: {  	_ =	shalt  }
0x43: {  	_ =	shalt  }
0x44: {  	_ =	shalt  }
0x45: {  	_ =	shalt  }
0x46: {  	_ =	shalt  }
0x47: {  	_ =	shalt  }
0x48: {  	_ =	shalt  }
0x49: {  	_ =	shalt  }
0x4a: {  	_ =	shalt  }
0x4b: {  	_ =	shalt  }
0x4c: {  	_ =	shalt  }
0x4d: {  	_ =	shalt  }
0x4e: {  	_ =	shalt  }
0x4f: {  	_ =	shalt  }
0x50: {  	_ =	shalt  }
0x51: {  	_ =	shalt  }
0x52: {  	_ =	shalt  }
0x53: {  	_ =	shalt  }
0x54: {  	_ =	shalt  }
0x55: {  	_ =	shalt  }
0x56: {  	_ =	shalt  }
0x57: {  	_ =	shalt  }
0x58: {  	_ =	shalt  }
0x59: {  	_ =	shalt  }
0x5a: {  	_ =	shalt  }
0x5b: {  	_ =	shalt  }
0x5c: {  	_ =	shalt  }
0x5d: {  	_ =	shalt  }
0x5e: {  	_ =	shalt  }
0x5f: {  	_ =	shalt  }
0x60: {  	_ =	shalt  }
0x61: {  	_ =	shalt  }
0x62: {  	_ =	shalt  }
0x63: {  	_ =	shalt  }
0x64: {  	_ =	shalt  }
0x65: {  	_ =	shalt  }
0x66: {  	_ =	shalt  }
0x67: {  	_ =	shalt  }
0x68: {  	_ =	shalt  }
0x69: {  	_ =	shalt  }
0x6a: {  	_ =	shalt  }
0x6b: {  	_ =	shalt  }
0x6c: {  	_ =	shalt  }
0x6d: {  	_ =	shalt  }
0x6e: {  	_ =	shalt  }
0x6f: {  	_ =	shalt  }
0x70: {  	_ =	shalt  }
0x71: {  	_ =	shalt  }
0x72: {  	_ =	shalt  }
0x73: {  	_ =	shalt  }
0x74: {  	_ =	shalt  }
0x75: {  	_ =	shalt  }
0x76: {  	_ =	shalt  }
0x77: {  	_ =	shalt  }
0x78: {  	_ =	shalt  }
0x79: {  	_ =	shalt  }
0x7a: {  	_ =	shalt  }
0x7b: {  	_ =	shalt  }
0x7c: {  	_ =	shalt  }
0x7d: {  	_ =	shalt  }
0x7e: {  	_ =	shalt  }
0x7f: {  	_ =	shalt  }
0x80: {  	_ =	shalt  }
0x81: {  	_ =	shalt  }
0x82: {  	_ =	shalt  }
0x83: {  	_ =	shalt  }
0x84: {  	_ =	shalt  }
0x85: {  	_ =	shalt  }
0x86: {  	_ =	shalt  }
0x87: {  	_ =	shalt  }
.Lfunc_end0:
.L_simem_size_0:
called_computation.1_lowered:
.L_overlay_start_0:
0x88: {  	s2 =	sld [smem:$0x3FD9]  }
0x89: {  	s3 =	sld [smem:$0x3FFE];
	_ =	sdelay $0x1  }
0x8a: {  	s1 =	srdreg.scid  }
0x8b: {  	s0 =	sand.u32 $0x1, s1  }
0x8c: {  	s14 =	sshll.u32 s0, $0xA;
	s2 =	sadd.s32 s3, s2  }
0x8d: {  	s2 =	sadd.s32 s2, s14  }
0x8e: {  	[smem:$0x3FBA] =	sst s2  }
0x8f: {  	_ = 	snop  }
0x90: {  	s2 =	sld [smem:$0x3FD0];
	_ =	sdelay $0x2  }
0x91: {  	s15 =	simm.s32 $0xA;
	s4 =	simm.s32 $0x10  }
0x92: {  	[smem:s4], [sflag:s15] =	dma.local [hbm:s2], $0x1  }
0x93: {  	_ =	swait.eq [sflag:s15], $0x1  }
0x94: {  	[sflag:s15] =	ssyncset.done $0x0  }
0x95: {  	s16 =	sld [smem:$0x10];
	[sflag:s15] =	ssyncadd.s32 $0xFFFFFFFF  }
0x96: {  	s17 =	sld [smem:$0x11];
	(tm) =	ssettm $0x1  }
0x97: {  	s18 =	sld [smem:$0x3FFB];
	_ =	sdelay $0x3  }
0x98: {  	_ =	strace s18  }
0x99: {  	s4 =	sld [smem:$0x3FFC];
	_ =	sdelay $0x3  }
0x9a: {  	_ =	strace s4  }
0x9b: {  	s4 =	sld [smem:$0x3FFD];
	_ =	sdelay $0x3  }
0x9c: {  	_ =	strace s4  }
0x9d: {  	_ =	strace $0x8FFFFFFF  }
0x9e: {  	s19 =	sld [smem:$0x3FDB];
	_ =	sdelay $0x1  }
0x9f: {  	s5 =	simm.s32 $_scs_section_size  }
0xa0: {  	s6 =	simm.s32 $_size__tile_overlayer_lowered;
	s7 =	simm.s32 $_tile_overlayer_lowered  }
0xa1: {  	s22 =	simm.s32 $0x1BFF;
	s21 =	sshll.u32 s7, $0x1;
	s4 =	sadd.s32 s5, s19  }
0xa2: {  	s8 =	simm.s32 $0x0;
	s20 =	sshll.u32 s6, $0x1;
	s6 =	sadd.s32 s21, s4  }
0xa3: {  	[timem:s8], [sflag:s22] =	dma.local [hbm:s6], s20  }
0xa4: {  	_ =	swait.ge [sflag:s22], s20  }
0xa5: {  	s5 =	ssub.s32 $0x0, s20;
	[sflag:s22] =	ssyncset.done $0x0  }
0xa6: {  	[sflag:s22] =	ssyncadd.s32 s5;
	_ =	sdelay $0x1  }
0xa7: {  	s23 =	simm.s32 $0x1B8B  }
0xa8: {  	_ =	swait.ge [sflag:s23], $0x1  }
0xa9: {  	[sflag:s23] =	ssyncset.done $0x0  }
0xaa: {  	s25 =	simm.s32 $0x1B8E;
	s24 =	sld [smem:$0x3FFE];
	[sflag:s23] =	ssyncadd.s32 $0xFFFFFFFF  }
0xab: {  	s26 =	simm.s32 $execute0_lowered;
	[smem:$0x3FD2] =	sst s25  }
0xac: {  	s6 =	sshll.u32 s26, $0x1;
	_ =	strace $0x80000049;
	[dreg:$0x1] =	wrdreg $0xFFFFFFFF  }
0xad: {  	s28 =	simm.s32 $_size_execute0_lowered;
	s4 =	sadd.s32 s4, s6;
	[dreg:$0x0] =	wrdreg $0x0  }
0xae: {  	s6 =	sshll.u32 s28, $0x1;
	[dreg:$0x2] =	wrdreg s4  }
0xaf: {  	[dreg:$0x3] =	wrdreg s6  }
0xb0: {  	[dreg:$0x4] =	wrdreg $0xC0  }
0xb1: {  	_ =	task [dreg:s8], $0x5FFFF  }
0xb2: {  	[dreg:$0x1] =	wrdreg $0xFFFFFFFF  }
0xb3: {  	[dreg:$0x0] =	wrdreg $0x60  }
0xb4: {  	[dreg:$0x2] =	wrdreg s24  }
0xb5: {  	[dreg:$0x3] =	wrdreg s16  }
0xb6: {  	[dreg:$0x4] =	wrdreg s17  }
0xb7: {  	[dreg:$0x5] =	wrdreg $0x80900  }
0xb8: {  	[dreg:$0x6] =	wrdreg $0x59100  }
0xb9: {  	[dreg:$0x7] =	wrdreg $0x9  }
0xba: {  	_ =	task.clear_ibuf [dreg:s8], $0x8FFFF;
	_ =	strace $0x90000049  }
0xbb: {  	s29 =	simm.s32 $0x9;
	_ =	strace $0x8000004B  }
0xbc: {  	_ =	swait.ge [sflag:s29], $0x1  }
0xbd: {  	[sflag:s29] =	ssyncadd.s32 $0xFFFFFFFF  }
0xbe: {  	_ =	strace $0x9000004B  }
0xbf: {  	_ =	sfence  }
0xc0: {  	s30 =	sld [smem:$0x0];
	_ =	sdelay $0x2  }
0xc1: {  	s31 =	sshll.u32 s1, $0xD;
	s1 =	sshrl.u32 s1, $0x2  }
0xc2: {  	s3 =	sand.u32 $0x4000, s31;
	s1 =	sadd.s32 s1, s30  }
0xc3: {  	s0 =	sor.u32 s3, s0;
	s1 =	sshll.u32 s1, $0x11  }
0xc4: {  	s0 =	sor.u32 s1, s0  }
0xc5: {  	s0 =	sadd.s32 $0x8F2B, s0  }
0xc6: {  	[sflag:s0] =	ssyncadd.remote.s32 $0x1  }
0xc7: {  	_ =	sfence.sel $0xFFFF  }
0xc8: {  	[dreg:$0x0] =	wrdreg $0xFFFFFFFF;
	(pc) =	sbr.abs _section_cstart, $3  }
0xc9: {  	[dreg:$0x1] =	wrdreg $0xFFFFFFFF  }
0xca: {  	_ =	task.clear_ibuf [dreg:s8], $0x2FFFF;
	_ =	strace $0x9FFFFFFF  }
0xcb: {  	(tm) =	ssettm $0x7FFFFFFF  }
tec
execute0_lowered:
.L_overlay_start_1:
0x0: {  	(tag) =	ssettag $0x1  }
0x1: {  	s0 =	rddreg [dreg:$0x0]  }
0x2: {  	s1 =	rddreg [dreg:$0x1]  }
0x3: {  	s3 =	rddreg [dreg:$0x3]  }
0x4: {  	s5 =	rddreg [dreg:$0x4]  }
0x5: {  	s4 =	simm.s32 $0x0;
	s2 =	srdreg.scid;
	s16 =	stileid.u32  }
0x6: {  	s28 =	simm.s32 $0x80;
	s29 =	simm.s32 $0x40;
	s30 =	simm.s32 $0x100  }
0x7: {  	s31 =	simm.s32 $0x900;
	[smem:$0x7FF] =	sst s4;
	s2 =	sand.u32 $0x1, s2  }
0x8: {  	s26 =	smul.u32 $0x2780, s16;
	s7 =	sadd.s32 $0x18200, s0;
	s8 =	sadd.s32 $0xE400, s0  }
0x9: {  	s11 =	smul.u32 $0x13C00, s16;
	s9 =	sadd.s32 $0x9400, s0;
	s10 =	sadd.s32 $0x4400, s0  }
0xa: {  	s13 =	sadd.s32 $0x4000, s0;
	s17 =	sadd.s32 $0x4200, s0;
	s18 =	sadd.s32 $0x22000, s0  }
0xb: {  	s15 =	sshll.u32 s16, $0x4;
	_ =	strace $0x8000004A;
	[dreg:$0x6] =	wrdreg s13  }
0xc: {  	p0 =	sgt.u32 s16, $0x3;
	s6 =	smul.u32 $0x27800, s2;
	[dreg:$0x7] =	wrdreg s17  }
0xd: {  	s4 =	simm.s32 $0x3100;
	s12 =	smul.u32 $0x13C000, s2;
	[dreg:$0x8] =	wrdreg s18  }
0xe: {  	s19 =	ssub.s32 $0x2, s2;
	s2 =	sshll.u32 s2, $0x3;
	s17 =	simm.s32 $0x500  }
0xf: {  	s18 =	simm.s32 $0xD00;
	s13 =	simm.s32 $0x0;
	s14 =	sshrl.u32 s19, $0x1  }
0x10: {  	s21 =	sadd.s32 s11, s3;
	s22 =	sadd.s32 s26, s5;
	s6 =	sadd.s32 s26, s6  }
0x11: {  	s12 =	sadd.s32 s11, s12;
	s20 =	ssub.s32 s19, s14;
	[dreg:$0x9] =	wrdreg s21  }
0x12: {  	s14 =	sor.u32 s2, s15;
	[dreg:$0xa] =	wrdreg s22;
	s11 =	simm.s32 $0x5100  }
0x13: {  	s6 =	sshrl.u32 s6, $0x3;
	s12 =	sshrl.u32 s12, $0x3;
	s23 =	sor.u32 $0x9C00, s14  }
0x14: {  	s26 =	smax.u32 s20, $0x1;
	s22 =	sor.u32 $0x100, s14;
	s6 =	sadd.s32 s6, s0  }
0x15: {  	s0 =	sadd.s32 s12, s0;
	s24 =	sadd.s32 s7, s23;
	[dreg:$0xf] =	wrdreg s26  }
.Ltmp0:
0x16: {  	s2 =	sadd.s32 s8, s23;
	[dreg:$0xb] =	wrdreg s24;
	(pc) =	sbr.rel .LBB2_1-.Ltmp0, $4  }
0x17: {  	s26 =	simm.s32 $0x2;
	s12 =	simm.s32 $0x5500;
	[dreg:$0xc] =	wrdreg s2  }
0x18: {  	s25 =	sadd.s32 $0x24800, s6;
	s0 =	sadd.s32 $0x2E600, s0;
	s24 =	simm.s32 $0x4  }
0x19: {  	s2 =	simm.s32 $0xC0;
	s6 =	simm.s32 $0x3;
	[dreg:$0xd] =	wrdreg s25  }
0x1a: {  	[dreg:$0xe] =	wrdreg s0;
	s25 =	simm.s32 $0x1;
	s0 =	simm.s32 $0x1100  }
.LBB2_11:
0x1b: {  	[bflag:$0x0] =	sbarrier.arrive $0xFFFF  }
0x1c: {  	s16 =	rddreg [dreg:$0xd]  }
0x1d: {  	s15 =	sor.u32 $0x1C04, s15;
	s19 =	rddreg [dreg:$0x11]  }
0x1e: {  	[hbm:s16], [sflag:s15] =	dma.local [spmem:s19], $0x4F0  }
0x1f: {  	_ =	swait.ge [sflag:s24], $0x4F0  }
0x20: {  	[sflag:s24] =	ssyncset.done $0x0;
	s20 =	rddreg [dreg:$0xe]  }
0x21: {  	s21 =	rddreg [dreg:$0x10];
	[sflag:s24] =	ssyncadd.s32 $0xFFFFFB10  }
0x22: {  	[hbm:s20], [sflag:s15] =	dma.local [spmem:s21], $0x2780  }
0x23: {  	_ =	swait.ge [sflag:s24], $0x2780  }
0x24: {  	s13 =	sadd.s32 $0x1, s13;
	s23 =	rddreg [dreg:$0xf]  }
0x25: {  	p1 =	sne.s32 s13, s23  }
.Ltmp1:
0x26: {  	_ = 	snop;
	(pc) =	sbr.rel @!p1 .LBB2_12-.Ltmp1, $3  }
0x27: {  	_ =	sdelay $0x1  }
0x28: {  	[sflag:s24] =	ssyncset.done $0x0  }
0x29: {  	[sflag:s24] =	ssyncadd.s32 $0xFFFFD880  }
.LBB2_1:
0x2a: {  	s15 =	simm.s32 $0x0;
	s16 =	rddreg [dreg:$0x6];
	s19 =	simm.s32 $0x5900  }
0x2b: {  	[tilespmem:s19], [sflag:$0x4] =	stream.linear.gather [hbm4b:s16+s15], $0x10, $0x38;
	[tilespmem:$0x1BC90] =	vst v63  }
0x2c: {  	_ =	swait.ge [sflag:s24], $0x10  }
0x2d: {  	[sflag:s24] =	ssyncset.done $0x0  }
0x2e: {  	s23 =	rddreg [dreg:$0x7];
	[sflag:s24] =	ssyncadd.s32 $0xFFFFFFF0  }
0x2f: {  	v0 =	vld [tilespmem:$0x5900];
	[tilespmem:s19], [sflag:$0x4] =	stream.linear.gather [hbm4b:s23+s15], $0x10, $0x38  }
0x30: {  	s20 =	stileid.u32;
	_ =	swait.ge [sflag:s24], $0x10  }
0x31: {  	s15 =	sshll.u32 s20, $0x6;
	s21 =	rddreg [dreg:$0x9]  }
0x32: {  	[sflag:s24] =	ssyncset.done $0x0;
	s23 =	rddreg [dreg:$0x8];
	s20 =	sshrl.u32 s21, $0x3  }
0x33: {  	s16 =	sor.u32 $0x1C01, s15;
	[sflag:s24] =	ssyncadd.s32 $0xFFFFFFF0;
	[dreg:$0x10] =	wrdreg s20  }
0x34: {  	v1 =	vld [tilespmem:$0x5900];
	[spmem:s20], [sflag:s16] =	dma.local [hbm:s23], $0x2780  }
0x35: {  	s16 =	rddreg [dreg:$0xa]  }
0x36: {  	s23 =	rddreg [dreg:$0x2];
	s21 =	sshrl.u32 s16, $0x3  }
0x37: {  	s20 =	sor.u32 $0x1C02, s15;
	[dreg:$0x11] =	wrdreg s21  }
0x38: {  	[spmem:s21], [sflag:s20] =	dma.local [hbm:s23], $0x4F0  }
0x39: {  	_ =	swait.ge [sflag:s25], $0x2780  }
0x3a: {  	[sflag:s25] =	ssyncset.done $0x0  }
0x3b: {  	v0 =	vadd.f32 v1, v0;
	[sflag:s25] =	ssyncadd.s32 $0xFFFFD880  }
0x3c: {  	_ =	swait.ge [sflag:s26], $0x4F0  }
0x3d: {  	v1 =	vmul.f32 $2.000000030e-01, v0;
	[sflag:s26] =	ssyncset.done $0x0  }
0x3e: {  	vm0 =	vgt.f32 v0, $0.0e+00;
	[sflag:s26] =	ssyncadd.s32 $0xFFFFFB10  }
0x3f: {  	s19 =	simm.s32 $0x0;
	v0 =	vsel vm0, v0, v1;
	[bflag:$0x0] =	sbarrier.arrive $0xFFFF  }
.LBB2_2:
0x40: {  	s20 =	sshll.u32 s19, $0x9  }
0x41: {  	s21 =	sor.u32 s14, s20  }
0x42: {  	s16 =	simm.s32 $0x0;
	s23 =	sadd.s32 s7, s21  }
0x43: {  	[tilespmem:s16], [sflag:$0x4] =	stream.linear.gather [hbm4b:s23+s16], $0x40, $0x38;
	[tilespmem:$0x1BC90] =	vst v63  }
0x44: {  	_ =	swait.ge [sflag:s24], $0x40  }
0x45: {  	[sflag:s24] =	ssyncset.done $0x0  }
0x46: {  	s21 =	sadd.s32 s8, s21;
	[sflag:s24] =	ssyncadd.s32 $0xFFFFFFC0  }
0x47: {  	[tilespmem:s28], [sflag:$0x4] =	stream.linear.gather [hbm4b:s21+s16], $0x40, $0x38;
	[tilespmem:$0x1BC90] =	vst v63  }
0x48: {  	_ =	swait.ge [sflag:s24], $0x40  }
0x49: {  	[sflag:s24] =	ssyncset.done $0x0  }
0x4a: {  	[sflag:s24] =	ssyncadd.s32 $0xFFFFFFC0  }
0x4b: {  	[tilespmem:s30], [sflag:$0x1] =	stream.indirect.gather [hbm4b:s9+s29], $0x10, s16, s29, $0xb8;
	[tilespmem:$0x1BC90] =	vst v63  }
0x4c: {  	_ = 	snop  }
0x4d: {  	[tilespmem:s31], [sflag:$0x2] =	stream.indirect.gather [hbm4b:s10+s29], $0x10, s28, s29, $0xb8;
	[tilespmem:$0x1BC90] =	vst v63  }
0x4e: {  	s20 =	sor.u32 s22, s20  }
0x4f: {  	[tilespmem:s0], [sflag:$0x3] =	stream.indirect.gather [hbm4b:s1+s29], $0x80, s16, s29, $0xb8;
	[tilespmem:$0x1BC90] =	vst v63  }
0x50: {  	s23 =	sadd.s32 s7, s20  }
0x51: {  	[tilespmem:s29], [sflag:$0x4] =	stream.linear.gather [hbm4b:s23+s16], $0x40, $0x38;
	[tilespmem:$0x1BC90] =	vst v63  }
0x52: {  	_ =	swait.ge [sflag:s24], $0x40  }
0x53: {  	[sflag:s24] =	ssyncset.done $0x0  }
0x54: {  	s20 =	sadd.s32 s8, s20;
	[sflag:s24] =	ssyncadd.s32 $0xFFFFFFC0  }
0x55: {  	[tilespmem:s2], [sflag:$0x4] =	stream.linear.gather [hbm4b:s20+s16], $0x40, $0x38;
	[tilespmem:$0x1BC90] =	vst v63  }
0x56: {  	_ =	swait.ge [sflag:s24], $0x40  }
0x57: {  	[sflag:s24] =	ssyncset.done $0x0  }
0x58: {  	[sflag:s24] =	ssyncadd.s32 $0xFFFFFFC0  }
0x59: {  	[tilespmem:s17], [sflag:$0x1] =	stream.indirect.gather [hbm4b:s9+s29], $0x10, s29, s29, $0xb8;
	[tilespmem:$0x1BC90] =	vst v63  }
0x5a: {  	_ = 	snop  }
0x5b: {  	[tilespmem:s18], [sflag:$0x2] =	stream.indirect.gather [hbm4b:s10+s29], $0x10, s2, s29, $0xb8;
	[tilespmem:$0x1BC90] =	vst v63  }
0x5c: {  	_ = 	snop  }
0x5d: {  	[tilespmem:s4], [sflag:$0x3] =	stream.indirect.gather [hbm4b:s1+s29], $0x80, s29, s29, $0xb8;
	[tilespmem:$0x1BC90] =	vst v63  }
0x5e: {  	_ =	swait.ge [sflag:s25], $0x400  }
0x5f: {  	[sflag:s25] =	ssyncset.done $0x0  }
0x60: {  	[sflag:s25] =	ssyncadd.s32 $0xFFFFFC00  }
0x61: {  	_ =	swait.ge [sflag:s26], $0x400  }
0x62: {  	[sflag:s26] =	ssyncset.done $0x0  }
0x63: {  	[sflag:s26] =	ssyncadd.s32 $0xFFFFFC00  }
0x64: {  	_ =	swait.ge [sflag:s6], $0x2000  }
0x65: {  	[sflag:s6] =	ssyncset.done $0x0  }
0x66: {  	s23 =	simm.s32 $0x0;
	[sflag:s6] =	ssyncadd.s32 $0xFFFFE000  }
0x67: {  	v1 =	vld [tilespmem:s23+$0x900]  }
0x68: {  	v2 =	vld [tilespmem:s23+$0x100];
	_ =	sdelay $0x4  }
0x69: {  	v1 =	vadd.f32 v1, v2;
	_ =	sdelay $0x1  }
0x6a: {  	v2 =	vmul.f32 $2.000000030e-01, v1  }
0x6b: {  	vm0 =	vgt.f32 v1, $0.0e+00  }
0x6c: {  	v1 =	vsel vm0, v1, v2  }
0x6d: {  	v1 =	vsub.f32 v1, v0;
	_ =	sdelay $0x1  }
0x6e: {  	v1 =	vmul.f32 $1.442695020e+00, v1;
	_ =	sdelay $0x1  }
0x6f: {  	(erf) = vpow2.f32 v1;
	_ =	sdelay $0x8  }
0x70: {  	v1 =	vpop (erf)  }
0x71: {  	s20 =	simm.s32 $0x1140;
	[tilespmem:s23+$0x5100] =	vst v1  }
0x72: {  	v2 =	vld [tilespmem:s20+$0x30]  }
0x73: {  	v3 =	vld [tilespmem:s20+$0x20]  }
0x74: {  	v4 =	vld [tilespmem:s20+$0x10]  }
0x75: {  	v5 =	vbroadcast v1, $0x7;
	v6 =	vld [tilespmem:s20+$0x0]  }
0x76: {  	v7 =	vbroadcast v1, $0x6;
	v8 =	vld [tilespmem:s20+$0xFFFFFFF0]  }
0x77: {  	v9 =	vbroadcast v1, $0x5;
	v10 =	vld [tilespmem:s20+$0xFFFFFFE0];
	v2 =	vmul.f32 v2, v5  }
0x78: {  	v61 =	vbroadcast v1, $0x4;
	v11 =	vld [tilespmem:s20+$0xFFFFFFD0];
	v3 =	vmul.f32 v3, v7  }
0x79: {  	v62 =	vbroadcast v1, $0x3;
	v12 =	vld [tilespmem:s20+$0xFFFFFFC0];
	v4 =	vmul.f32 v4, v9;
	[tilespmem:s20+$0x30] =	vst v2  }
0x7a: {  	v5 =	vmul.f32 v6, v61;
	v2 =	vbroadcast v1, $0x2;
	[tilespmem:s20+$0x20] =	vst v3  }
0x7b: {  	v63 =	vmul.f32 v8, v62;
	v3 =	vbroadcast v1, $0x1;
	[tilespmem:s20+$0x10] =	vst v4  }
0x7c: {  	v1 =	vbroadcast v1, $0x0;
	[tilespmem:s20+$0x0] =	vst v5;
	v2 =	vmul.f32 v2, v10  }
0x7d: {  	[tilespmem:s20+$0xFFFFFFF0] =	vst v63;
	v3 =	vmul.f32 v3, v11  }
0x7e: {  	v1 =	vmul.f32 v1, v12;
	[tilespmem:s20+$0xFFFFFFE0] =	vst v2  }
0x7f: {  	[tilespmem:s20+$0xFFFFFFD0] =	vst v3  }
0x80: {  	s23 =	simm.s32 $0x10;
	[tilespmem:s20+$0xFFFFFFC0] =	vst v1  }
0x81: {  	s21 =	simm.s32 $0x80;
	v1 =	vld [tilespmem:s23+$0x900]  }
.LBB2_3:
0x82: {  	p1 =	sne.s32 s21, $0xFC0;
	v2 =	vld [tilespmem:s23+$0x100];
	_ =	sdelay $0x4  }
0x83: {  	v1 =	vadd.f32 v1, v2;
	_ =	sdelay $0x1  }
0x84: {  	v2 =	vmul.f32 $2.000000030e-01, v1  }
0x85: {  	vm0 =	vgt.f32 v1, $0.0e+00  }
0x86: {  	v1 =	vsel vm0, v1, v2  }
0x87: {  	v1 =	vsub.f32 v1, v0;
	_ =	sdelay $0x1  }
0x88: {  	v1 =	vmul.f32 $1.442695020e+00, v1;
	_ =	sdelay $0x1  }
0x89: {  	(erf) = vpow2.f32 v1;
	_ =	sdelay $0x8  }
0x8a: {  	v1 =	vpop (erf)  }
0x8b: {  	s20 =	sadd.s32 $0x80, s20;
	[tilespmem:s23+$0x5100] =	vst v1;
	v2 =	vbroadcast v1, $0x6;
	v3 =	vbroadcast v1, $0x7  }
0x8c: {  	v4 =	vbroadcast v1, $0x4;
	v5 =	vbroadcast v1, $0x5;
	v6 =	vld [tilespmem:s20+$0x30]  }
0x8d: {  	v7 =	vbroadcast v1, $0x2;
	v8 =	vbroadcast v1, $0x3;
	v9 =	vld [tilespmem:s20+$0x20]  }
0x8e: {  	v10 =	vbroadcast v1, $0x0;
	v1 =	vbroadcast v1, $0x1;
	v11 =	vld [tilespmem:s20+$0x10]  }
0x8f: {  	v12 =	vld [tilespmem:s20+$0x0]  }
0x90: {  	v13 =	vld [tilespmem:s20+$0xFFFFFFF0]  }
0x91: {  	v14 =	vld [tilespmem:s20+$0xFFFFFFE0];
	v3 =	vmul.f32 v6, v3  }
0x92: {  	v6 =	vld [tilespmem:s20+$0xFFFFFFD0];
	v2 =	vmul.f32 v9, v2  }
0x93: {  	v9 =	vld [tilespmem:s20+$0xFFFFFFC0];
	v5 =	vmul.f32 v11, v5;
	[tilespmem:s20+$0x30] =	vst v3  }
0x94: {  	v3 =	vmul.f32 v12, v4;
	[tilespmem:s20+$0x20] =	vst v2  }
0x95: {  	v2 =	vmul.f32 v13, v8;
	[tilespmem:s20+$0x10] =	vst v5  }
0x96: {  	v4 =	vmul.f32 v7, v14;
	[tilespmem:s20+$0x0] =	vst v3  }
.Ltmp2:
0x97: {  	v1 =	vmul.f32 v1, v6;
	[tilespmem:s20+$0xFFFFFFF0] =	vst v2;
	(pc) =	sbr.rel @p1 .LBB2_3-.Ltmp2, $4  }
0x98: {  	v2 =	vmul.f32 v10, v9;
	[tilespmem:s20+$0xFFFFFFE0] =	vst v4  }
0x99: {  	[tilespmem:s20+$0xFFFFFFD0] =	vst v1  }
0x9a: {  	s23 =	sshra.s32 s21, $0x2;
	[tilespmem:s20+$0xFFFFFFC0] =	vst v2  }
0x9b: {  	s21 =	sadd.s32 $0x40, s21;
	v1 =	vld [tilespmem:s23+$0x900]  }
0x9c: {  	v2 =	vld [tilespmem:s23+$0x100];
	_ =	sdelay $0x4  }
0x9d: {  	v1 =	vadd.f32 v1, v2;
	_ =	sdelay $0x1  }
0x9e: {  	v2 =	vmul.f32 $2.000000030e-01, v1  }
0x9f: {  	vm0 =	vgt.f32 v1, $0.0e+00  }
0xa0: {  	v1 =	vsel vm0, v1, v2  }
0xa1: {  	v1 =	vsub.f32 v1, v0;
	_ =	sdelay $0x1  }
0xa2: {  	v1 =	vmul.f32 $1.442695020e+00, v1;
	_ =	sdelay $0x1  }
0xa3: {  	(erf) = vpow2.f32 v1;
	_ =	sdelay $0x8  }
0xa4: {  	v1 =	vpop (erf)  }
0xa5: {  	s16 =	sadd.s32 $0x80, s20;
	[tilespmem:s23+$0x5100] =	vst v1  }
0xa6: {  	v2 =	vld [tilespmem:s16+$0x30]  }
0xa7: {  	v3 =	vld [tilespmem:s16+$0x20]  }
0xa8: {  	v4 =	vld [tilespmem:s16+$0x10]  }
0xa9: {  	v5 =	vbroadcast v1, $0x7;
	v6 =	vld [tilespmem:s16+$0x0]  }
0xaa: {  	v7 =	vbroadcast v1, $0x6;
	v8 =	vld [tilespmem:s16+$0xFFFFFFF0]  }
0xab: {  	v9 =	vbroadcast v1, $0x5;
	v10 =	vld [tilespmem:s16+$0xFFFFFFE0];
	v2 =	vmul.f32 v2, v5  }
0xac: {  	v49 =	vbroadcast v1, $0x4;
	v11 =	vld [tilespmem:s16+$0xFFFFFFD0];
	v3 =	vmul.f32 v3, v7  }
0xad: {  	v50 =	vbroadcast v1, $0x3;
	v12 =	vld [tilespmem:s16+$0xFFFFFFC0];
	v4 =	vmul.f32 v4, v9;
	[tilespmem:s16+$0x30] =	vst v2  }
0xae: {  	v5 =	vmul.f32 v6, v49;
	v2 =	vbroadcast v1, $0x2;
	[tilespmem:s16+$0x20] =	vst v3  }
0xaf: {  	v51 =	vmul.f32 v8, v50;
	v3 =	vbroadcast v1, $0x1;
	[tilespmem:s16+$0x10] =	vst v4  }
0xb0: {  	v1 =	vbroadcast v1, $0x0;
	[tilespmem:s16+$0x0] =	vst v5;
	v2 =	vmul.f32 v2, v10  }
0xb1: {  	[tilespmem:s16+$0xFFFFFFF0] =	vst v51;
	v3 =	vmul.f32 v3, v11  }
0xb2: {  	v1 =	vmul.f32 v1, v12;
	[tilespmem:s16+$0xFFFFFFE0] =	vst v2  }
0xb3: {  	[tilespmem:s16+$0xFFFFFFD0] =	vst v3  }
0xb4: {  	[tilespmem:s16+$0xFFFFFFC0] =	vst v1  }
0xb5: {  	[spmem:s5] =	stream.indirect.scatter.add.f32 [tilespmem:s11], [sflag:$0x4], $0x10, s28, s29, $0xb8;
	[tilespmem:$0x1BC90] =	vst v63  }
0xb6: {  	_ =	swait.ge [sflag:s24], $0x400  }
0xb7: {  	[sflag:s24] =	ssyncset.done $0x0  }
0xb8: {  	[sflag:s24] =	ssyncadd.s32 $0xFFFFFC00  }
0xb9: {  	[spmem:s3] =	stream.indirect.scatter.add.f32 [tilespmem:s0], [sflag:$0x4], $0x80, s28, s29, $0xb8;
	[tilespmem:$0x1BC90] =	vst v63  }
0xba: {  	_ =	swait.ge [sflag:s24], $0x2000  }
0xbb: {  	[sflag:s24] =	ssyncset.done $0x0  }
0xbc: {  	[sflag:s24] =	ssyncadd.s32 $0xFFFFE000  }
0xbd: {  	_ =	swait.ge [sflag:s25], $0x400  }
0xbe: {  	[sflag:s25] =	ssyncset.done $0x0  }
0xbf: {  	[sflag:s25] =	ssyncadd.s32 $0xFFFFFC00  }
0xc0: {  	_ =	swait.ge [sflag:s26], $0x400  }
0xc1: {  	[sflag:s26] =	ssyncset.done $0x0  }
0xc2: {  	[sflag:s26] =	ssyncadd.s32 $0xFFFFFC00  }
0xc3: {  	_ =	swait.ge [sflag:s6], $0x2000  }
0xc4: {  	[sflag:s6] =	ssyncset.done $0x0  }
0xc5: {  	s23 =	simm.s32 $0x0;
	[sflag:s6] =	ssyncadd.s32 $0xFFFFE000  }
0xc6: {  	v1 =	vld [tilespmem:s23+$0xD00]  }
0xc7: {  	v2 =	vld [tilespmem:s23+$0x500];
	_ =	sdelay $0x4  }
0xc8: {  	v1 =	vadd.f32 v1, v2;
	_ =	sdelay $0x1  }
0xc9: {  	v2 =	vmul.f32 $2.000000030e-01, v1  }
0xca: {  	vm15 =	vgt.f32 v1, $0.0e+00  }
0xcb: {  	v1 =	vsel vm15, v1, v2  }
0xcc: {  	v1 =	vsub.f32 v1, v0;
	_ =	sdelay $0x1  }
0xcd: {  	v1 =	vmul.f32 $1.442695020e+00, v1;
	_ =	sdelay $0x1  }
0xce: {  	(erf) = vpow2.f32 v1;
	_ =	sdelay $0x8  }
0xcf: {  	v1 =	vpop (erf)  }
0xd0: {  	s20 =	simm.s32 $0x3170;
	[tilespmem:s23+$0x5500] =	vst v1  }
0xd1: {  	v2 =	vld [tilespmem:s20+$0x0]  }
0xd2: {  	v3 =	vld [tilespmem:s20+$0xFFFFFFF0]  }
0xd3: {  	v52 =	vld [tilespmem:s20+$0xFFFFFFE0]  }
0xd4: {  	v53 =	vbroadcast v1, $0x7;
	v54 =	vld [tilespmem:s20+$0xFFFFFFD0]  }
0xd5: {  	v55 =	vbroadcast v1, $0x6;
	v56 =	vld [tilespmem:s20+$0xFFFFFFC0]  }
0xd6: {  	v57 =	vbroadcast v1, $0x5;
	v58 =	vld [tilespmem:s20+$0xFFFFFFB0];
	v2 =	vmul.f32 v2, v53  }
0xd7: {  	v59 =	vbroadcast v1, $0x4;
	v60 =	vld [tilespmem:s20+$0xFFFFFFA0];
	v3 =	vmul.f32 v3, v55  }
0xd8: {  	v61 =	vbroadcast v1, $0x3;
	v62 =	vld [tilespmem:s20+$0xFFFFFF90];
	v4 =	vmul.f32 v52, v57;
	[tilespmem:s20+$0x0] =	vst v2  }
0xd9: {  	v5 =	vmul.f32 v54, v59;
	v2 =	vbroadcast v1, $0x2;
	[tilespmem:s20+$0xFFFFFFF0] =	vst v3  }
0xda: {  	v63 =	vmul.f32 v56, v61;
	v3 =	vbroadcast v1, $0x1;
	[tilespmem:s20+$0xFFFFFFE0] =	vst v4  }
0xdb: {  	v1 =	vbroadcast v1, $0x0;
	[tilespmem:s20+$0xFFFFFFD0] =	vst v5;
	v2 =	vmul.f32 v2, v58  }
0xdc: {  	[tilespmem:s20+$0xFFFFFFC0] =	vst v63;
	v3 =	vmul.f32 v3, v60  }
0xdd: {  	v1 =	vmul.f32 v1, v62;
	[tilespmem:s20+$0xFFFFFFB0] =	vst v2  }
0xde: {  	[tilespmem:s20+$0xFFFFFFA0] =	vst v3  }
0xdf: {  	s23 =	simm.s32 $0x10;
	[tilespmem:s20+$0xFFFFFF90] =	vst v1  }
0xe0: {  	s21 =	simm.s32 $0x80;
	v1 =	vld [tilespmem:s23+$0xD00]  }
.LBB2_5:
0xe1: {  	p1 =	sne.s32 s21, $0xFC0;
	v2 =	vld [tilespmem:s23+$0x500];
	_ =	sdelay $0x4  }
0xe2: {  	v1 =	vadd.f32 v1, v2;
	_ =	sdelay $0x1  }
0xe3: {  	v2 =	vmul.f32 $2.000000030e-01, v1  }
0xe4: {  	vm0 =	vgt.f32 v1, $0.0e+00  }
0xe5: {  	v1 =	vsel vm0, v1, v2  }
0xe6: {  	v1 =	vsub.f32 v1, v0;
	_ =	sdelay $0x1  }
0xe7: {  	v1 =	vmul.f32 $1.442695020e+00, v1;
	_ =	sdelay $0x1  }
0xe8: {  	(erf) = vpow2.f32 v1;
	_ =	sdelay $0x8  }
0xe9: {  	v1 =	vpop (erf)  }
0xea: {  	s20 =	sadd.s32 $0x80, s20;
	[tilespmem:s23+$0x5500] =	vst v1;
	v2 =	vbroadcast v1, $0x6;
	v3 =	vbroadcast v1, $0x7  }
0xeb: {  	v4 =	vbroadcast v1, $0x4;
	v5 =	vbroadcast v1, $0x5;
	v6 =	vld [tilespmem:s20+$0x0]  }
0xec: {  	v7 =	vbroadcast v1, $0x2;
	v8 =	vbroadcast v1, $0x3;
	v9 =	vld [tilespmem:s20+$0xFFFFFFF0]  }
0xed: {  	v10 =	vbroadcast v1, $0x0;
	v1 =	vbroadcast v1, $0x1;
	v11 =	vld [tilespmem:s20+$0xFFFFFFE0]  }
0xee: {  	v12 =	vld [tilespmem:s20+$0xFFFFFFD0]  }
0xef: {  	v13 =	vld [tilespmem:s20+$0xFFFFFFC0]  }
0xf0: {  	v14 =	vld [tilespmem:s20+$0xFFFFFFB0];
	v3 =	vmul.f32 v6, v3  }
0xf1: {  	v6 =	vld [tilespmem:s20+$0xFFFFFFA0];
	v2 =	vmul.f32 v9, v2  }
0xf2: {  	v9 =	vld [tilespmem:s20+$0xFFFFFF90];
	v5 =	vmul.f32 v11, v5;
	[tilespmem:s20+$0x0] =	vst v3  }
0xf3: {  	v3 =	vmul.f32 v12, v4;
	[tilespmem:s20+$0xFFFFFFF0] =	vst v2  }
0xf4: {  	v2 =	vmul.f32 v13, v8;
	[tilespmem:s20+$0xFFFFFFE0] =	vst v5  }
0xf5: {  	v4 =	vmul.f32 v7, v14;
	[tilespmem:s20+$0xFFFFFFD0] =	vst v3  }
.Ltmp3:
0xf6: {  	v1 =	vmul.f32 v1, v6;
	[tilespmem:s20+$0xFFFFFFC0] =	vst v2;
	(pc) =	sbr.rel @p1 .LBB2_5-.Ltmp3, $4  }
0xf7: {  	v2 =	vmul.f32 v10, v9;
	[tilespmem:s20+$0xFFFFFFB0] =	vst v4  }
0xf8: {  	[tilespmem:s20+$0xFFFFFFA0] =	vst v1  }
0xf9: {  	s23 =	sshra.s32 s21, $0x2;
	[tilespmem:s20+$0xFFFFFF90] =	vst v2  }
0xfa: {  	s21 =	sadd.s32 $0x40, s21;
	v1 =	vld [tilespmem:s23+$0xD00]  }
0xfb: {  	v2 =	vld [tilespmem:s23+$0x500];
	_ =	sdelay $0x4  }
0xfc: {  	v1 =	vadd.f32 v1, v2;
	_ =	sdelay $0x1  }
0xfd: {  	v2 =	vmul.f32 $2.000000030e-01, v1  }
0xfe: {  	vm0 =	vgt.f32 v1, $0.0e+00  }
0xff: {  	v1 =	vsel vm0, v1, v2  }
0x100: {  	v1 =	vsub.f32 v1, v0;
	_ =	sdelay $0x1  }
0x101: {  	v1 =	vmul.f32 $1.442695020e+00, v1;
	_ =	sdelay $0x1  }
0x102: {  	(erf) = vpow2.f32 v1;
	_ =	sdelay $0x8  }
0x103: {  	v1 =	vpop (erf)  }
0x104: {  	s16 =	sadd.s32 $0x80, s20;
	[tilespmem:s23+$0x5500] =	vst v1  }
0x105: {  	v2 =	vld [tilespmem:s16+$0x0]  }
0x106: {  	v3 =	vld [tilespmem:s16+$0xFFFFFFF0]  }
0x107: {  	v4 =	vld [tilespmem:s16+$0xFFFFFFE0]  }
0x108: {  	v5 =	vbroadcast v1, $0x7;
	v6 =	vld [tilespmem:s16+$0xFFFFFFD0]  }
0x109: {  	v7 =	vbroadcast v1, $0x6;
	v8 =	vld [tilespmem:s16+$0xFFFFFFC0]  }
0x10a: {  	v9 =	vbroadcast v1, $0x5;
	v10 =	vld [tilespmem:s16+$0xFFFFFFB0];
	v2 =	vmul.f32 v2, v5  }
0x10b: {  	v61 =	vbroadcast v1, $0x4;
	v11 =	vld [tilespmem:s16+$0xFFFFFFA0];
	v3 =	vmul.f32 v3, v7  }
0x10c: {  	v62 =	vbroadcast v1, $0x3;
	v12 =	vld [tilespmem:s16+$0xFFFFFF90];
	v4 =	vmul.f32 v4, v9;
	[tilespmem:s16+$0x0] =	vst v2  }
0x10d: {  	v5 =	vmul.f32 v6, v61;
	v2 =	vbroadcast v1, $0x2;
	[tilespmem:s16+$0xFFFFFFF0] =	vst v3  }
0x10e: {  	v63 =	vmul.f32 v8, v62;
	v3 =	vbroadcast v1, $0x1;
	[tilespmem:s16+$0xFFFFFFE0] =	vst v4  }
0x10f: {  	v1 =	vbroadcast v1, $0x0;
	[tilespmem:s16+$0xFFFFFFD0] =	vst v5;
	v2 =	vmul.f32 v2, v10  }
0x110: {  	[tilespmem:s16+$0xFFFFFFC0] =	vst v63;
	v3 =	vmul.f32 v3, v11  }
0x111: {  	v1 =	vmul.f32 v1, v12;
	[tilespmem:s16+$0xFFFFFFB0] =	vst v2  }
0x112: {  	[tilespmem:s16+$0xFFFFFFA0] =	vst v3  }
0x113: {  	[tilespmem:s16+$0xFFFFFF90] =	vst v1  }
0x114: {  	[spmem:s5] =	stream.indirect.scatter.add.f32 [tilespmem:s12], [sflag:$0x4], $0x10, s2, s29, $0xb8;
	[tilespmem:$0x1BC90] =	vst v63  }
0x115: {  	s19 =	sadd.s32 $0x1, s19;
	_ =	swait.ge [sflag:s24], $0x400  }
0x116: {  	p1 =	sne.s32 s19, $0x4E;
	[sflag:s24] =	ssyncset.done $0x0  }
.Ltmp4:
0x117: {  	[sflag:s24] =	ssyncadd.s32 $0xFFFFFC00;
	(pc) =	sbr.rel @p1 .LBB2_2-.Ltmp4, $4  }
0x118: {  	[spmem:s3] =	stream.indirect.scatter.add.f32 [tilespmem:s4], [sflag:$0x4], $0x80, s2, s29, $0xb8;
	[tilespmem:$0x1BC90] =	vst v63  }
0x119: {  	_ =	swait.ge [sflag:s24], $0x2000  }
0x11a: {  	[sflag:s24] =	ssyncset.done $0x0  }
0x11b: {  	[sflag:s24] =	ssyncadd.s32 $0xFFFFE000  }
.Ltmp5:
0x11c: {  	(pc) =	sbr.rel @p0 .LBB2_11-.Ltmp5, $1  }
0x11d: {  	_ =	sdelay $0x3  }
0x11e: {  	s16 =	simm.s32 $0x0;
	s19 =	rddreg [dreg:$0xb]  }
0x11f: {  	[tilespmem:s16], [sflag:$0x4] =	stream.linear.gather [hbm4b:s19+s16], $0x40, $0x38;
	[tilespmem:$0x1BC90] =	vst v63  }
0x120: {  	_ =	swait.ge [sflag:s24], $0x40  }
0x121: {  	[sflag:s24] =	ssyncset.done $0x0  }
0x122: {  	s21 =	rddreg [dreg:$0xc];
	[sflag:s24] =	ssyncadd.s32 $0xFFFFFFC0  }
0x123: {  	[tilespmem:s28], [sflag:$0x4] =	stream.linear.gather [hbm4b:s21+s16], $0x40, $0x38;
	[tilespmem:$0x1BC90] =	vst v63  }
0x124: {  	_ =	swait.ge [sflag:s24], $0x40  }
0x125: {  	[sflag:s24] =	ssyncset.done $0x0  }
0x126: {  	[sflag:s24] =	ssyncadd.s32 $0xFFFFFFC0  }
0x127: {  	[tilespmem:s30], [sflag:$0x1] =	stream.indirect.gather [hbm4b:s9+s29], $0x10, s16, s29, $0xb8;
	[tilespmem:$0x1BC90] =	vst v63  }
0x128: {  	_ = 	snop  }
0x129: {  	[tilespmem:s31], [sflag:$0x2] =	stream.indirect.gather [hbm4b:s10+s29], $0x10, s28, s29, $0xb8;
	[tilespmem:$0x1BC90] =	vst v63  }
0x12a: {  	_ = 	snop  }
0x12b: {  	[tilespmem:s0], [sflag:$0x3] =	stream.indirect.gather [hbm4b:s1+s29], $0x80, s16, s29, $0xb8;
	[tilespmem:$0x1BC90] =	vst v63  }
0x12c: {  	_ =	swait.ge [sflag:s25], $0x400  }
0x12d: {  	[sflag:s25] =	ssyncset.done $0x0  }
0x12e: {  	[sflag:s25] =	ssyncadd.s32 $0xFFFFFC00  }
0x12f: {  	_ =	swait.ge [sflag:s26], $0x400  }
0x130: {  	[sflag:s26] =	ssyncset.done $0x0  }
0x131: {  	[sflag:s26] =	ssyncadd.s32 $0xFFFFFC00  }
0x132: {  	_ =	swait.ge [sflag:s6], $0x2000  }
0x133: {  	[sflag:s6] =	ssyncset.done $0x0  }
0x134: {  	s23 =	simm.s32 $0x0;
	[sflag:s6] =	ssyncadd.s32 $0xFFFFE000  }
0x135: {  	v1 =	vld [tilespmem:s23+$0x900]  }
0x136: {  	v2 =	vld [tilespmem:s23+$0x100];
	_ =	sdelay $0x4  }
0x137: {  	v1 =	vadd.f32 v1, v2;
	_ =	sdelay $0x1  }
0x138: {  	v2 =	vmul.f32 $2.000000030e-01, v1  }
0x139: {  	vm0 =	vgt.f32 v1, $0.0e+00  }
0x13a: {  	v1 =	vsel vm0, v1, v2  }
0x13b: {  	v1 =	vsub.f32 v1, v0;
	_ =	sdelay $0x1  }
0x13c: {  	v1 =	vmul.f32 $1.442695020e+00, v1;
	_ =	sdelay $0x1  }
0x13d: {  	(erf) = vpow2.f32 v1;
	_ =	sdelay $0x8  }
0x13e: {  	v1 =	vpop (erf)  }
0x13f: {  	s19 =	simm.s32 $0x1140;
	[tilespmem:s23+$0x5100] =	vst v1  }
0x140: {  	v2 =	vld [tilespmem:s19+$0x30]  }
0x141: {  	v3 =	vld [tilespmem:s19+$0x20]  }
0x142: {  	v4 =	vld [tilespmem:s19+$0x10]  }
0x143: {  	v5 =	vbroadcast v1, $0x7;
	v6 =	vld [tilespmem:s19+$0x0]  }
0x144: {  	v7 =	vbroadcast v1, $0x6;
	v8 =	vld [tilespmem:s19+$0xFFFFFFF0]  }
0x145: {  	v9 =	vbroadcast v1, $0x5;
	v10 =	vld [tilespmem:s19+$0xFFFFFFE0];
	v2 =	vmul.f32 v2, v5  }
0x146: {  	v61 =	vbroadcast v1, $0x4;
	v11 =	vld [tilespmem:s19+$0xFFFFFFD0];
	v3 =	vmul.f32 v3, v7  }
0x147: {  	v62 =	vbroadcast v1, $0x3;
	v12 =	vld [tilespmem:s19+$0xFFFFFFC0];
	v4 =	vmul.f32 v4, v9;
	[tilespmem:s19+$0x30] =	vst v2  }
0x148: {  	v5 =	vmul.f32 v6, v61;
	v2 =	vbroadcast v1, $0x2;
	[tilespmem:s19+$0x20] =	vst v3  }
0x149: {  	v63 =	vmul.f32 v8, v62;
	v3 =	vbroadcast v1, $0x1;
	[tilespmem:s19+$0x10] =	vst v4  }
0x14a: {  	v1 =	vbroadcast v1, $0x0;
	[tilespmem:s19+$0x0] =	vst v5;
	v2 =	vmul.f32 v2, v10  }
0x14b: {  	[tilespmem:s19+$0xFFFFFFF0] =	vst v63;
	v3 =	vmul.f32 v3, v11  }
0x14c: {  	v1 =	vmul.f32 v1, v12;
	[tilespmem:s19+$0xFFFFFFE0] =	vst v2  }
0x14d: {  	[tilespmem:s19+$0xFFFFFFD0] =	vst v3  }
0x14e: {  	s21 =	simm.s32 $0x10;
	[tilespmem:s19+$0xFFFFFFC0] =	vst v1  }
0x14f: {  	s20 =	simm.s32 $0x80;
	v1 =	vld [tilespmem:s21+$0x900]  }
.LBB2_9:
0x150: {  	p1 =	sne.s32 s20, $0xFC0;
	v2 =	vld [tilespmem:s21+$0x100];
	_ =	sdelay $0x4  }
0x151: {  	v1 =	vadd.f32 v1, v2;
	_ =	sdelay $0x1  }
0x152: {  	v2 =	vmul.f32 $2.000000030e-01, v1  }
0x153: {  	vm0 =	vgt.f32 v1, $0.0e+00  }
0x154: {  	v1 =	vsel vm0, v1, v2  }
0x155: {  	v1 =	vsub.f32 v1, v0;
	_ =	sdelay $0x1  }
0x156: {  	v1 =	vmul.f32 $1.442695020e+00, v1;
	_ =	sdelay $0x1  }
0x157: {  	(erf) = vpow2.f32 v1;
	_ =	sdelay $0x8  }
0x158: {  	v1 =	vpop (erf)  }
0x159: {  	s19 =	sadd.s32 $0x80, s19;
	[tilespmem:s21+$0x5100] =	vst v1;
	v2 =	vbroadcast v1, $0x6;
	v3 =	vbroadcast v1, $0x7  }
0x15a: {  	v4 =	vbroadcast v1, $0x4;
	v5 =	vbroadcast v1, $0x5;
	v6 =	vld [tilespmem:s19+$0x30]  }
0x15b: {  	v7 =	vbroadcast v1, $0x2;
	v8 =	vbroadcast v1, $0x3;
	v9 =	vld [tilespmem:s19+$0x20]  }
0x15c: {  	v10 =	vbroadcast v1, $0x0;
	v1 =	vbroadcast v1, $0x1;
	v11 =	vld [tilespmem:s19+$0x10]  }
0x15d: {  	v12 =	vld [tilespmem:s19+$0x0]  }
0x15e: {  	v13 =	vld [tilespmem:s19+$0xFFFFFFF0]  }
0x15f: {  	v14 =	vld [tilespmem:s19+$0xFFFFFFE0];
	v3 =	vmul.f32 v6, v3  }
0x160: {  	v6 =	vld [tilespmem:s19+$0xFFFFFFD0];
	v2 =	vmul.f32 v9, v2  }
0x161: {  	v9 =	vld [tilespmem:s19+$0xFFFFFFC0];
	v5 =	vmul.f32 v11, v5;
	[tilespmem:s19+$0x30] =	vst v3  }
0x162: {  	v3 =	vmul.f32 v12, v4;
	[tilespmem:s19+$0x20] =	vst v2  }
0x163: {  	v2 =	vmul.f32 v13, v8;
	[tilespmem:s19+$0x10] =	vst v5  }
0x164: {  	v4 =	vmul.f32 v7, v14;
	[tilespmem:s19+$0x0] =	vst v3  }
.Ltmp6:
0x165: {  	v1 =	vmul.f32 v1, v6;
	[tilespmem:s19+$0xFFFFFFF0] =	vst v2;
	(pc) =	sbr.rel @p1 .LBB2_9-.Ltmp6, $4  }
0x166: {  	v2 =	vmul.f32 v10, v9;
	[tilespmem:s19+$0xFFFFFFE0] =	vst v4  }
0x167: {  	[tilespmem:s19+$0xFFFFFFD0] =	vst v1  }
0x168: {  	s21 =	sshra.s32 s20, $0x2;
	[tilespmem:s19+$0xFFFFFFC0] =	vst v2  }
0x169: {  	s20 =	sadd.s32 $0x40, s20;
	v1 =	vld [tilespmem:s21+$0x900]  }
0x16a: {  	v2 =	vld [tilespmem:s21+$0x100];
	_ =	sdelay $0x4  }
0x16b: {  	v1 =	vadd.f32 v1, v2;
	_ =	sdelay $0x1  }
0x16c: {  	v2 =	vmul.f32 $2.000000030e-01, v1  }
0x16d: {  	vm0 =	vgt.f32 v1, $0.0e+00  }
0x16e: {  	v1 =	vsel vm0, v1, v2  }
0x16f: {  	v0 =	vsub.f32 v1, v0;
	_ =	sdelay $0x1  }
0x170: {  	v0 =	vmul.f32 $1.442695020e+00, v0;
	_ =	sdelay $0x1  }
0x171: {  	(erf) = vpow2.f32 v0;
	_ =	sdelay $0x8  }
0x172: {  	v0 =	vpop (erf)  }
0x173: {  	s16 =	sadd.s32 $0x80, s19;
	[tilespmem:s21+$0x5100] =	vst v0  }
0x174: {  	v57 =	vld [tilespmem:s16+$0x30]  }
0x175: {  	v58 =	vld [tilespmem:s16+$0x20]  }
0x176: {  	v3 =	vld [tilespmem:s16+$0x10]  }
0x177: {  	v4 =	vbroadcast v0, $0x7;
	v6 =	vbroadcast v0, $0x6;
	v5 =	vld [tilespmem:s16+$0x0]  }
0x178: {  	v8 =	vbroadcast v0, $0x5;
	v59 =	vbroadcast v0, $0x4;
	v7 =	vld [tilespmem:s16+$0xFFFFFFF0]  }
0x179: {  	v60 =	vbroadcast v0, $0x3;
	v11 =	vld [tilespmem:s16+$0xFFFFFFC0];
	v1 =	vmul.f32 v57, v4  }
0x17a: {  	v61 =	vbroadcast v0, $0x2;
	v9 =	vld [tilespmem:s16+$0xFFFFFFE0];
	v2 =	vmul.f32 v58, v6  }
0x17b: {  	v62 =	vbroadcast v0, $0x1;
	v10 =	vld [tilespmem:s16+$0xFFFFFFD0];
	v3 =	vmul.f32 v3, v8;
	[tilespmem:s16+$0x30] =	vst v1  }
0x17c: {  	v0 =	vbroadcast v0, $0x0;
	v4 =	vmul.f32 v5, v59;
	[tilespmem:s16+$0x20] =	vst v2  }
0x17d: {  	v63 =	vmul.f32 v7, v60;
	[tilespmem:s16+$0x10] =	vst v3  }
0x17e: {  	v0 =	vmul.f32 v0, v11;
	[tilespmem:s16+$0x0] =	vst v4  }
0x17f: {  	v1 =	vmul.f32 v61, v9;
	[tilespmem:s16+$0xFFFFFFF0] =	vst v63  }
0x180: {  	v2 =	vmul.f32 v62, v10;
	[tilespmem:s16+$0xFFFFFFC0] =	vst v0  }
0x181: {  	[tilespmem:s16+$0xFFFFFFE0] =	vst v1  }
0x182: {  	[tilespmem:s16+$0xFFFFFFD0] =	vst v2  }
0x183: {  	[spmem:s5] =	stream.indirect.scatter.add.f32 [tilespmem:s11], [sflag:$0x4], $0x10, s28, s29, $0xb8;
	[tilespmem:$0x1BC90] =	vst v63  }
0x184: {  	_ =	swait.ge [sflag:s24], $0x400  }
0x185: {  	[sflag:s24] =	ssyncset.done $0x0  }
.Ltmp7:
0x186: {  	[sflag:s24] =	ssyncadd.s32 $0xFFFFFC00;
	(pc) =	sbr.rel .LBB2_11-.Ltmp7, $4  }
0x187: {  	[spmem:s3] =	stream.indirect.scatter.add.f32 [tilespmem:s0], [sflag:$0x4], $0x80, s28, s29, $0xb8;
	[tilespmem:$0x1BC90] =	vst v63  }
0x188: {  	_ =	swait.ge [sflag:s24], $0x2000  }
0x189: {  	[sflag:s24] =	ssyncset.done $0x0  }
0x18a: {  	[sflag:s24] =	ssyncadd.s32 $0xFFFFE000  }
.LBB2_12:
0x18b: {  	_ =	sfence.sel $0x180000  }
0x18c: {  	[bflag:$0x0] =	sbarrier.arrive $0xFFFF  }
0x18d: {  	_ =	strace $0x9000004A  }
0x18e: {  	s0 =	stileid.u32;
	[bflag:$0x2] =	sbarrier.arrive $0xFFFF  }
0x18f: {  	p0 =	sne.s32 s0, $0x0;
	s0 =	rddreg [dreg:$0x5]  }
0x190: {  	s0 =	sadd.s32 @!p0 $0x100000, s0  }
0x191: {  	[sflag:s0] =	ssyncadd.tile.s32 @!p0 $0x1;
	_ =	shalt  }
.Lfunc_end2:
_tile_overlayer_lowered:
.L_overlay_start_2:
0x192: {  	(tag) =	ssettag $0x2  }
0x193: {  	s0 =	rddreg [dreg:$0x0];
	s2 =	stileid.u32  }
0x194: {  	s1 =	rddreg [dreg:$0x1];
	p0 =	sne.s32 s2, $0x0  }
0x195: {  	s3 =	rddreg [dreg:$0x2];
	[bflag:$0x3] =	sbarrier.arrive $0xFFFF;
	s2 =	simm.s32 @!p0 $0x1C04  }
0x196: {  	[timem:s3], [sflag:s2] =	dma.local @!p0 [hbm:s0], s1  }
0x197: {  	s0 =	simm.s32 @!p0 $0x4  }
0x198: {  	_ =	swait.ge @!p0 [sflag:s0], s1  }
0x199: {  	s1 =	ssub.s32 @!p0 $0x0, s1;
	[sflag:s0] =	ssyncset.done @!p0 $0x0  }
0x19a: {  	[sflag:s0] =	ssyncadd.s32 @!p0 s1  }
0x19b: {  	[bflag:$0x3] =	sbarrier.arrive $0xFFFF  }
0x19c: {  	_ =	shalt  }

// kernel: kernel.7.cloned.1.call-start
scs
__scs_entry_jumppad:
0x0: {  	(pc) =	sbr.rel $0x88, $3  }
0x1: {  	(tag) =	ssettag $0x0;
	lr =	simm.s32 $0x1  }
0x2: {  	[smem:$0x3F93] =	sst lr;
	_ =	strace $0xD0000000  }
0x3: {  	_ = 	snop  }
0x4: {  	_ = 	snop  }
0x5: {  	_ = 	snop  }
0x6: {  	_ = 	snop  }
0x7: {  	_ = 	snop  }
__scs_overlays_trampoline_lowered:
0x8: {  	[smem:$0x3FA2] =	sst s0  }
0x9: {  	[smem:$0x3FA3] =	sst s1  }
0xa: {  	[smem:$0x3FA4] =	sst s2  }
0xb: {  	[smem:$0x3FA5] =	sst s3  }
0xc: {  	[smem:$0x3FA6] =	sst s4  }
0xd: {  	[smem:$0x3FA7] =	sst s5  }
0xe: {  	[smem:$0x3FA8] =	sst s6  }
0xf: {  	[smem:$0x3FA9] =	sst s7  }
0x10: {  	[smem:$0x3FAA] =	sst s8  }
0x11: {  	[smem:$0x3FAB] =	sst s9;
	s0 =	simm.s32 @!p0 $0x0  }
0x12: {  	s1 =	sld [smem:$0x3F91];
	s0 =	simm.s32 @p0 $0x1  }
0x13: {  	[smem:$0x3FAC] =	sst s0;
	s0 =	simm.s32 @!p1 $0x0  }
0x14: {  	s2 =	sld [smem:$0x3F90];
	s0 =	simm.s32 @p1 $0x1  }
0x15: {  	[smem:$0x3FAD] =	sst s0;
	s0 =	simm.s32 @!p2 $0x0  }
0x16: {  	s3 =	sld [smem:$0x3FDB];
	s0 =	simm.s32 @p2 $0x1  }
0x17: {  	s4 =	simm.s32 $0x1BF5;
	[smem:$0x3FAF] =	sst s0  }
0x18: {  	s0 =	sld [smem:$0x3F92];
	_ =	swait.ge [sflag:s4], $0x0  }
0x19: {  	s7 =	sld [smem:$0x3F93]  }
0x1a: {  	s8 =	sadd.s32 $0xFFFFE003, lr  }
0x1b: {  	s9 =	sadd.s32 $0xFFFFFEF7, lr;
	s5 =	simm.s32 $0xFFFFFFFF;
	p2 =	slt.u32 s8, $0xFFFFF086  }
0x1c: {  	p1 =	slt.u32 s9, $0xF7A;
	s5 =	simm.s32 @!p2 $0x0  }
0x1d: {  	s5 =	simm.s32 @p1 $0x1;
	p0 =	seq.s32 s7, s2  }
0x1e: {  	s7 =	smul.u32 @!p0 $0xF7A, s2;
	p2 =	seq.s32 @!p0 s5, $0x0  }
0x1f: {  	s9 =	smul.u32 $0xF7A, s1;
	s8 =	simm.s32 @!p0 $0x1BF5;
	p2 =	por !p2, p0  }
0x20: {  	[sflag:s8] =	ssyncset.s32 @!p0 $0xFFFFF086;
	s6 =	sadd.s32 @!p0 s3, s7;
	s7 =	simm.s32 @!p0 $0x108  }
0x21: {  	s3 =	sadd.s32 s3, s9;
	s6 =	sadd.s32 @!p0 $0x88, s6;
	s7 =	simm.s32 @p2 $0x1082  }
0x22: {  	[simem:s7], [sflag:s8] =	dma.local @!p0 [hbm:s6], $0xF7A  }
0x23: {  	s9 =	sor.u32 $0xD0000000, s2;
	s6 =	simm.s32 $0x108;
	_ =	swait.ge @!p0 [sflag:s8], $0x0  }
0x24: {  	s3 =	sadd.s32 $0x88, s3;
	s6 =	simm.s32 @!p1 $0x1082;
	[sflag:s4] =	ssyncset.s32 $0xFFFFF086  }
0x25: {  	[simem:s6], [sflag:s4] =	dma.local [hbm:s3], $0xF7A  }
0x26: {  	[smem:$0x3F93] =	sst s1;
	(tag) =	ssettag s2;
	_ =	strace s9  }
0x27: {  	s1 =	sld [smem:$0x3FA3]  }
0x28: {  	s2 =	sld [smem:$0x3FA4]  }
0x29: {  	s4 =	sld [smem:$0x3FA6]  }
0x2a: {  	p0 =	seq.s32 s5, $0x0;
	s5 =	sld [smem:$0x3FA7]  }
0x2b: {  	s6 =	sld [smem:$0x3FA8]  }
0x2c: {  	s7 =	sld [smem:$0x3FA9]  }
0x2d: {  	s3 =	simm.s32 $0x108;
	s8 =	sld [smem:$0x3FAA]  }
0x2e: {  	s3 =	simm.s32 @!p0 $0x1082;
	s9 =	sld [smem:$0x3FAB]  }
0x2f: {  	lr =	sadd.s32 s0, s3;
	s0 =	sld [smem:$0x3FA2]  }
0x30: {  	s3 =	sld [smem:$0x3FA5]  }
0x31: {  	[smem:$0x3FAE] =	sst s10  }
0x32: {  	s10 =	sld [smem:$0x3FAC];
	_ =	sdelay $0x3  }
0x33: {  	p0 =	seq.s32 s10, $0x1;
	s10 =	sld [smem:$0x3FAE];
	_ =	sdelay $0x3  }
0x34: {  	[smem:$0x3FAE] =	sst s10  }
0x35: {  	s10 =	sld [smem:$0x3FAD];
	_ =	sdelay $0x3  }
0x36: {  	p1 =	seq.s32 s10, $0x1;
	s10 =	sld [smem:$0x3FAE];
	_ =	sdelay $0x3  }
0x37: {  	[smem:$0x3FAE] =	sst s10  }
0x38: {  	s10 =	sld [smem:$0x3FAF]  }
0x39: {  	_ = 	snop;
	(pc) =	sbr.ind lr, $3  }
0x3a: {  	_ = 	snop  }
0x3b: {  	_ = 	snop  }
0x3c: {  	p2 =	seq.s32 s10, $0x1;
	s10 =	sld [smem:$0x3FAE]  }
0x3d: {  	_ =	shalt  }
0x3e: {  	_ =	shalt  }
0x3f: {  	_ =	shalt  }
0x40: {  	_ =	shalt  }
0x41: {  	_ =	shalt  }
0x42: {  	_ =	shalt  }
0x43: {  	_ =	shalt  }
0x44: {  	_ =	shalt  }
0x45: {  	_ =	shalt  }
0x46: {  	_ =	shalt  }
0x47: {  	_ =	shalt  }
0x48: {  	_ =	shalt  }
0x49: {  	_ =	shalt  }
0x4a: {  	_ =	shalt  }
0x4b: {  	_ =	shalt  }
0x4c: {  	_ =	shalt  }
0x4d: {  	_ =	shalt  }
0x4e: {  	_ =	shalt  }
0x4f: {  	_ =	shalt  }
0x50: {  	_ =	shalt  }
0x51: {  	_ =	shalt  }
0x52: {  	_ =	shalt  }
0x53: {  	_ =	shalt  }
0x54: {  	_ =	shalt  }
0x55: {  	_ =	shalt  }
0x56: {  	_ =	shalt  }
0x57: {  	_ =	shalt  }
0x58: {  	_ =	shalt  }
0x59: {  	_ =	shalt  }
0x5a: {  	_ =	shalt  }
0x5b: {  	_ =	shalt  }
0x5c: {  	_ =	shalt  }
0x5d: {  	_ =	shalt  }
0x5e: {  	_ =	shalt  }
0x5f: {  	_ =	shalt  }
0x60: {  	_ =	shalt  }
0x61: {  	_ =	shalt  }
0x62: {  	_ =	shalt  }
0x63: {  	_ =	shalt  }
0x64: {  	_ =	shalt  }
0x65: {  	_ =	shalt  }
0x66: {  	_ =	shalt  }
0x67: {  	_ =	shalt  }
0x68: {  	_ =	shalt  }
0x69: {  	_ =	shalt  }
0x6a: {  	_ =	shalt  }
0x6b: {  	_ =	shalt  }
0x6c: {  	_ =	shalt  }
0x6d: {  	_ =	shalt  }
0x6e: {  	_ =	shalt  }
0x6f: {  	_ =	shalt  }
0x70: {  	_ =	shalt  }
0x71: {  	_ =	shalt  }
0x72: {  	_ =	shalt  }
0x73: {  	_ =	shalt  }
0x74: {  	_ =	shalt  }
0x75: {  	_ =	shalt  }
0x76: {  	_ =	shalt  }
0x77: {  	_ =	shalt  }
0x78: {  	_ =	shalt  }
0x79: {  	_ =	shalt  }
0x7a: {  	_ =	shalt  }
0x7b: {  	_ =	shalt  }
0x7c: {  	_ =	shalt  }
0x7d: {  	_ =	shalt  }
0x7e: {  	_ =	shalt  }
0x7f: {  	_ =	shalt  }
0x80: {  	_ =	shalt  }
0x81: {  	_ =	shalt  }
0x82: {  	_ =	shalt  }
0x83: {  	_ =	shalt  }
0x84: {  	_ =	shalt  }
0x85: {  	_ =	shalt  }
0x86: {  	_ =	shalt  }
0x87: {  	_ =	shalt  }
.Lfunc_end0:
.L_simem_size_0:
called_computation_lowered:
.L_overlay_start_0:
0x88: {  	s2 =	sld [smem:$0x3FD9]  }
0x89: {  	s3 =	sld [smem:$0x3FFE];
	_ =	sdelay $0x1  }
0x8a: {  	s1 =	srdreg.scid  }
0x8b: {  	s0 =	sand.u32 $0x1, s1  }
0x8c: {  	s14 =	sshll.u32 s0, $0xA;
	s2 =	sadd.s32 s3, s2  }
0x8d: {  	s2 =	sadd.s32 s2, s14  }
0x8e: {  	[smem:$0x3FBA] =	sst s2  }
0x8f: {  	_ = 	snop  }
0x90: {  	s2 =	sld [smem:$0x3FD0];
	_ =	sdelay $0x2  }
0x91: {  	s15 =	simm.s32 $0xA;
	s4 =	simm.s32 $0x10  }
0x92: {  	[smem:s4], [sflag:s15] =	dma.local [hbm:s2], $0x1  }
0x93: {  	_ =	swait.eq [sflag:s15], $0x1  }
0x94: {  	[sflag:s15] =	ssyncset.done $0x0  }
0x95: {  	s16 =	sld [smem:$0x10];
	[sflag:s15] =	ssyncadd.s32 $0xFFFFFFFF  }
0x96: {  	s17 =	sld [smem:$0x11];
	(tm) =	ssettm $0x1  }
0x97: {  	s18 =	sld [smem:$0x3FFB];
	_ =	sdelay $0x3  }
0x98: {  	_ =	strace s18  }
0x99: {  	s4 =	sld [smem:$0x3FFC];
	_ =	sdelay $0x3  }
0x9a: {  	_ =	strace s4  }
0x9b: {  	s4 =	sld [smem:$0x3FFD];
	_ =	sdelay $0x3  }
0x9c: {  	_ =	strace s4  }
0x9d: {  	_ =	strace $0x8FFFFFFF  }
0x9e: {  	s19 =	sld [smem:$0x3FDB];
	_ =	sdelay $0x1  }
0x9f: {  	s5 =	simm.s32 $_scs_section_size  }
0xa0: {  	s6 =	simm.s32 $_size__tile_overlayer_lowered;
	s7 =	simm.s32 $_tile_overlayer_lowered  }
0xa1: {  	s22 =	simm.s32 $0x1BFF;
	s21 =	sshll.u32 s7, $0x1;
	s4 =	sadd.s32 s5, s19  }
0xa2: {  	s8 =	simm.s32 $0x0;
	s20 =	sshll.u32 s6, $0x1;
	s6 =	sadd.s32 s21, s4  }
0xa3: {  	[timem:s8], [sflag:s22] =	dma.local [hbm:s6], s20  }
0xa4: {  	_ =	swait.ge [sflag:s22], s20  }
0xa5: {  	s5 =	ssub.s32 $0x0, s20;
	[sflag:s22] =	ssyncset.done $0x0  }
0xa6: {  	[sflag:s22] =	ssyncadd.s32 s5;
	_ =	sdelay $0x1  }
0xa7: {  	s23 =	simm.s32 $0x1B8B  }
0xa8: {  	_ =	swait.ge [sflag:s23], $0x1  }
0xa9: {  	[sflag:s23] =	ssyncset.done $0x0  }
0xaa: {  	s25 =	simm.s32 $0x1B8E;
	s24 =	sld [smem:$0x3FFE];
	[sflag:s23] =	ssyncadd.s32 $0xFFFFFFFF  }
0xab: {  	s26 =	simm.s32 $execute0_lowered;
	[smem:$0x3FD2] =	sst s25  }
0xac: {  	s6 =	sshll.u32 s26, $0x1;
	_ =	strace $0x80000046;
	[dreg:$0x1] =	wrdreg $0xFFFFFFFF  }
0xad: {  	s28 =	simm.s32 $_size_execute0_lowered;
	s4 =	sadd.s32 s4, s6;
	[dreg:$0x0] =	wrdreg $0x0  }
0xae: {  	s6 =	sshll.u32 s28, $0x1;
	[dreg:$0x2] =	wrdreg s4  }
0xaf: {  	[dreg:$0x3] =	wrdreg s6  }
0xb0: {  	[dreg:$0x4] =	wrdreg $0xC0  }
0xb1: {  	_ =	task [dreg:s8], $0x5FFFF  }
0xb2: {  	[dreg:$0x1] =	wrdreg $0xFFFFFFFF  }
0xb3: {  	[dreg:$0x0] =	wrdreg $0x60  }
0xb4: {  	[dreg:$0x2] =	wrdreg s24  }
0xb5: {  	[dreg:$0x3] =	wrdreg s16  }
0xb6: {  	[dreg:$0x4] =	wrdreg s17  }
0xb7: {  	[dreg:$0x5] =	wrdreg $0x80900  }
0xb8: {  	[dreg:$0x6] =	wrdreg $0x59100  }
0xb9: {  	[dreg:$0x7] =	wrdreg $0x9  }
0xba: {  	_ =	task.clear_ibuf [dreg:s8], $0x8FFFF;
	_ =	strace $0x90000046  }
0xbb: {  	s29 =	simm.s32 $0x9;
	_ =	strace $0x80000048  }
0xbc: {  	_ =	swait.ge [sflag:s29], $0x1  }
0xbd: {  	[sflag:s29] =	ssyncadd.s32 $0xFFFFFFFF  }
0xbe: {  	_ =	strace $0x90000048  }
0xbf: {  	_ =	sfence  }
0xc0: {  	s30 =	sld [smem:$0x0];
	_ =	sdelay $0x2  }
0xc1: {  	s31 =	sshll.u32 s1, $0xD;
	s1 =	sshrl.u32 s1, $0x2  }
0xc2: {  	s3 =	sand.u32 $0x4000, s31;
	s1 =	sadd.s32 s1, s30  }
0xc3: {  	s0 =	sor.u32 s3, s0;
	s1 =	sshll.u32 s1, $0x11  }
0xc4: {  	s0 =	sor.u32 s1, s0  }
0xc5: {  	s0 =	sadd.s32 $0x8F2B, s0  }
0xc6: {  	[sflag:s0] =	ssyncadd.remote.s32 $0x1  }
0xc7: {  	_ =	sfence.sel $0xFFFF  }
0xc8: {  	[dreg:$0x0] =	wrdreg $0xFFFFFFFF;
	(pc) =	sbr.abs _section_cstart, $3  }
0xc9: {  	[dreg:$0x1] =	wrdreg $0xFFFFFFFF  }
0xca: {  	_ =	task.clear_ibuf [dreg:s8], $0x2FFFF;
	_ =	strace $0x9FFFFFFF  }
0xcb: {  	(tm) =	ssettm $0x7FFFFFFF  }
tec
execute0_lowered:
.L_overlay_start_1:
0x0: {  	(tag) =	ssettag $0x1  }
0x1: {  	s0 =	rddreg [dreg:$0x0]  }
0x2: {  	s1 =	rddreg [dreg:$0x1]  }
0x3: {  	s3 =	rddreg [dreg:$0x3]  }
0x4: {  	s5 =	rddreg [dreg:$0x4]  }
0x5: {  	s4 =	simm.s32 $0x0;
	s2 =	srdreg.scid;
	s16 =	stileid.u32  }
0x6: {  	s28 =	simm.s32 $0x80;
	s29 =	simm.s32 $0x40;
	s30 =	simm.s32 $0x100  }
0x7: {  	s31 =	simm.s32 $0x900;
	[smem:$0x7FF] =	sst s4;
	s2 =	sand.u32 $0x1, s2  }
0x8: {  	s26 =	smul.u32 $0x2780, s16;
	s7 =	sadd.s32 $0x18200, s0;
	s8 =	sadd.s32 $0xE400, s0  }
0x9: {  	s11 =	smul.u32 $0x13C00, s16;
	s9 =	sadd.s32 $0x9400, s0;
	s10 =	sadd.s32 $0x4400, s0  }
0xa: {  	s13 =	sadd.s32 $0x4000, s0;
	s17 =	sadd.s32 $0x4200, s0;
	s18 =	sadd.s32 $0x22000, s0  }
0xb: {  	s15 =	sshll.u32 s16, $0x4;
	_ =	strace $0x80000047;
	[dreg:$0x6] =	wrdreg s13  }
0xc: {  	p0 =	sgt.u32 s16, $0x3;
	s6 =	smul.u32 $0x27800, s2;
	[dreg:$0x7] =	wrdreg s17  }
0xd: {  	s4 =	simm.s32 $0x3100;
	s12 =	smul.u32 $0x13C000, s2;
	[dreg:$0x8] =	wrdreg s18  }
0xe: {  	s19 =	ssub.s32 $0x2, s2;
	s2 =	sshll.u32 s2, $0x3;
	s17 =	simm.s32 $0x500  }
0xf: {  	s18 =	simm.s32 $0xD00;
	s13 =	simm.s32 $0x0;
	s14 =	sshrl.u32 s19, $0x1  }
0x10: {  	s21 =	sadd.s32 s11, s3;
	s22 =	sadd.s32 s26, s5;
	s6 =	sadd.s32 s26, s6  }
0x11: {  	s12 =	sadd.s32 s11, s12;
	s20 =	ssub.s32 s19, s14;
	[dreg:$0x9] =	wrdreg s21  }
0x12: {  	s14 =	sor.u32 s2, s15;
	[dreg:$0xa] =	wrdreg s22;
	s11 =	simm.s32 $0x5100  }
0x13: {  	s6 =	sshrl.u32 s6, $0x3;
	s12 =	sshrl.u32 s12, $0x3;
	s23 =	sor.u32 $0x9C00, s14  }
0x14: {  	s26 =	smax.u32 s20, $0x1;
	s22 =	sor.u32 $0x100, s14;
	s6 =	sadd.s32 s6, s0  }
0x15: {  	s0 =	sadd.s32 s12, s0;
	s24 =	sadd.s32 s7, s23;
	[dreg:$0xf] =	wrdreg s26  }
.Ltmp0:
0x16: {  	s2 =	sadd.s32 s8, s23;
	[dreg:$0xb] =	wrdreg s24;
	(pc) =	sbr.rel .LBB2_1-.Ltmp0, $4  }
0x17: {  	s26 =	simm.s32 $0x2;
	s12 =	simm.s32 $0x5500;
	[dreg:$0xc] =	wrdreg s2  }
0x18: {  	s25 =	sadd.s32 $0x24800, s6;
	s0 =	sadd.s32 $0x2E600, s0;
	s24 =	simm.s32 $0x4  }
0x19: {  	s2 =	simm.s32 $0xC0;
	s6 =	simm.s32 $0x3;
	[dreg:$0xd] =	wrdreg s25  }
0x1a: {  	[dreg:$0xe] =	wrdreg s0;
	s25 =	simm.s32 $0x1;
	s0 =	simm.s32 $0x1100  }
.LBB2_11:
0x1b: {  	[bflag:$0x0] =	sbarrier.arrive $0xFFFF  }
0x1c: {  	s16 =	rddreg [dreg:$0xd]  }
0x1d: {  	s15 =	sor.u32 $0x1C04, s15;
	s19 =	rddreg [dreg:$0x11]  }
0x1e: {  	[hbm:s16], [sflag:s15] =	dma.local [spmem:s19], $0x4F0  }
0x1f: {  	_ =	swait.ge [sflag:s24], $0x4F0  }
0x20: {  	[sflag:s24] =	ssyncset.done $0x0;
	s20 =	rddreg [dreg:$0xe]  }
0x21: {  	s21 =	rddreg [dreg:$0x10];
	[sflag:s24] =	ssyncadd.s32 $0xFFFFFB10  }
0x22: {  	[hbm:s20], [sflag:s15] =	dma.local [spmem:s21], $0x2780  }
0x23: {  	_ =	swait.ge [sflag:s24], $0x2780  }
0x24: {  	s13 =	sadd.s32 $0x1, s13;
	s23 =	rddreg [dreg:$0xf]  }
0x25: {  	p1 =	sne.s32 s13, s23  }
.Ltmp1:
0x26: {  	_ = 	snop;
	(pc) =	sbr.rel @!p1 .LBB2_12-.Ltmp1, $3  }
0x27: {  	_ =	sdelay $0x1  }
0x28: {  	[sflag:s24] =	ssyncset.done $0x0  }
0x29: {  	[sflag:s24] =	ssyncadd.s32 $0xFFFFD880  }
.LBB2_1:
0x2a: {  	s15 =	simm.s32 $0x0;
	s16 =	rddreg [dreg:$0x6];
	s19 =	simm.s32 $0x5900  }
0x2b: {  	[tilespmem:s19], [sflag:$0x4] =	stream.linear.gather [hbm4b:s16+s15], $0x10, $0x38;
	[tilespmem:$0x1BC90] =	vst v63  }
0x2c: {  	_ =	swait.ge [sflag:s24], $0x10  }
0x2d: {  	[sflag:s24] =	ssyncset.done $0x0  }
0x2e: {  	s23 =	rddreg [dreg:$0x7];
	[sflag:s24] =	ssyncadd.s32 $0xFFFFFFF0  }
0x2f: {  	v0 =	vld [tilespmem:$0x5900];
	[tilespmem:s19], [sflag:$0x4] =	stream.linear.gather [hbm4b:s23+s15], $0x10, $0x38  }
0x30: {  	s20 =	stileid.u32;
	_ =	swait.ge [sflag:s24], $0x10  }
0x31: {  	s15 =	sshll.u32 s20, $0x6;
	s21 =	rddreg [dreg:$0x9]  }
0x32: {  	[sflag:s24] =	ssyncset.done $0x0;
	s23 =	rddreg [dreg:$0x8];
	s20 =	sshrl.u32 s21, $0x3  }
0x33: {  	s16 =	sor.u32 $0x1C01, s15;
	[sflag:s24] =	ssyncadd.s32 $0xFFFFFFF0;
	[dreg:$0x10] =	wrdreg s20  }
0x34: {  	v1 =	vld [tilespmem:$0x5900];
	[spmem:s20], [sflag:s16] =	dma.local [hbm:s23], $0x2780  }
0x35: {  	s16 =	rddreg [dreg:$0xa]  }
0x36: {  	s23 =	rddreg [dreg:$0x2];
	s21 =	sshrl.u32 s16, $0x3  }
0x37: {  	s20 =	sor.u32 $0x1C02, s15;
	[dreg:$0x11] =	wrdreg s21  }
0x38: {  	[spmem:s21], [sflag:s20] =	dma.local [hbm:s23], $0x4F0  }
0x39: {  	_ =	swait.ge [sflag:s25], $0x2780  }
0x3a: {  	[sflag:s25] =	ssyncset.done $0x0  }
0x3b: {  	v0 =	vadd.f32 v1, v0;
	[sflag:s25] =	ssyncadd.s32 $0xFFFFD880  }
0x3c: {  	_ =	swait.ge [sflag:s26], $0x4F0  }
0x3d: {  	v1 =	vmul.f32 $2.000000030e-01, v0;
	[sflag:s26] =	ssyncset.done $0x0  }
0x3e: {  	vm0 =	vgt.f32 v0, $0.0e+00;
	[sflag:s26] =	ssyncadd.s32 $0xFFFFFB10  }
0x3f: {  	s19 =	simm.s32 $0x0;
	v0 =	vsel vm0, v0, v1;
	[bflag:$0x0] =	sbarrier.arrive $0xFFFF  }
.LBB2_2:
0x40: {  	s20 =	sshll.u32 s19, $0x9  }
0x41: {  	s21 =	sor.u32 s14, s20  }
0x42: {  	s16 =	simm.s32 $0x0;
	s23 =	sadd.s32 s7, s21  }
0x43: {  	[tilespmem:s16], [sflag:$0x4] =	stream.linear.gather [hbm4b:s23+s16], $0x40, $0x38;
	[tilespmem:$0x1BC90] =	vst v63  }
0x44: {  	_ =	swait.ge [sflag:s24], $0x40  }
0x45: {  	[sflag:s24] =	ssyncset.done $0x0  }
0x46: {  	s21 =	sadd.s32 s8, s21;
	[sflag:s24] =	ssyncadd.s32 $0xFFFFFFC0  }
0x47: {  	[tilespmem:s28], [sflag:$0x4] =	stream.linear.gather [hbm4b:s21+s16], $0x40, $0x38;
	[tilespmem:$0x1BC90] =	vst v63  }
0x48: {  	_ =	swait.ge [sflag:s24], $0x40  }
0x49: {  	[sflag:s24] =	ssyncset.done $0x0  }
0x4a: {  	[sflag:s24] =	ssyncadd.s32 $0xFFFFFFC0  }
0x4b: {  	[tilespmem:s30], [sflag:$0x1] =	stream.indirect.gather [hbm4b:s9+s29], $0x10, s16, s29, $0xb8;
	[tilespmem:$0x1BC90] =	vst v63  }
0x4c: {  	_ = 	snop  }
0x4d: {  	[tilespmem:s31], [sflag:$0x2] =	stream.indirect.gather [hbm4b:s10+s29], $0x10, s28, s29, $0xb8;
	[tilespmem:$0x1BC90] =	vst v63  }
0x4e: {  	s20 =	sor.u32 s22, s20  }
0x4f: {  	[tilespmem:s0], [sflag:$0x3] =	stream.indirect.gather [hbm4b:s1+s29], $0x80, s16, s29, $0xb8;
	[tilespmem:$0x1BC90] =	vst v63  }
0x50: {  	s23 =	sadd.s32 s7, s20  }
0x51: {  	[tilespmem:s29], [sflag:$0x4] =	stream.linear.gather [hbm4b:s23+s16], $0x40, $0x38;
	[tilespmem:$0x1BC90] =	vst v63  }
0x52: {  	_ =	swait.ge [sflag:s24], $0x40  }
0x53: {  	[sflag:s24] =	ssyncset.done $0x0  }
0x54: {  	s20 =	sadd.s32 s8, s20;
	[sflag:s24] =	ssyncadd.s32 $0xFFFFFFC0  }
0x55: {  	[tilespmem:s2], [sflag:$0x4] =	stream.linear.gather [hbm4b:s20+s16], $0x40, $0x38;
	[tilespmem:$0x1BC90] =	vst v63  }
0x56: {  	_ =	swait.ge [sflag:s24], $0x40  }
0x57: {  	[sflag:s24] =	ssyncset.done $0x0  }
0x58: {  	[sflag:s24] =	ssyncadd.s32 $0xFFFFFFC0  }
0x59: {  	[tilespmem:s17], [sflag:$0x1] =	stream.indirect.gather [hbm4b:s9+s29], $0x10, s29, s29, $0xb8;
	[tilespmem:$0x1BC90] =	vst v63  }
0x5a: {  	_ = 	snop  }
0x5b: {  	[tilespmem:s18], [sflag:$0x2] =	stream.indirect.gather [hbm4b:s10+s29], $0x10, s2, s29, $0xb8;
	[tilespmem:$0x1BC90] =	vst v63  }
0x5c: {  	_ = 	snop  }
0x5d: {  	[tilespmem:s4], [sflag:$0x3] =	stream.indirect.gather [hbm4b:s1+s29], $0x80, s29, s29, $0xb8;
	[tilespmem:$0x1BC90] =	vst v63  }
0x5e: {  	_ =	swait.ge [sflag:s25], $0x400  }
0x5f: {  	[sflag:s25] =	ssyncset.done $0x0  }
0x60: {  	[sflag:s25] =	ssyncadd.s32 $0xFFFFFC00  }
0x61: {  	_ =	swait.ge [sflag:s26], $0x400  }
0x62: {  	[sflag:s26] =	ssyncset.done $0x0  }
0x63: {  	[sflag:s26] =	ssyncadd.s32 $0xFFFFFC00  }
0x64: {  	_ =	swait.ge [sflag:s6], $0x2000  }
0x65: {  	[sflag:s6] =	ssyncset.done $0x0  }
0x66: {  	s23 =	simm.s32 $0x0;
	[sflag:s6] =	ssyncadd.s32 $0xFFFFE000  }
0x67: {  	v1 =	vld [tilespmem:s23+$0x900]  }
0x68: {  	v2 =	vld [tilespmem:s23+$0x100];
	_ =	sdelay $0x4  }
0x69: {  	v1 =	vadd.f32 v1, v2;
	_ =	sdelay $0x1  }
0x6a: {  	v2 =	vmul.f32 $2.000000030e-01, v1  }
0x6b: {  	vm0 =	vgt.f32 v1, $0.0e+00  }
0x6c: {  	v1 =	vsel vm0, v1, v2  }
0x6d: {  	v1 =	vsub.f32 v1, v0;
	_ =	sdelay $0x1  }
0x6e: {  	v1 =	vmul.f32 $1.442695020e+00, v1;
	_ =	sdelay $0x1  }
0x6f: {  	(erf) = vpow2.f32 v1;
	_ =	sdelay $0x8  }
0x70: {  	v1 =	vpop (erf)  }
0x71: {  	s20 =	simm.s32 $0x1140;
	[tilespmem:s23+$0x5100] =	vst v1  }
0x72: {  	v2 =	vld [tilespmem:s20+$0x30]  }
0x73: {  	v3 =	vld [tilespmem:s20+$0x20]  }
0x74: {  	v4 =	vld [tilespmem:s20+$0x10]  }
0x75: {  	v5 =	vbroadcast v1, $0x7;
	v6 =	vld [tilespmem:s20+$0x0]  }
0x76: {  	v7 =	vbroadcast v1, $0x6;
	v8 =	vld [tilespmem:s20+$0xFFFFFFF0]  }
0x77: {  	v9 =	vbroadcast v1, $0x5;
	v10 =	vld [tilespmem:s20+$0xFFFFFFE0];
	v2 =	vmul.f32 v2, v5  }
0x78: {  	v61 =	vbroadcast v1, $0x4;
	v11 =	vld [tilespmem:s20+$0xFFFFFFD0];
	v3 =	vmul.f32 v3, v7  }
0x79: {  	v62 =	vbroadcast v1, $0x3;
	v12 =	vld [tilespmem:s20+$0xFFFFFFC0];
	v4 =	vmul.f32 v4, v9;
	[tilespmem:s20+$0x30] =	vst v2  }
0x7a: {  	v5 =	vmul.f32 v6, v61;
	v2 =	vbroadcast v1, $0x2;
	[tilespmem:s20+$0x20] =	vst v3  }
0x7b: {  	v63 =	vmul.f32 v8, v62;
	v3 =	vbroadcast v1, $0x1;
	[tilespmem:s20+$0x10] =	vst v4  }
0x7c: {  	v1 =	vbroadcast v1, $0x0;
	[tilespmem:s20+$0x0] =	vst v5;
	v2 =	vmul.f32 v2, v10  }
0x7d: {  	[tilespmem:s20+$0xFFFFFFF0] =	vst v63;
	v3 =	vmul.f32 v3, v11  }
0x7e: {  	v1 =	vmul.f32 v1, v12;
	[tilespmem:s20+$0xFFFFFFE0] =	vst v2  }
0x7f: {  	[tilespmem:s20+$0xFFFFFFD0] =	vst v3  }
0x80: {  	s23 =	simm.s32 $0x10;
	[tilespmem:s20+$0xFFFFFFC0] =	vst v1  }
0x81: {  	s21 =	simm.s32 $0x80;
	v1 =	vld [tilespmem:s23+$0x900]  }
.LBB2_3:
0x82: {  	p1 =	sne.s32 s21, $0xFC0;
	v2 =	vld [tilespmem:s23+$0x100];
	_ =	sdelay $0x4  }
0x83: {  	v1 =	vadd.f32 v1, v2;
	_ =	sdelay $0x1  }
0x84: {  	v2 =	vmul.f32 $2.000000030e-01, v1  }
0x85: {  	vm0 =	vgt.f32 v1, $0.0e+00  }
0x86: {  	v1 =	vsel vm0, v1, v2  }
0x87: {  	v1 =	vsub.f32 v1, v0;
	_ =	sdelay $0x1  }
0x88: {  	v1 =	vmul.f32 $1.442695020e+00, v1;
	_ =	sdelay $0x1  }
0x89: {  	(erf) = vpow2.f32 v1;
	_ =	sdelay $0x8  }
0x8a: {  	v1 =	vpop (erf)  }
0x8b: {  	s20 =	sadd.s32 $0x80, s20;
	[tilespmem:s23+$0x5100] =	vst v1;
	v2 =	vbroadcast v1, $0x6;
	v3 =	vbroadcast v1, $0x7  }
0x8c: {  	v4 =	vbroadcast v1, $0x4;
	v5 =	vbroadcast v1, $0x5;
	v6 =	vld [tilespmem:s20+$0x30]  }
0x8d: {  	v7 =	vbroadcast v1, $0x2;
	v8 =	vbroadcast v1, $0x3;
	v9 =	vld [tilespmem:s20+$0x20]  }
0x8e: {  	v10 =	vbroadcast v1, $0x0;
	v1 =	vbroadcast v1, $0x1;
	v11 =	vld [tilespmem:s20+$0x10]  }
0x8f: {  	v12 =	vld [tilespmem:s20+$0x0]  }
0x90: {  	v13 =	vld [tilespmem:s20+$0xFFFFFFF0]  }
0x91: {  	v14 =	vld [tilespmem:s20+$0xFFFFFFE0];
	v3 =	vmul.f32 v6, v3  }
0x92: {  	v6 =	vld [tilespmem:s20+$0xFFFFFFD0];
	v2 =	vmul.f32 v9, v2  }
0x93: {  	v9 =	vld [tilespmem:s20+$0xFFFFFFC0];
	v5 =	vmul.f32 v11, v5;
	[tilespmem:s20+$0x30] =	vst v3  }
0x94: {  	v3 =	vmul.f32 v12, v4;
	[tilespmem:s20+$0x20] =	vst v2  }
0x95: {  	v2 =	vmul.f32 v13, v8;
	[tilespmem:s20+$0x10] =	vst v5  }
0x96: {  	v4 =	vmul.f32 v7, v14;
	[tilespmem:s20+$0x0] =	vst v3  }
.Ltmp2:
0x97: {  	v1 =	vmul.f32 v1, v6;
	[tilespmem:s20+$0xFFFFFFF0] =	vst v2;
	(pc) =	sbr.rel @p1 .LBB2_3-.Ltmp2, $4  }
0x98: {  	v2 =	vmul.f32 v10, v9;
	[tilespmem:s20+$0xFFFFFFE0] =	vst v4  }
0x99: {  	[tilespmem:s20+$0xFFFFFFD0] =	vst v1  }
0x9a: {  	s23 =	sshra.s32 s21, $0x2;
	[tilespmem:s20+$0xFFFFFFC0] =	vst v2  }
0x9b: {  	s21 =	sadd.s32 $0x40, s21;
	v1 =	vld [tilespmem:s23+$0x900]  }
0x9c: {  	v2 =	vld [tilespmem:s23+$0x100];
	_ =	sdelay $0x4  }
0x9d: {  	v1 =	vadd.f32 v1, v2;
	_ =	sdelay $0x1  }
0x9e: {  	v2 =	vmul.f32 $2.000000030e-01, v1  }
0x9f: {  	vm0 =	vgt.f32 v1, $0.0e+00  }
0xa0: {  	v1 =	vsel vm0, v1, v2  }
0xa1: {  	v1 =	vsub.f32 v1, v0;
	_ =	sdelay $0x1  }
0xa2: {  	v1 =	vmul.f32 $1.442695020e+00, v1;
	_ =	sdelay $0x1  }
0xa3: {  	(erf) = vpow2.f32 v1;
	_ =	sdelay $0x8  }
0xa4: {  	v1 =	vpop (erf)  }
0xa5: {  	s16 =	sadd.s32 $0x80, s20;
	[tilespmem:s23+$0x5100] =	vst v1  }
0xa6: {  	v2 =	vld [tilespmem:s16+$0x30]  }
0xa7: {  	v3 =	vld [tilespmem:s16+$0x20]  }
0xa8: {  	v4 =	vld [tilespmem:s16+$0x10]  }
0xa9: {  	v5 =	vbroadcast v1, $0x7;
	v6 =	vld [tilespmem:s16+$0x0]  }
0xaa: {  	v7 =	vbroadcast v1, $0x6;
	v8 =	vld [tilespmem:s16+$0xFFFFFFF0]  }
0xab: {  	v9 =	vbroadcast v1, $0x5;
	v10 =	vld [tilespmem:s16+$0xFFFFFFE0];
	v2 =	vmul.f32 v2, v5  }
0xac: {  	v49 =	vbroadcast v1, $0x4;
	v11 =	vld [tilespmem:s16+$0xFFFFFFD0];
	v3 =	vmul.f32 v3, v7  }
0xad: {  	v50 =	vbroadcast v1, $0x3;
	v12 =	vld [tilespmem:s16+$0xFFFFFFC0];
	v4 =	vmul.f32 v4, v9;
	[tilespmem:s16+$0x30] =	vst v2  }
0xae: {  	v5 =	vmul.f32 v6, v49;
	v2 =	vbroadcast v1, $0x2;
	[tilespmem:s16+$0x20] =	vst v3  }
0xaf: {  	v51 =	vmul.f32 v8, v50;
	v3 =	vbroadcast v1, $0x1;
	[tilespmem:s16+$0x10] =	vst v4  }
0xb0: {  	v1 =	vbroadcast v1, $0x0;
	[tilespmem:s16+$0x0] =	vst v5;
	v2 =	vmul.f32 v2, v10  }
0xb1: {  	[tilespmem:s16+$0xFFFFFFF0] =	vst v51;
	v3 =	vmul.f32 v3, v11  }
0xb2: {  	v1 =	vmul.f32 v1, v12;
	[tilespmem:s16+$0xFFFFFFE0] =	vst v2  }
0xb3: {  	[tilespmem:s16+$0xFFFFFFD0] =	vst v3  }
0xb4: {  	[tilespmem:s16+$0xFFFFFFC0] =	vst v1  }
0xb5: {  	[spmem:s5] =	stream.indirect.scatter.add.f32 [tilespmem:s11], [sflag:$0x4], $0x10, s28, s29, $0xb8;
	[tilespmem:$0x1BC90] =	vst v63  }
0xb6: {  	_ =	swait.ge [sflag:s24], $0x400  }
0xb7: {  	[sflag:s24] =	ssyncset.done $0x0  }
0xb8: {  	[sflag:s24] =	ssyncadd.s32 $0xFFFFFC00  }
0xb9: {  	[spmem:s3] =	stream.indirect.scatter.add.f32 [tilespmem:s0], [sflag:$0x4], $0x80, s28, s29, $0xb8;
	[tilespmem:$0x1BC90] =	vst v63  }
0xba: {  	_ =	swait.ge [sflag:s24], $0x2000  }
0xbb: {  	[sflag:s24] =	ssyncset.done $0x0  }
0xbc: {  	[sflag:s24] =	ssyncadd.s32 $0xFFFFE000  }
0xbd: {  	_ =	swait.ge [sflag:s25], $0x400  }
0xbe: {  	[sflag:s25] =	ssyncset.done $0x0  }
0xbf: {  	[sflag:s25] =	ssyncadd.s32 $0xFFFFFC00  }
0xc0: {  	_ =	swait.ge [sflag:s26], $0x400  }
0xc1: {  	[sflag:s26] =	ssyncset.done $0x0  }
0xc2: {  	[sflag:s26] =	ssyncadd.s32 $0xFFFFFC00  }
0xc3: {  	_ =	swait.ge [sflag:s6], $0x2000  }
0xc4: {  	[sflag:s6] =	ssyncset.done $0x0  }
0xc5: {  	s23 =	simm.s32 $0x0;
	[sflag:s6] =	ssyncadd.s32 $0xFFFFE000  }
0xc6: {  	v1 =	vld [tilespmem:s23+$0xD00]  }
0xc7: {  	v2 =	vld [tilespmem:s23+$0x500];
	_ =	sdelay $0x4  }
0xc8: {  	v1 =	vadd.f32 v1, v2;
	_ =	sdelay $0x1  }
0xc9: {  	v2 =	vmul.f32 $2.000000030e-01, v1  }
0xca: {  	vm15 =	vgt.f32 v1, $0.0e+00  }
0xcb: {  	v1 =	vsel vm15, v1, v2  }
0xcc: {  	v1 =	vsub.f32 v1, v0;
	_ =	sdelay $0x1  }
0xcd: {  	v1 =	vmul.f32 $1.442695020e+00, v1;
	_ =	sdelay $0x1  }
0xce: {  	(erf) = vpow2.f32 v1;
	_ =	sdelay $0x8  }
0xcf: {  	v1 =	vpop (erf)  }
0xd0: {  	s20 =	simm.s32 $0x3170;
	[tilespmem:s23+$0x5500] =	vst v1  }
0xd1: {  	v2 =	vld [tilespmem:s20+$0x0]  }
0xd2: {  	v3 =	vld [tilespmem:s20+$0xFFFFFFF0]  }
0xd3: {  	v52 =	vld [tilespmem:s20+$0xFFFFFFE0]  }
0xd4: {  	v53 =	vbroadcast v1, $0x7;
	v54 =	vld [tilespmem:s20+$0xFFFFFFD0]  }
0xd5: {  	v55 =	vbroadcast v1, $0x6;
	v56 =	vld [tilespmem:s20+$0xFFFFFFC0]  }
0xd6: {  	v57 =	vbroadcast v1, $0x5;
	v58 =	vld [tilespmem:s20+$0xFFFFFFB0];
	v2 =	vmul.f32 v2, v53  }
0xd7: {  	v59 =	vbroadcast v1, $0x4;
	v60 =	vld [tilespmem:s20+$0xFFFFFFA0];
	v3 =	vmul.f32 v3, v55  }
0xd8: {  	v61 =	vbroadcast v1, $0x3;
	v62 =	vld [tilespmem:s20+$0xFFFFFF90];
	v4 =	vmul.f32 v52, v57;
	[tilespmem:s20+$0x0] =	vst v2  }
0xd9: {  	v5 =	vmul.f32 v54, v59;
	v2 =	vbroadcast v1, $0x2;
	[tilespmem:s20+$0xFFFFFFF0] =	vst v3  }
0xda: {  	v63 =	vmul.f32 v56, v61;
	v3 =	vbroadcast v1, $0x1;
	[tilespmem:s20+$0xFFFFFFE0] =	vst v4  }
0xdb: {  	v1 =	vbroadcast v1, $0x0;
	[tilespmem:s20+$0xFFFFFFD0] =	vst v5;
	v2 =	vmul.f32 v2, v58  }
0xdc: {  	[tilespmem:s20+$0xFFFFFFC0] =	vst v63;
	v3 =	vmul.f32 v3, v60  }
0xdd: {  	v1 =	vmul.f32 v1, v62;
	[tilespmem:s20+$0xFFFFFFB0] =	vst v2  }
0xde: {  	[tilespmem:s20+$0xFFFFFFA0] =	vst v3  }
0xdf: {  	s23 =	simm.s32 $0x10;
	[tilespmem:s20+$0xFFFFFF90] =	vst v1  }
0xe0: {  	s21 =	simm.s32 $0x80;
	v1 =	vld [tilespmem:s23+$0xD00]  }
.LBB2_5:
0xe1: {  	p1 =	sne.s32 s21, $0xFC0;
	v2 =	vld [tilespmem:s23+$0x500];
	_ =	sdelay $0x4  }
0xe2: {  	v1 =	vadd.f32 v1, v2;
	_ =	sdelay $0x1  }
0xe3: {  	v2 =	vmul.f32 $2.000000030e-01, v1  }
0xe4: {  	vm0 =	vgt.f32 v1, $0.0e+00  }
0xe5: {  	v1 =	vsel vm0, v1, v2  }
0xe6: {  	v1 =	vsub.f32 v1, v0;
	_ =	sdelay $0x1  }
0xe7: {  	v1 =	vmul.f32 $1.442695020e+00, v1;
	_ =	sdelay $0x1  }
0xe8: {  	(erf) = vpow2.f32 v1;
	_ =	sdelay $0x8  }
0xe9: {  	v1 =	vpop (erf)  }
0xea: {  	s20 =	sadd.s32 $0x80, s20;
	[tilespmem:s23+$0x5500] =	vst v1;
	v2 =	vbroadcast v1, $0x6;
	v3 =	vbroadcast v1, $0x7  }
0xeb: {  	v4 =	vbroadcast v1, $0x4;
	v5 =	vbroadcast v1, $0x5;
	v6 =	vld [tilespmem:s20+$0x0]  }
0xec: {  	v7 =	vbroadcast v1, $0x2;
	v8 =	vbroadcast v1, $0x3;
	v9 =	vld [tilespmem:s20+$0xFFFFFFF0]  }
0xed: {  	v10 =	vbroadcast v1, $0x0;
	v1 =	vbroadcast v1, $0x1;
	v11 =	vld [tilespmem:s20+$0xFFFFFFE0]  }
0xee: {  	v12 =	vld [tilespmem:s20+$0xFFFFFFD0]  }
0xef: {  	v13 =	vld [tilespmem:s20+$0xFFFFFFC0]  }
0xf0: {  	v14 =	vld [tilespmem:s20+$0xFFFFFFB0];
	v3 =	vmul.f32 v6, v3  }
0xf1: {  	v6 =	vld [tilespmem:s20+$0xFFFFFFA0];
	v2 =	vmul.f32 v9, v2  }
0xf2: {  	v9 =	vld [tilespmem:s20+$0xFFFFFF90];
	v5 =	vmul.f32 v11, v5;
	[tilespmem:s20+$0x0] =	vst v3  }
0xf3: {  	v3 =	vmul.f32 v12, v4;
	[tilespmem:s20+$0xFFFFFFF0] =	vst v2  }
0xf4: {  	v2 =	vmul.f32 v13, v8;
	[tilespmem:s20+$0xFFFFFFE0] =	vst v5  }
0xf5: {  	v4 =	vmul.f32 v7, v14;
	[tilespmem:s20+$0xFFFFFFD0] =	vst v3  }
.Ltmp3:
0xf6: {  	v1 =	vmul.f32 v1, v6;
	[tilespmem:s20+$0xFFFFFFC0] =	vst v2;
	(pc) =	sbr.rel @p1 .LBB2_5-.Ltmp3, $4  }
0xf7: {  	v2 =	vmul.f32 v10, v9;
	[tilespmem:s20+$0xFFFFFFB0] =	vst v4  }
0xf8: {  	[tilespmem:s20+$0xFFFFFFA0] =	vst v1  }
0xf9: {  	s23 =	sshra.s32 s21, $0x2;
	[tilespmem:s20+$0xFFFFFF90] =	vst v2  }
0xfa: {  	s21 =	sadd.s32 $0x40, s21;
	v1 =	vld [tilespmem:s23+$0xD00]  }
0xfb: {  	v2 =	vld [tilespmem:s23+$0x500];
	_ =	sdelay $0x4  }
0xfc: {  	v1 =	vadd.f32 v1, v2;
	_ =	sdelay $0x1  }
0xfd: {  	v2 =	vmul.f32 $2.000000030e-01, v1  }
0xfe: {  	vm0 =	vgt.f32 v1, $0.0e+00  }
0xff: {  	v1 =	vsel vm0, v1, v2  }
0x100: {  	v1 =	vsub.f32 v1, v0;
	_ =	sdelay $0x1  }
0x101: {  	v1 =	vmul.f32 $1.442695020e+00, v1;
	_ =	sdelay $0x1  }
0x102: {  	(erf) = vpow2.f32 v1;
	_ =	sdelay $0x8  }
0x103: {  	v1 =	vpop (erf)  }
0x104: {  	s16 =	sadd.s32 $0x80, s20;
	[tilespmem:s23+$0x5500] =	vst v1  }
0x105: {  	v2 =	vld [tilespmem:s16+$0x0]  }
0x106: {  	v3 =	vld [tilespmem:s16+$0xFFFFFFF0]  }
0x107: {  	v4 =	vld [tilespmem:s16+$0xFFFFFFE0]  }
0x108: {  	v5 =	vbroadcast v1, $0x7;
	v6 =	vld [tilespmem:s16+$0xFFFFFFD0]  }
0x109: {  	v7 =	vbroadcast v1, $0x6;
	v8 =	vld [tilespmem:s16+$0xFFFFFFC0]  }
0x10a: {  	v9 =	vbroadcast v1, $0x5;
	v10 =	vld [tilespmem:s16+$0xFFFFFFB0];
	v2 =	vmul.f32 v2, v5  }
0x10b: {  	v61 =	vbroadcast v1, $0x4;
	v11 =	vld [tilespmem:s16+$0xFFFFFFA0];
	v3 =	vmul.f32 v3, v7  }
0x10c: {  	v62 =	vbroadcast v1, $0x3;
	v12 =	vld [tilespmem:s16+$0xFFFFFF90];
	v4 =	vmul.f32 v4, v9;
	[tilespmem:s16+$0x0] =	vst v2  }
0x10d: {  	v5 =	vmul.f32 v6, v61;
	v2 =	vbroadcast v1, $0x2;
	[tilespmem:s16+$0xFFFFFFF0] =	vst v3  }
0x10e: {  	v63 =	vmul.f32 v8, v62;
	v3 =	vbroadcast v1, $0x1;
	[tilespmem:s16+$0xFFFFFFE0] =	vst v4  }
0x10f: {  	v1 =	vbroadcast v1, $0x0;
	[tilespmem:s16+$0xFFFFFFD0] =	vst v5;
	v2 =	vmul.f32 v2, v10  }
0x110: {  	[tilespmem:s16+$0xFFFFFFC0] =	vst v63;
	v3 =	vmul.f32 v3, v11  }
0x111: {  	v1 =	vmul.f32 v1, v12;
	[tilespmem:s16+$0xFFFFFFB0] =	vst v2  }
0x112: {  	[tilespmem:s16+$0xFFFFFFA0] =	vst v3  }
0x113: {  	[tilespmem:s16+$0xFFFFFF90] =	vst v1  }
0x114: {  	[spmem:s5] =	stream.indirect.scatter.add.f32 [tilespmem:s12], [sflag:$0x4], $0x10, s2, s29, $0xb8;
	[tilespmem:$0x1BC90] =	vst v63  }
0x115: {  	s19 =	sadd.s32 $0x1, s19;
	_ =	swait.ge [sflag:s24], $0x400  }
0x116: {  	p1 =	sne.s32 s19, $0x4E;
	[sflag:s24] =	ssyncset.done $0x0  }
.Ltmp4:
0x117: {  	[sflag:s24] =	ssyncadd.s32 $0xFFFFFC00;
	(pc) =	sbr.rel @p1 .LBB2_2-.Ltmp4, $4  }
0x118: {  	[spmem:s3] =	stream.indirect.scatter.add.f32 [tilespmem:s4], [sflag:$0x4], $0x80, s2, s29, $0xb8;
	[tilespmem:$0x1BC90] =	vst v63  }
0x119: {  	_ =	swait.ge [sflag:s24], $0x2000  }
0x11a: {  	[sflag:s24] =	ssyncset.done $0x0  }
0x11b: {  	[sflag:s24] =	ssyncadd.s32 $0xFFFFE000  }
.Ltmp5:
0x11c: {  	(pc) =	sbr.rel @p0 .LBB2_11-.Ltmp5, $1  }
0x11d: {  	_ =	sdelay $0x3  }
0x11e: {  	s16 =	simm.s32 $0x0;
	s19 =	rddreg [dreg:$0xb]  }
0x11f: {  	[tilespmem:s16], [sflag:$0x4] =	stream.linear.gather [hbm4b:s19+s16], $0x40, $0x38;
	[tilespmem:$0x1BC90] =	vst v63  }
0x120: {  	_ =	swait.ge [sflag:s24], $0x40  }
0x121: {  	[sflag:s24] =	ssyncset.done $0x0  }
0x122: {  	s21 =	rddreg [dreg:$0xc];
	[sflag:s24] =	ssyncadd.s32 $0xFFFFFFC0  }
0x123: {  	[tilespmem:s28], [sflag:$0x4] =	stream.linear.gather [hbm4b:s21+s16], $0x40, $0x38;
	[tilespmem:$0x1BC90] =	vst v63  }
0x124: {  	_ =	swait.ge [sflag:s24], $0x40  }
0x125: {  	[sflag:s24] =	ssyncset.done $0x0  }
0x126: {  	[sflag:s24] =	ssyncadd.s32 $0xFFFFFFC0  }
0x127: {  	[tilespmem:s30], [sflag:$0x1] =	stream.indirect.gather [hbm4b:s9+s29], $0x10, s16, s29, $0xb8;
	[tilespmem:$0x1BC90] =	vst v63  }
0x128: {  	_ = 	snop  }
0x129: {  	[tilespmem:s31], [sflag:$0x2] =	stream.indirect.gather [hbm4b:s10+s29], $0x10, s28, s29, $0xb8;
	[tilespmem:$0x1BC90] =	vst v63  }
0x12a: {  	_ = 	snop  }
0x12b: {  	[tilespmem:s0], [sflag:$0x3] =	stream.indirect.gather [hbm4b:s1+s29], $0x80, s16, s29, $0xb8;
	[tilespmem:$0x1BC90] =	vst v63  }
0x12c: {  	_ =	swait.ge [sflag:s25], $0x400  }
0x12d: {  	[sflag:s25] =	ssyncset.done $0x0  }
0x12e: {  	[sflag:s25] =	ssyncadd.s32 $0xFFFFFC00  }
0x12f: {  	_ =	swait.ge [sflag:s26], $0x400  }
0x130: {  	[sflag:s26] =	ssyncset.done $0x0  }
0x131: {  	[sflag:s26] =	ssyncadd.s32 $0xFFFFFC00  }
0x132: {  	_ =	swait.ge [sflag:s6], $0x2000  }
0x133: {  	[sflag:s6] =	ssyncset.done $0x0  }
0x134: {  	s23 =	simm.s32 $0x0;
	[sflag:s6] =	ssyncadd.s32 $0xFFFFE000  }
0x135: {  	v1 =	vld [tilespmem:s23+$0x900]  }
0x136: {  	v2 =	vld [tilespmem:s23+$0x100];
	_ =	sdelay $0x4  }
0x137: {  	v1 =	vadd.f32 v1, v2;
	_ =	sdelay $0x1  }
0x138: {  	v2 =	vmul.f32 $2.000000030e-01, v1  }
0x139: {  	vm0 =	vgt.f32 v1, $0.0e+00  }
0x13a: {  	v1 =	vsel vm0, v1, v2  }
0x13b: {  	v1 =	vsub.f32 v1, v0;
	_ =	sdelay $0x1  }
0x13c: {  	v1 =	vmul.f32 $1.442695020e+00, v1;
	_ =	sdelay $0x1  }
0x13d: {  	(erf) = vpow2.f32 v1;
	_ =	sdelay $0x8  }
0x13e: {  	v1 =	vpop (erf)  }
0x13f: {  	s19 =	simm.s32 $0x1140;
	[tilespmem:s23+$0x5100] =	vst v1  }
0x140: {  	v2 =	vld [tilespmem:s19+$0x30]  }
0x141: {  	v3 =	vld [tilespmem:s19+$0x20]  }
0x142: {  	v4 =	vld [tilespmem:s19+$0x10]  }
0x143: {  	v5 =	vbroadcast v1, $0x7;
	v6 =	vld [tilespmem:s19+$0x0]  }
0x144: {  	v7 =	vbroadcast v1, $0x6;
	v8 =	vld [tilespmem:s19+$0xFFFFFFF0]  }
0x145: {  	v9 =	vbroadcast v1, $0x5;
	v10 =	vld [tilespmem:s19+$0xFFFFFFE0];
	v2 =	vmul.f32 v2, v5  }
0x146: {  	v61 =	vbroadcast v1, $0x4;
	v11 =	vld [tilespmem:s19+$0xFFFFFFD0];
	v3 =	vmul.f32 v3, v7  }
0x147: {  	v62 =	vbroadcast v1, $0x3;
	v12 =	vld [tilespmem:s19+$0xFFFFFFC0];
	v4 =	vmul.f32 v4, v9;
	[tilespmem:s19+$0x30] =	vst v2  }
0x148: {  	v5 =	vmul.f32 v6, v61;
	v2 =	vbroadcast v1, $0x2;
	[tilespmem:s19+$0x20] =	vst v3  }
0x149: {  	v63 =	vmul.f32 v8, v62;
	v3 =	vbroadcast v1, $0x1;
	[tilespmem:s19+$0x10] =	vst v4  }
0x14a: {  	v1 =	vbroadcast v1, $0x0;
	[tilespmem:s19+$0x0] =	vst v5;
	v2 =	vmul.f32 v2, v10  }
0x14b: {  	[tilespmem:s19+$0xFFFFFFF0] =	vst v63;
	v3 =	vmul.f32 v3, v11  }
0x14c: {  	v1 =	vmul.f32 v1, v12;
	[tilespmem:s19+$0xFFFFFFE0] =	vst v2  }
0x14d: {  	[tilespmem:s19+$0xFFFFFFD0] =	vst v3  }
0x14e: {  	s21 =	simm.s32 $0x10;
	[tilespmem:s19+$0xFFFFFFC0] =	vst v1  }
0x14f: {  	s20 =	simm.s32 $0x80;
	v1 =	vld [tilespmem:s21+$0x900]  }
.LBB2_9:
0x150: {  	p1 =	sne.s32 s20, $0xFC0;
	v2 =	vld [tilespmem:s21+$0x100];
	_ =	sdelay $0x4  }
0x151: {  	v1 =	vadd.f32 v1, v2;
	_ =	sdelay $0x1  }
0x152: {  	v2 =	vmul.f32 $2.000000030e-01, v1  }
0x153: {  	vm0 =	vgt.f32 v1, $0.0e+00  }
0x154: {  	v1 =	vsel vm0, v1, v2  }
0x155: {  	v1 =	vsub.f32 v1, v0;
	_ =	sdelay $0x1  }
0x156: {  	v1 =	vmul.f32 $1.442695020e+00, v1;
	_ =	sdelay $0x1  }
0x157: {  	(erf) = vpow2.f32 v1;
	_ =	sdelay $0x8  }
0x158: {  	v1 =	vpop (erf)  }
0x159: {  	s19 =	sadd.s32 $0x80, s19;
	[tilespmem:s21+$0x5100] =	vst v1;
	v2 =	vbroadcast v1, $0x6;
	v3 =	vbroadcast v1, $0x7  }
0x15a: {  	v4 =	vbroadcast v1, $0x4;
	v5 =	vbroadcast v1, $0x5;
	v6 =	vld [tilespmem:s19+$0x30]  }
0x15b: {  	v7 =	vbroadcast v1, $0x2;
	v8 =	vbroadcast v1, $0x3;
	v9 =	vld [tilespmem:s19+$0x20]  }
0x15c: {  	v10 =	vbroadcast v1, $0x0;
	v1 =	vbroadcast v1, $0x1;
	v11 =	vld [tilespmem:s19+$0x10]  }
0x15d: {  	v12 =	vld [tilespmem:s19+$0x0]  }
0x15e: {  	v13 =	vld [tilespmem:s19+$0xFFFFFFF0]  }
0x15f: {  	v14 =	vld [tilespmem:s19+$0xFFFFFFE0];
	v3 =	vmul.f32 v6, v3  }
0x160: {  	v6 =	vld [tilespmem:s19+$0xFFFFFFD0];
	v2 =	vmul.f32 v9, v2  }
0x161: {  	v9 =	vld [tilespmem:s19+$0xFFFFFFC0];
	v5 =	vmul.f32 v11, v5;
	[tilespmem:s19+$0x30] =	vst v3  }
0x162: {  	v3 =	vmul.f32 v12, v4;
	[tilespmem:s19+$0x20] =	vst v2  }
0x163: {  	v2 =	vmul.f32 v13, v8;
	[tilespmem:s19+$0x10] =	vst v5  }
0x164: {  	v4 =	vmul.f32 v7, v14;
	[tilespmem:s19+$0x0] =	vst v3  }
.Ltmp6:
0x165: {  	v1 =	vmul.f32 v1, v6;
	[tilespmem:s19+$0xFFFFFFF0] =	vst v2;
	(pc) =	sbr.rel @p1 .LBB2_9-.Ltmp6, $4  }
0x166: {  	v2 =	vmul.f32 v10, v9;
	[tilespmem:s19+$0xFFFFFFE0] =	vst v4  }
0x167: {  	[tilespmem:s19+$0xFFFFFFD0] =	vst v1  }
0x168: {  	s21 =	sshra.s32 s20, $0x2;
	[tilespmem:s19+$0xFFFFFFC0] =	vst v2  }
0x169: {  	s20 =	sadd.s32 $0x40, s20;
	v1 =	vld [tilespmem:s21+$0x900]  }
0x16a: {  	v2 =	vld [tilespmem:s21+$0x100];
	_ =	sdelay $0x4  }
0x16b: {  	v1 =	vadd.f32 v1, v2;
	_ =	sdelay $0x1  }
0x16c: {  	v2 =	vmul.f32 $2.000000030e-01, v1  }
0x16d: {  	vm0 =	vgt.f32 v1, $0.0e+00  }
0x16e: {  	v1 =	vsel vm0, v1, v2  }
0x16f: {  	v0 =	vsub.f32 v1, v0;
	_ =	sdelay $0x1  }
0x170: {  	v0 =	vmul.f32 $1.442695020e+00, v0;
	_ =	sdelay $0x1  }
0x171: {  	(erf) = vpow2.f32 v0;
	_ =	sdelay $0x8  }
0x172: {  	v0 =	vpop (erf)  }
0x173: {  	s16 =	sadd.s32 $0x80, s19;
	[tilespmem:s21+$0x5100] =	vst v0  }
0x174: {  	v57 =	vld [tilespmem:s16+$0x30]  }
0x175: {  	v58 =	vld [tilespmem:s16+$0x20]  }
0x176: {  	v3 =	vld [tilespmem:s16+$0x10]  }
0x177: {  	v4 =	vbroadcast v0, $0x7;
	v6 =	vbroadcast v0, $0x6;
	v5 =	vld [tilespmem:s16+$0x0]  }
0x178: {  	v8 =	vbroadcast v0, $0x5;
	v59 =	vbroadcast v0, $0x4;
	v7 =	vld [tilespmem:s16+$0xFFFFFFF0]  }
0x179: {  	v60 =	vbroadcast v0, $0x3;
	v11 =	vld [tilespmem:s16+$0xFFFFFFC0];
	v1 =	vmul.f32 v57, v4  }
0x17a: {  	v61 =	vbroadcast v0, $0x2;
	v9 =	vld [tilespmem:s16+$0xFFFFFFE0];
	v2 =	vmul.f32 v58, v6  }
0x17b: {  	v62 =	vbroadcast v0, $0x1;
	v10 =	vld [tilespmem:s16+$0xFFFFFFD0];
	v3 =	vmul.f32 v3, v8;
	[tilespmem:s16+$0x30] =	vst v1  }
0x17c: {  	v0 =	vbroadcast v0, $0x0;
	v4 =	vmul.f32 v5, v59;
	[tilespmem:s16+$0x20] =	vst v2  }
0x17d: {  	v63 =	vmul.f32 v7, v60;
	[tilespmem:s16+$0x10] =	vst v3  }
0x17e: {  	v0 =	vmul.f32 v0, v11;
	[tilespmem:s16+$0x0] =	vst v4  }
0x17f: {  	v1 =	vmul.f32 v61, v9;
	[tilespmem:s16+$0xFFFFFFF0] =	vst v63  }
0x180: {  	v2 =	vmul.f32 v62, v10;
	[tilespmem:s16+$0xFFFFFFC0] =	vst v0  }
0x181: {  	[tilespmem:s16+$0xFFFFFFE0] =	vst v1  }
0x182: {  	[tilespmem:s16+$0xFFFFFFD0] =	vst v2  }
0x183: {  	[spmem:s5] =	stream.indirect.scatter.add.f32 [tilespmem:s11], [sflag:$0x4], $0x10, s28, s29, $0xb8;
	[tilespmem:$0x1BC90] =	vst v63  }
0x184: {  	_ =	swait.ge [sflag:s24], $0x400  }
0x185: {  	[sflag:s24] =	ssyncset.done $0x0  }
.Ltmp7:
0x186: {  	[sflag:s24] =	ssyncadd.s32 $0xFFFFFC00;
	(pc) =	sbr.rel .LBB2_11-.Ltmp7, $4  }
0x187: {  	[spmem:s3] =	stream.indirect.scatter.add.f32 [tilespmem:s0], [sflag:$0x4], $0x80, s28, s29, $0xb8;
	[tilespmem:$0x1BC90] =	vst v63  }
0x188: {  	_ =	swait.ge [sflag:s24], $0x2000  }
0x189: {  	[sflag:s24] =	ssyncset.done $0x0  }
0x18a: {  	[sflag:s24] =	ssyncadd.s32 $0xFFFFE000  }
.LBB2_12:
0x18b: {  	_ =	sfence.sel $0x180000  }
0x18c: {  	[bflag:$0x0] =	sbarrier.arrive $0xFFFF  }
0x18d: {  	_ =	strace $0x90000047  }
0x18e: {  	s0 =	stileid.u32;
	[bflag:$0x2] =	sbarrier.arrive $0xFFFF  }
0x18f: {  	p0 =	sne.s32 s0, $0x0;
	s0 =	rddreg [dreg:$0x5]  }
0x190: {  	s0 =	sadd.s32 @!p0 $0x100000, s0  }
0x191: {  	[sflag:s0] =	ssyncadd.tile.s32 @!p0 $0x1;
	_ =	shalt  }
.Lfunc_end2:
_tile_overlayer_lowered:
.L_overlay_start_2:
0x192: {  	(tag) =	ssettag $0x2  }
0x193: {  	s0 =	rddreg [dreg:$0x0];
	s2 =	stileid.u32  }
0x194: {  	s1 =	rddreg [dreg:$0x1];
	p0 =	sne.s32 s2, $0x0  }
0x195: {  	s3 =	rddreg [dreg:$0x2];
	[bflag:$0x3] =	sbarrier.arrive $0xFFFF;
	s2 =	simm.s32 @!p0 $0x1C04  }
0x196: {  	[timem:s3], [sflag:s2] =	dma.local @!p0 [hbm:s0], s1  }
0x197: {  	s0 =	simm.s32 @!p0 $0x4  }
0x198: {  	_ =	swait.ge @!p0 [sflag:s0], s1  }
0x199: {  	s1 =	ssub.s32 @!p0 $0x0, s1;
	[sflag:s0] =	ssyncset.done @!p0 $0x0  }
0x19a: {  	[sflag:s0] =	ssyncadd.s32 @!p0 s1  }
0x19b: {  	[bflag:$0x3] =	sbarrier.arrive $0xFFFF  }
0x19c: {  	_ =	shalt  }

</sc_bundles>
